<compile_context>
chip_gen: v7x
topology: tpu7x:2x2x1
jax: 0.10.2.dev20260603
libtpu: 0.0.44.dev20260713+nightly
codegen_flags: <defaults>
</compile_context>

<pallas_src>
import functools

import jax
import jax.numpy as jnp
import numpy as np
from jax import lax
from jax.experimental import pallas as pl
from jax.experimental.pallas import tpu as pltpu
from jax.experimental.pallas import tpu_sc as plsc

B = 1024
L = 200
D = 128
NC = 2
NS = 16
NW = NC * NS
N = B * L
ROWS_PER_W = N // NW
SEQ_PER_W = ROWS_PER_W // L
SCALE = float(np.sqrt(float(D)))
LANES = 16
NBUF = 8


def _pos_encoding(length, depth):
    half = depth / 2
    positions = np.arange(length)[:, np.newaxis]
    depths = np.arange(half)[np.newaxis, :] / half
    angle_rates = 1.0 / np.power(10000.0, depths)
    angle_rads = positions * angle_rates
    return np.concatenate(
        [np.sin(angle_rads), np.cos(angle_rads)], axis=-1
    ).astype(np.float32)


import ml_dtypes

_PE = _pos_encoding(L, D)
_PE_U16 = _PE.astype(ml_dtypes.bfloat16).view(np.uint16)
_PE_U16 = _PE_U16.reshape(L, D // 32, 2, LANES)
_PE_PACKED = (
    _PE_U16[:, :, 0, :].astype(np.uint32)
    | (_PE_U16[:, :, 1, :].astype(np.uint32) << 16)
).reshape(L * D // 2).view(np.int32)


CH0 = 104
CH1 = L - CH0
NCHUNK = 2 * SEQ_PER_W
LOOKAHEAD = NBUF // 2


def _sc_body(table, xflat, pe, out, idx_v, pe_v, bufs, gsem, ssem):
    wid = lax.axis_index("s") * NC + lax.axis_index("c")
    base = wid * ROWS_PER_W

    pltpu.sync_copy(xflat.at[pl.ds(base, ROWS_PER_W)], idx_v)
    pltpu.sync_copy(pe, pe_v)

    def chrows(j):
        return CH0 if j % 2 == 0 else CH1

    def roff(t, j):
        return (t * (NBUF // 2) + j // 2) * L + (j % 2) * CH0

    def gather(t, j, sem):
        o = roff(t, j)
        pltpu.async_copy(
            table.at[idx_v.at[pl.ds(o, chrows(j))]], bufs[j], sem)

    def wait_gather(j, sem):
        pltpu.make_async_copy(
            table.at[pl.ds(0, chrows(j))], bufs[j], sem).wait()

    def scatter(t, j, sem):
        pltpu.async_copy(
            bufs[j], out.at[pl.ds(base + roff(t, j), chrows(j))], sem)

    def wait_scatter(j, sem):
        pltpu.make_async_copy(
            bufs[j], out.at[pl.ds(0, chrows(j))], sem).wait()

    def compute(j):
        buf = bufs[j]
        pbase = (j % 2) * CH0

        @plsc.parallel_loop(0, chrows(j), unroll=4)
        def _row(i):
            for d in range(D // 32):
                w = pe_v[pl.ds((pbase + i) * (D // 2) + d * LANES, LANES)]
                pa = lax.bitcast_convert_type(
                    lax.shift_left(w, 16), jnp.float32)
                pc = lax.bitcast_convert_type(
                    lax.bitwise_and(w, jnp.int32(-65536)), jnp.float32)
                sl0 = pl.ds(d * 32, LANES)
                sl1 = pl.ds(d * 32 + LANES, LANES)
                buf[i, sl0] = buf[i, sl0] * SCALE + pa
                buf[i, sl1] = buf[i, sl1] * SCALE + pc

    for j in range(LOOKAHEAD):
        gather(0, j, gsem[j])

    @pl.loop(0, NCHUNK // NBUF)
    def _grp(t):
        for j in range(NBUF):
            nb = (j + LOOKAHEAD) % NBUF

            wait_gather(j, gsem[j])
            compute(j)

            if j >= LOOKAHEAD:
                wait_scatter(nb, ssem[nb])

                @pl.when(NBUF * t + j + LOOKAHEAD < NCHUNK)
                def _():
                    gather(t + 1, nb, gsem[nb])
            else:
                @pl.when(t > 0)
                def _():
                    wait_scatter(nb, ssem[nb])

                gather(t, nb, gsem[nb])

            scatter(t, j, ssem[j])

    for j in range(LOOKAHEAD, NBUF):
        wait_scatter(j, ssem[j])


@functools.partial(jax.jit, static_argnames=())
def kernel(x, table):
    xflat = x.reshape(N)
    pe = jnp.asarray(_PE_PACKED)
    mesh = plsc.VectorSubcoreMesh(core_axis_name="c", subcore_axis_name="s")
    out = pl.kernel(
        _sc_body,
        out_type=jax.ShapeDtypeStruct((N, D), jnp.float32),
        mesh=mesh,
        scratch_types=[
            pltpu.VMEM((ROWS_PER_W,), jnp.int32),
            pltpu.VMEM((L * D // 2,), jnp.int32),
            tuple(
                pltpu.VMEM((CH0 if j % 2 == 0 else CH1, D), jnp.float32)
                for j in range(NBUF)
            ),
            tuple(pltpu.SemaphoreType.DMA for _ in range(NBUF)),
            tuple(pltpu.SemaphoreType.DMA for _ in range(NBUF)),
        ],
    )(table, xflat, pe)
    return out.reshape(B, L, D)

# --- scband reference (transcript-rebuilt; emitter-appended) ---
"""Pipeline reference for scband-positional-embedding-27152783245731 (READ-ONLY COPY).

The authoritative reference and input builder live on the scoring server;
editing this copy changes nothing except your own understanding.
"""

import jax, jax.numpy as jnp
import numpy as np

VOCAB = 1000000
D_MODEL = 128
B = 1024
L = 200
PE_LEN = 2048


def positional_encoding(length, depth):
    half = depth / 2
    positions = np.arange(length)[:, np.newaxis]
    depths = np.arange(half)[np.newaxis, :] / half
    angle_rates = 1.0 / np.power(10000.0, depths)
    angle_rads = positions * angle_rates
    pe = np.concatenate([np.sin(angle_rads), np.cos(angle_rads)], axis=-1)
    return jnp.asarray(pe, dtype=jnp.float32)


def setup_inputs(seed: int = 0) -> dict:
    key = jax.random.key(seed)
    k1, k2 = jax.random.split(key)
    x = jax.random.randint(k1, (B, L), 0, VOCAB, dtype=jnp.int32)
    # Embedding table (keras uniform initializer ~ U(-0.05, 0.05))
    table = jax.random.uniform(k2, (VOCAB, D_MODEL), dtype=jnp.float32, minval=-0.05, maxval=0.05)
    return {"x": x, "table": table}


def reference(x, table):
    length = x.shape[1]
    pe = positional_encoding(PE_LEN, D_MODEL)
    emb = jnp.take(table, x, axis=0)
    emb = emb * jnp.sqrt(jnp.asarray(D_MODEL, dtype=jnp.float32))
    out = emb + pe[jnp.newaxis, :length, :]
    return out

if __name__ == "__main__":
    import jax
    _d = setup_inputs()
    print(jax.jit(kernel)(*tuple(_d.values())))

</pallas_src>

<mosaic_0001>
#map = affine_map<(d0, d1) -> (0, 0)>
#map1 = affine_map<(d0, d1) -> (0)>
module attributes {stable_mosaic.version = 14 : i64} {
  func.func @_sc_body(%arg0: i32, %arg1: i32, %arg2: memref<1000000x128xf32, #tpu.memory_space<hbm>>, %arg3: memref<204800xi32, #tpu.memory_space<hbm>>, %arg4: memref<12800xi32, #tpu.memory_space<hbm>>, %arg5: memref<204800x128xf32, #tpu.memory_space<hbm>>, %arg6: memref<6400xi32, #tpu.memory_space<vmem>>, %arg7: memref<12800xi32, #tpu.memory_space<vmem>>, %arg8: memref<104x128xf32, #tpu.memory_space<vmem>>, %arg9: memref<96x128xf32, #tpu.memory_space<vmem>>, %arg10: memref<104x128xf32, #tpu.memory_space<vmem>>, %arg11: memref<96x128xf32, #tpu.memory_space<vmem>>, %arg12: memref<104x128xf32, #tpu.memory_space<vmem>>, %arg13: memref<96x128xf32, #tpu.memory_space<vmem>>, %arg14: memref<104x128xf32, #tpu.memory_space<vmem>>, %arg15: memref<96x128xf32, #tpu.memory_space<vmem>>, %arg16: memref<!tpu.dma_semaphore, #tpu.memory_space<semaphore_mem>>, %arg17: memref<!tpu.dma_semaphore, #tpu.memory_space<semaphore_mem>>, %arg18: memref<!tpu.dma_semaphore, #tpu.memory_space<semaphore_mem>>, %arg19: memref<!tpu.dma_semaphore, #tpu.memory_space<semaphore_mem>>, %arg20: memref<!tpu.dma_semaphore, #tpu.memory_space<semaphore_mem>>, %arg21: memref<!tpu.dma_semaphore, #tpu.memory_space<semaphore_mem>>, %arg22: memref<!tpu.dma_semaphore, #tpu.memory_space<semaphore_mem>>, %arg23: memref<!tpu.dma_semaphore, #tpu.memory_space<semaphore_mem>>, %arg24: memref<!tpu.dma_semaphore, #tpu.memory_space<semaphore_mem>>, %arg25: memref<!tpu.dma_semaphore, #tpu.memory_space<semaphore_mem>>, %arg26: memref<!tpu.dma_semaphore, #tpu.memory_space<semaphore_mem>>, %arg27: memref<!tpu.dma_semaphore, #tpu.memory_space<semaphore_mem>>, %arg28: memref<!tpu.dma_semaphore, #tpu.memory_space<semaphore_mem>>, %arg29: memref<!tpu.dma_semaphore, #tpu.memory_space<semaphore_mem>>, %arg30: memref<!tpu.dma_semaphore, #tpu.memory_space<semaphore_mem>>, %arg31: memref<!tpu.dma_semaphore, #tpu.memory_space<semaphore_mem>>) attributes {dimension_semantics = [#tpu.dimension_semantics<core_parallel>, #tpu.dimension_semantics<subcore_parallel>], iteration_bounds = array<i64: 2, 16>, scalar_prefetch = 0 : i64, scratch_operands = 26 : i64, tpu.core_type = #tpu.core_type<sc_vector_subcore>, window_params = [{transform_indices = #map}, {transform_indices = #map1}, {transform_indices = #map1}, {transform_indices = #map}]} {
    %mul3A = arith.constant 2 : i32
    %mul3A_0 = arith.muli %arg1, %mul3A : i32
    %add3A = arith.addi %mul3A_0, %arg0 : i32
    %mul3A_1 = arith.constant 6400 : i32
    %mul3A_2 = arith.muli %add3A, %mul3A_1 : i32
    "tpu.region"() ({
      %run_scoped3A = tpu.sem_alloc : memref<!tpu.dma_semaphore, #tpu.memory_space<semaphore_mem>>
      %dma_start3A_49 = tpu.memref_slice %arg3[%mul3A_2] : memref<204800xi32, #tpu.memory_space<hbm>> -> memref<6400xi32, #tpu.memory_space<hbm>>
      %dma_start3A_50 = tpu.memref_slice %arg3[%mul3A_2] : memref<204800xi32, #tpu.memory_space<hbm>> -> memref<6400xi32, #tpu.memory_space<hbm>>
      tpu.enqueue_dma source(%dma_start3A_50 : memref<6400xi32, #tpu.memory_space<hbm>>) target(%arg6 : memref<6400xi32, #tpu.memory_space<vmem>>) target_semaphore(%run_scoped3A : memref<!tpu.dma_semaphore, #tpu.memory_space<semaphore_mem>>)
      %dma_wait3A_51 = tpu.memref_slice %arg3[%mul3A_2] : memref<204800xi32, #tpu.memory_space<hbm>> -> memref<6400xi32, #tpu.memory_space<hbm>>
      %dma_wait3A_52 = tpu.memref_slice %arg3[%mul3A_2] : memref<204800xi32, #tpu.memory_space<hbm>> -> memref<6400xi32, #tpu.memory_space<hbm>>
      tpu.wait_dma2 semaphore(%run_scoped3A : memref<!tpu.dma_semaphore, #tpu.memory_space<semaphore_mem>>) src(%dma_wait3A_52 : memref<6400xi32, #tpu.memory_space<hbm>>) dst(%arg6 : memref<6400xi32, #tpu.memory_space<vmem>>)
      tpu.yield
    }) : () -> ()
    "tpu.region"() ({
      %run_scoped3A = tpu.sem_alloc : memref<!tpu.dma_semaphore, #tpu.memory_space<semaphore_mem>>
      tpu.enqueue_dma source(%arg4 : memref<12800xi32, #tpu.memory_space<hbm>>) target(%arg7 : memref<12800xi32, #tpu.memory_space<vmem>>) target_semaphore(%run_scoped3A : memref<!tpu.dma_semaphore, #tpu.memory_space<semaphore_mem>>)
      tpu.wait_dma2 semaphore(%run_scoped3A : memref<!tpu.dma_semaphore, #tpu.memory_space<semaphore_mem>>) src(%arg4 : memref<12800xi32, #tpu.memory_space<hbm>>) dst(%arg7 : memref<12800xi32, #tpu.memory_space<vmem>>)
      tpu.yield
    }) : () -> ()
    %dma_start3A = arith.constant 0 : i32
    %dma_start3A_3 = tpu.memref_slice %arg6[%dma_start3A] : memref<6400xi32, #tpu.memory_space<vmem>> -> memref<104xi32, #tpu.memory_space<vmem>>
    %dma_start3A_4 = arith.constant 0 : i32
    %dma_start3A_5 = arith.constant 0 : i32
    %dma_start3A_6 = tpu.memref_slice %arg2[%dma_start3A_4, %dma_start3A_5] : memref<1000000x128xf32, #tpu.memory_space<hbm>> -> memref<1000000x128xf32, #tpu.memory_space<hbm>>
    tpu.enqueue_indirect_dma source(%dma_start3A_6 : memref<1000000x128xf32, #tpu.memory_space<hbm>>) target(%arg8 : memref<104x128xf32, #tpu.memory_space<vmem>>) offsets(%dma_start3A_3 : memref<104xi32, #tpu.memory_space<vmem>>) semaphore(%arg16 : memref<!tpu.dma_semaphore, #tpu.memory_space<semaphore_mem>>)
    %dma_start3A_7 = arith.constant 104 : i32
    %dma_start3A_8 = tpu.memref_slice %arg6[%dma_start3A_7] : memref<6400xi32, #tpu.memory_space<vmem>> -> memref<96xi32, #tpu.memory_space<vmem>>
    %dma_start3A_9 = arith.constant 0 : i32
    %dma_start3A_10 = arith.constant 0 : i32
    %dma_start3A_11 = tpu.memref_slice %arg2[%dma_start3A_9, %dma_start3A_10] : memref<1000000x128xf32, #tpu.memory_space<hbm>> -> memref<1000000x128xf32, #tpu.memory_space<hbm>>
    tpu.enqueue_indirect_dma source(%dma_start3A_11 : memref<1000000x128xf32, #tpu.memory_space<hbm>>) target(%arg9 : memref<96x128xf32, #tpu.memory_space<vmem>>) offsets(%dma_start3A_8 : memref<96xi32, #tpu.memory_space<vmem>>) semaphore(%arg17 : memref<!tpu.dma_semaphore, #tpu.memory_space<semaphore_mem>>)
    %dma_start3A_12 = arith.constant 200 : i32
    %dma_start3A_13 = tpu.memref_slice %arg6[%dma_start3A_12] : memref<6400xi32, #tpu.memory_space<vmem>> -> memref<104xi32, #tpu.memory_space<vmem>>
    %dma_start3A_14 = arith.constant 0 : i32
    %dma_start3A_15 = arith.constant 0 : i32
    %dma_start3A_16 = tpu.memref_slice %arg2[%dma_start3A_14, %dma_start3A_15] : memref<1000000x128xf32, #tpu.memory_space<hbm>> -> memref<1000000x128xf32, #tpu.memory_space<hbm>>
    tpu.enqueue_indirect_dma source(%dma_start3A_16 : memref<1000000x128xf32, #tpu.memory_space<hbm>>) target(%arg10 : memref<104x128xf32, #tpu.memory_space<vmem>>) offsets(%dma_start3A_13 : memref<104xi32, #tpu.memory_space<vmem>>) semaphore(%arg18 : memref<!tpu.dma_semaphore, #tpu.memory_space<semaphore_mem>>)
    %dma_start3A_17 = arith.constant 304 : i32
    %dma_start3A_18 = tpu.memref_slice %arg6[%dma_start3A_17] : memref<6400xi32, #tpu.memory_space<vmem>> -> memref<96xi32, #tpu.memory_space<vmem>>
    %dma_start3A_19 = arith.constant 0 : i32
    %dma_start3A_20 = arith.constant 0 : i32
    %dma_start3A_21 = tpu.memref_slice %arg2[%dma_start3A_19, %dma_start3A_20] : memref<1000000x128xf32, #tpu.memory_space<hbm>> -> memref<1000000x128xf32, #tpu.memory_space<hbm>>
    tpu.enqueue_indirect_dma source(%dma_start3A_21 : memref<1000000x128xf32, #tpu.memory_space<hbm>>) target(%arg11 : memref<96x128xf32, #tpu.memory_space<vmem>>) offsets(%dma_start3A_18 : memref<96xi32, #tpu.memory_space<vmem>>) semaphore(%arg19 : memref<!tpu.dma_semaphore, #tpu.memory_space<semaphore_mem>>)
    %scan3A = arith.constant 0 : i32
    %scan3A_22 = arith.constant 8 : i32
    %scan3A_23 = arith.addi %scan3A, %scan3A_22 : i32
    %scan3A_24 = arith.constant 1 : i32
    scf.for %scan3A_49 = %scan3A to %scan3A_23 step %scan3A_24  : i32 {
      %mul3A_50 = arith.constant 1 : i32
      %mul3A_51 = arith.muli %scan3A_49, %mul3A_50 : i32
      %add3A_52 = arith.constant 0 : i32
      %add3A_53 = arith.addi %add3A_52, %mul3A_51 : i32
      %dma_wait3A_54 = arith.constant 0 : i32
      %dma_wait3A_55 = arith.constant 0 : i32
      %dma_wait3A_56 = tpu.memref_slice %arg2[%dma_wait3A_54, %dma_wait3A_55] : memref<1000000x128xf32, #tpu.memory_space<hbm>> -> memref<104x128xf32, #tpu.memory_space<hbm>>
      %dma_wait3A_57 = arith.constant 0 : i32
      %dma_wait3A_58 = arith.constant 0 : i32
      %dma_wait3A_59 = tpu.memref_slice %arg2[%dma_wait3A_57, %dma_wait3A_58] : memref<1000000x128xf32, #tpu.memory_space<hbm>> -> memref<104x128xf32, #tpu.memory_space<hbm>>
      tpu.wait_dma2 semaphore(%arg16 : memref<!tpu.dma_semaphore, #tpu.memory_space<semaphore_mem>>) src(%dma_wait3A_59 : memref<104x128xf32, #tpu.memory_space<hbm>>) dst(%arg8 : memref<104x128xf32, #tpu.memory_space<vmem>>)
      %parallel_loop3A = arith.constant 0 : i32
      %parallel_loop3A_60 = arith.constant 104 : i32
      %parallel_loop3A_61 = arith.constant 1 : i32
      scf.for %parallel_loop3A_361 = %parallel_loop3A to %parallel_loop3A_60 step %parallel_loop3A_61  : i32 {
        %parallel_loop3A_362 = arith.constant 0 : i32
        %parallel_loop3A_363 = arith.addi %parallel_loop3A_362, %parallel_loop3A_361 : i32
        %parallel_loop3A_364 = arith.constant 64 : i32
        %parallel_loop3A_365 = arith.muli %parallel_loop3A_363, %parallel_loop3A_364 : i32
        %parallel_loop3A_366 = arith.constant 0 : i32
        %parallel_loop3A_367 = arith.addi %parallel_loop3A_365, %parallel_loop3A_366 : i32
        %parallel_loop3A_368 = arith.index_cast %parallel_loop3A_367 : i32 to index
        %parallel_loop3A_369 = tpu.vector_load %arg7[%parallel_loop3A_368] {strides = array<i32>} : memref<12800xi32, #tpu.memory_space<vmem>>, vector<16xi32>,
        %parallel_loop3A_370 = vector.shape_cast %parallel_loop3A_369 : vector<16xi32> to vector<16xi32>
        %parallel_loop3A_371 = arith.constant 16 : i32
        %parallel_loop3A_372 = vector.broadcast %parallel_loop3A_371 : i32 to vector<16xi32>
        %parallel_loop3A_373 = arith.shli %parallel_loop3A_370, %parallel_loop3A_372 : vector<16xi32>
        %parallel_loop3A_374 = tpu.bitcast %parallel_loop3A_373 : vector<16xi32> -> vector<16xf32>
        %parallel_loop3A_375 = arith.constant -65536 : i32
        %parallel_loop3A_376 = vector.broadcast %parallel_loop3A_375 : i32 to vector<16xi32>
        %parallel_loop3A_377 = arith.andi %parallel_loop3A_370, %parallel_loop3A_376 : vector<16xi32>
        %parallel_loop3A_378 = tpu.bitcast %parallel_loop3A_377 : vector<16xi32> -> vector<16xf32>
        %parallel_loop3A_379 = arith.index_cast %parallel_loop3A_361 : i32 to index
        %parallel_loop3A_380 = arith.constant 0 : index
        %parallel_loop3A_381 = tpu.vector_load %arg8[%parallel_loop3A_379, %parallel_loop3A_380] {strides = array<i32>} : memref<104x128xf32, #tpu.memory_space<vmem>>, vector<1x16xf32>,
        %parallel_loop3A_382 = vector.shape_cast %parallel_loop3A_381 : vector<1x16xf32> to vector<16xf32>
        %parallel_loop3A_383 = arith.constant 11.3137083 : f32
        %parallel_loop3A_384 = vector.broadcast %parallel_loop3A_383 : f32 to vector<16xf32>
        %parallel_loop3A_385 = arith.mulf %parallel_loop3A_382, %parallel_loop3A_384 : vector<16xf32>
        %parallel_loop3A_386 = arith.addf %parallel_loop3A_385, %parallel_loop3A_374 : vector<16xf32>
        %parallel_loop3A_387 = arith.index_cast %parallel_loop3A_361 : i32 to index
        %parallel_loop3A_388 = arith.constant 0 : index
        %parallel_loop3A_389 = tpu.vector_load %arg8[%parallel_loop3A_387, %parallel_loop3A_388] {strides = array<i32>} : memref<104x128xf32, #tpu.memory_space<vmem>>, vector<1x16xf32>,
        %parallel_loop3A_390 = vector.shape_cast %parallel_loop3A_389 : vector<1x16xf32> to vector<16xf32>
        %parallel_loop3A_391 = vector.shape_cast %parallel_loop3A_386 : vector<16xf32> to vector<1x16xf32>
        tpu.vector_store %arg8[%parallel_loop3A_387, %parallel_loop3A_388], %parallel_loop3A_391 {strides = array<i32>} : memref<104x128xf32, #tpu.memory_space<vmem>>, vector<1x16xf32>,
        %parallel_loop3A_392 = arith.index_cast %parallel_loop3A_361 : i32 to index
        %parallel_loop3A_393 = arith.constant 16 : index
        %parallel_loop3A_394 = tpu.vector_load %arg8[%parallel_loop3A_392, %parallel_loop3A_393] {strides = array<i32>} : memref<104x128xf32, #tpu.memory_space<vmem>>, vector<1x16xf32>,
        %parallel_loop3A_395 = vector.shape_cast %parallel_loop3A_394 : vector<1x16xf32> to vector<16xf32>
        %parallel_loop3A_396 = arith.constant 11.3137083 : f32
        %parallel_loop3A_397 = vector.broadcast %parallel_loop3A_396 : f32 to vector<16xf32>
        %parallel_loop3A_398 = arith.mulf %parallel_loop3A_395, %parallel_loop3A_397 : vector<16xf32>
        %parallel_loop3A_399 = arith.addf %parallel_loop3A_398, %parallel_loop3A_378 : vector<16xf32>
        %parallel_loop3A_400 = arith.index_cast %parallel_loop3A_361 : i32 to index
        %parallel_loop3A_401 = arith.constant 16 : index
        %parallel_loop3A_402 = tpu.vector_load %arg8[%parallel_loop3A_400, %parallel_loop3A_401] {strides = array<i32>} : memref<104x128xf32, #tpu.memory_space<vmem>>, vector<1x16xf32>,
        %parallel_loop3A_403 = vector.shape_cast %parallel_loop3A_402 : vector<1x16xf32> to vector<16xf32>
        %parallel_loop3A_404 = vector.shape_cast %parallel_loop3A_399 : vector<16xf32> to vector<1x16xf32>
        tpu.vector_store %arg8[%parallel_loop3A_400, %parallel_loop3A_401], %parallel_loop3A_404 {strides = array<i32>} : memref<104x128xf32, #tpu.memory_space<vmem>>, vector<1x16xf32>,
        %parallel_loop3A_405 = arith.constant 0 : i32
        %parallel_loop3A_406 = arith.addi %parallel_loop3A_405, %parallel_loop3A_361 : i32
        %parallel_loop3A_407 = arith.constant 64 : i32
        %parallel_loop3A_408 = arith.muli %parallel_loop3A_406, %parallel_loop3A_407 : i32
        %parallel_loop3A_409 = arith.constant 16 : i32
        %parallel_loop3A_410 = arith.addi %parallel_loop3A_408, %parallel_loop3A_409 : i32
        %parallel_loop3A_411 = arith.index_cast %parallel_loop3A_410 : i32 to index
        %parallel_loop3A_412 = tpu.vector_load %arg7[%parallel_loop3A_411] {strides = array<i32>} : memref<12800xi32, #tpu.memory_space<vmem>>, vector<16xi32>,
        %parallel_loop3A_413 = vector.shape_cast %parallel_loop3A_412 : vector<16xi32> to vector<16xi32>
        %parallel_loop3A_414 = arith.constant 16 : i32
        %parallel_loop3A_415 = vector.broadcast %parallel_loop3A_414 : i32 to vector<16xi32>
        %parallel_loop3A_416 = arith.shli %parallel_loop3A_413, %parallel_loop3A_415 : vector<16xi32>
        %parallel_loop3A_417 = tpu.bitcast %parallel_loop3A_416 : vector<16xi32> -> vector<16xf32>
        %parallel_loop3A_418 = arith.constant -65536 : i32
        %parallel_loop3A_419 = vector.broadcast %parallel_loop3A_418 : i32 to vector<16xi32>
        %parallel_loop3A_420 = arith.andi %parallel_loop3A_413, %parallel_loop3A_419 : vector<16xi32>
        %parallel_loop3A_421 = tpu.bitcast %parallel_loop3A_420 : vector<16xi32> -> vector<16xf32>
        %parallel_loop3A_422 = arith.index_cast %parallel_loop3A_361 : i32 to index
        %parallel_loop3A_423 = arith.constant 32 : index
        %parallel_loop3A_424 = tpu.vector_load %arg8[%parallel_loop3A_422, %parallel_loop3A_423] {strides = array<i32>} : memref<104x128xf32, #tpu.memory_space<vmem>>, vector<1x16xf32>,
        %parallel_loop3A_425 = vector.shape_cast %parallel_loop3A_424 : vector<1x16xf32> to vector<16xf32>
        %parallel_loop3A_426 = arith.constant 11.3137083 : f32
        %parallel_loop3A_427 = vector.broadcast %parallel_loop3A_426 : f32 to vector<16xf32>
        %parallel_loop3A_428 = arith.mulf %parallel_loop3A_425, %parallel_loop3A_427 : vector<16xf32>
        %parallel_loop3A_429 = arith.addf %parallel_loop3A_428, %parallel_loop3A_417 : vector<16xf32>
        %parallel_loop3A_430 = arith.index_cast %parallel_loop3A_361 : i32 to index
        %parallel_loop3A_431 = arith.constant 32 : index
        %parallel_loop3A_432 = tpu.vector_load %arg8[%parallel_loop3A_430, %parallel_loop3A_431] {strides = array<i32>} : memref<104x128xf32, #tpu.memory_space<vmem>>, vector<1x16xf32>,
        %parallel_loop3A_433 = vector.shape_cast %parallel_loop3A_432 : vector<1x16xf32> to vector<16xf32>
        %parallel_loop3A_434 = vector.shape_cast %parallel_loop3A_429 : vector<16xf32> to vector<1x16xf32>
        tpu.vector_store %arg8[%parallel_loop3A_430, %parallel_loop3A_431], %parallel_loop3A_434 {strides = array<i32>} : memref<104x128xf32, #tpu.memory_space<vmem>>, vector<1x16xf32>,
        %parallel_loop3A_435 = arith.index_cast %parallel_loop3A_361 : i32 to index
        %parallel_loop3A_436 = arith.constant 48 : index
        %parallel_loop3A_437 = tpu.vector_load %arg8[%parallel_loop3A_435, %parallel_loop3A_436] {strides = array<i32>} : memref<104x128xf32, #tpu.memory_space<vmem>>, vector<1x16xf32>,
        %parallel_loop3A_438 = vector.shape_cast %parallel_loop3A_437 : vector<1x16xf32> to vector<16xf32>
        %parallel_loop3A_439 = arith.constant 11.3137083 : f32
        %parallel_loop3A_440 = vector.broadcast %parallel_loop3A_439 : f32 to vector<16xf32>
        %parallel_loop3A_441 = arith.mulf %parallel_loop3A_438, %parallel_loop3A_440 : vector<16xf32>
        %parallel_loop3A_442 = arith.addf %parallel_loop3A_441, %parallel_loop3A_421 : vector<16xf32>
        %parallel_loop3A_443 = arith.index_cast %parallel_loop3A_361 : i32 to index
        %parallel_loop3A_444 = arith.constant 48 : index
        %parallel_loop3A_445 = tpu.vector_load %arg8[%parallel_loop3A_443, %parallel_loop3A_444] {strides = array<i32>} : memref<104x128xf32, #tpu.memory_space<vmem>>, vector<1x16xf32>,
        %parallel_loop3A_446 = vector.shape_cast %parallel_loop3A_445 : vector<1x16xf32> to vector<16xf32>
        %parallel_loop3A_447 = vector.shape_cast %parallel_loop3A_442 : vector<16xf32> to vector<1x16xf32>
        tpu.vector_store %arg8[%parallel_loop3A_443, %parallel_loop3A_444], %parallel_loop3A_447 {strides = array<i32>} : memref<104x128xf32, #tpu.memory_space<vmem>>, vector<1x16xf32>,
        %parallel_loop3A_448 = arith.constant 0 : i32
        %parallel_loop3A_449 = arith.addi %parallel_loop3A_448, %parallel_loop3A_361 : i32
        %parallel_loop3A_450 = arith.constant 64 : i32
        %parallel_loop3A_451 = arith.muli %parallel_loop3A_449, %parallel_loop3A_450 : i32
        %parallel_loop3A_452 = arith.constant 32 : i32
        %parallel_loop3A_453 = arith.addi %parallel_loop3A_451, %parallel_loop3A_452 : i32
        %parallel_loop3A_454 = arith.index_cast %parallel_loop3A_453 : i32 to index
        %parallel_loop3A_455 = tpu.vector_load %arg7[%parallel_loop3A_454] {strides = array<i32>} : memref<12800xi32, #tpu.memory_space<vmem>>, vector<16xi32>,
        %parallel_loop3A_456 = vector.shape_cast %parallel_loop3A_455 : vector<16xi32> to vector<16xi32>
        %parallel_loop3A_457 = arith.constant 16 : i32
        %parallel_loop3A_458 = vector.broadcast %parallel_loop3A_457 : i32 to vector<16xi32>
        %parallel_loop3A_459 = arith.shli %parallel_loop3A_456, %parallel_loop3A_458 : vector<16xi32>
        %parallel_loop3A_460 = tpu.bitcast %parallel_loop3A_459 : vector<16xi32> -> vector<16xf32>
        %parallel_loop3A_461 = arith.constant -65536 : i32
        %parallel_loop3A_462 = vector.broadcast %parallel_loop3A_461 : i32 to vector<16xi32>
        %parallel_loop3A_463 = arith.andi %parallel_loop3A_456, %parallel_loop3A_462 : vector<16xi32>
        %parallel_loop3A_464 = tpu.bitcast %parallel_loop3A_463 : vector<16xi32> -> vector<16xf32>
        %parallel_loop3A_465 = arith.index_cast %parallel_loop3A_361 : i32 to index
        %parallel_loop3A_466 = arith.constant 64 : index
        %parallel_loop3A_467 = tpu.vector_load %arg8[%parallel_loop3A_465, %parallel_loop3A_466] {strides = array<i32>} : memref<104x128xf32, #tpu.memory_space<vmem>>, vector<1x16xf32>,
        %parallel_loop3A_468 = vector.shape_cast %parallel_loop3A_467 : vector<1x16xf32> to vector<16xf32>
        %parallel_loop3A_469 = arith.constant 11.3137083 : f32
        %parallel_loop3A_470 = vector.broadcast %parallel_loop3A_469 : f32 to vector<16xf32>
        %parallel_loop3A_471 = arith.mulf %parallel_loop3A_468, %parallel_loop3A_470 : vector<16xf32>
        %parallel_loop3A_472 = arith.addf %parallel_loop3A_471, %parallel_loop3A_460 : vector<16xf32>
        %parallel_loop3A_473 = arith.index_cast %parallel_loop3A_361 : i32 to index
        %parallel_loop3A_474 = arith.constant 64 : index
        %parallel_loop3A_475 = tpu.vector_load %arg8[%parallel_loop3A_473, %parallel_loop3A_474] {strides = array<i32>} : memref<104x128xf32, #tpu.memory_space<vmem>>, vector<1x16xf32>,
        %parallel_loop3A_476 = vector.shape_cast %parallel_loop3A_475 : vector<1x16xf32> to vector<16xf32>
        %parallel_loop3A_477 = vector.shape_cast %parallel_loop3A_472 : vector<16xf32> to vector<1x16xf32>
        tpu.vector_store %arg8[%parallel_loop3A_473, %parallel_loop3A_474], %parallel_loop3A_477 {strides = array<i32>} : memref<104x128xf32, #tpu.memory_space<vmem>>, vector<1x16xf32>,
        %parallel_loop3A_478 = arith.index_cast %parallel_loop3A_361 : i32 to index
        %parallel_loop3A_479 = arith.constant 80 : index
        %parallel_loop3A_480 = tpu.vector_load %arg8[%parallel_loop3A_478, %parallel_loop3A_479] {strides = array<i32>} : memref<104x128xf32, #tpu.memory_space<vmem>>, vector<1x16xf32>,
        %parallel_loop3A_481 = vector.shape_cast %parallel_loop3A_480 : vector<1x16xf32> to vector<16xf32>
        %parallel_loop3A_482 = arith.constant 11.3137083 : f32
        %parallel_loop3A_483 = vector.broadcast %parallel_loop3A_482 : f32 to vector<16xf32>
        %parallel_loop3A_484 = arith.mulf %parallel_loop3A_481, %parallel_loop3A_483 : vector<16xf32>
        %parallel_loop3A_485 = arith.addf %parallel_loop3A_484, %parallel_loop3A_464 : vector<16xf32>
        %parallel_loop3A_486 = arith.index_cast %parallel_loop3A_361 : i32 to index
        %parallel_loop3A_487 = arith.constant 80 : index
        %parallel_loop3A_488 = tpu.vector_load %arg8[%parallel_loop3A_486, %parallel_loop3A_487] {strides = array<i32>} : memref<104x128xf32, #tpu.memory_space<vmem>>, vector<1x16xf32>,
        %parallel_loop3A_489 = vector.shape_cast %parallel_loop3A_488 : vector<1x16xf32> to vector<16xf32>
        %parallel_loop3A_490 = vector.shape_cast %parallel_loop3A_485 : vector<16xf32> to vector<1x16xf32>
        tpu.vector_store %arg8[%parallel_loop3A_486, %parallel_loop3A_487], %parallel_loop3A_490 {strides = array<i32>} : memref<104x128xf32, #tpu.memory_space<vmem>>, vector<1x16xf32>,
        %parallel_loop3A_491 = arith.constant 0 : i32
        %parallel_loop3A_492 = arith.addi %parallel_loop3A_491, %parallel_loop3A_361 : i32
        %parallel_loop3A_493 = arith.constant 64 : i32
        %parallel_loop3A_494 = arith.muli %parallel_loop3A_492, %parallel_loop3A_493 : i32
        %parallel_loop3A_495 = arith.constant 48 : i32
        %parallel_loop3A_496 = arith.addi %parallel_loop3A_494, %parallel_loop3A_495 : i32
        %parallel_loop3A_497 = arith.index_cast %parallel_loop3A_496 : i32 to index
        %parallel_loop3A_498 = tpu.vector_load %arg7[%parallel_loop3A_497] {strides = array<i32>} : memref<12800xi32, #tpu.memory_space<vmem>>, vector<16xi32>,
        %parallel_loop3A_499 = vector.shape_cast %parallel_loop3A_498 : vector<16xi32> to vector<16xi32>
        %parallel_loop3A_500 = arith.constant 16 : i32
        %parallel_loop3A_501 = vector.broadcast %parallel_loop3A_500 : i32 to vector<16xi32>
        %parallel_loop3A_502 = arith.shli %parallel_loop3A_499, %parallel_loop3A_501 : vector<16xi32>
        %parallel_loop3A_503 = tpu.bitcast %parallel_loop3A_502 : vector<16xi32> -> vector<16xf32>
        %parallel_loop3A_504 = arith.constant -65536 : i32
        %parallel_loop3A_505 = vector.broadcast %parallel_loop3A_504 : i32 to vector<16xi32>
        %parallel_loop3A_506 = arith.andi %parallel_loop3A_499, %parallel_loop3A_505 : vector<16xi32>
        %parallel_loop3A_507 = tpu.bitcast %parallel_loop3A_506 : vector<16xi32> -> vector<16xf32>
        %parallel_loop3A_508 = arith.index_cast %parallel_loop3A_361 : i32 to index
        %parallel_loop3A_509 = arith.constant 96 : index
        %parallel_loop3A_510 = tpu.vector_load %arg8[%parallel_loop3A_508, %parallel_loop3A_509] {strides = array<i32>} : memref<104x128xf32, #tpu.memory_space<vmem>>, vector<1x16xf32>,
        %parallel_loop3A_511 = vector.shape_cast %parallel_loop3A_510 : vector<1x16xf32> to vector<16xf32>
        %parallel_loop3A_512 = arith.constant 11.3137083 : f32
        %parallel_loop3A_513 = vector.broadcast %parallel_loop3A_512 : f32 to vector<16xf32>
        %parallel_loop3A_514 = arith.mulf %parallel_loop3A_511, %parallel_loop3A_513 : vector<16xf32>
        %parallel_loop3A_515 = arith.addf %parallel_loop3A_514, %parallel_loop3A_503 : vector<16xf32>
        %parallel_loop3A_516 = arith.index_cast %parallel_loop3A_361 : i32 to index
        %parallel_loop3A_517 = arith.constant 96 : index
        %parallel_loop3A_518 = tpu.vector_load %arg8[%parallel_loop3A_516, %parallel_loop3A_517] {strides = array<i32>} : memref<104x128xf32, #tpu.memory_space<vmem>>, vector<1x16xf32>,
        %parallel_loop3A_519 = vector.shape_cast %parallel_loop3A_518 : vector<1x16xf32> to vector<16xf32>
        %parallel_loop3A_520 = vector.shape_cast %parallel_loop3A_515 : vector<16xf32> to vector<1x16xf32>
        tpu.vector_store %arg8[%parallel_loop3A_516, %parallel_loop3A_517], %parallel_loop3A_520 {strides = array<i32>} : memref<104x128xf32, #tpu.memory_space<vmem>>, vector<1x16xf32>,
        %parallel_loop3A_521 = arith.index_cast %parallel_loop3A_361 : i32 to index
        %parallel_loop3A_522 = arith.constant 112 : index
        %parallel_loop3A_523 = tpu.vector_load %arg8[%parallel_loop3A_521, %parallel_loop3A_522] {strides = array<i32>} : memref<104x128xf32, #tpu.memory_space<vmem>>, vector<1x16xf32>,
        %parallel_loop3A_524 = vector.shape_cast %parallel_loop3A_523 : vector<1x16xf32> to vector<16xf32>
        %parallel_loop3A_525 = arith.constant 11.3137083 : f32
        %parallel_loop3A_526 = vector.broadcast %parallel_loop3A_525 : f32 to vector<16xf32>
        %parallel_loop3A_527 = arith.mulf %parallel_loop3A_524, %parallel_loop3A_526 : vector<16xf32>
        %parallel_loop3A_528 = arith.addf %parallel_loop3A_527, %parallel_loop3A_507 : vector<16xf32>
        %parallel_loop3A_529 = arith.index_cast %parallel_loop3A_361 : i32 to index
        %parallel_loop3A_530 = arith.constant 112 : index
        %parallel_loop3A_531 = tpu.vector_load %arg8[%parallel_loop3A_529, %parallel_loop3A_530] {strides = array<i32>} : memref<104x128xf32, #tpu.memory_space<vmem>>, vector<1x16xf32>,
        %parallel_loop3A_532 = vector.shape_cast %parallel_loop3A_531 : vector<1x16xf32> to vector<16xf32>
        %parallel_loop3A_533 = vector.shape_cast %parallel_loop3A_528 : vector<16xf32> to vector<1x16xf32>
        tpu.vector_store %arg8[%parallel_loop3A_529, %parallel_loop3A_530], %parallel_loop3A_533 {strides = array<i32>} : memref<104x128xf32, #tpu.memory_space<vmem>>, vector<1x16xf32>,
      } {sc.loop_unroll_factor = 4 : i64, sc.parallel_access}
      %gt3A = arith.constant 0 : i32
      %gt3A_62 = arith.cmpi sgt, %add3A_53, %gt3A : i32
      %convert_element_type3A = arith.extui %gt3A_62 : i1 to i32
      %cond3A = arith.constant 0 : i32
      %cond3A_63 = arith.cmpi ne, %convert_element_type3A, %cond3A : i32
      scf.if %cond3A_63 {
        %dma_wait3A_361 = arith.constant 0 : i32
        %dma_wait3A_362 = arith.constant 0 : i32
        %dma_wait3A_363 = tpu.memref_slice %arg5[%dma_wait3A_361, %dma_wait3A_362] : memref<204800x128xf32, #tpu.memory_space<hbm>> -> memref<104x128xf32, #tpu.memory_space<hbm>>
        %dma_wait3A_364 = arith.constant 0 : i32
        %dma_wait3A_365 = arith.constant 0 : i32
        %dma_wait3A_366 = tpu.memref_slice %arg5[%dma_wait3A_364, %dma_wait3A_365] : memref<204800x128xf32, #tpu.memory_space<hbm>> -> memref<104x128xf32, #tpu.memory_space<hbm>>
        tpu.wait_dma2 semaphore(%arg28 : memref<!tpu.dma_semaphore, #tpu.memory_space<semaphore_mem>>) src(%arg12 : memref<104x128xf32, #tpu.memory_space<vmem>>) dst(%dma_wait3A_366 : memref<104x128xf32, #tpu.memory_space<hbm>>)
      } else {
      }
      %mul3A_64 = arith.constant 4 : i32
      %mul3A_65 = arith.muli %add3A_53, %mul3A_64 : i32
      %add3A_66 = arith.constant 2 : i32
      %add3A_67 = arith.addi %mul3A_65, %add3A_66 : i32
      %mul3A_68 = arith.constant 200 : i32
      %mul3A_69 = arith.muli %add3A_67, %mul3A_68 : i32
      %add3A_70 = arith.constant 0 : i32
      %add3A_71 = arith.addi %mul3A_69, %add3A_70 : i32
      %dma_start3A_72 = tpu.memref_slice %arg6[%add3A_71] : memref<6400xi32, #tpu.memory_space<vmem>> -> memref<104xi32, #tpu.memory_space<vmem>>
      %dma_start3A_73 = arith.constant 0 : i32
      %dma_start3A_74 = arith.constant 0 : i32
      %dma_start3A_75 = tpu.memref_slice %arg2[%dma_start3A_73, %dma_start3A_74] : memref<1000000x128xf32, #tpu.memory_space<hbm>> -> memref<1000000x128xf32, #tpu.memory_space<hbm>>
      tpu.enqueue_indirect_dma source(%dma_start3A_75 : memref<1000000x128xf32, #tpu.memory_space<hbm>>) target(%arg12 : memref<104x128xf32, #tpu.memory_space<vmem>>) offsets(%dma_start3A_72 : memref<104xi32, #tpu.memory_space<vmem>>) semaphore(%arg20 : memref<!tpu.dma_semaphore, #tpu.memory_space<semaphore_mem>>)
      %mul3A_76 = arith.constant 4 : i32
      %mul3A_77 = arith.muli %add3A_53, %mul3A_76 : i32
      %add3A_78 = arith.constant 0 : i32
      %add3A_79 = arith.addi %mul3A_77, %add3A_78 : i32
      %mul3A_80 = arith.constant 200 : i32
      %mul3A_81 = arith.muli %add3A_79, %mul3A_80 : i32
      %add3A_82 = arith.constant 0 : i32
      %add3A_83 = arith.addi %mul3A_81, %add3A_82 : i32
      %add3A_84 = arith.addi %mul3A_2, %add3A_83 : i32
      %dma_start3A_85 = arith.constant 0 : i32
      %dma_start3A_86 = tpu.memref_slice %arg5[%add3A_84, %dma_start3A_85] : memref<204800x128xf32, #tpu.memory_space<hbm>> -> memref<104x128xf32, #tpu.memory_space<hbm>>
      %dma_start3A_87 = arith.constant 0 : i32
      %dma_start3A_88 = tpu.memref_slice %arg5[%add3A_84, %dma_start3A_87] : memref<204800x128xf32, #tpu.memory_space<hbm>> -> memref<104x128xf32, #tpu.memory_space<hbm>>
      tpu.enqueue_dma source(%arg8 : memref<104x128xf32, #tpu.memory_space<vmem>>) target(%dma_start3A_88 : memref<104x128xf32, #tpu.memory_space<hbm>>) target_semaphore(%arg24 : memref<!tpu.dma_semaphore, #tpu.memory_space<semaphore_mem>>)
      %dma_wait3A_89 = arith.constant 0 : i32
      %dma_wait3A_90 = arith.constant 0 : i32
      %dma_wait3A_91 = tpu.memref_slice %arg2[%dma_wait3A_89, %dma_wait3A_90] : memref<1000000x128xf32, #tpu.memory_space<hbm>> -> memref<96x128xf32, #tpu.memory_space<hbm>>
      %dma_wait3A_92 = arith.constant 0 : i32
      %dma_wait3A_93 = arith.constant 0 : i32
      %dma_wait3A_94 = tpu.memref_slice %arg2[%dma_wait3A_92, %dma_wait3A_93] : memref<1000000x128xf32, #tpu.memory_space<hbm>> -> memref<96x128xf32, #tpu.memory_space<hbm>>
      tpu.wait_dma2 semaphore(%arg17 : memref<!tpu.dma_semaphore, #tpu.memory_space<semaphore_mem>>) src(%dma_wait3A_94 : memref<96x128xf32, #tpu.memory_space<hbm>>) dst(%arg9 : memref<96x128xf32, #tpu.memory_space<vmem>>)
      %parallel_loop3A_95 = arith.constant 0 : i32
      %parallel_loop3A_96 = arith.constant 96 : i32
      %parallel_loop3A_97 = arith.constant 1 : i32
      scf.for %parallel_loop3A_361 = %parallel_loop3A_95 to %parallel_loop3A_96 step %parallel_loop3A_97  : i32 {
        %parallel_loop3A_362 = arith.constant 104 : i32
        %parallel_loop3A_363 = arith.addi %parallel_loop3A_362, %parallel_loop3A_361 : i32
        %parallel_loop3A_364 = arith.constant 64 : i32
        %parallel_loop3A_365 = arith.muli %parallel_loop3A_363, %parallel_loop3A_364 : i32
        %parallel_loop3A_366 = arith.constant 0 : i32
        %parallel_loop3A_367 = arith.addi %parallel_loop3A_365, %parallel_loop3A_366 : i32
        %parallel_loop3A_368 = arith.index_cast %parallel_loop3A_367 : i32 to index
        %parallel_loop3A_369 = tpu.vector_load %arg7[%parallel_loop3A_368] {strides = array<i32>} : memref<12800xi32, #tpu.memory_space<vmem>>, vector<16xi32>,
        %parallel_loop3A_370 = vector.shape_cast %parallel_loop3A_369 : vector<16xi32> to vector<16xi32>
        %parallel_loop3A_371 = arith.constant 16 : i32
        %parallel_loop3A_372 = vector.broadcast %parallel_loop3A_371 : i32 to vector<16xi32>
        %parallel_loop3A_373 = arith.shli %parallel_loop3A_370, %parallel_loop3A_372 : vector<16xi32>
        %parallel_loop3A_374 = tpu.bitcast %parallel_loop3A_373 : vector<16xi32> -> vector<16xf32>
        %parallel_loop3A_375 = arith.constant -65536 : i32
        %parallel_loop3A_376 = vector.broadcast %parallel_loop3A_375 : i32 to vector<16xi32>
        %parallel_loop3A_377 = arith.andi %parallel_loop3A_370, %parallel_loop3A_376 : vector<16xi32>
        %parallel_loop3A_378 = tpu.bitcast %parallel_loop3A_377 : vector<16xi32> -> vector<16xf32>
        %parallel_loop3A_379 = arith.index_cast %parallel_loop3A_361 : i32 to index
        %parallel_loop3A_380 = arith.constant 0 : index
        %parallel_loop3A_381 = tpu.vector_load %arg9[%parallel_loop3A_379, %parallel_loop3A_380] {strides = array<i32>} : memref<96x128xf32, #tpu.memory_space<vmem>>, vector<1x16xf32>,
        %parallel_loop3A_382 = vector.shape_cast %parallel_loop3A_381 : vector<1x16xf32> to vector<16xf32>
        %parallel_loop3A_383 = arith.constant 11.3137083 : f32
        %parallel_loop3A_384 = vector.broadcast %parallel_loop3A_383 : f32 to vector<16xf32>
        %parallel_loop3A_385 = arith.mulf %parallel_loop3A_382, %parallel_loop3A_384 : vector<16xf32>
        %parallel_loop3A_386 = arith.addf %parallel_loop3A_385, %parallel_loop3A_374 : vector<16xf32>
        %parallel_loop3A_387 = arith.index_cast %parallel_loop3A_361 : i32 to index
        %parallel_loop3A_388 = arith.constant 0 : index
        %parallel_loop3A_389 = tpu.vector_load %arg9[%parallel_loop3A_387, %parallel_loop3A_388] {strides = array<i32>} : memref<96x128xf32, #tpu.memory_space<vmem>>, vector<1x16xf32>,
        %parallel_loop3A_390 = vector.shape_cast %parallel_loop3A_389 : vector<1x16xf32> to vector<16xf32>
        %parallel_loop3A_391 = vector.shape_cast %parallel_loop3A_386 : vector<16xf32> to vector<1x16xf32>
        tpu.vector_store %arg9[%parallel_loop3A_387, %parallel_loop3A_388], %parallel_loop3A_391 {strides = array<i32>} : memref<96x128xf32, #tpu.memory_space<vmem>>, vector<1x16xf32>,
        %parallel_loop3A_392 = arith.index_cast %parallel_loop3A_361 : i32 to index
        %parallel_loop3A_393 = arith.constant 16 : index
        %parallel_loop3A_394 = tpu.vector_load %arg9[%parallel_loop3A_392, %parallel_loop3A_393] {strides = array<i32>} : memref<96x128xf32, #tpu.memory_space<vmem>>, vector<1x16xf32>,
        %parallel_loop3A_395 = vector.shape_cast %parallel_loop3A_394 : vector<1x16xf32> to vector<16xf32>
        %parallel_loop3A_396 = arith.constant 11.3137083 : f32
        %parallel_loop3A_397 = vector.broadcast %parallel_loop3A_396 : f32 to vector<16xf32>
        %parallel_loop3A_398 = arith.mulf %parallel_loop3A_395, %parallel_loop3A_397 : vector<16xf32>
        %parallel_loop3A_399 = arith.addf %parallel_loop3A_398, %parallel_loop3A_378 : vector<16xf32>
        %parallel_loop3A_400 = arith.index_cast %parallel_loop3A_361 : i32 to index
        %parallel_loop3A_401 = arith.constant 16 : index
        %parallel_loop3A_402 = tpu.vector_load %arg9[%parallel_loop3A_400, %parallel_loop3A_401] {strides = array<i32>} : memref<96x128xf32, #tpu.memory_space<vmem>>, vector<1x16xf32>,
        %parallel_loop3A_403 = vector.shape_cast %parallel_loop3A_402 : vector<1x16xf32> to vector<16xf32>
        %parallel_loop3A_404 = vector.shape_cast %parallel_loop3A_399 : vector<16xf32> to vector<1x16xf32>
        tpu.vector_store %arg9[%parallel_loop3A_400, %parallel_loop3A_401], %parallel_loop3A_404 {strides = array<i32>} : memref<96x128xf32, #tpu.memory_space<vmem>>, vector<1x16xf32>,
        %parallel_loop3A_405 = arith.constant 104 : i32
        %parallel_loop3A_406 = arith.addi %parallel_loop3A_405, %parallel_loop3A_361 : i32
        %parallel_loop3A_407 = arith.constant 64 : i32
        %parallel_loop3A_408 = arith.muli %parallel_loop3A_406, %parallel_loop3A_407 : i32
        %parallel_loop3A_409 = arith.constant 16 : i32
        %parallel_loop3A_410 = arith.addi %parallel_loop3A_408, %parallel_loop3A_409 : i32
        %parallel_loop3A_411 = arith.index_cast %parallel_loop3A_410 : i32 to index
        %parallel_loop3A_412 = tpu.vector_load %arg7[%parallel_loop3A_411] {strides = array<i32>} : memref<12800xi32, #tpu.memory_space<vmem>>, vector<16xi32>,
        %parallel_loop3A_413 = vector.shape_cast %parallel_loop3A_412 : vector<16xi32> to vector<16xi32>
        %parallel_loop3A_414 = arith.constant 16 : i32
        %parallel_loop3A_415 = vector.broadcast %parallel_loop3A_414 : i32 to vector<16xi32>
        %parallel_loop3A_416 = arith.shli %parallel_loop3A_413, %parallel_loop3A_415 : vector<16xi32>
        %parallel_loop3A_417 = tpu.bitcast %parallel_loop3A_416 : vector<16xi32> -> vector<16xf32>
        %parallel_loop3A_418 = arith.constant -65536 : i32
        %parallel_loop3A_419 = vector.broadcast %parallel_loop3A_418 : i32 to vector<16xi32>
        %parallel_loop3A_420 = arith.andi %parallel_loop3A_413, %parallel_loop3A_419 : vector<16xi32>
        %parallel_loop3A_421 = tpu.bitcast %parallel_loop3A_420 : vector<16xi32> -> vector<16xf32>
        %parallel_loop3A_422 = arith.index_cast %parallel_loop3A_361 : i32 to index
        %parallel_loop3A_423 = arith.constant 32 : index
        %parallel_loop3A_424 = tpu.vector_load %arg9[%parallel_loop3A_422, %parallel_loop3A_423] {strides = array<i32>} : memref<96x128xf32, #tpu.memory_space<vmem>>, vector<1x16xf32>,
        %parallel_loop3A_425 = vector.shape_cast %parallel_loop3A_424 : vector<1x16xf32> to vector<16xf32>
        %parallel_loop3A_426 = arith.constant 11.3137083 : f32
        %parallel_loop3A_427 = vector.broadcast %parallel_loop3A_426 : f32 to vector<16xf32>
        %parallel_loop3A_428 = arith.mulf %parallel_loop3A_425, %parallel_loop3A_427 : vector<16xf32>
        %parallel_loop3A_429 = arith.addf %parallel_loop3A_428, %parallel_loop3A_417 : vector<16xf32>
        %parallel_loop3A_430 = arith.index_cast %parallel_loop3A_361 : i32 to index
        %parallel_loop3A_431 = arith.constant 32 : index
        %parallel_loop3A_432 = tpu.vector_load %arg9[%parallel_loop3A_430, %parallel_loop3A_431] {strides = array<i32>} : memref<96x128xf32, #tpu.memory_space<vmem>>, vector<1x16xf32>,
        %parallel_loop3A_433 = vector.shape_cast %parallel_loop3A_432 : vector<1x16xf32> to vector<16xf32>
        %parallel_loop3A_434 = vector.shape_cast %parallel_loop3A_429 : vector<16xf32> to vector<1x16xf32>
        tpu.vector_store %arg9[%parallel_loop3A_430, %parallel_loop3A_431], %parallel_loop3A_434 {strides = array<i32>} : memref<96x128xf32, #tpu.memory_space<vmem>>, vector<1x16xf32>,
        %parallel_loop3A_435 = arith.index_cast %parallel_loop3A_361 : i32 to index
        %parallel_loop3A_436 = arith.constant 48 : index
        %parallel_loop3A_437 = tpu.vector_load %arg9[%parallel_loop3A_435, %parallel_loop3A_436] {strides = array<i32>} : memref<96x128xf32, #tpu.memory_space<vmem>>, vector<1x16xf32>,
        %parallel_loop3A_438 = vector.shape_cast %parallel_loop3A_437 : vector<1x16xf32> to vector<16xf32>
        %parallel_loop3A_439 = arith.constant 11.3137083 : f32
        %parallel_loop3A_440 = vector.broadcast %parallel_loop3A_439 : f32 to vector<16xf32>
        %parallel_loop3A_441 = arith.mulf %parallel_loop3A_438, %parallel_loop3A_440 : vector<16xf32>
        %parallel_loop3A_442 = arith.addf %parallel_loop3A_441, %parallel_loop3A_421 : vector<16xf32>
        %parallel_loop3A_443 = arith.index_cast %parallel_loop3A_361 : i32 to index
        %parallel_loop3A_444 = arith.constant 48 : index
        %parallel_loop3A_445 = tpu.vector_load %arg9[%parallel_loop3A_443, %parallel_loop3A_444] {strides = array<i32>} : memref<96x128xf32, #tpu.memory_space<vmem>>, vector<1x16xf32>,
        %parallel_loop3A_446 = vector.shape_cast %parallel_loop3A_445 : vector<1x16xf32> to vector<16xf32>
        %parallel_loop3A_447 = vector.shape_cast %parallel_loop3A_442 : vector<16xf32> to vector<1x16xf32>
        tpu.vector_store %arg9[%parallel_loop3A_443, %parallel_loop3A_444], %parallel_loop3A_447 {strides = array<i32>} : memref<96x128xf32, #tpu.memory_space<vmem>>, vector<1x16xf32>,
        %parallel_loop3A_448 = arith.constant 104 : i32
        %parallel_loop3A_449 = arith.addi %parallel_loop3A_448, %parallel_loop3A_361 : i32
        %parallel_loop3A_450 = arith.constant 64 : i32
        %parallel_loop3A_451 = arith.muli %parallel_loop3A_449, %parallel_loop3A_450 : i32
        %parallel_loop3A_452 = arith.constant 32 : i32
        %parallel_loop3A_453 = arith.addi %parallel_loop3A_451, %parallel_loop3A_452 : i32
        %parallel_loop3A_454 = arith.index_cast %parallel_loop3A_453 : i32 to index
        %parallel_loop3A_455 = tpu.vector_load %arg7[%parallel_loop3A_454] {strides = array<i32>} : memref<12800xi32, #tpu.memory_space<vmem>>, vector<16xi32>,
        %parallel_loop3A_456 = vector.shape_cast %parallel_loop3A_455 : vector<16xi32> to vector<16xi32>
        %parallel_loop3A_457 = arith.constant 16 : i32
        %parallel_loop3A_458 = vector.broadcast %parallel_loop3A_457 : i32 to vector<16xi32>
        %parallel_loop3A_459 = arith.shli %parallel_loop3A_456, %parallel_loop3A_458 : vector<16xi32>
        %parallel_loop3A_460 = tpu.bitcast %parallel_loop3A_459 : vector<16xi32> -> vector<16xf32>
        %parallel_loop3A_461 = arith.constant -65536 : i32
        %parallel_loop3A_462 = vector.broadcast %parallel_loop3A_461 : i32 to vector<16xi32>
        %parallel_loop3A_463 = arith.andi %parallel_loop3A_456, %parallel_loop3A_462 : vector<16xi32>
        %parallel_loop3A_464 = tpu.bitcast %parallel_loop3A_463 : vector<16xi32> -> vector<16xf32>
        %parallel_loop3A_465 = arith.index_cast %parallel_loop3A_361 : i32 to index
        %parallel_loop3A_466 = arith.constant 64 : index
        %parallel_loop3A_467 = tpu.vector_load %arg9[%parallel_loop3A_465, %parallel_loop3A_466] {strides = array<i32>} : memref<96x128xf32, #tpu.memory_space<vmem>>, vector<1x16xf32>,
        %parallel_loop3A_468 = vector.shape_cast %parallel_loop3A_467 : vector<1x16xf32> to vector<16xf32>
        %parallel_loop3A_469 = arith.constant 11.3137083 : f32
        %parallel_loop3A_470 = vector.broadcast %parallel_loop3A_469 : f32 to vector<16xf32>
        %parallel_loop3A_471 = arith.mulf %parallel_loop3A_468, %parallel_loop3A_470 : vector<16xf32>
        %parallel_loop3A_472 = arith.addf %parallel_loop3A_471, %parallel_loop3A_460 : vector<16xf32>
        %parallel_loop3A_473 = arith.index_cast %parallel_loop3A_361 : i32 to index
        %parallel_loop3A_474 = arith.constant 64 : index
        %parallel_loop3A_475 = tpu.vector_load %arg9[%parallel_loop3A_473, %parallel_loop3A_474] {strides = array<i32>} : memref<96x128xf32, #tpu.memory_space<vmem>>, vector<1x16xf32>,
        %parallel_loop3A_476 = vector.shape_cast %parallel_loop3A_475 : vector<1x16xf32> to vector<16xf32>
        %parallel_loop3A_477 = vector.shape_cast %parallel_loop3A_472 : vector<16xf32> to vector<1x16xf32>
        tpu.vector_store %arg9[%parallel_loop3A_473, %parallel_loop3A_474], %parallel_loop3A_477 {strides = array<i32>} : memref<96x128xf32, #tpu.memory_space<vmem>>, vector<1x16xf32>,
        %parallel_loop3A_478 = arith.index_cast %parallel_loop3A_361 : i32 to index
        %parallel_loop3A_479 = arith.constant 80 : index
        %parallel_loop3A_480 = tpu.vector_load %arg9[%parallel_loop3A_478, %parallel_loop3A_479] {strides = array<i32>} : memref<96x128xf32, #tpu.memory_space<vmem>>, vector<1x16xf32>,
        %parallel_loop3A_481 = vector.shape_cast %parallel_loop3A_480 : vector<1x16xf32> to vector<16xf32>
        %parallel_loop3A_482 = arith.constant 11.3137083 : f32
        %parallel_loop3A_483 = vector.broadcast %parallel_loop3A_482 : f32 to vector<16xf32>
        %parallel_loop3A_484 = arith.mulf %parallel_loop3A_481, %parallel_loop3A_483 : vector<16xf32>
        %parallel_loop3A_485 = arith.addf %parallel_loop3A_484, %parallel_loop3A_464 : vector<16xf32>
        %parallel_loop3A_486 = arith.index_cast %parallel_loop3A_361 : i32 to index
        %parallel_loop3A_487 = arith.constant 80 : index
        %parallel_loop3A_488 = tpu.vector_load %arg9[%parallel_loop3A_486, %parallel_loop3A_487] {strides = array<i32>} : memref<96x128xf32, #tpu.memory_space<vmem>>, vector<1x16xf32>,
        %parallel_loop3A_489 = vector.shape_cast %parallel_loop3A_488 : vector<1x16xf32> to vector<16xf32>
        %parallel_loop3A_490 = vector.shape_cast %parallel_loop3A_485 : vector<16xf32> to vector<1x16xf32>
        tpu.vector_store %arg9[%parallel_loop3A_486, %parallel_loop3A_487], %parallel_loop3A_490 {strides = array<i32>} : memref<96x128xf32, #tpu.memory_space<vmem>>, vector<1x16xf32>,
        %parallel_loop3A_491 = arith.constant 104 : i32
        %parallel_loop3A_492 = arith.addi %parallel_loop3A_491, %parallel_loop3A_361 : i32
        %parallel_loop3A_493 = arith.constant 64 : i32
        %parallel_loop3A_494 = arith.muli %parallel_loop3A_492, %parallel_loop3A_493 : i32
        %parallel_loop3A_495 = arith.constant 48 : i32
        %parallel_loop3A_496 = arith.addi %parallel_loop3A_494, %parallel_loop3A_495 : i32
        %parallel_loop3A_497 = arith.index_cast %parallel_loop3A_496 : i32 to index
        %parallel_loop3A_498 = tpu.vector_load %arg7[%parallel_loop3A_497] {strides = array<i32>} : memref<12800xi32, #tpu.memory_space<vmem>>, vector<16xi32>,
        %parallel_loop3A_499 = vector.shape_cast %parallel_loop3A_498 : vector<16xi32> to vector<16xi32>
        %parallel_loop3A_500 = arith.constant 16 : i32
        %parallel_loop3A_501 = vector.broadcast %parallel_loop3A_500 : i32 to vector<16xi32>
        %parallel_loop3A_502 = arith.shli %parallel_loop3A_499, %parallel_loop3A_501 : vector<16xi32>
        %parallel_loop3A_503 = tpu.bitcast %parallel_loop3A_502 : vector<16xi32> -> vector<16xf32>
        %parallel_loop3A_504 = arith.constant -65536 : i32
        %parallel_loop3A_505 = vector.broadcast %parallel_loop3A_504 : i32 to vector<16xi32>
        %parallel_loop3A_506 = arith.andi %parallel_loop3A_499, %parallel_loop3A_505 : vector<16xi32>
        %parallel_loop3A_507 = tpu.bitcast %parallel_loop3A_506 : vector<16xi32> -> vector<16xf32>
        %parallel_loop3A_508 = arith.index_cast %parallel_loop3A_361 : i32 to index
        %parallel_loop3A_509 = arith.constant 96 : index
        %parallel_loop3A_510 = tpu.vector_load %arg9[%parallel_loop3A_508, %parallel_loop3A_509] {strides = array<i32>} : memref<96x128xf32, #tpu.memory_space<vmem>>, vector<1x16xf32>,
        %parallel_loop3A_511 = vector.shape_cast %parallel_loop3A_510 : vector<1x16xf32> to vector<16xf32>
        %parallel_loop3A_512 = arith.constant 11.3137083 : f32
        %parallel_loop3A_513 = vector.broadcast %parallel_loop3A_512 : f32 to vector<16xf32>
        %parallel_loop3A_514 = arith.mulf %parallel_loop3A_511, %parallel_loop3A_513 : vector<16xf32>
        %parallel_loop3A_515 = arith.addf %parallel_loop3A_514, %parallel_loop3A_503 : vector<16xf32>
        %parallel_loop3A_516 = arith.index_cast %parallel_loop3A_361 : i32 to index
        %parallel_loop3A_517 = arith.constant 96 : index
        %parallel_loop3A_518 = tpu.vector_load %arg9[%parallel_loop3A_516, %parallel_loop3A_517] {strides = array<i32>} : memref<96x128xf32, #tpu.memory_space<vmem>>, vector<1x16xf32>,
        %parallel_loop3A_519 = vector.shape_cast %parallel_loop3A_518 : vector<1x16xf32> to vector<16xf32>
        %parallel_loop3A_520 = vector.shape_cast %parallel_loop3A_515 : vector<16xf32> to vector<1x16xf32>
        tpu.vector_store %arg9[%parallel_loop3A_516, %parallel_loop3A_517], %parallel_loop3A_520 {strides = array<i32>} : memref<96x128xf32, #tpu.memory_space<vmem>>, vector<1x16xf32>,
        %parallel_loop3A_521 = arith.index_cast %parallel_loop3A_361 : i32 to index
        %parallel_loop3A_522 = arith.constant 112 : index
        %parallel_loop3A_523 = tpu.vector_load %arg9[%parallel_loop3A_521, %parallel_loop3A_522] {strides = array<i32>} : memref<96x128xf32, #tpu.memory_space<vmem>>, vector<1x16xf32>,
        %parallel_loop3A_524 = vector.shape_cast %parallel_loop3A_523 : vector<1x16xf32> to vector<16xf32>
        %parallel_loop3A_525 = arith.constant 11.3137083 : f32
        %parallel_loop3A_526 = vector.broadcast %parallel_loop3A_525 : f32 to vector<16xf32>
        %parallel_loop3A_527 = arith.mulf %parallel_loop3A_524, %parallel_loop3A_526 : vector<16xf32>
        %parallel_loop3A_528 = arith.addf %parallel_loop3A_527, %parallel_loop3A_507 : vector<16xf32>
        %parallel_loop3A_529 = arith.index_cast %parallel_loop3A_361 : i32 to index
        %parallel_loop3A_530 = arith.constant 112 : index
        %parallel_loop3A_531 = tpu.vector_load %arg9[%parallel_loop3A_529, %parallel_loop3A_530] {strides = array<i32>} : memref<96x128xf32, #tpu.memory_space<vmem>>, vector<1x16xf32>,
        %parallel_loop3A_532 = vector.shape_cast %parallel_loop3A_531 : vector<1x16xf32> to vector<16xf32>
        %parallel_loop3A_533 = vector.shape_cast %parallel_loop3A_528 : vector<16xf32> to vector<1x16xf32>
        tpu.vector_store %arg9[%parallel_loop3A_529, %parallel_loop3A_530], %parallel_loop3A_533 {strides = array<i32>} : memref<96x128xf32, #tpu.memory_space<vmem>>, vector<1x16xf32>,
      } {sc.loop_unroll_factor = 4 : i64, sc.parallel_access}
      %gt3A_98 = arith.constant 0 : i32
      %gt3A_99 = arith.cmpi sgt, %add3A_53, %gt3A_98 : i32
      %convert_element_type3A_100 = arith.extui %gt3A_99 : i1 to i32
      %cond3A_101 = arith.constant 0 : i32
      %cond3A_102 = arith.cmpi ne, %convert_element_type3A_100, %cond3A_101 : i32
      scf.if %cond3A_102 {
        %dma_wait3A_361 = arith.constant 0 : i32
        %dma_wait3A_362 = arith.constant 0 : i32
        %dma_wait3A_363 = tpu.memref_slice %arg5[%dma_wait3A_361, %dma_wait3A_362] : memref<204800x128xf32, #tpu.memory_space<hbm>> -> memref<96x128xf32, #tpu.memory_space<hbm>>
        %dma_wait3A_364 = arith.constant 0 : i32
        %dma_wait3A_365 = arith.constant 0 : i32
        %dma_wait3A_366 = tpu.memref_slice %arg5[%dma_wait3A_364, %dma_wait3A_365] : memref<204800x128xf32, #tpu.memory_space<hbm>> -> memref<96x128xf32, #tpu.memory_space<hbm>>
        tpu.wait_dma2 semaphore(%arg29 : memref<!tpu.dma_semaphore, #tpu.memory_space<semaphore_mem>>) src(%arg13 : memref<96x128xf32, #tpu.memory_space<vmem>>) dst(%dma_wait3A_366 : memref<96x128xf32, #tpu.memory_space<hbm>>)
      } else {
      }
      %mul3A_103 = arith.constant 4 : i32
      %mul3A_104 = arith.muli %add3A_53, %mul3A_103 : i32
      %add3A_105 = arith.constant 2 : i32
      %add3A_106 = arith.addi %mul3A_104, %add3A_105 : i32
      %mul3A_107 = arith.constant 200 : i32
      %mul3A_108 = arith.muli %add3A_106, %mul3A_107 : i32
      %add3A_109 = arith.constant 104 : i32
      %add3A_110 = arith.addi %mul3A_108, %add3A_109 : i32
      %dma_start3A_111 = tpu.memref_slice %arg6[%add3A_110] : memref<6400xi32, #tpu.memory_space<vmem>> -> memref<96xi32, #tpu.memory_space<vmem>>
      %dma_start3A_112 = arith.constant 0 : i32
      %dma_start3A_113 = arith.constant 0 : i32
      %dma_start3A_114 = tpu.memref_slice %arg2[%dma_start3A_112, %dma_start3A_113] : memref<1000000x128xf32, #tpu.memory_space<hbm>> -> memref<1000000x128xf32, #tpu.memory_space<hbm>>
      tpu.enqueue_indirect_dma source(%dma_start3A_114 : memref<1000000x128xf32, #tpu.memory_space<hbm>>) target(%arg13 : memref<96x128xf32, #tpu.memory_space<vmem>>) offsets(%dma_start3A_111 : memref<96xi32, #tpu.memory_space<vmem>>) semaphore(%arg21 : memref<!tpu.dma_semaphore, #tpu.memory_space<semaphore_mem>>)
      %mul3A_115 = arith.constant 4 : i32
      %mul3A_116 = arith.muli %add3A_53, %mul3A_115 : i32
      %add3A_117 = arith.constant 0 : i32
      %add3A_118 = arith.addi %mul3A_116, %add3A_117 : i32
      %mul3A_119 = arith.constant 200 : i32
      %mul3A_120 = arith.muli %add3A_118, %mul3A_119 : i32
      %add3A_121 = arith.constant 104 : i32
      %add3A_122 = arith.addi %mul3A_120, %add3A_121 : i32
      %add3A_123 = arith.addi %mul3A_2, %add3A_122 : i32
      %dma_start3A_124 = arith.constant 0 : i32
      %dma_start3A_125 = tpu.memref_slice %arg5[%add3A_123, %dma_start3A_124] : memref<204800x128xf32, #tpu.memory_space<hbm>> -> memref<96x128xf32, #tpu.memory_space<hbm>>
      %dma_start3A_126 = arith.constant 0 : i32
      %dma_start3A_127 = tpu.memref_slice %arg5[%add3A_123, %dma_start3A_126] : memref<204800x128xf32, #tpu.memory_space<hbm>> -> memref<96x128xf32, #tpu.memory_space<hbm>>
      tpu.enqueue_dma source(%arg9 : memref<96x128xf32, #tpu.memory_space<vmem>>) target(%dma_start3A_127 : memref<96x128xf32, #tpu.memory_space<hbm>>) target_semaphore(%arg25 : memref<!tpu.dma_semaphore, #tpu.memory_space<semaphore_mem>>)
      %dma_wait3A_128 = arith.constant 0 : i32
      %dma_wait3A_129 = arith.constant 0 : i32
      %dma_wait3A_130 = tpu.memref_slice %arg2[%dma_wait3A_128, %dma_wait3A_129] : memref<1000000x128xf32, #tpu.memory_space<hbm>> -> memref<104x128xf32, #tpu.memory_space<hbm>>
      %dma_wait3A_131 = arith.constant 0 : i32
      %dma_wait3A_132 = arith.constant 0 : i32
      %dma_wait3A_133 = tpu.memref_slice %arg2[%dma_wait3A_131, %dma_wait3A_132] : memref<1000000x128xf32, #tpu.memory_space<hbm>> -> memref<104x128xf32, #tpu.memory_space<hbm>>
      tpu.wait_dma2 semaphore(%arg18 : memref<!tpu.dma_semaphore, #tpu.memory_space<semaphore_mem>>) src(%dma_wait3A_133 : memref<104x128xf32, #tpu.memory_space<hbm>>) dst(%arg10 : memref<104x128xf32, #tpu.memory_space<vmem>>)
      %parallel_loop3A_134 = arith.constant 0 : i32
      %parallel_loop3A_135 = arith.constant 104 : i32
      %parallel_loop3A_136 = arith.constant 1 : i32
      scf.for %parallel_loop3A_361 = %parallel_loop3A_134 to %parallel_loop3A_135 step %parallel_loop3A_136  : i32 {
        %parallel_loop3A_362 = arith.constant 0 : i32
        %parallel_loop3A_363 = arith.addi %parallel_loop3A_362, %parallel_loop3A_361 : i32
        %parallel_loop3A_364 = arith.constant 64 : i32
        %parallel_loop3A_365 = arith.muli %parallel_loop3A_363, %parallel_loop3A_364 : i32
        %parallel_loop3A_366 = arith.constant 0 : i32
        %parallel_loop3A_367 = arith.addi %parallel_loop3A_365, %parallel_loop3A_366 : i32
        %parallel_loop3A_368 = arith.index_cast %parallel_loop3A_367 : i32 to index
        %parallel_loop3A_369 = tpu.vector_load %arg7[%parallel_loop3A_368] {strides = array<i32>} : memref<12800xi32, #tpu.memory_space<vmem>>, vector<16xi32>,
        %parallel_loop3A_370 = vector.shape_cast %parallel_loop3A_369 : vector<16xi32> to vector<16xi32>
        %parallel_loop3A_371 = arith.constant 16 : i32
        %parallel_loop3A_372 = vector.broadcast %parallel_loop3A_371 : i32 to vector<16xi32>
        %parallel_loop3A_373 = arith.shli %parallel_loop3A_370, %parallel_loop3A_372 : vector<16xi32>
        %parallel_loop3A_374 = tpu.bitcast %parallel_loop3A_373 : vector<16xi32> -> vector<16xf32>
        %parallel_loop3A_375 = arith.constant -65536 : i32
        %parallel_loop3A_376 = vector.broadcast %parallel_loop3A_375 : i32 to vector<16xi32>
        %parallel_loop3A_377 = arith.andi %parallel_loop3A_370, %parallel_loop3A_376 : vector<16xi32>
        %parallel_loop3A_378 = tpu.bitcast %parallel_loop3A_377 : vector<16xi32> -> vector<16xf32>
        %parallel_loop3A_379 = arith.index_cast %parallel_loop3A_361 : i32 to index
        %parallel_loop3A_380 = arith.constant 0 : index
        %parallel_loop3A_381 = tpu.vector_load %arg10[%parallel_loop3A_379, %parallel_loop3A_380] {strides = array<i32>} : memref<104x128xf32, #tpu.memory_space<vmem>>, vector<1x16xf32>,
        %parallel_loop3A_382 = vector.shape_cast %parallel_loop3A_381 : vector<1x16xf32> to vector<16xf32>
        %parallel_loop3A_383 = arith.constant 11.3137083 : f32
        %parallel_loop3A_384 = vector.broadcast %parallel_loop3A_383 : f32 to vector<16xf32>
        %parallel_loop3A_385 = arith.mulf %parallel_loop3A_382, %parallel_loop3A_384 : vector<16xf32>
        %parallel_loop3A_386 = arith.addf %parallel_loop3A_385, %parallel_loop3A_374 : vector<16xf32>
        %parallel_loop3A_387 = arith.index_cast %parallel_loop3A_361 : i32 to index
        %parallel_loop3A_388 = arith.constant 0 : index
        %parallel_loop3A_389 = tpu.vector_load %arg10[%parallel_loop3A_387, %parallel_loop3A_388] {strides = array<i32>} : memref<104x128xf32, #tpu.memory_space<vmem>>, vector<1x16xf32>,
        %parallel_loop3A_390 = vector.shape_cast %parallel_loop3A_389 : vector<1x16xf32> to vector<16xf32>
        %parallel_loop3A_391 = vector.shape_cast %parallel_loop3A_386 : vector<16xf32> to vector<1x16xf32>
        tpu.vector_store %arg10[%parallel_loop3A_387, %parallel_loop3A_388], %parallel_loop3A_391 {strides = array<i32>} : memref<104x128xf32, #tpu.memory_space<vmem>>, vector<1x16xf32>,
        %parallel_loop3A_392 = arith.index_cast %parallel_loop3A_361 : i32 to index
        %parallel_loop3A_393 = arith.constant 16 : index
        %parallel_loop3A_394 = tpu.vector_load %arg10[%parallel_loop3A_392, %parallel_loop3A_393] {strides = array<i32>} : memref<104x128xf32, #tpu.memory_space<vmem>>, vector<1x16xf32>,
        %parallel_loop3A_395 = vector.shape_cast %parallel_loop3A_394 : vector<1x16xf32> to vector<16xf32>
        %parallel_loop3A_396 = arith.constant 11.3137083 : f32
        %parallel_loop3A_397 = vector.broadcast %parallel_loop3A_396 : f32 to vector<16xf32>
        %parallel_loop3A_398 = arith.mulf %parallel_loop3A_395, %parallel_loop3A_397 : vector<16xf32>
        %parallel_loop3A_399 = arith.addf %parallel_loop3A_398, %parallel_loop3A_378 : vector<16xf32>
        %parallel_loop3A_400 = arith.index_cast %parallel_loop3A_361 : i32 to index
        %parallel_loop3A_401 = arith.constant 16 : index
        %parallel_loop3A_402 = tpu.vector_load %arg10[%parallel_loop3A_400, %parallel_loop3A_401] {strides = array<i32>} : memref<104x128xf32, #tpu.memory_space<vmem>>, vector<1x16xf32>,
        %parallel_loop3A_403 = vector.shape_cast %parallel_loop3A_402 : vector<1x16xf32> to vector<16xf32>
        %parallel_loop3A_404 = vector.shape_cast %parallel_loop3A_399 : vector<16xf32> to vector<1x16xf32>
        tpu.vector_store %arg10[%parallel_loop3A_400, %parallel_loop3A_401], %parallel_loop3A_404 {strides = array<i32>} : memref<104x128xf32, #tpu.memory_space<vmem>>, vector<1x16xf32>,
        %parallel_loop3A_405 = arith.constant 0 : i32
        %parallel_loop3A_406 = arith.addi %parallel_loop3A_405, %parallel_loop3A_361 : i32
        %parallel_loop3A_407 = arith.constant 64 : i32
        %parallel_loop3A_408 = arith.muli %parallel_loop3A_406, %parallel_loop3A_407 : i32
        %parallel_loop3A_409 = arith.constant 16 : i32
        %parallel_loop3A_410 = arith.addi %parallel_loop3A_408, %parallel_loop3A_409 : i32
        %parallel_loop3A_411 = arith.index_cast %parallel_loop3A_410 : i32 to index
        %parallel_loop3A_412 = tpu.vector_load %arg7[%parallel_loop3A_411] {strides = array<i32>} : memref<12800xi32, #tpu.memory_space<vmem>>, vector<16xi32>,
        %parallel_loop3A_413 = vector.shape_cast %parallel_loop3A_412 : vector<16xi32> to vector<16xi32>
        %parallel_loop3A_414 = arith.constant 16 : i32
        %parallel_loop3A_415 = vector.broadcast %parallel_loop3A_414 : i32 to vector<16xi32>
        %parallel_loop3A_416 = arith.shli %parallel_loop3A_413, %parallel_loop3A_415 : vector<16xi32>
        %parallel_loop3A_417 = tpu.bitcast %parallel_loop3A_416 : vector<16xi32> -> vector<16xf32>
        %parallel_loop3A_418 = arith.constant -65536 : i32
        %parallel_loop3A_419 = vector.broadcast %parallel_loop3A_418 : i32 to vector<16xi32>
        %parallel_loop3A_420 = arith.andi %parallel_loop3A_413, %parallel_loop3A_419 : vector<16xi32>
        %parallel_loop3A_421 = tpu.bitcast %parallel_loop3A_420 : vector<16xi32> -> vector<16xf32>
        %parallel_loop3A_422 = arith.index_cast %parallel_loop3A_361 : i32 to index
        %parallel_loop3A_423 = arith.constant 32 : index
        %parallel_loop3A_424 = tpu.vector_load %arg10[%parallel_loop3A_422, %parallel_loop3A_423] {strides = array<i32>} : memref<104x128xf32, #tpu.memory_space<vmem>>, vector<1x16xf32>,
        %parallel_loop3A_425 = vector.shape_cast %parallel_loop3A_424 : vector<1x16xf32> to vector<16xf32>
        %parallel_loop3A_426 = arith.constant 11.3137083 : f32
        %parallel_loop3A_427 = vector.broadcast %parallel_loop3A_426 : f32 to vector<16xf32>
        %parallel_loop3A_428 = arith.mulf %parallel_loop3A_425, %parallel_loop3A_427 : vector<16xf32>
        %parallel_loop3A_429 = arith.addf %parallel_loop3A_428, %parallel_loop3A_417 : vector<16xf32>
        %parallel_loop3A_430 = arith.index_cast %parallel_loop3A_361 : i32 to index
        %parallel_loop3A_431 = arith.constant 32 : index
        %parallel_loop3A_432 = tpu.vector_load %arg10[%parallel_loop3A_430, %parallel_loop3A_431] {strides = array<i32>} : memref<104x128xf32, #tpu.memory_space<vmem>>, vector<1x16xf32>,
        %parallel_loop3A_433 = vector.shape_cast %parallel_loop3A_432 : vector<1x16xf32> to vector<16xf32>
        %parallel_loop3A_434 = vector.shape_cast %parallel_loop3A_429 : vector<16xf32> to vector<1x16xf32>
        tpu.vector_store %arg10[%parallel_loop3A_430, %parallel_loop3A_431], %parallel_loop3A_434 {strides = array<i32>} : memref<104x128xf32, #tpu.memory_space<vmem>>, vector<1x16xf32>,
        %parallel_loop3A_435 = arith.index_cast %parallel_loop3A_361 : i32 to index
        %parallel_loop3A_436 = arith.constant 48 : index
        %parallel_loop3A_437 = tpu.vector_load %arg10[%parallel_loop3A_435, %parallel_loop3A_436] {strides = array<i32>} : memref<104x128xf32, #tpu.memory_space<vmem>>, vector<1x16xf32>,
        %parallel_loop3A_438 = vector.shape_cast %parallel_loop3A_437 : vector<1x16xf32> to vector<16xf32>
        %parallel_loop3A_439 = arith.constant 11.3137083 : f32
        %parallel_loop3A_440 = vector.broadcast %parallel_loop3A_439 : f32 to vector<16xf32>
        %parallel_loop3A_441 = arith.mulf %parallel_loop3A_438, %parallel_loop3A_440 : vector<16xf32>
        %parallel_loop3A_442 = arith.addf %parallel_loop3A_441, %parallel_loop3A_421 : vector<16xf32>
        %parallel_loop3A_443 = arith.index_cast %parallel_loop3A_361 : i32 to index
        %parallel_loop3A_444 = arith.constant 48 : index
        %parallel_loop3A_445 = tpu.vector_load %arg10[%parallel_loop3A_443, %parallel_loop3A_444] {strides = array<i32>} : memref<104x128xf32, #tpu.memory_space<vmem>>, vector<1x16xf32>,
        %parallel_loop3A_446 = vector.shape_cast %parallel_loop3A_445 : vector<1x16xf32> to vector<16xf32>
        %parallel_loop3A_447 = vector.shape_cast %parallel_loop3A_442 : vector<16xf32> to vector<1x16xf32>
        tpu.vector_store %arg10[%parallel_loop3A_443, %parallel_loop3A_444], %parallel_loop3A_447 {strides = array<i32>} : memref<104x128xf32, #tpu.memory_space<vmem>>, vector<1x16xf32>,
        %parallel_loop3A_448 = arith.constant 0 : i32
        %parallel_loop3A_449 = arith.addi %parallel_loop3A_448, %parallel_loop3A_361 : i32
        %parallel_loop3A_450 = arith.constant 64 : i32
        %parallel_loop3A_451 = arith.muli %parallel_loop3A_449, %parallel_loop3A_450 : i32
        %parallel_loop3A_452 = arith.constant 32 : i32
        %parallel_loop3A_453 = arith.addi %parallel_loop3A_451, %parallel_loop3A_452 : i32
        %parallel_loop3A_454 = arith.index_cast %parallel_loop3A_453 : i32 to index
        %parallel_loop3A_455 = tpu.vector_load %arg7[%parallel_loop3A_454] {strides = array<i32>} : memref<12800xi32, #tpu.memory_space<vmem>>, vector<16xi32>,
        %parallel_loop3A_456 = vector.shape_cast %parallel_loop3A_455 : vector<16xi32> to vector<16xi32>
        %parallel_loop3A_457 = arith.constant 16 : i32
        %parallel_loop3A_458 = vector.broadcast %parallel_loop3A_457 : i32 to vector<16xi32>
        %parallel_loop3A_459 = arith.shli %parallel_loop3A_456, %parallel_loop3A_458 : vector<16xi32>
        %parallel_loop3A_460 = tpu.bitcast %parallel_loop3A_459 : vector<16xi32> -> vector<16xf32>
        %parallel_loop3A_461 = arith.constant -65536 : i32
        %parallel_loop3A_462 = vector.broadcast %parallel_loop3A_461 : i32 to vector<16xi32>
        %parallel_loop3A_463 = arith.andi %parallel_loop3A_456, %parallel_loop3A_462 : vector<16xi32>
        %parallel_loop3A_464 = tpu.bitcast %parallel_loop3A_463 : vector<16xi32> -> vector<16xf32>
        %parallel_loop3A_465 = arith.index_cast %parallel_loop3A_361 : i32 to index
        %parallel_loop3A_466 = arith.constant 64 : index
        %parallel_loop3A_467 = tpu.vector_load %arg10[%parallel_loop3A_465, %parallel_loop3A_466] {strides = array<i32>} : memref<104x128xf32, #tpu.memory_space<vmem>>, vector<1x16xf32>,
        %parallel_loop3A_468 = vector.shape_cast %parallel_loop3A_467 : vector<1x16xf32> to vector<16xf32>
        %parallel_loop3A_469 = arith.constant 11.3137083 : f32
        %parallel_loop3A_470 = vector.broadcast %parallel_loop3A_469 : f32 to vector<16xf32>
        %parallel_loop3A_471 = arith.mulf %parallel_loop3A_468, %parallel_loop3A_470 : vector<16xf32>
        %parallel_loop3A_472 = arith.addf %parallel_loop3A_471, %parallel_loop3A_460 : vector<16xf32>
        %parallel_loop3A_473 = arith.index_cast %parallel_loop3A_361 : i32 to index
        %parallel_loop3A_474 = arith.constant 64 : index
        %parallel_loop3A_475 = tpu.vector_load %arg10[%parallel_loop3A_473, %parallel_loop3A_474] {strides = array<i32>} : memref<104x128xf32, #tpu.memory_space<vmem>>, vector<1x16xf32>,
        %parallel_loop3A_476 = vector.shape_cast %parallel_loop3A_475 : vector<1x16xf32> to vector<16xf32>
        %parallel_loop3A_477 = vector.shape_cast %parallel_loop3A_472 : vector<16xf32> to vector<1x16xf32>
        tpu.vector_store %arg10[%parallel_loop3A_473, %parallel_loop3A_474], %parallel_loop3A_477 {strides = array<i32>} : memref<104x128xf32, #tpu.memory_space<vmem>>, vector<1x16xf32>,
        %parallel_loop3A_478 = arith.index_cast %parallel_loop3A_361 : i32 to index
        %parallel_loop3A_479 = arith.constant 80 : index
        %parallel_loop3A_480 = tpu.vector_load %arg10[%parallel_loop3A_478, %parallel_loop3A_479] {strides = array<i32>} : memref<104x128xf32, #tpu.memory_space<vmem>>, vector<1x16xf32>,
        %parallel_loop3A_481 = vector.shape_cast %parallel_loop3A_480 : vector<1x16xf32> to vector<16xf32>
        %parallel_loop3A_482 = arith.constant 11.3137083 : f32
        %parallel_loop3A_483 = vector.broadcast %parallel_loop3A_482 : f32 to vector<16xf32>
        %parallel_loop3A_484 = arith.mulf %parallel_loop3A_481, %parallel_loop3A_483 : vector<16xf32>
        %parallel_loop3A_485 = arith.addf %parallel_loop3A_484, %parallel_loop3A_464 : vector<16xf32>
        %parallel_loop3A_486 = arith.index_cast %parallel_loop3A_361 : i32 to index
        %parallel_loop3A_487 = arith.constant 80 : index
        %parallel_loop3A_488 = tpu.vector_load %arg10[%parallel_loop3A_486, %parallel_loop3A_487] {strides = array<i32>} : memref<104x128xf32, #tpu.memory_space<vmem>>, vector<1x16xf32>,
        %parallel_loop3A_489 = vector.shape_cast %parallel_loop3A_488 : vector<1x16xf32> to vector<16xf32>
        %parallel_loop3A_490 = vector.shape_cast %parallel_loop3A_485 : vector<16xf32> to vector<1x16xf32>
        tpu.vector_store %arg10[%parallel_loop3A_486, %parallel_loop3A_487], %parallel_loop3A_490 {strides = array<i32>} : memref<104x128xf32, #tpu.memory_space<vmem>>, vector<1x16xf32>,
        %parallel_loop3A_491 = arith.constant 0 : i32
        %parallel_loop3A_492 = arith.addi %parallel_loop3A_491, %parallel_loop3A_361 : i32
        %parallel_loop3A_493 = arith.constant 64 : i32
        %parallel_loop3A_494 = arith.muli %parallel_loop3A_492, %parallel_loop3A_493 : i32
        %parallel_loop3A_495 = arith.constant 48 : i32
        %parallel_loop3A_496 = arith.addi %parallel_loop3A_494, %parallel_loop3A_495 : i32
        %parallel_loop3A_497 = arith.index_cast %parallel_loop3A_496 : i32 to index
        %parallel_loop3A_498 = tpu.vector_load %arg7[%parallel_loop3A_497] {strides = array<i32>} : memref<12800xi32, #tpu.memory_space<vmem>>, vector<16xi32>,
        %parallel_loop3A_499 = vector.shape_cast %parallel_loop3A_498 : vector<16xi32> to vector<16xi32>
        %parallel_loop3A_500 = arith.constant 16 : i32
        %parallel_loop3A_501 = vector.broadcast %parallel_loop3A_500 : i32 to vector<16xi32>
        %parallel_loop3A_502 = arith.shli %parallel_loop3A_499, %parallel_loop3A_501 : vector<16xi32>
        %parallel_loop3A_503 = tpu.bitcast %parallel_loop3A_502 : vector<16xi32> -> vector<16xf32>
        %parallel_loop3A_504 = arith.constant -65536 : i32
        %parallel_loop3A_505 = vector.broadcast %parallel_loop3A_504 : i32 to vector<16xi32>
        %parallel_loop3A_506 = arith.andi %parallel_loop3A_499, %parallel_loop3A_505 : vector<16xi32>
        %parallel_loop3A_507 = tpu.bitcast %parallel_loop3A_506 : vector<16xi32> -> vector<16xf32>
        %parallel_loop3A_508 = arith.index_cast %parallel_loop3A_361 : i32 to index
        %parallel_loop3A_509 = arith.constant 96 : index
        %parallel_loop3A_510 = tpu.vector_load %arg10[%parallel_loop3A_508, %parallel_loop3A_509] {strides = array<i32>} : memref<104x128xf32, #tpu.memory_space<vmem>>, vector<1x16xf32>,
        %parallel_loop3A_511 = vector.shape_cast %parallel_loop3A_510 : vector<1x16xf32> to vector<16xf32>
        %parallel_loop3A_512 = arith.constant 11.3137083 : f32
        %parallel_loop3A_513 = vector.broadcast %parallel_loop3A_512 : f32 to vector<16xf32>
        %parallel_loop3A_514 = arith.mulf %parallel_loop3A_511, %parallel_loop3A_513 : vector<16xf32>
        %parallel_loop3A_515 = arith.addf %parallel_loop3A_514, %parallel_loop3A_503 : vector<16xf32>
        %parallel_loop3A_516 = arith.index_cast %parallel_loop3A_361 : i32 to index
        %parallel_loop3A_517 = arith.constant 96 : index
        %parallel_loop3A_518 = tpu.vector_load %arg10[%parallel_loop3A_516, %parallel_loop3A_517] {strides = array<i32>} : memref<104x128xf32, #tpu.memory_space<vmem>>, vector<1x16xf32>,
        %parallel_loop3A_519 = vector.shape_cast %parallel_loop3A_518 : vector<1x16xf32> to vector<16xf32>
        %parallel_loop3A_520 = vector.shape_cast %parallel_loop3A_515 : vector<16xf32> to vector<1x16xf32>
        tpu.vector_store %arg10[%parallel_loop3A_516, %parallel_loop3A_517], %parallel_loop3A_520 {strides = array<i32>} : memref<104x128xf32, #tpu.memory_space<vmem>>, vector<1x16xf32>,
        %parallel_loop3A_521 = arith.index_cast %parallel_loop3A_361 : i32 to index
        %parallel_loop3A_522 = arith.constant 112 : index
        %parallel_loop3A_523 = tpu.vector_load %arg10[%parallel_loop3A_521, %parallel_loop3A_522] {strides = array<i32>} : memref<104x128xf32, #tpu.memory_space<vmem>>, vector<1x16xf32>,
        %parallel_loop3A_524 = vector.shape_cast %parallel_loop3A_523 : vector<1x16xf32> to vector<16xf32>
        %parallel_loop3A_525 = arith.constant 11.3137083 : f32
        %parallel_loop3A_526 = vector.broadcast %parallel_loop3A_525 : f32 to vector<16xf32>
        %parallel_loop3A_527 = arith.mulf %parallel_loop3A_524, %parallel_loop3A_526 : vector<16xf32>
        %parallel_loop3A_528 = arith.addf %parallel_loop3A_527, %parallel_loop3A_507 : vector<16xf32>
        %parallel_loop3A_529 = arith.index_cast %parallel_loop3A_361 : i32 to index
        %parallel_loop3A_530 = arith.constant 112 : index
        %parallel_loop3A_531 = tpu.vector_load %arg10[%parallel_loop3A_529, %parallel_loop3A_530] {strides = array<i32>} : memref<104x128xf32, #tpu.memory_space<vmem>>, vector<1x16xf32>,
        %parallel_loop3A_532 = vector.shape_cast %parallel_loop3A_531 : vector<1x16xf32> to vector<16xf32>
        %parallel_loop3A_533 = vector.shape_cast %parallel_loop3A_528 : vector<16xf32> to vector<1x16xf32>
        tpu.vector_store %arg10[%parallel_loop3A_529, %parallel_loop3A_530], %parallel_loop3A_533 {strides = array<i32>} : memref<104x128xf32, #tpu.memory_space<vmem>>, vector<1x16xf32>,
      } {sc.loop_unroll_factor = 4 : i64, sc.parallel_access}
      %gt3A_137 = arith.constant 0 : i32
      %gt3A_138 = arith.cmpi sgt, %add3A_53, %gt3A_137 : i32
      %convert_element_type3A_139 = arith.extui %gt3A_138 : i1 to i32
      %cond3A_140 = arith.constant 0 : i32
      %cond3A_141 = arith.cmpi ne, %convert_element_type3A_139, %cond3A_140 : i32
      scf.if %cond3A_141 {
        %dma_wait3A_361 = arith.constant 0 : i32
        %dma_wait3A_362 = arith.constant 0 : i32
        %dma_wait3A_363 = tpu.memref_slice %arg5[%dma_wait3A_361, %dma_wait3A_362] : memref<204800x128xf32, #tpu.memory_space<hbm>> -> memref<104x128xf32, #tpu.memory_space<hbm>>
        %dma_wait3A_364 = arith.constant 0 : i32
        %dma_wait3A_365 = arith.constant 0 : i32
        %dma_wait3A_366 = tpu.memref_slice %arg5[%dma_wait3A_364, %dma_wait3A_365] : memref<204800x128xf32, #tpu.memory_space<hbm>> -> memref<104x128xf32, #tpu.memory_space<hbm>>
        tpu.wait_dma2 semaphore(%arg30 : memref<!tpu.dma_semaphore, #tpu.memory_space<semaphore_mem>>) src(%arg14 : memref<104x128xf32, #tpu.memory_space<vmem>>) dst(%dma_wait3A_366 : memref<104x128xf32, #tpu.memory_space<hbm>>)
      } else {
      }
      %mul3A_142 = arith.constant 4 : i32
      %mul3A_143 = arith.muli %add3A_53, %mul3A_142 : i32
      %add3A_144 = arith.constant 3 : i32
      %add3A_145 = arith.addi %mul3A_143, %add3A_144 : i32
      %mul3A_146 = arith.constant 200 : i32
      %mul3A_147 = arith.muli %add3A_145, %mul3A_146 : i32
      %add3A_148 = arith.constant 0 : i32
      %add3A_149 = arith.addi %mul3A_147, %add3A_148 : i32
      %dma_start3A_150 = tpu.memref_slice %arg6[%add3A_149] : memref<6400xi32, #tpu.memory_space<vmem>> -> memref<104xi32, #tpu.memory_space<vmem>>
      %dma_start3A_151 = arith.constant 0 : i32
      %dma_start3A_152 = arith.constant 0 : i32
      %dma_start3A_153 = tpu.memref_slice %arg2[%dma_start3A_151, %dma_start3A_152] : memref<1000000x128xf32, #tpu.memory_space<hbm>> -> memref<1000000x128xf32, #tpu.memory_space<hbm>>
      tpu.enqueue_indirect_dma source(%dma_start3A_153 : memref<1000000x128xf32, #tpu.memory_space<hbm>>) target(%arg14 : memref<104x128xf32, #tpu.memory_space<vmem>>) offsets(%dma_start3A_150 : memref<104xi32, #tpu.memory_space<vmem>>) semaphore(%arg22 : memref<!tpu.dma_semaphore, #tpu.memory_space<semaphore_mem>>)
      %mul3A_154 = arith.constant 4 : i32
      %mul3A_155 = arith.muli %add3A_53, %mul3A_154 : i32
      %add3A_156 = arith.constant 1 : i32
      %add3A_157 = arith.addi %mul3A_155, %add3A_156 : i32
      %mul3A_158 = arith.constant 200 : i32
      %mul3A_159 = arith.muli %add3A_157, %mul3A_158 : i32
      %add3A_160 = arith.constant 0 : i32
      %add3A_161 = arith.addi %mul3A_159, %add3A_160 : i32
      %add3A_162 = arith.addi %mul3A_2, %add3A_161 : i32
      %dma_start3A_163 = arith.constant 0 : i32
      %dma_start3A_164 = tpu.memref_slice %arg5[%add3A_162, %dma_start3A_163] : memref<204800x128xf32, #tpu.memory_space<hbm>> -> memref<104x128xf32, #tpu.memory_space<hbm>>
      %dma_start3A_165 = arith.constant 0 : i32
      %dma_start3A_166 = tpu.memref_slice %arg5[%add3A_162, %dma_start3A_165] : memref<204800x128xf32, #tpu.memory_space<hbm>> -> memref<104x128xf32, #tpu.memory_space<hbm>>
      tpu.enqueue_dma source(%arg10 : memref<104x128xf32, #tpu.memory_space<vmem>>) target(%dma_start3A_166 : memref<104x128xf32, #tpu.memory_space<hbm>>) target_semaphore(%arg26 : memref<!tpu.dma_semaphore, #tpu.memory_space<semaphore_mem>>)
      %dma_wait3A_167 = arith.constant 0 : i32
      %dma_wait3A_168 = arith.constant 0 : i32
      %dma_wait3A_169 = tpu.memref_slice %arg2[%dma_wait3A_167, %dma_wait3A_168] : memref<1000000x128xf32, #tpu.memory_space<hbm>> -> memref<96x128xf32, #tpu.memory_space<hbm>>
      %dma_wait3A_170 = arith.constant 0 : i32
      %dma_wait3A_171 = arith.constant 0 : i32
      %dma_wait3A_172 = tpu.memref_slice %arg2[%dma_wait3A_170, %dma_wait3A_171] : memref<1000000x128xf32, #tpu.memory_space<hbm>> -> memref<96x128xf32, #tpu.memory_space<hbm>>
      tpu.wait_dma2 semaphore(%arg19 : memref<!tpu.dma_semaphore, #tpu.memory_space<semaphore_mem>>) src(%dma_wait3A_172 : memref<96x128xf32, #tpu.memory_space<hbm>>) dst(%arg11 : memref<96x128xf32, #tpu.memory_space<vmem>>)
      %parallel_loop3A_173 = arith.constant 0 : i32
      %parallel_loop3A_174 = arith.constant 96 : i32
      %parallel_loop3A_175 = arith.constant 1 : i32
      scf.for %parallel_loop3A_361 = %parallel_loop3A_173 to %parallel_loop3A_174 step %parallel_loop3A_175  : i32 {
        %parallel_loop3A_362 = arith.constant 104 : i32
        %parallel_loop3A_363 = arith.addi %parallel_loop3A_362, %parallel_loop3A_361 : i32
        %parallel_loop3A_364 = arith.constant 64 : i32
        %parallel_loop3A_365 = arith.muli %parallel_loop3A_363, %parallel_loop3A_364 : i32
        %parallel_loop3A_366 = arith.constant 0 : i32
        %parallel_loop3A_367 = arith.addi %parallel_loop3A_365, %parallel_loop3A_366 : i32
        %parallel_loop3A_368 = arith.index_cast %parallel_loop3A_367 : i32 to index
        %parallel_loop3A_369 = tpu.vector_load %arg7[%parallel_loop3A_368] {strides = array<i32>} : memref<12800xi32, #tpu.memory_space<vmem>>, vector<16xi32>,
        %parallel_loop3A_370 = vector.shape_cast %parallel_loop3A_369 : vector<16xi32> to vector<16xi32>
        %parallel_loop3A_371 = arith.constant 16 : i32
        %parallel_loop3A_372 = vector.broadcast %parallel_loop3A_371 : i32 to vector<16xi32>
        %parallel_loop3A_373 = arith.shli %parallel_loop3A_370, %parallel_loop3A_372 : vector<16xi32>
        %parallel_loop3A_374 = tpu.bitcast %parallel_loop3A_373 : vector<16xi32> -> vector<16xf32>
        %parallel_loop3A_375 = arith.constant -65536 : i32
        %parallel_loop3A_376 = vector.broadcast %parallel_loop3A_375 : i32 to vector<16xi32>
        %parallel_loop3A_377 = arith.andi %parallel_loop3A_370, %parallel_loop3A_376 : vector<16xi32>
        %parallel_loop3A_378 = tpu.bitcast %parallel_loop3A_377 : vector<16xi32> -> vector<16xf32>
        %parallel_loop3A_379 = arith.index_cast %parallel_loop3A_361 : i32 to index
        %parallel_loop3A_380 = arith.constant 0 : index
        %parallel_loop3A_381 = tpu.vector_load %arg11[%parallel_loop3A_379, %parallel_loop3A_380] {strides = array<i32>} : memref<96x128xf32, #tpu.memory_space<vmem>>, vector<1x16xf32>,
        %parallel_loop3A_382 = vector.shape_cast %parallel_loop3A_381 : vector<1x16xf32> to vector<16xf32>
        %parallel_loop3A_383 = arith.constant 11.3137083 : f32
        %parallel_loop3A_384 = vector.broadcast %parallel_loop3A_383 : f32 to vector<16xf32>
        %parallel_loop3A_385 = arith.mulf %parallel_loop3A_382, %parallel_loop3A_384 : vector<16xf32>
        %parallel_loop3A_386 = arith.addf %parallel_loop3A_385, %parallel_loop3A_374 : vector<16xf32>
        %parallel_loop3A_387 = arith.index_cast %parallel_loop3A_361 : i32 to index
        %parallel_loop3A_388 = arith.constant 0 : index
        %parallel_loop3A_389 = tpu.vector_load %arg11[%parallel_loop3A_387, %parallel_loop3A_388] {strides = array<i32>} : memref<96x128xf32, #tpu.memory_space<vmem>>, vector<1x16xf32>,
        %parallel_loop3A_390 = vector.shape_cast %parallel_loop3A_389 : vector<1x16xf32> to vector<16xf32>
        %parallel_loop3A_391 = vector.shape_cast %parallel_loop3A_386 : vector<16xf32> to vector<1x16xf32>
        tpu.vector_store %arg11[%parallel_loop3A_387, %parallel_loop3A_388], %parallel_loop3A_391 {strides = array<i32>} : memref<96x128xf32, #tpu.memory_space<vmem>>, vector<1x16xf32>,
        %parallel_loop3A_392 = arith.index_cast %parallel_loop3A_361 : i32 to index
        %parallel_loop3A_393 = arith.constant 16 : index
        %parallel_loop3A_394 = tpu.vector_load %arg11[%parallel_loop3A_392, %parallel_loop3A_393] {strides = array<i32>} : memref<96x128xf32, #tpu.memory_space<vmem>>, vector<1x16xf32>,
        %parallel_loop3A_395 = vector.shape_cast %parallel_loop3A_394 : vector<1x16xf32> to vector<16xf32>
        %parallel_loop3A_396 = arith.constant 11.3137083 : f32
        %parallel_loop3A_397 = vector.broadcast %parallel_loop3A_396 : f32 to vector<16xf32>
        %parallel_loop3A_398 = arith.mulf %parallel_loop3A_395, %parallel_loop3A_397 : vector<16xf32>
        %parallel_loop3A_399 = arith.addf %parallel_loop3A_398, %parallel_loop3A_378 : vector<16xf32>
        %parallel_loop3A_400 = arith.index_cast %parallel_loop3A_361 : i32 to index
        %parallel_loop3A_401 = arith.constant 16 : index
        %parallel_loop3A_402 = tpu.vector_load %arg11[%parallel_loop3A_400, %parallel_loop3A_401] {strides = array<i32>} : memref<96x128xf32, #tpu.memory_space<vmem>>, vector<1x16xf32>,
        %parallel_loop3A_403 = vector.shape_cast %parallel_loop3A_402 : vector<1x16xf32> to vector<16xf32>
        %parallel_loop3A_404 = vector.shape_cast %parallel_loop3A_399 : vector<16xf32> to vector<1x16xf32>
        tpu.vector_store %arg11[%parallel_loop3A_400, %parallel_loop3A_401], %parallel_loop3A_404 {strides = array<i32>} : memref<96x128xf32, #tpu.memory_space<vmem>>, vector<1x16xf32>,
        %parallel_loop3A_405 = arith.constant 104 : i32
        %parallel_loop3A_406 = arith.addi %parallel_loop3A_405, %parallel_loop3A_361 : i32
        %parallel_loop3A_407 = arith.constant 64 : i32
        %parallel_loop3A_408 = arith.muli %parallel_loop3A_406, %parallel_loop3A_407 : i32
        %parallel_loop3A_409 = arith.constant 16 : i32
        %parallel_loop3A_410 = arith.addi %parallel_loop3A_408, %parallel_loop3A_409 : i32
        %parallel_loop3A_411 = arith.index_cast %parallel_loop3A_410 : i32 to index
        %parallel_loop3A_412 = tpu.vector_load %arg7[%parallel_loop3A_411] {strides = array<i32>} : memref<12800xi32, #tpu.memory_space<vmem>>, vector<16xi32>,
        %parallel_loop3A_413 = vector.shape_cast %parallel_loop3A_412 : vector<16xi32> to vector<16xi32>
        %parallel_loop3A_414 = arith.constant 16 : i32
        %parallel_loop3A_415 = vector.broadcast %parallel_loop3A_414 : i32 to vector<16xi32>
        %parallel_loop3A_416 = arith.shli %parallel_loop3A_413, %parallel_loop3A_415 : vector<16xi32>
        %parallel_loop3A_417 = tpu.bitcast %parallel_loop3A_416 : vector<16xi32> -> vector<16xf32>
        %parallel_loop3A_418 = arith.constant -65536 : i32
        %parallel_loop3A_419 = vector.broadcast %parallel_loop3A_418 : i32 to vector<16xi32>
        %parallel_loop3A_420 = arith.andi %parallel_loop3A_413, %parallel_loop3A_419 : vector<16xi32>
        %parallel_loop3A_421 = tpu.bitcast %parallel_loop3A_420 : vector<16xi32> -> vector<16xf32>
        %parallel_loop3A_422 = arith.index_cast %parallel_loop3A_361 : i32 to index
        %parallel_loop3A_423 = arith.constant 32 : index
        %parallel_loop3A_424 = tpu.vector_load %arg11[%parallel_loop3A_422, %parallel_loop3A_423] {strides = array<i32>} : memref<96x128xf32, #tpu.memory_space<vmem>>, vector<1x16xf32>,
        %parallel_loop3A_425 = vector.shape_cast %parallel_loop3A_424 : vector<1x16xf32> to vector<16xf32>
        %parallel_loop3A_426 = arith.constant 11.3137083 : f32
        %parallel_loop3A_427 = vector.broadcast %parallel_loop3A_426 : f32 to vector<16xf32>
        %parallel_loop3A_428 = arith.mulf %parallel_loop3A_425, %parallel_loop3A_427 : vector<16xf32>
        %parallel_loop3A_429 = arith.addf %parallel_loop3A_428, %parallel_loop3A_417 : vector<16xf32>
        %parallel_loop3A_430 = arith.index_cast %parallel_loop3A_361 : i32 to index
        %parallel_loop3A_431 = arith.constant 32 : index
        %parallel_loop3A_432 = tpu.vector_load %arg11[%parallel_loop3A_430, %parallel_loop3A_431] {strides = array<i32>} : memref<96x128xf32, #tpu.memory_space<vmem>>, vector<1x16xf32>,
        %parallel_loop3A_433 = vector.shape_cast %parallel_loop3A_432 : vector<1x16xf32> to vector<16xf32>
        %parallel_loop3A_434 = vector.shape_cast %parallel_loop3A_429 : vector<16xf32> to vector<1x16xf32>
        tpu.vector_store %arg11[%parallel_loop3A_430, %parallel_loop3A_431], %parallel_loop3A_434 {strides = array<i32>} : memref<96x128xf32, #tpu.memory_space<vmem>>, vector<1x16xf32>,
        %parallel_loop3A_435 = arith.index_cast %parallel_loop3A_361 : i32 to index
        %parallel_loop3A_436 = arith.constant 48 : index
        %parallel_loop3A_437 = tpu.vector_load %arg11[%parallel_loop3A_435, %parallel_loop3A_436] {strides = array<i32>} : memref<96x128xf32, #tpu.memory_space<vmem>>, vector<1x16xf32>,
        %parallel_loop3A_438 = vector.shape_cast %parallel_loop3A_437 : vector<1x16xf32> to vector<16xf32>
        %parallel_loop3A_439 = arith.constant 11.3137083 : f32
        %parallel_loop3A_440 = vector.broadcast %parallel_loop3A_439 : f32 to vector<16xf32>
        %parallel_loop3A_441 = arith.mulf %parallel_loop3A_438, %parallel_loop3A_440 : vector<16xf32>
        %parallel_loop3A_442 = arith.addf %parallel_loop3A_441, %parallel_loop3A_421 : vector<16xf32>
        %parallel_loop3A_443 = arith.index_cast %parallel_loop3A_361 : i32 to index
        %parallel_loop3A_444 = arith.constant 48 : index
        %parallel_loop3A_445 = tpu.vector_load %arg11[%parallel_loop3A_443, %parallel_loop3A_444] {strides = array<i32>} : memref<96x128xf32, #tpu.memory_space<vmem>>, vector<1x16xf32>,
        %parallel_loop3A_446 = vector.shape_cast %parallel_loop3A_445 : vector<1x16xf32> to vector<16xf32>
        %parallel_loop3A_447 = vector.shape_cast %parallel_loop3A_442 : vector<16xf32> to vector<1x16xf32>
        tpu.vector_store %arg11[%parallel_loop3A_443, %parallel_loop3A_444], %parallel_loop3A_447 {strides = array<i32>} : memref<96x128xf32, #tpu.memory_space<vmem>>, vector<1x16xf32>,
        %parallel_loop3A_448 = arith.constant 104 : i32
        %parallel_loop3A_449 = arith.addi %parallel_loop3A_448, %parallel_loop3A_361 : i32
        %parallel_loop3A_450 = arith.constant 64 : i32
        %parallel_loop3A_451 = arith.muli %parallel_loop3A_449, %parallel_loop3A_450 : i32
        %parallel_loop3A_452 = arith.constant 32 : i32
        %parallel_loop3A_453 = arith.addi %parallel_loop3A_451, %parallel_loop3A_452 : i32
        %parallel_loop3A_454 = arith.index_cast %parallel_loop3A_453 : i32 to index
        %parallel_loop3A_455 = tpu.vector_load %arg7[%parallel_loop3A_454] {strides = array<i32>} : memref<12800xi32, #tpu.memory_space<vmem>>, vector<16xi32>,
        %parallel_loop3A_456 = vector.shape_cast %parallel_loop3A_455 : vector<16xi32> to vector<16xi32>
        %parallel_loop3A_457 = arith.constant 16 : i32
        %parallel_loop3A_458 = vector.broadcast %parallel_loop3A_457 : i32 to vector<16xi32>
        %parallel_loop3A_459 = arith.shli %parallel_loop3A_456, %parallel_loop3A_458 : vector<16xi32>
        %parallel_loop3A_460 = tpu.bitcast %parallel_loop3A_459 : vector<16xi32> -> vector<16xf32>
        %parallel_loop3A_461 = arith.constant -65536 : i32
        %parallel_loop3A_462 = vector.broadcast %parallel_loop3A_461 : i32 to vector<16xi32>
        %parallel_loop3A_463 = arith.andi %parallel_loop3A_456, %parallel_loop3A_462 : vector<16xi32>
        %parallel_loop3A_464 = tpu.bitcast %parallel_loop3A_463 : vector<16xi32> -> vector<16xf32>
        %parallel_loop3A_465 = arith.index_cast %parallel_loop3A_361 : i32 to index
        %parallel_loop3A_466 = arith.constant 64 : index
        %parallel_loop3A_467 = tpu.vector_load %arg11[%parallel_loop3A_465, %parallel_loop3A_466] {strides = array<i32>} : memref<96x128xf32, #tpu.memory_space<vmem>>, vector<1x16xf32>,
        %parallel_loop3A_468 = vector.shape_cast %parallel_loop3A_467 : vector<1x16xf32> to vector<16xf32>
        %parallel_loop3A_469 = arith.constant 11.3137083 : f32
        %parallel_loop3A_470 = vector.broadcast %parallel_loop3A_469 : f32 to vector<16xf32>
        %parallel_loop3A_471 = arith.mulf %parallel_loop3A_468, %parallel_loop3A_470 : vector<16xf32>
        %parallel_loop3A_472 = arith.addf %parallel_loop3A_471, %parallel_loop3A_460 : vector<16xf32>
        %parallel_loop3A_473 = arith.index_cast %parallel_loop3A_361 : i32 to index
        %parallel_loop3A_474 = arith.constant 64 : index
        %parallel_loop3A_475 = tpu.vector_load %arg11[%parallel_loop3A_473, %parallel_loop3A_474] {strides = array<i32>} : memref<96x128xf32, #tpu.memory_space<vmem>>, vector<1x16xf32>,
        %parallel_loop3A_476 = vector.shape_cast %parallel_loop3A_475 : vector<1x16xf32> to vector<16xf32>
        %parallel_loop3A_477 = vector.shape_cast %parallel_loop3A_472 : vector<16xf32> to vector<1x16xf32>
        tpu.vector_store %arg11[%parallel_loop3A_473, %parallel_loop3A_474], %parallel_loop3A_477 {strides = array<i32>} : memref<96x128xf32, #tpu.memory_space<vmem>>, vector<1x16xf32>,
        %parallel_loop3A_478 = arith.index_cast %parallel_loop3A_361 : i32 to index
        %parallel_loop3A_479 = arith.constant 80 : index
        %parallel_loop3A_480 = tpu.vector_load %arg11[%parallel_loop3A_478, %parallel_loop3A_479] {strides = array<i32>} : memref<96x128xf32, #tpu.memory_space<vmem>>, vector<1x16xf32>,
        %parallel_loop3A_481 = vector.shape_cast %parallel_loop3A_480 : vector<1x16xf32> to vector<16xf32>
        %parallel_loop3A_482 = arith.constant 11.3137083 : f32
        %parallel_loop3A_483 = vector.broadcast %parallel_loop3A_482 : f32 to vector<16xf32>
        %parallel_loop3A_484 = arith.mulf %parallel_loop3A_481, %parallel_loop3A_483 : vector<16xf32>
        %parallel_loop3A_485 = arith.addf %parallel_loop3A_484, %parallel_loop3A_464 : vector<16xf32>
        %parallel_loop3A_486 = arith.index_cast %parallel_loop3A_361 : i32 to index
        %parallel_loop3A_487 = arith.constant 80 : index
        %parallel_loop3A_488 = tpu.vector_load %arg11[%parallel_loop3A_486, %parallel_loop3A_487] {strides = array<i32>} : memref<96x128xf32, #tpu.memory_space<vmem>>, vector<1x16xf32>,
        %parallel_loop3A_489 = vector.shape_cast %parallel_loop3A_488 : vector<1x16xf32> to vector<16xf32>
        %parallel_loop3A_490 = vector.shape_cast %parallel_loop3A_485 : vector<16xf32> to vector<1x16xf32>
        tpu.vector_store %arg11[%parallel_loop3A_486, %parallel_loop3A_487], %parallel_loop3A_490 {strides = array<i32>} : memref<96x128xf32, #tpu.memory_space<vmem>>, vector<1x16xf32>,
        %parallel_loop3A_491 = arith.constant 104 : i32
        %parallel_loop3A_492 = arith.addi %parallel_loop3A_491, %parallel_loop3A_361 : i32
        %parallel_loop3A_493 = arith.constant 64 : i32
        %parallel_loop3A_494 = arith.muli %parallel_loop3A_492, %parallel_loop3A_493 : i32
        %parallel_loop3A_495 = arith.constant 48 : i32
        %parallel_loop3A_496 = arith.addi %parallel_loop3A_494, %parallel_loop3A_495 : i32
        %parallel_loop3A_497 = arith.index_cast %parallel_loop3A_496 : i32 to index
        %parallel_loop3A_498 = tpu.vector_load %arg7[%parallel_loop3A_497] {strides = array<i32>} : memref<12800xi32, #tpu.memory_space<vmem>>, vector<16xi32>,
        %parallel_loop3A_499 = vector.shape_cast %parallel_loop3A_498 : vector<16xi32> to vector<16xi32>
        %parallel_loop3A_500 = arith.constant 16 : i32
        %parallel_loop3A_501 = vector.broadcast %parallel_loop3A_500 : i32 to vector<16xi32>
        %parallel_loop3A_502 = arith.shli %parallel_loop3A_499, %parallel_loop3A_501 : vector<16xi32>
        %parallel_loop3A_503 = tpu.bitcast %parallel_loop3A_502 : vector<16xi32> -> vector<16xf32>
        %parallel_loop3A_504 = arith.constant -65536 : i32
        %parallel_loop3A_505 = vector.broadcast %parallel_loop3A_504 : i32 to vector<16xi32>
        %parallel_loop3A_506 = arith.andi %parallel_loop3A_499, %parallel_loop3A_505 : vector<16xi32>
        %parallel_loop3A_507 = tpu.bitcast %parallel_loop3A_506 : vector<16xi32> -> vector<16xf32>
        %parallel_loop3A_508 = arith.index_cast %parallel_loop3A_361 : i32 to index
        %parallel_loop3A_509 = arith.constant 96 : index
        %parallel_loop3A_510 = tpu.vector_load %arg11[%parallel_loop3A_508, %parallel_loop3A_509] {strides = array<i32>} : memref<96x128xf32, #tpu.memory_space<vmem>>, vector<1x16xf32>,
        %parallel_loop3A_511 = vector.shape_cast %parallel_loop3A_510 : vector<1x16xf32> to vector<16xf32>
        %parallel_loop3A_512 = arith.constant 11.3137083 : f32
        %parallel_loop3A_513 = vector.broadcast %parallel_loop3A_512 : f32 to vector<16xf32>
        %parallel_loop3A_514 = arith.mulf %parallel_loop3A_511, %parallel_loop3A_513 : vector<16xf32>
        %parallel_loop3A_515 = arith.addf %parallel_loop3A_514, %parallel_loop3A_503 : vector<16xf32>
        %parallel_loop3A_516 = arith.index_cast %parallel_loop3A_361 : i32 to index
        %parallel_loop3A_517 = arith.constant 96 : index
        %parallel_loop3A_518 = tpu.vector_load %arg11[%parallel_loop3A_516, %parallel_loop3A_517] {strides = array<i32>} : memref<96x128xf32, #tpu.memory_space<vmem>>, vector<1x16xf32>,
        %parallel_loop3A_519 = vector.shape_cast %parallel_loop3A_518 : vector<1x16xf32> to vector<16xf32>
        %parallel_loop3A_520 = vector.shape_cast %parallel_loop3A_515 : vector<16xf32> to vector<1x16xf32>
        tpu.vector_store %arg11[%parallel_loop3A_516, %parallel_loop3A_517], %parallel_loop3A_520 {strides = array<i32>} : memref<96x128xf32, #tpu.memory_space<vmem>>, vector<1x16xf32>,
        %parallel_loop3A_521 = arith.index_cast %parallel_loop3A_361 : i32 to index
        %parallel_loop3A_522 = arith.constant 112 : index
        %parallel_loop3A_523 = tpu.vector_load %arg11[%parallel_loop3A_521, %parallel_loop3A_522] {strides = array<i32>} : memref<96x128xf32, #tpu.memory_space<vmem>>, vector<1x16xf32>,
        %parallel_loop3A_524 = vector.shape_cast %parallel_loop3A_523 : vector<1x16xf32> to vector<16xf32>
        %parallel_loop3A_525 = arith.constant 11.3137083 : f32
        %parallel_loop3A_526 = vector.broadcast %parallel_loop3A_525 : f32 to vector<16xf32>
        %parallel_loop3A_527 = arith.mulf %parallel_loop3A_524, %parallel_loop3A_526 : vector<16xf32>
        %parallel_loop3A_528 = arith.addf %parallel_loop3A_527, %parallel_loop3A_507 : vector<16xf32>
        %parallel_loop3A_529 = arith.index_cast %parallel_loop3A_361 : i32 to index
        %parallel_loop3A_530 = arith.constant 112 : index
        %parallel_loop3A_531 = tpu.vector_load %arg11[%parallel_loop3A_529, %parallel_loop3A_530] {strides = array<i32>} : memref<96x128xf32, #tpu.memory_space<vmem>>, vector<1x16xf32>,
        %parallel_loop3A_532 = vector.shape_cast %parallel_loop3A_531 : vector<1x16xf32> to vector<16xf32>
        %parallel_loop3A_533 = vector.shape_cast %parallel_loop3A_528 : vector<16xf32> to vector<1x16xf32>
        tpu.vector_store %arg11[%parallel_loop3A_529, %parallel_loop3A_530], %parallel_loop3A_533 {strides = array<i32>} : memref<96x128xf32, #tpu.memory_space<vmem>>, vector<1x16xf32>,
      } {sc.loop_unroll_factor = 4 : i64, sc.parallel_access}
      %gt3A_176 = arith.constant 0 : i32
      %gt3A_177 = arith.cmpi sgt, %add3A_53, %gt3A_176 : i32
      %convert_element_type3A_178 = arith.extui %gt3A_177 : i1 to i32
      %cond3A_179 = arith.constant 0 : i32
      %cond3A_180 = arith.cmpi ne, %convert_element_type3A_178, %cond3A_179 : i32
      scf.if %cond3A_180 {
        %dma_wait3A_361 = arith.constant 0 : i32
        %dma_wait3A_362 = arith.constant 0 : i32
        %dma_wait3A_363 = tpu.memref_slice %arg5[%dma_wait3A_361, %dma_wait3A_362] : memref<204800x128xf32, #tpu.memory_space<hbm>> -> memref<96x128xf32, #tpu.memory_space<hbm>>
        %dma_wait3A_364 = arith.constant 0 : i32
        %dma_wait3A_365 = arith.constant 0 : i32
        %dma_wait3A_366 = tpu.memref_slice %arg5[%dma_wait3A_364, %dma_wait3A_365] : memref<204800x128xf32, #tpu.memory_space<hbm>> -> memref<96x128xf32, #tpu.memory_space<hbm>>
        tpu.wait_dma2 semaphore(%arg31 : memref<!tpu.dma_semaphore, #tpu.memory_space<semaphore_mem>>) src(%arg15 : memref<96x128xf32, #tpu.memory_space<vmem>>) dst(%dma_wait3A_366 : memref<96x128xf32, #tpu.memory_space<hbm>>)
      } else {
      }
      %mul3A_181 = arith.constant 4 : i32
      %mul3A_182 = arith.muli %add3A_53, %mul3A_181 : i32
      %add3A_183 = arith.constant 3 : i32
      %add3A_184 = arith.addi %mul3A_182, %add3A_183 : i32
      %mul3A_185 = arith.constant 200 : i32
      %mul3A_186 = arith.muli %add3A_184, %mul3A_185 : i32
      %add3A_187 = arith.constant 104 : i32
      %add3A_188 = arith.addi %mul3A_186, %add3A_187 : i32
      %dma_start3A_189 = tpu.memref_slice %arg6[%add3A_188] : memref<6400xi32, #tpu.memory_space<vmem>> -> memref<96xi32, #tpu.memory_space<vmem>>
      %dma_start3A_190 = arith.constant 0 : i32
      %dma_start3A_191 = arith.constant 0 : i32
      %dma_start3A_192 = tpu.memref_slice %arg2[%dma_start3A_190, %dma_start3A_191] : memref<1000000x128xf32, #tpu.memory_space<hbm>> -> memref<1000000x128xf32, #tpu.memory_space<hbm>>
      tpu.enqueue_indirect_dma source(%dma_start3A_192 : memref<1000000x128xf32, #tpu.memory_space<hbm>>) target(%arg15 : memref<96x128xf32, #tpu.memory_space<vmem>>) offsets(%dma_start3A_189 : memref<96xi32, #tpu.memory_space<vmem>>) semaphore(%arg23 : memref<!tpu.dma_semaphore, #tpu.memory_space<semaphore_mem>>)
      %mul3A_193 = arith.constant 4 : i32
      %mul3A_194 = arith.muli %add3A_53, %mul3A_193 : i32
      %add3A_195 = arith.constant 1 : i32
      %add3A_196 = arith.addi %mul3A_194, %add3A_195 : i32
      %mul3A_197 = arith.constant 200 : i32
      %mul3A_198 = arith.muli %add3A_196, %mul3A_197 : i32
      %add3A_199 = arith.constant 104 : i32
      %add3A_200 = arith.addi %mul3A_198, %add3A_199 : i32
      %add3A_201 = arith.addi %mul3A_2, %add3A_200 : i32
      %dma_start3A_202 = arith.constant 0 : i32
      %dma_start3A_203 = tpu.memref_slice %arg5[%add3A_201, %dma_start3A_202] : memref<204800x128xf32, #tpu.memory_space<hbm>> -> memref<96x128xf32, #tpu.memory_space<hbm>>
      %dma_start3A_204 = arith.constant 0 : i32
      %dma_start3A_205 = tpu.memref_slice %arg5[%add3A_201, %dma_start3A_204] : memref<204800x128xf32, #tpu.memory_space<hbm>> -> memref<96x128xf32, #tpu.memory_space<hbm>>
      tpu.enqueue_dma source(%arg11 : memref<96x128xf32, #tpu.memory_space<vmem>>) target(%dma_start3A_205 : memref<96x128xf32, #tpu.memory_space<hbm>>) target_semaphore(%arg27 : memref<!tpu.dma_semaphore, #tpu.memory_space<semaphore_mem>>)
      %dma_wait3A_206 = arith.constant 0 : i32
      %dma_wait3A_207 = arith.constant 0 : i32
      %dma_wait3A_208 = tpu.memref_slice %arg2[%dma_wait3A_206, %dma_wait3A_207] : memref<1000000x128xf32, #tpu.memory_space<hbm>> -> memref<104x128xf32, #tpu.memory_space<hbm>>
      %dma_wait3A_209 = arith.constant 0 : i32
      %dma_wait3A_210 = arith.constant 0 : i32
      %dma_wait3A_211 = tpu.memref_slice %arg2[%dma_wait3A_209, %dma_wait3A_210] : memref<1000000x128xf32, #tpu.memory_space<hbm>> -> memref<104x128xf32, #tpu.memory_space<hbm>>
      tpu.wait_dma2 semaphore(%arg20 : memref<!tpu.dma_semaphore, #tpu.memory_space<semaphore_mem>>) src(%dma_wait3A_211 : memref<104x128xf32, #tpu.memory_space<hbm>>) dst(%arg12 : memref<104x128xf32, #tpu.memory_space<vmem>>)
      %parallel_loop3A_212 = arith.constant 0 : i32
      %parallel_loop3A_213 = arith.constant 104 : i32
      %parallel_loop3A_214 = arith.constant 1 : i32
      scf.for %parallel_loop3A_361 = %parallel_loop3A_212 to %parallel_loop3A_213 step %parallel_loop3A_214  : i32 {
        %parallel_loop3A_362 = arith.constant 0 : i32
        %parallel_loop3A_363 = arith.addi %parallel_loop3A_362, %parallel_loop3A_361 : i32
        %parallel_loop3A_364 = arith.constant 64 : i32
        %parallel_loop3A_365 = arith.muli %parallel_loop3A_363, %parallel_loop3A_364 : i32
        %parallel_loop3A_366 = arith.constant 0 : i32
        %parallel_loop3A_367 = arith.addi %parallel_loop3A_365, %parallel_loop3A_366 : i32
        %parallel_loop3A_368 = arith.index_cast %parallel_loop3A_367 : i32 to index
        %parallel_loop3A_369 = tpu.vector_load %arg7[%parallel_loop3A_368] {strides = array<i32>} : memref<12800xi32, #tpu.memory_space<vmem>>, vector<16xi32>,
        %parallel_loop3A_370 = vector.shape_cast %parallel_loop3A_369 : vector<16xi32> to vector<16xi32>
        %parallel_loop3A_371 = arith.constant 16 : i32
        %parallel_loop3A_372 = vector.broadcast %parallel_loop3A_371 : i32 to vector<16xi32>
        %parallel_loop3A_373 = arith.shli %parallel_loop3A_370, %parallel_loop3A_372 : vector<16xi32>
        %parallel_loop3A_374 = tpu.bitcast %parallel_loop3A_373 : vector<16xi32> -> vector<16xf32>
        %parallel_loop3A_375 = arith.constant -65536 : i32
        %parallel_loop3A_376 = vector.broadcast %parallel_loop3A_375 : i32 to vector<16xi32>
        %parallel_loop3A_377 = arith.andi %parallel_loop3A_370, %parallel_loop3A_376 : vector<16xi32>
        %parallel_loop3A_378 = tpu.bitcast %parallel_loop3A_377 : vector<16xi32> -> vector<16xf32>
        %parallel_loop3A_379 = arith.index_cast %parallel_loop3A_361 : i32 to index
        %parallel_loop3A_380 = arith.constant 0 : index
        %parallel_loop3A_381 = tpu.vector_load %arg12[%parallel_loop3A_379, %parallel_loop3A_380] {strides = array<i32>} : memref<104x128xf32, #tpu.memory_space<vmem>>, vector<1x16xf32>,
        %parallel_loop3A_382 = vector.shape_cast %parallel_loop3A_381 : vector<1x16xf32> to vector<16xf32>
        %parallel_loop3A_383 = arith.constant 11.3137083 : f32
        %parallel_loop3A_384 = vector.broadcast %parallel_loop3A_383 : f32 to vector<16xf32>
        %parallel_loop3A_385 = arith.mulf %parallel_loop3A_382, %parallel_loop3A_384 : vector<16xf32>
        %parallel_loop3A_386 = arith.addf %parallel_loop3A_385, %parallel_loop3A_374 : vector<16xf32>
        %parallel_loop3A_387 = arith.index_cast %parallel_loop3A_361 : i32 to index
        %parallel_loop3A_388 = arith.constant 0 : index
        %parallel_loop3A_389 = tpu.vector_load %arg12[%parallel_loop3A_387, %parallel_loop3A_388] {strides = array<i32>} : memref<104x128xf32, #tpu.memory_space<vmem>>, vector<1x16xf32>,
        %parallel_loop3A_390 = vector.shape_cast %parallel_loop3A_389 : vector<1x16xf32> to vector<16xf32>
        %parallel_loop3A_391 = vector.shape_cast %parallel_loop3A_386 : vector<16xf32> to vector<1x16xf32>
        tpu.vector_store %arg12[%parallel_loop3A_387, %parallel_loop3A_388], %parallel_loop3A_391 {strides = array<i32>} : memref<104x128xf32, #tpu.memory_space<vmem>>, vector<1x16xf32>,
        %parallel_loop3A_392 = arith.index_cast %parallel_loop3A_361 : i32 to index
        %parallel_loop3A_393 = arith.constant 16 : index
        %parallel_loop3A_394 = tpu.vector_load %arg12[%parallel_loop3A_392, %parallel_loop3A_393] {strides = array<i32>} : memref<104x128xf32, #tpu.memory_space<vmem>>, vector<1x16xf32>,
        %parallel_loop3A_395 = vector.shape_cast %parallel_loop3A_394 : vector<1x16xf32> to vector<16xf32>
        %parallel_loop3A_396 = arith.constant 11.3137083 : f32
        %parallel_loop3A_397 = vector.broadcast %parallel_loop3A_396 : f32 to vector<16xf32>
        %parallel_loop3A_398 = arith.mulf %parallel_loop3A_395, %parallel_loop3A_397 : vector<16xf32>
        %parallel_loop3A_399 = arith.addf %parallel_loop3A_398, %parallel_loop3A_378 : vector<16xf32>
        %parallel_loop3A_400 = arith.index_cast %parallel_loop3A_361 : i32 to index
        %parallel_loop3A_401 = arith.constant 16 : index
        %parallel_loop3A_402 = tpu.vector_load %arg12[%parallel_loop3A_400, %parallel_loop3A_401] {strides = array<i32>} : memref<104x128xf32, #tpu.memory_space<vmem>>, vector<1x16xf32>,
        %parallel_loop3A_403 = vector.shape_cast %parallel_loop3A_402 : vector<1x16xf32> to vector<16xf32>
        %parallel_loop3A_404 = vector.shape_cast %parallel_loop3A_399 : vector<16xf32> to vector<1x16xf32>
        tpu.vector_store %arg12[%parallel_loop3A_400, %parallel_loop3A_401], %parallel_loop3A_404 {strides = array<i32>} : memref<104x128xf32, #tpu.memory_space<vmem>>, vector<1x16xf32>,
        %parallel_loop3A_405 = arith.constant 0 : i32
        %parallel_loop3A_406 = arith.addi %parallel_loop3A_405, %parallel_loop3A_361 : i32
        %parallel_loop3A_407 = arith.constant 64 : i32
        %parallel_loop3A_408 = arith.muli %parallel_loop3A_406, %parallel_loop3A_407 : i32
        %parallel_loop3A_409 = arith.constant 16 : i32
        %parallel_loop3A_410 = arith.addi %parallel_loop3A_408, %parallel_loop3A_409 : i32
        %parallel_loop3A_411 = arith.index_cast %parallel_loop3A_410 : i32 to index
        %parallel_loop3A_412 = tpu.vector_load %arg7[%parallel_loop3A_411] {strides = array<i32>} : memref<12800xi32, #tpu.memory_space<vmem>>, vector<16xi32>,
        %parallel_loop3A_413 = vector.shape_cast %parallel_loop3A_412 : vector<16xi32> to vector<16xi32>
        %parallel_loop3A_414 = arith.constant 16 : i32
        %parallel_loop3A_415 = vector.broadcast %parallel_loop3A_414 : i32 to vector<16xi32>
        %parallel_loop3A_416 = arith.shli %parallel_loop3A_413, %parallel_loop3A_415 : vector<16xi32>
        %parallel_loop3A_417 = tpu.bitcast %parallel_loop3A_416 : vector<16xi32> -> vector<16xf32>
        %parallel_loop3A_418 = arith.constant -65536 : i32
        %parallel_loop3A_419 = vector.broadcast %parallel_loop3A_418 : i32 to vector<16xi32>
        %parallel_loop3A_420 = arith.andi %parallel_loop3A_413, %parallel_loop3A_419 : vector<16xi32>
        %parallel_loop3A_421 = tpu.bitcast %parallel_loop3A_420 : vector<16xi32> -> vector<16xf32>
        %parallel_loop3A_422 = arith.index_cast %parallel_loop3A_361 : i32 to index
        %parallel_loop3A_423 = arith.constant 32 : index
        %parallel_loop3A_424 = tpu.vector_load %arg12[%parallel_loop3A_422, %parallel_loop3A_423] {strides = array<i32>} : memref<104x128xf32, #tpu.memory_space<vmem>>, vector<1x16xf32>,
        %parallel_loop3A_425 = vector.shape_cast %parallel_loop3A_424 : vector<1x16xf32> to vector<16xf32>
        %parallel_loop3A_426 = arith.constant 11.3137083 : f32
        %parallel_loop3A_427 = vector.broadcast %parallel_loop3A_426 : f32 to vector<16xf32>
        %parallel_loop3A_428 = arith.mulf %parallel_loop3A_425, %parallel_loop3A_427 : vector<16xf32>
        %parallel_loop3A_429 = arith.addf %parallel_loop3A_428, %parallel_loop3A_417 : vector<16xf32>
        %parallel_loop3A_430 = arith.index_cast %parallel_loop3A_361 : i32 to index
        %parallel_loop3A_431 = arith.constant 32 : index
        %parallel_loop3A_432 = tpu.vector_load %arg12[%parallel_loop3A_430, %parallel_loop3A_431] {strides = array<i32>} : memref<104x128xf32, #tpu.memory_space<vmem>>, vector<1x16xf32>,
        %parallel_loop3A_433 = vector.shape_cast %parallel_loop3A_432 : vector<1x16xf32> to vector<16xf32>
        %parallel_loop3A_434 = vector.shape_cast %parallel_loop3A_429 : vector<16xf32> to vector<1x16xf32>
        tpu.vector_store %arg12[%parallel_loop3A_430, %parallel_loop3A_431], %parallel_loop3A_434 {strides = array<i32>} : memref<104x128xf32, #tpu.memory_space<vmem>>, vector<1x16xf32>,
        %parallel_loop3A_435 = arith.index_cast %parallel_loop3A_361 : i32 to index
        %parallel_loop3A_436 = arith.constant 48 : index
        %parallel_loop3A_437 = tpu.vector_load %arg12[%parallel_loop3A_435, %parallel_loop3A_436] {strides = array<i32>} : memref<104x128xf32, #tpu.memory_space<vmem>>, vector<1x16xf32>,
        %parallel_loop3A_438 = vector.shape_cast %parallel_loop3A_437 : vector<1x16xf32> to vector<16xf32>
        %parallel_loop3A_439 = arith.constant 11.3137083 : f32
        %parallel_loop3A_440 = vector.broadcast %parallel_loop3A_439 : f32 to vector<16xf32>
        %parallel_loop3A_441 = arith.mulf %parallel_loop3A_438, %parallel_loop3A_440 : vector<16xf32>
        %parallel_loop3A_442 = arith.addf %parallel_loop3A_441, %parallel_loop3A_421 : vector<16xf32>
        %parallel_loop3A_443 = arith.index_cast %parallel_loop3A_361 : i32 to index
        %parallel_loop3A_444 = arith.constant 48 : index
        %parallel_loop3A_445 = tpu.vector_load %arg12[%parallel_loop3A_443, %parallel_loop3A_444] {strides = array<i32>} : memref<104x128xf32, #tpu.memory_space<vmem>>, vector<1x16xf32>,
        %parallel_loop3A_446 = vector.shape_cast %parallel_loop3A_445 : vector<1x16xf32> to vector<16xf32>
        %parallel_loop3A_447 = vector.shape_cast %parallel_loop3A_442 : vector<16xf32> to vector<1x16xf32>
        tpu.vector_store %arg12[%parallel_loop3A_443, %parallel_loop3A_444], %parallel_loop3A_447 {strides = array<i32>} : memref<104x128xf32, #tpu.memory_space<vmem>>, vector<1x16xf32>,
        %parallel_loop3A_448 = arith.constant 0 : i32
        %parallel_loop3A_449 = arith.addi %parallel_loop3A_448, %parallel_loop3A_361 : i32
        %parallel_loop3A_450 = arith.constant 64 : i32
        %parallel_loop3A_451 = arith.muli %parallel_loop3A_449, %parallel_loop3A_450 : i32
        %parallel_loop3A_452 = arith.constant 32 : i32
        %parallel_loop3A_453 = arith.addi %parallel_loop3A_451, %parallel_loop3A_452 : i32
        %parallel_loop3A_454 = arith.index_cast %parallel_loop3A_453 : i32 to index
        %parallel_loop3A_455 = tpu.vector_load %arg7[%parallel_loop3A_454] {strides = array<i32>} : memref<12800xi32, #tpu.memory_space<vmem>>, vector<16xi32>,
        %parallel_loop3A_456 = vector.shape_cast %parallel_loop3A_455 : vector<16xi32> to vector<16xi32>
        %parallel_loop3A_457 = arith.constant 16 : i32
        %parallel_loop3A_458 = vector.broadcast %parallel_loop3A_457 : i32 to vector<16xi32>
        %parallel_loop3A_459 = arith.shli %parallel_loop3A_456, %parallel_loop3A_458 : vector<16xi32>
        %parallel_loop3A_460 = tpu.bitcast %parallel_loop3A_459 : vector<16xi32> -> vector<16xf32>
        %parallel_loop3A_461 = arith.constant -65536 : i32
        %parallel_loop3A_462 = vector.broadcast %parallel_loop3A_461 : i32 to vector<16xi32>
        %parallel_loop3A_463 = arith.andi %parallel_loop3A_456, %parallel_loop3A_462 : vector<16xi32>
        %parallel_loop3A_464 = tpu.bitcast %parallel_loop3A_463 : vector<16xi32> -> vector<16xf32>
        %parallel_loop3A_465 = arith.index_cast %parallel_loop3A_361 : i32 to index
        %parallel_loop3A_466 = arith.constant 64 : index
        %parallel_loop3A_467 = tpu.vector_load %arg12[%parallel_loop3A_465, %parallel_loop3A_466] {strides = array<i32>} : memref<104x128xf32, #tpu.memory_space<vmem>>, vector<1x16xf32>,
        %parallel_loop3A_468 = vector.shape_cast %parallel_loop3A_467 : vector<1x16xf32> to vector<16xf32>
        %parallel_loop3A_469 = arith.constant 11.3137083 : f32
        %parallel_loop3A_470 = vector.broadcast %parallel_loop3A_469 : f32 to vector<16xf32>
        %parallel_loop3A_471 = arith.mulf %parallel_loop3A_468, %parallel_loop3A_470 : vector<16xf32>
        %parallel_loop3A_472 = arith.addf %parallel_loop3A_471, %parallel_loop3A_460 : vector<16xf32>
        %parallel_loop3A_473 = arith.index_cast %parallel_loop3A_361 : i32 to index
        %parallel_loop3A_474 = arith.constant 64 : index
        %parallel_loop3A_475 = tpu.vector_load %arg12[%parallel_loop3A_473, %parallel_loop3A_474] {strides = array<i32>} : memref<104x128xf32, #tpu.memory_space<vmem>>, vector<1x16xf32>,
        %parallel_loop3A_476 = vector.shape_cast %parallel_loop3A_475 : vector<1x16xf32> to vector<16xf32>
        %parallel_loop3A_477 = vector.shape_cast %parallel_loop3A_472 : vector<16xf32> to vector<1x16xf32>
        tpu.vector_store %arg12[%parallel_loop3A_473, %parallel_loop3A_474], %parallel_loop3A_477 {strides = array<i32>} : memref<104x128xf32, #tpu.memory_space<vmem>>, vector<1x16xf32>,
        %parallel_loop3A_478 = arith.index_cast %parallel_loop3A_361 : i32 to index
        %parallel_loop3A_479 = arith.constant 80 : index
        %parallel_loop3A_480 = tpu.vector_load %arg12[%parallel_loop3A_478, %parallel_loop3A_479] {strides = array<i32>} : memref<104x128xf32, #tpu.memory_space<vmem>>, vector<1x16xf32>,
        %parallel_loop3A_481 = vector.shape_cast %parallel_loop3A_480 : vector<1x16xf32> to vector<16xf32>
        %parallel_loop3A_482 = arith.constant 11.3137083 : f32
        %parallel_loop3A_483 = vector.broadcast %parallel_loop3A_482 : f32 to vector<16xf32>
        %parallel_loop3A_484 = arith.mulf %parallel_loop3A_481, %parallel_loop3A_483 : vector<16xf32>
        %parallel_loop3A_485 = arith.addf %parallel_loop3A_484, %parallel_loop3A_464 : vector<16xf32>
        %parallel_loop3A_486 = arith.index_cast %parallel_loop3A_361 : i32 to index
        %parallel_loop3A_487 = arith.constant 80 : index
        %parallel_loop3A_488 = tpu.vector_load %arg12[%parallel_loop3A_486, %parallel_loop3A_487] {strides = array<i32>} : memref<104x128xf32, #tpu.memory_space<vmem>>, vector<1x16xf32>,
        %parallel_loop3A_489 = vector.shape_cast %parallel_loop3A_488 : vector<1x16xf32> to vector<16xf32>
        %parallel_loop3A_490 = vector.shape_cast %parallel_loop3A_485 : vector<16xf32> to vector<1x16xf32>
        tpu.vector_store %arg12[%parallel_loop3A_486, %parallel_loop3A_487], %parallel_loop3A_490 {strides = array<i32>} : memref<104x128xf32, #tpu.memory_space<vmem>>, vector<1x16xf32>,
        %parallel_loop3A_491 = arith.constant 0 : i32
        %parallel_loop3A_492 = arith.addi %parallel_loop3A_491, %parallel_loop3A_361 : i32
        %parallel_loop3A_493 = arith.constant 64 : i32
        %parallel_loop3A_494 = arith.muli %parallel_loop3A_492, %parallel_loop3A_493 : i32
        %parallel_loop3A_495 = arith.constant 48 : i32
        %parallel_loop3A_496 = arith.addi %parallel_loop3A_494, %parallel_loop3A_495 : i32
        %parallel_loop3A_497 = arith.index_cast %parallel_loop3A_496 : i32 to index
        %parallel_loop3A_498 = tpu.vector_load %arg7[%parallel_loop3A_497] {strides = array<i32>} : memref<12800xi32, #tpu.memory_space<vmem>>, vector<16xi32>,
        %parallel_loop3A_499 = vector.shape_cast %parallel_loop3A_498 : vector<16xi32> to vector<16xi32>
        %parallel_loop3A_500 = arith.constant 16 : i32
        %parallel_loop3A_501 = vector.broadcast %parallel_loop3A_500 : i32 to vector<16xi32>
        %parallel_loop3A_502 = arith.shli %parallel_loop3A_499, %parallel_loop3A_501 : vector<16xi32>
        %parallel_loop3A_503 = tpu.bitcast %parallel_loop3A_502 : vector<16xi32> -> vector<16xf32>
        %parallel_loop3A_504 = arith.constant -65536 : i32
        %parallel_loop3A_505 = vector.broadcast %parallel_loop3A_504 : i32 to vector<16xi32>
        %parallel_loop3A_506 = arith.andi %parallel_loop3A_499, %parallel_loop3A_505 : vector<16xi32>
        %parallel_loop3A_507 = tpu.bitcast %parallel_loop3A_506 : vector<16xi32> -> vector<16xf32>
        %parallel_loop3A_508 = arith.index_cast %parallel_loop3A_361 : i32 to index
        %parallel_loop3A_509 = arith.constant 96 : index
        %parallel_loop3A_510 = tpu.vector_load %arg12[%parallel_loop3A_508, %parallel_loop3A_509] {strides = array<i32>} : memref<104x128xf32, #tpu.memory_space<vmem>>, vector<1x16xf32>,
        %parallel_loop3A_511 = vector.shape_cast %parallel_loop3A_510 : vector<1x16xf32> to vector<16xf32>
        %parallel_loop3A_512 = arith.constant 11.3137083 : f32
        %parallel_loop3A_513 = vector.broadcast %parallel_loop3A_512 : f32 to vector<16xf32>
        %parallel_loop3A_514 = arith.mulf %parallel_loop3A_511, %parallel_loop3A_513 : vector<16xf32>
        %parallel_loop3A_515 = arith.addf %parallel_loop3A_514, %parallel_loop3A_503 : vector<16xf32>
        %parallel_loop3A_516 = arith.index_cast %parallel_loop3A_361 : i32 to index
        %parallel_loop3A_517 = arith.constant 96 : index
        %parallel_loop3A_518 = tpu.vector_load %arg12[%parallel_loop3A_516, %parallel_loop3A_517] {strides = array<i32>} : memref<104x128xf32, #tpu.memory_space<vmem>>, vector<1x16xf32>,
        %parallel_loop3A_519 = vector.shape_cast %parallel_loop3A_518 : vector<1x16xf32> to vector<16xf32>
        %parallel_loop3A_520 = vector.shape_cast %parallel_loop3A_515 : vector<16xf32> to vector<1x16xf32>
        tpu.vector_store %arg12[%parallel_loop3A_516, %parallel_loop3A_517], %parallel_loop3A_520 {strides = array<i32>} : memref<104x128xf32, #tpu.memory_space<vmem>>, vector<1x16xf32>,
        %parallel_loop3A_521 = arith.index_cast %parallel_loop3A_361 : i32 to index
        %parallel_loop3A_522 = arith.constant 112 : index
        %parallel_loop3A_523 = tpu.vector_load %arg12[%parallel_loop3A_521, %parallel_loop3A_522] {strides = array<i32>} : memref<104x128xf32, #tpu.memory_space<vmem>>, vector<1x16xf32>,
        %parallel_loop3A_524 = vector.shape_cast %parallel_loop3A_523 : vector<1x16xf32> to vector<16xf32>
        %parallel_loop3A_525 = arith.constant 11.3137083 : f32
        %parallel_loop3A_526 = vector.broadcast %parallel_loop3A_525 : f32 to vector<16xf32>
        %parallel_loop3A_527 = arith.mulf %parallel_loop3A_524, %parallel_loop3A_526 : vector<16xf32>
        %parallel_loop3A_528 = arith.addf %parallel_loop3A_527, %parallel_loop3A_507 : vector<16xf32>
        %parallel_loop3A_529 = arith.index_cast %parallel_loop3A_361 : i32 to index
        %parallel_loop3A_530 = arith.constant 112 : index
        %parallel_loop3A_531 = tpu.vector_load %arg12[%parallel_loop3A_529, %parallel_loop3A_530] {strides = array<i32>} : memref<104x128xf32, #tpu.memory_space<vmem>>, vector<1x16xf32>,
        %parallel_loop3A_532 = vector.shape_cast %parallel_loop3A_531 : vector<1x16xf32> to vector<16xf32>
        %parallel_loop3A_533 = vector.shape_cast %parallel_loop3A_528 : vector<16xf32> to vector<1x16xf32>
        tpu.vector_store %arg12[%parallel_loop3A_529, %parallel_loop3A_530], %parallel_loop3A_533 {strides = array<i32>} : memref<104x128xf32, #tpu.memory_space<vmem>>, vector<1x16xf32>,
      } {sc.loop_unroll_factor = 4 : i64, sc.parallel_access}
      %dma_wait3A_215 = arith.constant 0 : i32
      %dma_wait3A_216 = arith.constant 0 : i32
      %dma_wait3A_217 = tpu.memref_slice %arg5[%dma_wait3A_215, %dma_wait3A_216] : memref<204800x128xf32, #tpu.memory_space<hbm>> -> memref<104x128xf32, #tpu.memory_space<hbm>>
      %dma_wait3A_218 = arith.constant 0 : i32
      %dma_wait3A_219 = arith.constant 0 : i32
      %dma_wait3A_220 = tpu.memref_slice %arg5[%dma_wait3A_218, %dma_wait3A_219] : memref<204800x128xf32, #tpu.memory_space<hbm>> -> memref<104x128xf32, #tpu.memory_space<hbm>>
      tpu.wait_dma2 semaphore(%arg24 : memref<!tpu.dma_semaphore, #tpu.memory_space<semaphore_mem>>) src(%arg8 : memref<104x128xf32, #tpu.memory_space<vmem>>) dst(%dma_wait3A_220 : memref<104x128xf32, #tpu.memory_space<hbm>>)
      %mul3A_221 = arith.constant 8 : i32
      %mul3A_222 = arith.muli %mul3A_221, %add3A_53 : i32
      %add3A_223 = arith.constant 4 : i32
      %add3A_224 = arith.addi %mul3A_222, %add3A_223 : i32
      %add3A_225 = arith.constant 4 : i32
      %add3A_226 = arith.addi %add3A_224, %add3A_225 : i32
      %lt3A = arith.constant 64 : i32
      %lt3A_227 = arith.cmpi slt, %add3A_226, %lt3A : i32
      %convert_element_type3A_228 = arith.extui %lt3A_227 : i1 to i32
      %cond3A_229 = arith.constant 0 : i32
      %cond3A_230 = arith.cmpi ne, %convert_element_type3A_228, %cond3A_229 : i32
      scf.if %cond3A_230 {
        %add3A_361 = arith.constant 1 : i32
        %add3A_362 = arith.addi %add3A_53, %add3A_361 : i32
        %mul3A_363 = arith.constant 4 : i32
        %mul3A_364 = arith.muli %add3A_362, %mul3A_363 : i32
        %add3A_365 = arith.constant 0 : i32
        %add3A_366 = arith.addi %mul3A_364, %add3A_365 : i32
        %mul3A_367 = arith.constant 200 : i32
        %mul3A_368 = arith.muli %add3A_366, %mul3A_367 : i32
        %add3A_369 = arith.constant 0 : i32
        %add3A_370 = arith.addi %mul3A_368, %add3A_369 : i32
        %dma_start3A_371 = tpu.memref_slice %arg6[%add3A_370] : memref<6400xi32, #tpu.memory_space<vmem>> -> memref<104xi32, #tpu.memory_space<vmem>>
        %dma_start3A_372 = arith.constant 0 : i32
        %dma_start3A_373 = arith.constant 0 : i32
        %dma_start3A_374 = tpu.memref_slice %arg2[%dma_start3A_372, %dma_start3A_373] : memref<1000000x128xf32, #tpu.memory_space<hbm>> -> memref<1000000x128xf32, #tpu.memory_space<hbm>>
        tpu.enqueue_indirect_dma source(%dma_start3A_374 : memref<1000000x128xf32, #tpu.memory_space<hbm>>) target(%arg8 : memref<104x128xf32, #tpu.memory_space<vmem>>) offsets(%dma_start3A_371 : memref<104xi32, #tpu.memory_space<vmem>>) semaphore(%arg16 : memref<!tpu.dma_semaphore, #tpu.memory_space<semaphore_mem>>)
      } else {
      }
      %mul3A_231 = arith.constant 4 : i32
      %mul3A_232 = arith.muli %add3A_53, %mul3A_231 : i32
      %add3A_233 = arith.constant 2 : i32
      %add3A_234 = arith.addi %mul3A_232, %add3A_233 : i32
      %mul3A_235 = arith.constant 200 : i32
      %mul3A_236 = arith.muli %add3A_234, %mul3A_235 : i32
      %add3A_237 = arith.constant 0 : i32
      %add3A_238 = arith.addi %mul3A_236, %add3A_237 : i32
      %add3A_239 = arith.addi %mul3A_2, %add3A_238 : i32
      %dma_start3A_240 = arith.constant 0 : i32
      %dma_start3A_241 = tpu.memref_slice %arg5[%add3A_239, %dma_start3A_240] : memref<204800x128xf32, #tpu.memory_space<hbm>> -> memref<104x128xf32, #tpu.memory_space<hbm>>
      %dma_start3A_242 = arith.constant 0 : i32
      %dma_start3A_243 = tpu.memref_slice %arg5[%add3A_239, %dma_start3A_242] : memref<204800x128xf32, #tpu.memory_space<hbm>> -> memref<104x128xf32, #tpu.memory_space<hbm>>
      tpu.enqueue_dma source(%arg12 : memref<104x128xf32, #tpu.memory_space<vmem>>) target(%dma_start3A_243 : memref<104x128xf32, #tpu.memory_space<hbm>>) target_semaphore(%arg28 : memref<!tpu.dma_semaphore, #tpu.memory_space<semaphore_mem>>)
      %dma_wait3A_244 = arith.constant 0 : i32
      %dma_wait3A_245 = arith.constant 0 : i32
      %dma_wait3A_246 = tpu.memref_slice %arg2[%dma_wait3A_244, %dma_wait3A_245] : memref<1000000x128xf32, #tpu.memory_space<hbm>> -> memref<96x128xf32, #tpu.memory_space<hbm>>
      %dma_wait3A_247 = arith.constant 0 : i32
      %dma_wait3A_248 = arith.constant 0 : i32
      %dma_wait3A_249 = tpu.memref_slice %arg2[%dma_wait3A_247, %dma_wait3A_248] : memref<1000000x128xf32, #tpu.memory_space<hbm>> -> memref<96x128xf32, #tpu.memory_space<hbm>>
      tpu.wait_dma2 semaphore(%arg21 : memref<!tpu.dma_semaphore, #tpu.memory_space<semaphore_mem>>) src(%dma_wait3A_249 : memref<96x128xf32, #tpu.memory_space<hbm>>) dst(%arg13 : memref<96x128xf32, #tpu.memory_space<vmem>>)
      %parallel_loop3A_250 = arith.constant 0 : i32
      %parallel_loop3A_251 = arith.constant 96 : i32
      %parallel_loop3A_252 = arith.constant 1 : i32
      scf.for %parallel_loop3A_361 = %parallel_loop3A_250 to %parallel_loop3A_251 step %parallel_loop3A_252  : i32 {
        %parallel_loop3A_362 = arith.constant 104 : i32
        %parallel_loop3A_363 = arith.addi %parallel_loop3A_362, %parallel_loop3A_361 : i32
        %parallel_loop3A_364 = arith.constant 64 : i32
        %parallel_loop3A_365 = arith.muli %parallel_loop3A_363, %parallel_loop3A_364 : i32
        %parallel_loop3A_366 = arith.constant 0 : i32
        %parallel_loop3A_367 = arith.addi %parallel_loop3A_365, %parallel_loop3A_366 : i32
        %parallel_loop3A_368 = arith.index_cast %parallel_loop3A_367 : i32 to index
        %parallel_loop3A_369 = tpu.vector_load %arg7[%parallel_loop3A_368] {strides = array<i32>} : memref<12800xi32, #tpu.memory_space<vmem>>, vector<16xi32>,
        %parallel_loop3A_370 = vector.shape_cast %parallel_loop3A_369 : vector<16xi32> to vector<16xi32>
        %parallel_loop3A_371 = arith.constant 16 : i32
        %parallel_loop3A_372 = vector.broadcast %parallel_loop3A_371 : i32 to vector<16xi32>
        %parallel_loop3A_373 = arith.shli %parallel_loop3A_370, %parallel_loop3A_372 : vector<16xi32>
        %parallel_loop3A_374 = tpu.bitcast %parallel_loop3A_373 : vector<16xi32> -> vector<16xf32>
        %parallel_loop3A_375 = arith.constant -65536 : i32
        %parallel_loop3A_376 = vector.broadcast %parallel_loop3A_375 : i32 to vector<16xi32>
        %parallel_loop3A_377 = arith.andi %parallel_loop3A_370, %parallel_loop3A_376 : vector<16xi32>
        %parallel_loop3A_378 = tpu.bitcast %parallel_loop3A_377 : vector<16xi32> -> vector<16xf32>
        %parallel_loop3A_379 = arith.index_cast %parallel_loop3A_361 : i32 to index
        %parallel_loop3A_380 = arith.constant 0 : index
        %parallel_loop3A_381 = tpu.vector_load %arg13[%parallel_loop3A_379, %parallel_loop3A_380] {strides = array<i32>} : memref<96x128xf32, #tpu.memory_space<vmem>>, vector<1x16xf32>,
        %parallel_loop3A_382 = vector.shape_cast %parallel_loop3A_381 : vector<1x16xf32> to vector<16xf32>
        %parallel_loop3A_383 = arith.constant 11.3137083 : f32
        %parallel_loop3A_384 = vector.broadcast %parallel_loop3A_383 : f32 to vector<16xf32>
        %parallel_loop3A_385 = arith.mulf %parallel_loop3A_382, %parallel_loop3A_384 : vector<16xf32>
        %parallel_loop3A_386 = arith.addf %parallel_loop3A_385, %parallel_loop3A_374 : vector<16xf32>
        %parallel_loop3A_387 = arith.index_cast %parallel_loop3A_361 : i32 to index
        %parallel_loop3A_388 = arith.constant 0 : index
        %parallel_loop3A_389 = tpu.vector_load %arg13[%parallel_loop3A_387, %parallel_loop3A_388] {strides = array<i32>} : memref<96x128xf32, #tpu.memory_space<vmem>>, vector<1x16xf32>,
        %parallel_loop3A_390 = vector.shape_cast %parallel_loop3A_389 : vector<1x16xf32> to vector<16xf32>
        %parallel_loop3A_391 = vector.shape_cast %parallel_loop3A_386 : vector<16xf32> to vector<1x16xf32>
        tpu.vector_store %arg13[%parallel_loop3A_387, %parallel_loop3A_388], %parallel_loop3A_391 {strides = array<i32>} : memref<96x128xf32, #tpu.memory_space<vmem>>, vector<1x16xf32>,
        %parallel_loop3A_392 = arith.index_cast %parallel_loop3A_361 : i32 to index
        %parallel_loop3A_393 = arith.constant 16 : index
        %parallel_loop3A_394 = tpu.vector_load %arg13[%parallel_loop3A_392, %parallel_loop3A_393] {strides = array<i32>} : memref<96x128xf32, #tpu.memory_space<vmem>>, vector<1x16xf32>,
        %parallel_loop3A_395 = vector.shape_cast %parallel_loop3A_394 : vector<1x16xf32> to vector<16xf32>
        %parallel_loop3A_396 = arith.constant 11.3137083 : f32
        %parallel_loop3A_397 = vector.broadcast %parallel_loop3A_396 : f32 to vector<16xf32>
        %parallel_loop3A_398 = arith.mulf %parallel_loop3A_395, %parallel_loop3A_397 : vector<16xf32>
        %parallel_loop3A_399 = arith.addf %parallel_loop3A_398, %parallel_loop3A_378 : vector<16xf32>
        %parallel_loop3A_400 = arith.index_cast %parallel_loop3A_361 : i32 to index
        %parallel_loop3A_401 = arith.constant 16 : index
        %parallel_loop3A_402 = tpu.vector_load %arg13[%parallel_loop3A_400, %parallel_loop3A_401] {strides = array<i32>} : memref<96x128xf32, #tpu.memory_space<vmem>>, vector<1x16xf32>,
        %parallel_loop3A_403 = vector.shape_cast %parallel_loop3A_402 : vector<1x16xf32> to vector<16xf32>
        %parallel_loop3A_404 = vector.shape_cast %parallel_loop3A_399 : vector<16xf32> to vector<1x16xf32>
        tpu.vector_store %arg13[%parallel_loop3A_400, %parallel_loop3A_401], %parallel_loop3A_404 {strides = array<i32>} : memref<96x128xf32, #tpu.memory_space<vmem>>, vector<1x16xf32>,
        %parallel_loop3A_405 = arith.constant 104 : i32
        %parallel_loop3A_406 = arith.addi %parallel_loop3A_405, %parallel_loop3A_361 : i32
        %parallel_loop3A_407 = arith.constant 64 : i32
        %parallel_loop3A_408 = arith.muli %parallel_loop3A_406, %parallel_loop3A_407 : i32
        %parallel_loop3A_409 = arith.constant 16 : i32
        %parallel_loop3A_410 = arith.addi %parallel_loop3A_408, %parallel_loop3A_409 : i32
        %parallel_loop3A_411 = arith.index_cast %parallel_loop3A_410 : i32 to index
        %parallel_loop3A_412 = tpu.vector_load %arg7[%parallel_loop3A_411] {strides = array<i32>} : memref<12800xi32, #tpu.memory_space<vmem>>, vector<16xi32>,
        %parallel_loop3A_413 = vector.shape_cast %parallel_loop3A_412 : vector<16xi32> to vector<16xi32>
        %parallel_loop3A_414 = arith.constant 16 : i32
        %parallel_loop3A_415 = vector.broadcast %parallel_loop3A_414 : i32 to vector<16xi32>
        %parallel_loop3A_416 = arith.shli %parallel_loop3A_413, %parallel_loop3A_415 : vector<16xi32>
        %parallel_loop3A_417 = tpu.bitcast %parallel_loop3A_416 : vector<16xi32> -> vector<16xf32>
        %parallel_loop3A_418 = arith.constant -65536 : i32
        %parallel_loop3A_419 = vector.broadcast %parallel_loop3A_418 : i32 to vector<16xi32>
        %parallel_loop3A_420 = arith.andi %parallel_loop3A_413, %parallel_loop3A_419 : vector<16xi32>
        %parallel_loop3A_421 = tpu.bitcast %parallel_loop3A_420 : vector<16xi32> -> vector<16xf32>
        %parallel_loop3A_422 = arith.index_cast %parallel_loop3A_361 : i32 to index
        %parallel_loop3A_423 = arith.constant 32 : index
        %parallel_loop3A_424 = tpu.vector_load %arg13[%parallel_loop3A_422, %parallel_loop3A_423] {strides = array<i32>} : memref<96x128xf32, #tpu.memory_space<vmem>>, vector<1x16xf32>,
        %parallel_loop3A_425 = vector.shape_cast %parallel_loop3A_424 : vector<1x16xf32> to vector<16xf32>
        %parallel_loop3A_426 = arith.constant 11.3137083 : f32
        %parallel_loop3A_427 = vector.broadcast %parallel_loop3A_426 : f32 to vector<16xf32>
        %parallel_loop3A_428 = arith.mulf %parallel_loop3A_425, %parallel_loop3A_427 : vector<16xf32>
        %parallel_loop3A_429 = arith.addf %parallel_loop3A_428, %parallel_loop3A_417 : vector<16xf32>
        %parallel_loop3A_430 = arith.index_cast %parallel_loop3A_361 : i32 to index
        %parallel_loop3A_431 = arith.constant 32 : index
        %parallel_loop3A_432 = tpu.vector_load %arg13[%parallel_loop3A_430, %parallel_loop3A_431] {strides = array<i32>} : memref<96x128xf32, #tpu.memory_space<vmem>>, vector<1x16xf32>,
        %parallel_loop3A_433 = vector.shape_cast %parallel_loop3A_432 : vector<1x16xf32> to vector<16xf32>
        %parallel_loop3A_434 = vector.shape_cast %parallel_loop3A_429 : vector<16xf32> to vector<1x16xf32>
        tpu.vector_store %arg13[%parallel_loop3A_430, %parallel_loop3A_431], %parallel_loop3A_434 {strides = array<i32>} : memref<96x128xf32, #tpu.memory_space<vmem>>, vector<1x16xf32>,
        %parallel_loop3A_435 = arith.index_cast %parallel_loop3A_361 : i32 to index
        %parallel_loop3A_436 = arith.constant 48 : index
        %parallel_loop3A_437 = tpu.vector_load %arg13[%parallel_loop3A_435, %parallel_loop3A_436] {strides = array<i32>} : memref<96x128xf32, #tpu.memory_space<vmem>>, vector<1x16xf32>,
        %parallel_loop3A_438 = vector.shape_cast %parallel_loop3A_437 : vector<1x16xf32> to vector<16xf32>
        %parallel_loop3A_439 = arith.constant 11.3137083 : f32
        %parallel_loop3A_440 = vector.broadcast %parallel_loop3A_439 : f32 to vector<16xf32>
        %parallel_loop3A_441 = arith.mulf %parallel_loop3A_438, %parallel_loop3A_440 : vector<16xf32>
        %parallel_loop3A_442 = arith.addf %parallel_loop3A_441, %parallel_loop3A_421 : vector<16xf32>
        %parallel_loop3A_443 = arith.index_cast %parallel_loop3A_361 : i32 to index
        %parallel_loop3A_444 = arith.constant 48 : index
        %parallel_loop3A_445 = tpu.vector_load %arg13[%parallel_loop3A_443, %parallel_loop3A_444] {strides = array<i32>} : memref<96x128xf32, #tpu.memory_space<vmem>>, vector<1x16xf32>,
        %parallel_loop3A_446 = vector.shape_cast %parallel_loop3A_445 : vector<1x16xf32> to vector<16xf32>
        %parallel_loop3A_447 = vector.shape_cast %parallel_loop3A_442 : vector<16xf32> to vector<1x16xf32>
        tpu.vector_store %arg13[%parallel_loop3A_443, %parallel_loop3A_444], %parallel_loop3A_447 {strides = array<i32>} : memref<96x128xf32, #tpu.memory_space<vmem>>, vector<1x16xf32>,
        %parallel_loop3A_448 = arith.constant 104 : i32
        %parallel_loop3A_449 = arith.addi %parallel_loop3A_448, %parallel_loop3A_361 : i32
        %parallel_loop3A_450 = arith.constant 64 : i32
        %parallel_loop3A_451 = arith.muli %parallel_loop3A_449, %parallel_loop3A_450 : i32
        %parallel_loop3A_452 = arith.constant 32 : i32
        %parallel_loop3A_453 = arith.addi %parallel_loop3A_451, %parallel_loop3A_452 : i32
        %parallel_loop3A_454 = arith.index_cast %parallel_loop3A_453 : i32 to index
        %parallel_loop3A_455 = tpu.vector_load %arg7[%parallel_loop3A_454] {strides = array<i32>} : memref<12800xi32, #tpu.memory_space<vmem>>, vector<16xi32>,
        %parallel_loop3A_456 = vector.shape_cast %parallel_loop3A_455 : vector<16xi32> to vector<16xi32>
        %parallel_loop3A_457 = arith.constant 16 : i32
        %parallel_loop3A_458 = vector.broadcast %parallel_loop3A_457 : i32 to vector<16xi32>
        %parallel_loop3A_459 = arith.shli %parallel_loop3A_456, %parallel_loop3A_458 : vector<16xi32>
        %parallel_loop3A_460 = tpu.bitcast %parallel_loop3A_459 : vector<16xi32> -> vector<16xf32>
        %parallel_loop3A_461 = arith.constant -65536 : i32
        %parallel_loop3A_462 = vector.broadcast %parallel_loop3A_461 : i32 to vector<16xi32>
        %parallel_loop3A_463 = arith.andi %parallel_loop3A_456, %parallel_loop3A_462 : vector<16xi32>
        %parallel_loop3A_464 = tpu.bitcast %parallel_loop3A_463 : vector<16xi32> -> vector<16xf32>
        %parallel_loop3A_465 = arith.index_cast %parallel_loop3A_361 : i32 to index
        %parallel_loop3A_466 = arith.constant 64 : index
        %parallel_loop3A_467 = tpu.vector_load %arg13[%parallel_loop3A_465, %parallel_loop3A_466] {strides = array<i32>} : memref<96x128xf32, #tpu.memory_space<vmem>>, vector<1x16xf32>,
        %parallel_loop3A_468 = vector.shape_cast %parallel_loop3A_467 : vector<1x16xf32> to vector<16xf32>
        %parallel_loop3A_469 = arith.constant 11.3137083 : f32
        %parallel_loop3A_470 = vector.broadcast %parallel_loop3A_469 : f32 to vector<16xf32>
        %parallel_loop3A_471 = arith.mulf %parallel_loop3A_468, %parallel_loop3A_470 : vector<16xf32>
        %parallel_loop3A_472 = arith.addf %parallel_loop3A_471, %parallel_loop3A_460 : vector<16xf32>
        %parallel_loop3A_473 = arith.index_cast %parallel_loop3A_361 : i32 to index
        %parallel_loop3A_474 = arith.constant 64 : index
        %parallel_loop3A_475 = tpu.vector_load %arg13[%parallel_loop3A_473, %parallel_loop3A_474] {strides = array<i32>} : memref<96x128xf32, #tpu.memory_space<vmem>>, vector<1x16xf32>,
        %parallel_loop3A_476 = vector.shape_cast %parallel_loop3A_475 : vector<1x16xf32> to vector<16xf32>
        %parallel_loop3A_477 = vector.shape_cast %parallel_loop3A_472 : vector<16xf32> to vector<1x16xf32>
        tpu.vector_store %arg13[%parallel_loop3A_473, %parallel_loop3A_474], %parallel_loop3A_477 {strides = array<i32>} : memref<96x128xf32, #tpu.memory_space<vmem>>, vector<1x16xf32>,
        %parallel_loop3A_478 = arith.index_cast %parallel_loop3A_361 : i32 to index
        %parallel_loop3A_479 = arith.constant 80 : index
        %parallel_loop3A_480 = tpu.vector_load %arg13[%parallel_loop3A_478, %parallel_loop3A_479] {strides = array<i32>} : memref<96x128xf32, #tpu.memory_space<vmem>>, vector<1x16xf32>,
        %parallel_loop3A_481 = vector.shape_cast %parallel_loop3A_480 : vector<1x16xf32> to vector<16xf32>
        %parallel_loop3A_482 = arith.constant 11.3137083 : f32
        %parallel_loop3A_483 = vector.broadcast %parallel_loop3A_482 : f32 to vector<16xf32>
        %parallel_loop3A_484 = arith.mulf %parallel_loop3A_481, %parallel_loop3A_483 : vector<16xf32>
        %parallel_loop3A_485 = arith.addf %parallel_loop3A_484, %parallel_loop3A_464 : vector<16xf32>
        %parallel_loop3A_486 = arith.index_cast %parallel_loop3A_361 : i32 to index
        %parallel_loop3A_487 = arith.constant 80 : index
        %parallel_loop3A_488 = tpu.vector_load %arg13[%parallel_loop3A_486, %parallel_loop3A_487] {strides = array<i32>} : memref<96x128xf32, #tpu.memory_space<vmem>>, vector<1x16xf32>,
        %parallel_loop3A_489 = vector.shape_cast %parallel_loop3A_488 : vector<1x16xf32> to vector<16xf32>
        %parallel_loop3A_490 = vector.shape_cast %parallel_loop3A_485 : vector<16xf32> to vector<1x16xf32>
        tpu.vector_store %arg13[%parallel_loop3A_486, %parallel_loop3A_487], %parallel_loop3A_490 {strides = array<i32>} : memref<96x128xf32, #tpu.memory_space<vmem>>, vector<1x16xf32>,
        %parallel_loop3A_491 = arith.constant 104 : i32
        %parallel_loop3A_492 = arith.addi %parallel_loop3A_491, %parallel_loop3A_361 : i32
        %parallel_loop3A_493 = arith.constant 64 : i32
        %parallel_loop3A_494 = arith.muli %parallel_loop3A_492, %parallel_loop3A_493 : i32
        %parallel_loop3A_495 = arith.constant 48 : i32
        %parallel_loop3A_496 = arith.addi %parallel_loop3A_494, %parallel_loop3A_495 : i32
        %parallel_loop3A_497 = arith.index_cast %parallel_loop3A_496 : i32 to index
        %parallel_loop3A_498 = tpu.vector_load %arg7[%parallel_loop3A_497] {strides = array<i32>} : memref<12800xi32, #tpu.memory_space<vmem>>, vector<16xi32>,
        %parallel_loop3A_499 = vector.shape_cast %parallel_loop3A_498 : vector<16xi32> to vector<16xi32>
        %parallel_loop3A_500 = arith.constant 16 : i32
        %parallel_loop3A_501 = vector.broadcast %parallel_loop3A_500 : i32 to vector<16xi32>
        %parallel_loop3A_502 = arith.shli %parallel_loop3A_499, %parallel_loop3A_501 : vector<16xi32>
        %parallel_loop3A_503 = tpu.bitcast %parallel_loop3A_502 : vector<16xi32> -> vector<16xf32>
        %parallel_loop3A_504 = arith.constant -65536 : i32
        %parallel_loop3A_505 = vector.broadcast %parallel_loop3A_504 : i32 to vector<16xi32>
        %parallel_loop3A_506 = arith.andi %parallel_loop3A_499, %parallel_loop3A_505 : vector<16xi32>
        %parallel_loop3A_507 = tpu.bitcast %parallel_loop3A_506 : vector<16xi32> -> vector<16xf32>
        %parallel_loop3A_508 = arith.index_cast %parallel_loop3A_361 : i32 to index
        %parallel_loop3A_509 = arith.constant 96 : index
        %parallel_loop3A_510 = tpu.vector_load %arg13[%parallel_loop3A_508, %parallel_loop3A_509] {strides = array<i32>} : memref<96x128xf32, #tpu.memory_space<vmem>>, vector<1x16xf32>,
        %parallel_loop3A_511 = vector.shape_cast %parallel_loop3A_510 : vector<1x16xf32> to vector<16xf32>
        %parallel_loop3A_512 = arith.constant 11.3137083 : f32
        %parallel_loop3A_513 = vector.broadcast %parallel_loop3A_512 : f32 to vector<16xf32>
        %parallel_loop3A_514 = arith.mulf %parallel_loop3A_511, %parallel_loop3A_513 : vector<16xf32>
        %parallel_loop3A_515 = arith.addf %parallel_loop3A_514, %parallel_loop3A_503 : vector<16xf32>
        %parallel_loop3A_516 = arith.index_cast %parallel_loop3A_361 : i32 to index
        %parallel_loop3A_517 = arith.constant 96 : index
        %parallel_loop3A_518 = tpu.vector_load %arg13[%parallel_loop3A_516, %parallel_loop3A_517] {strides = array<i32>} : memref<96x128xf32, #tpu.memory_space<vmem>>, vector<1x16xf32>,
        %parallel_loop3A_519 = vector.shape_cast %parallel_loop3A_518 : vector<1x16xf32> to vector<16xf32>
        %parallel_loop3A_520 = vector.shape_cast %parallel_loop3A_515 : vector<16xf32> to vector<1x16xf32>
        tpu.vector_store %arg13[%parallel_loop3A_516, %parallel_loop3A_517], %parallel_loop3A_520 {strides = array<i32>} : memref<96x128xf32, #tpu.memory_space<vmem>>, vector<1x16xf32>,
        %parallel_loop3A_521 = arith.index_cast %parallel_loop3A_361 : i32 to index
        %parallel_loop3A_522 = arith.constant 112 : index
        %parallel_loop3A_523 = tpu.vector_load %arg13[%parallel_loop3A_521, %parallel_loop3A_522] {strides = array<i32>} : memref<96x128xf32, #tpu.memory_space<vmem>>, vector<1x16xf32>,
        %parallel_loop3A_524 = vector.shape_cast %parallel_loop3A_523 : vector<1x16xf32> to vector<16xf32>
        %parallel_loop3A_525 = arith.constant 11.3137083 : f32
        %parallel_loop3A_526 = vector.broadcast %parallel_loop3A_525 : f32 to vector<16xf32>
        %parallel_loop3A_527 = arith.mulf %parallel_loop3A_524, %parallel_loop3A_526 : vector<16xf32>
        %parallel_loop3A_528 = arith.addf %parallel_loop3A_527, %parallel_loop3A_507 : vector<16xf32>
        %parallel_loop3A_529 = arith.index_cast %parallel_loop3A_361 : i32 to index
        %parallel_loop3A_530 = arith.constant 112 : index
        %parallel_loop3A_531 = tpu.vector_load %arg13[%parallel_loop3A_529, %parallel_loop3A_530] {strides = array<i32>} : memref<96x128xf32, #tpu.memory_space<vmem>>, vector<1x16xf32>,
        %parallel_loop3A_532 = vector.shape_cast %parallel_loop3A_531 : vector<1x16xf32> to vector<16xf32>
        %parallel_loop3A_533 = vector.shape_cast %parallel_loop3A_528 : vector<16xf32> to vector<1x16xf32>
        tpu.vector_store %arg13[%parallel_loop3A_529, %parallel_loop3A_530], %parallel_loop3A_533 {strides = array<i32>} : memref<96x128xf32, #tpu.memory_space<vmem>>, vector<1x16xf32>,
      } {sc.loop_unroll_factor = 4 : i64, sc.parallel_access}
      %dma_wait3A_253 = arith.constant 0 : i32
      %dma_wait3A_254 = arith.constant 0 : i32
      %dma_wait3A_255 = tpu.memref_slice %arg5[%dma_wait3A_253, %dma_wait3A_254] : memref<204800x128xf32, #tpu.memory_space<hbm>> -> memref<96x128xf32, #tpu.memory_space<hbm>>
      %dma_wait3A_256 = arith.constant 0 : i32
      %dma_wait3A_257 = arith.constant 0 : i32
      %dma_wait3A_258 = tpu.memref_slice %arg5[%dma_wait3A_256, %dma_wait3A_257] : memref<204800x128xf32, #tpu.memory_space<hbm>> -> memref<96x128xf32, #tpu.memory_space<hbm>>
      tpu.wait_dma2 semaphore(%arg25 : memref<!tpu.dma_semaphore, #tpu.memory_space<semaphore_mem>>) src(%arg9 : memref<96x128xf32, #tpu.memory_space<vmem>>) dst(%dma_wait3A_258 : memref<96x128xf32, #tpu.memory_space<hbm>>)
      %mul3A_259 = arith.constant 8 : i32
      %mul3A_260 = arith.muli %mul3A_259, %add3A_53 : i32
      %add3A_261 = arith.constant 5 : i32
      %add3A_262 = arith.addi %mul3A_260, %add3A_261 : i32
      %add3A_263 = arith.constant 4 : i32
      %add3A_264 = arith.addi %add3A_262, %add3A_263 : i32
      %lt3A_265 = arith.constant 64 : i32
      %lt3A_266 = arith.cmpi slt, %add3A_264, %lt3A_265 : i32
      %convert_element_type3A_267 = arith.extui %lt3A_266 : i1 to i32
      %cond3A_268 = arith.constant 0 : i32
      %cond3A_269 = arith.cmpi ne, %convert_element_type3A_267, %cond3A_268 : i32
      scf.if %cond3A_269 {
        %add3A_361 = arith.constant 1 : i32
        %add3A_362 = arith.addi %add3A_53, %add3A_361 : i32
        %mul3A_363 = arith.constant 4 : i32
        %mul3A_364 = arith.muli %add3A_362, %mul3A_363 : i32
        %add3A_365 = arith.constant 0 : i32
        %add3A_366 = arith.addi %mul3A_364, %add3A_365 : i32
        %mul3A_367 = arith.constant 200 : i32
        %mul3A_368 = arith.muli %add3A_366, %mul3A_367 : i32
        %add3A_369 = arith.constant 104 : i32
        %add3A_370 = arith.addi %mul3A_368, %add3A_369 : i32
        %dma_start3A_371 = tpu.memref_slice %arg6[%add3A_370] : memref<6400xi32, #tpu.memory_space<vmem>> -> memref<96xi32, #tpu.memory_space<vmem>>
        %dma_start3A_372 = arith.constant 0 : i32
        %dma_start3A_373 = arith.constant 0 : i32
        %dma_start3A_374 = tpu.memref_slice %arg2[%dma_start3A_372, %dma_start3A_373] : memref<1000000x128xf32, #tpu.memory_space<hbm>> -> memref<1000000x128xf32, #tpu.memory_space<hbm>>
        tpu.enqueue_indirect_dma source(%dma_start3A_374 : memref<1000000x128xf32, #tpu.memory_space<hbm>>) target(%arg9 : memref<96x128xf32, #tpu.memory_space<vmem>>) offsets(%dma_start3A_371 : memref<96xi32, #tpu.memory_space<vmem>>) semaphore(%arg17 : memref<!tpu.dma_semaphore, #tpu.memory_space<semaphore_mem>>)
      } else {
      }
      %mul3A_270 = arith.constant 4 : i32
      %mul3A_271 = arith.muli %add3A_53, %mul3A_270 : i32
      %add3A_272 = arith.constant 2 : i32
      %add3A_273 = arith.addi %mul3A_271, %add3A_272 : i32
      %mul3A_274 = arith.constant 200 : i32
      %mul3A_275 = arith.muli %add3A_273, %mul3A_274 : i32
      %add3A_276 = arith.constant 104 : i32
      %add3A_277 = arith.addi %mul3A_275, %add3A_276 : i32
      %add3A_278 = arith.addi %mul3A_2, %add3A_277 : i32
      %dma_start3A_279 = arith.constant 0 : i32
      %dma_start3A_280 = tpu.memref_slice %arg5[%add3A_278, %dma_start3A_279] : memref<204800x128xf32, #tpu.memory_space<hbm>> -> memref<96x128xf32, #tpu.memory_space<hbm>>
      %dma_start3A_281 = arith.constant 0 : i32
      %dma_start3A_282 = tpu.memref_slice %arg5[%add3A_278, %dma_start3A_281] : memref<204800x128xf32, #tpu.memory_space<hbm>> -> memref<96x128xf32, #tpu.memory_space<hbm>>
      tpu.enqueue_dma source(%arg13 : memref<96x128xf32, #tpu.memory_space<vmem>>) target(%dma_start3A_282 : memref<96x128xf32, #tpu.memory_space<hbm>>) target_semaphore(%arg29 : memref<!tpu.dma_semaphore, #tpu.memory_space<semaphore_mem>>)
      %dma_wait3A_283 = arith.constant 0 : i32
      %dma_wait3A_284 = arith.constant 0 : i32
      %dma_wait3A_285 = tpu.memref_slice %arg2[%dma_wait3A_283, %dma_wait3A_284] : memref<1000000x128xf32, #tpu.memory_space<hbm>> -> memref<104x128xf32, #tpu.memory_space<hbm>>
      %dma_wait3A_286 = arith.constant 0 : i32
      %dma_wait3A_287 = arith.constant 0 : i32
      %dma_wait3A_288 = tpu.memref_slice %arg2[%dma_wait3A_286, %dma_wait3A_287] : memref<1000000x128xf32, #tpu.memory_space<hbm>> -> memref<104x128xf32, #tpu.memory_space<hbm>>
      tpu.wait_dma2 semaphore(%arg22 : memref<!tpu.dma_semaphore, #tpu.memory_space<semaphore_mem>>) src(%dma_wait3A_288 : memref<104x128xf32, #tpu.memory_space<hbm>>) dst(%arg14 : memref<104x128xf32, #tpu.memory_space<vmem>>)
      %parallel_loop3A_289 = arith.constant 0 : i32
      %parallel_loop3A_290 = arith.constant 104 : i32
      %parallel_loop3A_291 = arith.constant 1 : i32
      scf.for %parallel_loop3A_361 = %parallel_loop3A_289 to %parallel_loop3A_290 step %parallel_loop3A_291  : i32 {
        %parallel_loop3A_362 = arith.constant 0 : i32
        %parallel_loop3A_363 = arith.addi %parallel_loop3A_362, %parallel_loop3A_361 : i32
        %parallel_loop3A_364 = arith.constant 64 : i32
        %parallel_loop3A_365 = arith.muli %parallel_loop3A_363, %parallel_loop3A_364 : i32
        %parallel_loop3A_366 = arith.constant 0 : i32
        %parallel_loop3A_367 = arith.addi %parallel_loop3A_365, %parallel_loop3A_366 : i32
        %parallel_loop3A_368 = arith.index_cast %parallel_loop3A_367 : i32 to index
        %parallel_loop3A_369 = tpu.vector_load %arg7[%parallel_loop3A_368] {strides = array<i32>} : memref<12800xi32, #tpu.memory_space<vmem>>, vector<16xi32>,
        %parallel_loop3A_370 = vector.shape_cast %parallel_loop3A_369 : vector<16xi32> to vector<16xi32>
        %parallel_loop3A_371 = arith.constant 16 : i32
        %parallel_loop3A_372 = vector.broadcast %parallel_loop3A_371 : i32 to vector<16xi32>
        %parallel_loop3A_373 = arith.shli %parallel_loop3A_370, %parallel_loop3A_372 : vector<16xi32>
        %parallel_loop3A_374 = tpu.bitcast %parallel_loop3A_373 : vector<16xi32> -> vector<16xf32>
        %parallel_loop3A_375 = arith.constant -65536 : i32
        %parallel_loop3A_376 = vector.broadcast %parallel_loop3A_375 : i32 to vector<16xi32>
        %parallel_loop3A_377 = arith.andi %parallel_loop3A_370, %parallel_loop3A_376 : vector<16xi32>
        %parallel_loop3A_378 = tpu.bitcast %parallel_loop3A_377 : vector<16xi32> -> vector<16xf32>
        %parallel_loop3A_379 = arith.index_cast %parallel_loop3A_361 : i32 to index
        %parallel_loop3A_380 = arith.constant 0 : index
        %parallel_loop3A_381 = tpu.vector_load %arg14[%parallel_loop3A_379, %parallel_loop3A_380] {strides = array<i32>} : memref<104x128xf32, #tpu.memory_space<vmem>>, vector<1x16xf32>,
        %parallel_loop3A_382 = vector.shape_cast %parallel_loop3A_381 : vector<1x16xf32> to vector<16xf32>
        %parallel_loop3A_383 = arith.constant 11.3137083 : f32
        %parallel_loop3A_384 = vector.broadcast %parallel_loop3A_383 : f32 to vector<16xf32>
        %parallel_loop3A_385 = arith.mulf %parallel_loop3A_382, %parallel_loop3A_384 : vector<16xf32>
        %parallel_loop3A_386 = arith.addf %parallel_loop3A_385, %parallel_loop3A_374 : vector<16xf32>
        %parallel_loop3A_387 = arith.index_cast %parallel_loop3A_361 : i32 to index
        %parallel_loop3A_388 = arith.constant 0 : index
        %parallel_loop3A_389 = tpu.vector_load %arg14[%parallel_loop3A_387, %parallel_loop3A_388] {strides = array<i32>} : memref<104x128xf32, #tpu.memory_space<vmem>>, vector<1x16xf32>,
        %parallel_loop3A_390 = vector.shape_cast %parallel_loop3A_389 : vector<1x16xf32> to vector<16xf32>
        %parallel_loop3A_391 = vector.shape_cast %parallel_loop3A_386 : vector<16xf32> to vector<1x16xf32>
        tpu.vector_store %arg14[%parallel_loop3A_387, %parallel_loop3A_388], %parallel_loop3A_391 {strides = array<i32>} : memref<104x128xf32, #tpu.memory_space<vmem>>, vector<1x16xf32>,
        %parallel_loop3A_392 = arith.index_cast %parallel_loop3A_361 : i32 to index
        %parallel_loop3A_393 = arith.constant 16 : index
        %parallel_loop3A_394 = tpu.vector_load %arg14[%parallel_loop3A_392, %parallel_loop3A_393] {strides = array<i32>} : memref<104x128xf32, #tpu.memory_space<vmem>>, vector<1x16xf32>,
        %parallel_loop3A_395 = vector.shape_cast %parallel_loop3A_394 : vector<1x16xf32> to vector<16xf32>
        %parallel_loop3A_396 = arith.constant 11.3137083 : f32
        %parallel_loop3A_397 = vector.broadcast %parallel_loop3A_396 : f32 to vector<16xf32>
        %parallel_loop3A_398 = arith.mulf %parallel_loop3A_395, %parallel_loop3A_397 : vector<16xf32>
        %parallel_loop3A_399 = arith.addf %parallel_loop3A_398, %parallel_loop3A_378 : vector<16xf32>
        %parallel_loop3A_400 = arith.index_cast %parallel_loop3A_361 : i32 to index
        %parallel_loop3A_401 = arith.constant 16 : index
        %parallel_loop3A_402 = tpu.vector_load %arg14[%parallel_loop3A_400, %parallel_loop3A_401] {strides = array<i32>} : memref<104x128xf32, #tpu.memory_space<vmem>>, vector<1x16xf32>,
        %parallel_loop3A_403 = vector.shape_cast %parallel_loop3A_402 : vector<1x16xf32> to vector<16xf32>
        %parallel_loop3A_404 = vector.shape_cast %parallel_loop3A_399 : vector<16xf32> to vector<1x16xf32>
        tpu.vector_store %arg14[%parallel_loop3A_400, %parallel_loop3A_401], %parallel_loop3A_404 {strides = array<i32>} : memref<104x128xf32, #tpu.memory_space<vmem>>, vector<1x16xf32>,
        %parallel_loop3A_405 = arith.constant 0 : i32
        %parallel_loop3A_406 = arith.addi %parallel_loop3A_405, %parallel_loop3A_361 : i32
        %parallel_loop3A_407 = arith.constant 64 : i32
        %parallel_loop3A_408 = arith.muli %parallel_loop3A_406, %parallel_loop3A_407 : i32
        %parallel_loop3A_409 = arith.constant 16 : i32
        %parallel_loop3A_410 = arith.addi %parallel_loop3A_408, %parallel_loop3A_409 : i32
        %parallel_loop3A_411 = arith.index_cast %parallel_loop3A_410 : i32 to index
        %parallel_loop3A_412 = tpu.vector_load %arg7[%parallel_loop3A_411] {strides = array<i32>} : memref<12800xi32, #tpu.memory_space<vmem>>, vector<16xi32>,
        %parallel_loop3A_413 = vector.shape_cast %parallel_loop3A_412 : vector<16xi32> to vector<16xi32>
        %parallel_loop3A_414 = arith.constant 16 : i32
        %parallel_loop3A_415 = vector.broadcast %parallel_loop3A_414 : i32 to vector<16xi32>
        %parallel_loop3A_416 = arith.shli %parallel_loop3A_413, %parallel_loop3A_415 : vector<16xi32>
        %parallel_loop3A_417 = tpu.bitcast %parallel_loop3A_416 : vector<16xi32> -> vector<16xf32>
        %parallel_loop3A_418 = arith.constant -65536 : i32
        %parallel_loop3A_419 = vector.broadcast %parallel_loop3A_418 : i32 to vector<16xi32>
        %parallel_loop3A_420 = arith.andi %parallel_loop3A_413, %parallel_loop3A_419 : vector<16xi32>
        %parallel_loop3A_421 = tpu.bitcast %parallel_loop3A_420 : vector<16xi32> -> vector<16xf32>
        %parallel_loop3A_422 = arith.index_cast %parallel_loop3A_361 : i32 to index
        %parallel_loop3A_423 = arith.constant 32 : index
        %parallel_loop3A_424 = tpu.vector_load %arg14[%parallel_loop3A_422, %parallel_loop3A_423] {strides = array<i32>} : memref<104x128xf32, #tpu.memory_space<vmem>>, vector<1x16xf32>,
        %parallel_loop3A_425 = vector.shape_cast %parallel_loop3A_424 : vector<1x16xf32> to vector<16xf32>
        %parallel_loop3A_426 = arith.constant 11.3137083 : f32
        %parallel_loop3A_427 = vector.broadcast %parallel_loop3A_426 : f32 to vector<16xf32>
        %parallel_loop3A_428 = arith.mulf %parallel_loop3A_425, %parallel_loop3A_427 : vector<16xf32>
        %parallel_loop3A_429 = arith.addf %parallel_loop3A_428, %parallel_loop3A_417 : vector<16xf32>
        %parallel_loop3A_430 = arith.index_cast %parallel_loop3A_361 : i32 to index
        %parallel_loop3A_431 = arith.constant 32 : index
        %parallel_loop3A_432 = tpu.vector_load %arg14[%parallel_loop3A_430, %parallel_loop3A_431] {strides = array<i32>} : memref<104x128xf32, #tpu.memory_space<vmem>>, vector<1x16xf32>,
        %parallel_loop3A_433 = vector.shape_cast %parallel_loop3A_432 : vector<1x16xf32> to vector<16xf32>
        %parallel_loop3A_434 = vector.shape_cast %parallel_loop3A_429 : vector<16xf32> to vector<1x16xf32>
        tpu.vector_store %arg14[%parallel_loop3A_430, %parallel_loop3A_431], %parallel_loop3A_434 {strides = array<i32>} : memref<104x128xf32, #tpu.memory_space<vmem>>, vector<1x16xf32>,
        %parallel_loop3A_435 = arith.index_cast %parallel_loop3A_361 : i32 to index
        %parallel_loop3A_436 = arith.constant 48 : index
        %parallel_loop3A_437 = tpu.vector_load %arg14[%parallel_loop3A_435, %parallel_loop3A_436] {strides = array<i32>} : memref<104x128xf32, #tpu.memory_space<vmem>>, vector<1x16xf32>,
        %parallel_loop3A_438 = vector.shape_cast %parallel_loop3A_437 : vector<1x16xf32> to vector<16xf32>
        %parallel_loop3A_439 = arith.constant 11.3137083 : f32
        %parallel_loop3A_440 = vector.broadcast %parallel_loop3A_439 : f32 to vector<16xf32>
        %parallel_loop3A_441 = arith.mulf %parallel_loop3A_438, %parallel_loop3A_440 : vector<16xf32>
        %parallel_loop3A_442 = arith.addf %parallel_loop3A_441, %parallel_loop3A_421 : vector<16xf32>
        %parallel_loop3A_443 = arith.index_cast %parallel_loop3A_361 : i32 to index
        %parallel_loop3A_444 = arith.constant 48 : index
        %parallel_loop3A_445 = tpu.vector_load %arg14[%parallel_loop3A_443, %parallel_loop3A_444] {strides = array<i32>} : memref<104x128xf32, #tpu.memory_space<vmem>>, vector<1x16xf32>,
        %parallel_loop3A_446 = vector.shape_cast %parallel_loop3A_445 : vector<1x16xf32> to vector<16xf32>
        %parallel_loop3A_447 = vector.shape_cast %parallel_loop3A_442 : vector<16xf32> to vector<1x16xf32>
        tpu.vector_store %arg14[%parallel_loop3A_443, %parallel_loop3A_444], %parallel_loop3A_447 {strides = array<i32>} : memref<104x128xf32, #tpu.memory_space<vmem>>, vector<1x16xf32>,
        %parallel_loop3A_448 = arith.constant 0 : i32
        %parallel_loop3A_449 = arith.addi %parallel_loop3A_448, %parallel_loop3A_361 : i32
        %parallel_loop3A_450 = arith.constant 64 : i32
        %parallel_loop3A_451 = arith.muli %parallel_loop3A_449, %parallel_loop3A_450 : i32
        %parallel_loop3A_452 = arith.constant 32 : i32
        %parallel_loop3A_453 = arith.addi %parallel_loop3A_451, %parallel_loop3A_452 : i32
        %parallel_loop3A_454 = arith.index_cast %parallel_loop3A_453 : i32 to index
        %parallel_loop3A_455 = tpu.vector_load %arg7[%parallel_loop3A_454] {strides = array<i32>} : memref<12800xi32, #tpu.memory_space<vmem>>, vector<16xi32>,
        %parallel_loop3A_456 = vector.shape_cast %parallel_loop3A_455 : vector<16xi32> to vector<16xi32>
        %parallel_loop3A_457 = arith.constant 16 : i32
        %parallel_loop3A_458 = vector.broadcast %parallel_loop3A_457 : i32 to vector<16xi32>
        %parallel_loop3A_459 = arith.shli %parallel_loop3A_456, %parallel_loop3A_458 : vector<16xi32>
        %parallel_loop3A_460 = tpu.bitcast %parallel_loop3A_459 : vector<16xi32> -> vector<16xf32>
        %parallel_loop3A_461 = arith.constant -65536 : i32
        %parallel_loop3A_462 = vector.broadcast %parallel_loop3A_461 : i32 to vector<16xi32>
        %parallel_loop3A_463 = arith.andi %parallel_loop3A_456, %parallel_loop3A_462 : vector<16xi32>
        %parallel_loop3A_464 = tpu.bitcast %parallel_loop3A_463 : vector<16xi32> -> vector<16xf32>
        %parallel_loop3A_465 = arith.index_cast %parallel_loop3A_361 : i32 to index
        %parallel_loop3A_466 = arith.constant 64 : index
        %parallel_loop3A_467 = tpu.vector_load %arg14[%parallel_loop3A_465, %parallel_loop3A_466] {strides = array<i32>} : memref<104x128xf32, #tpu.memory_space<vmem>>, vector<1x16xf32>,
        %parallel_loop3A_468 = vector.shape_cast %parallel_loop3A_467 : vector<1x16xf32> to vector<16xf32>
        %parallel_loop3A_469 = arith.constant 11.3137083 : f32
        %parallel_loop3A_470 = vector.broadcast %parallel_loop3A_469 : f32 to vector<16xf32>
        %parallel_loop3A_471 = arith.mulf %parallel_loop3A_468, %parallel_loop3A_470 : vector<16xf32>
        %parallel_loop3A_472 = arith.addf %parallel_loop3A_471, %parallel_loop3A_460 : vector<16xf32>
        %parallel_loop3A_473 = arith.index_cast %parallel_loop3A_361 : i32 to index
        %parallel_loop3A_474 = arith.constant 64 : index
        %parallel_loop3A_475 = tpu.vector_load %arg14[%parallel_loop3A_473, %parallel_loop3A_474] {strides = array<i32>} : memref<104x128xf32, #tpu.memory_space<vmem>>, vector<1x16xf32>,
        %parallel_loop3A_476 = vector.shape_cast %parallel_loop3A_475 : vector<1x16xf32> to vector<16xf32>
        %parallel_loop3A_477 = vector.shape_cast %parallel_loop3A_472 : vector<16xf32> to vector<1x16xf32>
        tpu.vector_store %arg14[%parallel_loop3A_473, %parallel_loop3A_474], %parallel_loop3A_477 {strides = array<i32>} : memref<104x128xf32, #tpu.memory_space<vmem>>, vector<1x16xf32>,
        %parallel_loop3A_478 = arith.index_cast %parallel_loop3A_361 : i32 to index
        %parallel_loop3A_479 = arith.constant 80 : index
        %parallel_loop3A_480 = tpu.vector_load %arg14[%parallel_loop3A_478, %parallel_loop3A_479] {strides = array<i32>} : memref<104x128xf32, #tpu.memory_space<vmem>>, vector<1x16xf32>,
        %parallel_loop3A_481 = vector.shape_cast %parallel_loop3A_480 : vector<1x16xf32> to vector<16xf32>
        %parallel_loop3A_482 = arith.constant 11.3137083 : f32
        %parallel_loop3A_483 = vector.broadcast %parallel_loop3A_482 : f32 to vector<16xf32>
        %parallel_loop3A_484 = arith.mulf %parallel_loop3A_481, %parallel_loop3A_483 : vector<16xf32>
        %parallel_loop3A_485 = arith.addf %parallel_loop3A_484, %parallel_loop3A_464 : vector<16xf32>
        %parallel_loop3A_486 = arith.index_cast %parallel_loop3A_361 : i32 to index
        %parallel_loop3A_487 = arith.constant 80 : index
        %parallel_loop3A_488 = tpu.vector_load %arg14[%parallel_loop3A_486, %parallel_loop3A_487] {strides = array<i32>} : memref<104x128xf32, #tpu.memory_space<vmem>>, vector<1x16xf32>,
        %parallel_loop3A_489 = vector.shape_cast %parallel_loop3A_488 : vector<1x16xf32> to vector<16xf32>
        %parallel_loop3A_490 = vector.shape_cast %parallel_loop3A_485 : vector<16xf32> to vector<1x16xf32>
        tpu.vector_store %arg14[%parallel_loop3A_486, %parallel_loop3A_487], %parallel_loop3A_490 {strides = array<i32>} : memref<104x128xf32, #tpu.memory_space<vmem>>, vector<1x16xf32>,
        %parallel_loop3A_491 = arith.constant 0 : i32
        %parallel_loop3A_492 = arith.addi %parallel_loop3A_491, %parallel_loop3A_361 : i32
        %parallel_loop3A_493 = arith.constant 64 : i32
        %parallel_loop3A_494 = arith.muli %parallel_loop3A_492, %parallel_loop3A_493 : i32
        %parallel_loop3A_495 = arith.constant 48 : i32
        %parallel_loop3A_496 = arith.addi %parallel_loop3A_494, %parallel_loop3A_495 : i32
        %parallel_loop3A_497 = arith.index_cast %parallel_loop3A_496 : i32 to index
        %parallel_loop3A_498 = tpu.vector_load %arg7[%parallel_loop3A_497] {strides = array<i32>} : memref<12800xi32, #tpu.memory_space<vmem>>, vector<16xi32>,
        %parallel_loop3A_499 = vector.shape_cast %parallel_loop3A_498 : vector<16xi32> to vector<16xi32>
        %parallel_loop3A_500 = arith.constant 16 : i32
        %parallel_loop3A_501 = vector.broadcast %parallel_loop3A_500 : i32 to vector<16xi32>
        %parallel_loop3A_502 = arith.shli %parallel_loop3A_499, %parallel_loop3A_501 : vector<16xi32>
        %parallel_loop3A_503 = tpu.bitcast %parallel_loop3A_502 : vector<16xi32> -> vector<16xf32>
        %parallel_loop3A_504 = arith.constant -65536 : i32
        %parallel_loop3A_505 = vector.broadcast %parallel_loop3A_504 : i32 to vector<16xi32>
        %parallel_loop3A_506 = arith.andi %parallel_loop3A_499, %parallel_loop3A_505 : vector<16xi32>
        %parallel_loop3A_507 = tpu.bitcast %parallel_loop3A_506 : vector<16xi32> -> vector<16xf32>
        %parallel_loop3A_508 = arith.index_cast %parallel_loop3A_361 : i32 to index
        %parallel_loop3A_509 = arith.constant 96 : index
        %parallel_loop3A_510 = tpu.vector_load %arg14[%parallel_loop3A_508, %parallel_loop3A_509] {strides = array<i32>} : memref<104x128xf32, #tpu.memory_space<vmem>>, vector<1x16xf32>,
        %parallel_loop3A_511 = vector.shape_cast %parallel_loop3A_510 : vector<1x16xf32> to vector<16xf32>
        %parallel_loop3A_512 = arith.constant 11.3137083 : f32
        %parallel_loop3A_513 = vector.broadcast %parallel_loop3A_512 : f32 to vector<16xf32>
        %parallel_loop3A_514 = arith.mulf %parallel_loop3A_511, %parallel_loop3A_513 : vector<16xf32>
        %parallel_loop3A_515 = arith.addf %parallel_loop3A_514, %parallel_loop3A_503 : vector<16xf32>
        %parallel_loop3A_516 = arith.index_cast %parallel_loop3A_361 : i32 to index
        %parallel_loop3A_517 = arith.constant 96 : index
        %parallel_loop3A_518 = tpu.vector_load %arg14[%parallel_loop3A_516, %parallel_loop3A_517] {strides = array<i32>} : memref<104x128xf32, #tpu.memory_space<vmem>>, vector<1x16xf32>,
        %parallel_loop3A_519 = vector.shape_cast %parallel_loop3A_518 : vector<1x16xf32> to vector<16xf32>
        %parallel_loop3A_520 = vector.shape_cast %parallel_loop3A_515 : vector<16xf32> to vector<1x16xf32>
        tpu.vector_store %arg14[%parallel_loop3A_516, %parallel_loop3A_517], %parallel_loop3A_520 {strides = array<i32>} : memref<104x128xf32, #tpu.memory_space<vmem>>, vector<1x16xf32>,
        %parallel_loop3A_521 = arith.index_cast %parallel_loop3A_361 : i32 to index
        %parallel_loop3A_522 = arith.constant 112 : index
        %parallel_loop3A_523 = tpu.vector_load %arg14[%parallel_loop3A_521, %parallel_loop3A_522] {strides = array<i32>} : memref<104x128xf32, #tpu.memory_space<vmem>>, vector<1x16xf32>,
        %parallel_loop3A_524 = vector.shape_cast %parallel_loop3A_523 : vector<1x16xf32> to vector<16xf32>
        %parallel_loop3A_525 = arith.constant 11.3137083 : f32
        %parallel_loop3A_526 = vector.broadcast %parallel_loop3A_525 : f32 to vector<16xf32>
        %parallel_loop3A_527 = arith.mulf %parallel_loop3A_524, %parallel_loop3A_526 : vector<16xf32>
        %parallel_loop3A_528 = arith.addf %parallel_loop3A_527, %parallel_loop3A_507 : vector<16xf32>
        %parallel_loop3A_529 = arith.index_cast %parallel_loop3A_361 : i32 to index
        %parallel_loop3A_530 = arith.constant 112 : index
        %parallel_loop3A_531 = tpu.vector_load %arg14[%parallel_loop3A_529, %parallel_loop3A_530] {strides = array<i32>} : memref<104x128xf32, #tpu.memory_space<vmem>>, vector<1x16xf32>,
        %parallel_loop3A_532 = vector.shape_cast %parallel_loop3A_531 : vector<1x16xf32> to vector<16xf32>
        %parallel_loop3A_533 = vector.shape_cast %parallel_loop3A_528 : vector<16xf32> to vector<1x16xf32>
        tpu.vector_store %arg14[%parallel_loop3A_529, %parallel_loop3A_530], %parallel_loop3A_533 {strides = array<i32>} : memref<104x128xf32, #tpu.memory_space<vmem>>, vector<1x16xf32>,
      } {sc.loop_unroll_factor = 4 : i64, sc.parallel_access}
      %dma_wait3A_292 = arith.constant 0 : i32
      %dma_wait3A_293 = arith.constant 0 : i32
      %dma_wait3A_294 = tpu.memref_slice %arg5[%dma_wait3A_292, %dma_wait3A_293] : memref<204800x128xf32, #tpu.memory_space<hbm>> -> memref<104x128xf32, #tpu.memory_space<hbm>>
      %dma_wait3A_295 = arith.constant 0 : i32
      %dma_wait3A_296 = arith.constant 0 : i32
      %dma_wait3A_297 = tpu.memref_slice %arg5[%dma_wait3A_295, %dma_wait3A_296] : memref<204800x128xf32, #tpu.memory_space<hbm>> -> memref<104x128xf32, #tpu.memory_space<hbm>>
      tpu.wait_dma2 semaphore(%arg26 : memref<!tpu.dma_semaphore, #tpu.memory_space<semaphore_mem>>) src(%arg10 : memref<104x128xf32, #tpu.memory_space<vmem>>) dst(%dma_wait3A_297 : memref<104x128xf32, #tpu.memory_space<hbm>>)
      %mul3A_298 = arith.constant 8 : i32
      %mul3A_299 = arith.muli %mul3A_298, %add3A_53 : i32
      %add3A_300 = arith.constant 6 : i32
      %add3A_301 = arith.addi %mul3A_299, %add3A_300 : i32
      %add3A_302 = arith.constant 4 : i32
      %add3A_303 = arith.addi %add3A_301, %add3A_302 : i32
      %lt3A_304 = arith.constant 64 : i32
      %lt3A_305 = arith.cmpi slt, %add3A_303, %lt3A_304 : i32
      %convert_element_type3A_306 = arith.extui %lt3A_305 : i1 to i32
      %cond3A_307 = arith.constant 0 : i32
      %cond3A_308 = arith.cmpi ne, %convert_element_type3A_306, %cond3A_307 : i32
      scf.if %cond3A_308 {
        %add3A_361 = arith.constant 1 : i32
        %add3A_362 = arith.addi %add3A_53, %add3A_361 : i32
        %mul3A_363 = arith.constant 4 : i32
        %mul3A_364 = arith.muli %add3A_362, %mul3A_363 : i32
        %add3A_365 = arith.constant 1 : i32
        %add3A_366 = arith.addi %mul3A_364, %add3A_365 : i32
        %mul3A_367 = arith.constant 200 : i32
        %mul3A_368 = arith.muli %add3A_366, %mul3A_367 : i32
        %add3A_369 = arith.constant 0 : i32
        %add3A_370 = arith.addi %mul3A_368, %add3A_369 : i32
        %dma_start3A_371 = tpu.memref_slice %arg6[%add3A_370] : memref<6400xi32, #tpu.memory_space<vmem>> -> memref<104xi32, #tpu.memory_space<vmem>>
        %dma_start3A_372 = arith.constant 0 : i32
        %dma_start3A_373 = arith.constant 0 : i32
        %dma_start3A_374 = tpu.memref_slice %arg2[%dma_start3A_372, %dma_start3A_373] : memref<1000000x128xf32, #tpu.memory_space<hbm>> -> memref<1000000x128xf32, #tpu.memory_space<hbm>>
        tpu.enqueue_indirect_dma source(%dma_start3A_374 : memref<1000000x128xf32, #tpu.memory_space<hbm>>) target(%arg10 : memref<104x128xf32, #tpu.memory_space<vmem>>) offsets(%dma_start3A_371 : memref<104xi32, #tpu.memory_space<vmem>>) semaphore(%arg18 : memref<!tpu.dma_semaphore, #tpu.memory_space<semaphore_mem>>)
      } else {
      }
      %mul3A_309 = arith.constant 4 : i32
      %mul3A_310 = arith.muli %add3A_53, %mul3A_309 : i32
      %add3A_311 = arith.constant 3 : i32
      %add3A_312 = arith.addi %mul3A_310, %add3A_311 : i32
      %mul3A_313 = arith.constant 200 : i32
      %mul3A_314 = arith.muli %add3A_312, %mul3A_313 : i32
      %add3A_315 = arith.constant 0 : i32
      %add3A_316 = arith.addi %mul3A_314, %add3A_315 : i32
      %add3A_317 = arith.addi %mul3A_2, %add3A_316 : i32
      %dma_start3A_318 = arith.constant 0 : i32
      %dma_start3A_319 = tpu.memref_slice %arg5[%add3A_317, %dma_start3A_318] : memref<204800x128xf32, #tpu.memory_space<hbm>> -> memref<104x128xf32, #tpu.memory_space<hbm>>
      %dma_start3A_320 = arith.constant 0 : i32
      %dma_start3A_321 = tpu.memref_slice %arg5[%add3A_317, %dma_start3A_320] : memref<204800x128xf32, #tpu.memory_space<hbm>> -> memref<104x128xf32, #tpu.memory_space<hbm>>
      tpu.enqueue_dma source(%arg14 : memref<104x128xf32, #tpu.memory_space<vmem>>) target(%dma_start3A_321 : memref<104x128xf32, #tpu.memory_space<hbm>>) target_semaphore(%arg30 : memref<!tpu.dma_semaphore, #tpu.memory_space<semaphore_mem>>)
      %dma_wait3A_322 = arith.constant 0 : i32
      %dma_wait3A_323 = arith.constant 0 : i32
      %dma_wait3A_324 = tpu.memref_slice %arg2[%dma_wait3A_322, %dma_wait3A_323] : memref<1000000x128xf32, #tpu.memory_space<hbm>> -> memref<96x128xf32, #tpu.memory_space<hbm>>
      %dma_wait3A_325 = arith.constant 0 : i32
      %dma_wait3A_326 = arith.constant 0 : i32
      %dma_wait3A_327 = tpu.memref_slice %arg2[%dma_wait3A_325, %dma_wait3A_326] : memref<1000000x128xf32, #tpu.memory_space<hbm>> -> memref<96x128xf32, #tpu.memory_space<hbm>>
      tpu.wait_dma2 semaphore(%arg23 : memref<!tpu.dma_semaphore, #tpu.memory_space<semaphore_mem>>) src(%dma_wait3A_327 : memref<96x128xf32, #tpu.memory_space<hbm>>) dst(%arg15 : memref<96x128xf32, #tpu.memory_space<vmem>>)
      %parallel_loop3A_328 = arith.constant 0 : i32
      %parallel_loop3A_329 = arith.constant 96 : i32
      %parallel_loop3A_330 = arith.constant 1 : i32
      scf.for %parallel_loop3A_361 = %parallel_loop3A_328 to %parallel_loop3A_329 step %parallel_loop3A_330  : i32 {
        %parallel_loop3A_362 = arith.constant 104 : i32
        %parallel_loop3A_363 = arith.addi %parallel_loop3A_362, %parallel_loop3A_361 : i32
        %parallel_loop3A_364 = arith.constant 64 : i32
        %parallel_loop3A_365 = arith.muli %parallel_loop3A_363, %parallel_loop3A_364 : i32
        %parallel_loop3A_366 = arith.constant 0 : i32
        %parallel_loop3A_367 = arith.addi %parallel_loop3A_365, %parallel_loop3A_366 : i32
        %parallel_loop3A_368 = arith.index_cast %parallel_loop3A_367 : i32 to index
        %parallel_loop3A_369 = tpu.vector_load %arg7[%parallel_loop3A_368] {strides = array<i32>} : memref<12800xi32, #tpu.memory_space<vmem>>, vector<16xi32>,
        %parallel_loop3A_370 = vector.shape_cast %parallel_loop3A_369 : vector<16xi32> to vector<16xi32>
        %parallel_loop3A_371 = arith.constant 16 : i32
        %parallel_loop3A_372 = vector.broadcast %parallel_loop3A_371 : i32 to vector<16xi32>
        %parallel_loop3A_373 = arith.shli %parallel_loop3A_370, %parallel_loop3A_372 : vector<16xi32>
        %parallel_loop3A_374 = tpu.bitcast %parallel_loop3A_373 : vector<16xi32> -> vector<16xf32>
        %parallel_loop3A_375 = arith.constant -65536 : i32
        %parallel_loop3A_376 = vector.broadcast %parallel_loop3A_375 : i32 to vector<16xi32>
        %parallel_loop3A_377 = arith.andi %parallel_loop3A_370, %parallel_loop3A_376 : vector<16xi32>
        %parallel_loop3A_378 = tpu.bitcast %parallel_loop3A_377 : vector<16xi32> -> vector<16xf32>
        %parallel_loop3A_379 = arith.index_cast %parallel_loop3A_361 : i32 to index
        %parallel_loop3A_380 = arith.constant 0 : index
        %parallel_loop3A_381 = tpu.vector_load %arg15[%parallel_loop3A_379, %parallel_loop3A_380] {strides = array<i32>} : memref<96x128xf32, #tpu.memory_space<vmem>>, vector<1x16xf32>,
        %parallel_loop3A_382 = vector.shape_cast %parallel_loop3A_381 : vector<1x16xf32> to vector<16xf32>
        %parallel_loop3A_383 = arith.constant 11.3137083 : f32
        %parallel_loop3A_384 = vector.broadcast %parallel_loop3A_383 : f32 to vector<16xf32>
        %parallel_loop3A_385 = arith.mulf %parallel_loop3A_382, %parallel_loop3A_384 : vector<16xf32>
        %parallel_loop3A_386 = arith.addf %parallel_loop3A_385, %parallel_loop3A_374 : vector<16xf32>
        %parallel_loop3A_387 = arith.index_cast %parallel_loop3A_361 : i32 to index
        %parallel_loop3A_388 = arith.constant 0 : index
        %parallel_loop3A_389 = tpu.vector_load %arg15[%parallel_loop3A_387, %parallel_loop3A_388] {strides = array<i32>} : memref<96x128xf32, #tpu.memory_space<vmem>>, vector<1x16xf32>,
        %parallel_loop3A_390 = vector.shape_cast %parallel_loop3A_389 : vector<1x16xf32> to vector<16xf32>
        %parallel_loop3A_391 = vector.shape_cast %parallel_loop3A_386 : vector<16xf32> to vector<1x16xf32>
        tpu.vector_store %arg15[%parallel_loop3A_387, %parallel_loop3A_388], %parallel_loop3A_391 {strides = array<i32>} : memref<96x128xf32, #tpu.memory_space<vmem>>, vector<1x16xf32>,
        %parallel_loop3A_392 = arith.index_cast %parallel_loop3A_361 : i32 to index
        %parallel_loop3A_393 = arith.constant 16 : index
        %parallel_loop3A_394 = tpu.vector_load %arg15[%parallel_loop3A_392, %parallel_loop3A_393] {strides = array<i32>} : memref<96x128xf32, #tpu.memory_space<vmem>>, vector<1x16xf32>,
        %parallel_loop3A_395 = vector.shape_cast %parallel_loop3A_394 : vector<1x16xf32> to vector<16xf32>
        %parallel_loop3A_396 = arith.constant 11.3137083 : f32
        %parallel_loop3A_397 = vector.broadcast %parallel_loop3A_396 : f32 to vector<16xf32>
        %parallel_loop3A_398 = arith.mulf %parallel_loop3A_395, %parallel_loop3A_397 : vector<16xf32>
        %parallel_loop3A_399 = arith.addf %parallel_loop3A_398, %parallel_loop3A_378 : vector<16xf32>
        %parallel_loop3A_400 = arith.index_cast %parallel_loop3A_361 : i32 to index
        %parallel_loop3A_401 = arith.constant 16 : index
        %parallel_loop3A_402 = tpu.vector_load %arg15[%parallel_loop3A_400, %parallel_loop3A_401] {strides = array<i32>} : memref<96x128xf32, #tpu.memory_space<vmem>>, vector<1x16xf32>,
        %parallel_loop3A_403 = vector.shape_cast %parallel_loop3A_402 : vector<1x16xf32> to vector<16xf32>
        %parallel_loop3A_404 = vector.shape_cast %parallel_loop3A_399 : vector<16xf32> to vector<1x16xf32>
        tpu.vector_store %arg15[%parallel_loop3A_400, %parallel_loop3A_401], %parallel_loop3A_404 {strides = array<i32>} : memref<96x128xf32, #tpu.memory_space<vmem>>, vector<1x16xf32>,
        %parallel_loop3A_405 = arith.constant 104 : i32
        %parallel_loop3A_406 = arith.addi %parallel_loop3A_405, %parallel_loop3A_361 : i32
        %parallel_loop3A_407 = arith.constant 64 : i32
        %parallel_loop3A_408 = arith.muli %parallel_loop3A_406, %parallel_loop3A_407 : i32
        %parallel_loop3A_409 = arith.constant 16 : i32
        %parallel_loop3A_410 = arith.addi %parallel_loop3A_408, %parallel_loop3A_409 : i32
        %parallel_loop3A_411 = arith.index_cast %parallel_loop3A_410 : i32 to index
        %parallel_loop3A_412 = tpu.vector_load %arg7[%parallel_loop3A_411] {strides = array<i32>} : memref<12800xi32, #tpu.memory_space<vmem>>, vector<16xi32>,
        %parallel_loop3A_413 = vector.shape_cast %parallel_loop3A_412 : vector<16xi32> to vector<16xi32>
        %parallel_loop3A_414 = arith.constant 16 : i32
        %parallel_loop3A_415 = vector.broadcast %parallel_loop3A_414 : i32 to vector<16xi32>
        %parallel_loop3A_416 = arith.shli %parallel_loop3A_413, %parallel_loop3A_415 : vector<16xi32>
        %parallel_loop3A_417 = tpu.bitcast %parallel_loop3A_416 : vector<16xi32> -> vector<16xf32>
        %parallel_loop3A_418 = arith.constant -65536 : i32
        %parallel_loop3A_419 = vector.broadcast %parallel_loop3A_418 : i32 to vector<16xi32>
        %parallel_loop3A_420 = arith.andi %parallel_loop3A_413, %parallel_loop3A_419 : vector<16xi32>
        %parallel_loop3A_421 = tpu.bitcast %parallel_loop3A_420 : vector<16xi32> -> vector<16xf32>
        %parallel_loop3A_422 = arith.index_cast %parallel_loop3A_361 : i32 to index
        %parallel_loop3A_423 = arith.constant 32 : index
        %parallel_loop3A_424 = tpu.vector_load %arg15[%parallel_loop3A_422, %parallel_loop3A_423] {strides = array<i32>} : memref<96x128xf32, #tpu.memory_space<vmem>>, vector<1x16xf32>,
        %parallel_loop3A_425 = vector.shape_cast %parallel_loop3A_424 : vector<1x16xf32> to vector<16xf32>
        %parallel_loop3A_426 = arith.constant 11.3137083 : f32
        %parallel_loop3A_427 = vector.broadcast %parallel_loop3A_426 : f32 to vector<16xf32>
        %parallel_loop3A_428 = arith.mulf %parallel_loop3A_425, %parallel_loop3A_427 : vector<16xf32>
        %parallel_loop3A_429 = arith.addf %parallel_loop3A_428, %parallel_loop3A_417 : vector<16xf32>
        %parallel_loop3A_430 = arith.index_cast %parallel_loop3A_361 : i32 to index
        %parallel_loop3A_431 = arith.constant 32 : index
        %parallel_loop3A_432 = tpu.vector_load %arg15[%parallel_loop3A_430, %parallel_loop3A_431] {strides = array<i32>} : memref<96x128xf32, #tpu.memory_space<vmem>>, vector<1x16xf32>,
        %parallel_loop3A_433 = vector.shape_cast %parallel_loop3A_432 : vector<1x16xf32> to vector<16xf32>
        %parallel_loop3A_434 = vector.shape_cast %parallel_loop3A_429 : vector<16xf32> to vector<1x16xf32>
        tpu.vector_store %arg15[%parallel_loop3A_430, %parallel_loop3A_431], %parallel_loop3A_434 {strides = array<i32>} : memref<96x128xf32, #tpu.memory_space<vmem>>, vector<1x16xf32>,
        %parallel_loop3A_435 = arith.index_cast %parallel_loop3A_361 : i32 to index
        %parallel_loop3A_436 = arith.constant 48 : index
        %parallel_loop3A_437 = tpu.vector_load %arg15[%parallel_loop3A_435, %parallel_loop3A_436] {strides = array<i32>} : memref<96x128xf32, #tpu.memory_space<vmem>>, vector<1x16xf32>,
        %parallel_loop3A_438 = vector.shape_cast %parallel_loop3A_437 : vector<1x16xf32> to vector<16xf32>
        %parallel_loop3A_439 = arith.constant 11.3137083 : f32
        %parallel_loop3A_440 = vector.broadcast %parallel_loop3A_439 : f32 to vector<16xf32>
        %parallel_loop3A_441 = arith.mulf %parallel_loop3A_438, %parallel_loop3A_440 : vector<16xf32>
        %parallel_loop3A_442 = arith.addf %parallel_loop3A_441, %parallel_loop3A_421 : vector<16xf32>
        %parallel_loop3A_443 = arith.index_cast %parallel_loop3A_361 : i32 to index
        %parallel_loop3A_444 = arith.constant 48 : index
        %parallel_loop3A_445 = tpu.vector_load %arg15[%parallel_loop3A_443, %parallel_loop3A_444] {strides = array<i32>} : memref<96x128xf32, #tpu.memory_space<vmem>>, vector<1x16xf32>,
        %parallel_loop3A_446 = vector.shape_cast %parallel_loop3A_445 : vector<1x16xf32> to vector<16xf32>
        %parallel_loop3A_447 = vector.shape_cast %parallel_loop3A_442 : vector<16xf32> to vector<1x16xf32>
        tpu.vector_store %arg15[%parallel_loop3A_443, %parallel_loop3A_444], %parallel_loop3A_447 {strides = array<i32>} : memref<96x128xf32, #tpu.memory_space<vmem>>, vector<1x16xf32>,
        %parallel_loop3A_448 = arith.constant 104 : i32
        %parallel_loop3A_449 = arith.addi %parallel_loop3A_448, %parallel_loop3A_361 : i32
        %parallel_loop3A_450 = arith.constant 64 : i32
        %parallel_loop3A_451 = arith.muli %parallel_loop3A_449, %parallel_loop3A_450 : i32
        %parallel_loop3A_452 = arith.constant 32 : i32
        %parallel_loop3A_453 = arith.addi %parallel_loop3A_451, %parallel_loop3A_452 : i32
        %parallel_loop3A_454 = arith.index_cast %parallel_loop3A_453 : i32 to index
        %parallel_loop3A_455 = tpu.vector_load %arg7[%parallel_loop3A_454] {strides = array<i32>} : memref<12800xi32, #tpu.memory_space<vmem>>, vector<16xi32>,
        %parallel_loop3A_456 = vector.shape_cast %parallel_loop3A_455 : vector<16xi32> to vector<16xi32>
        %parallel_loop3A_457 = arith.constant 16 : i32
        %parallel_loop3A_458 = vector.broadcast %parallel_loop3A_457 : i32 to vector<16xi32>
        %parallel_loop3A_459 = arith.shli %parallel_loop3A_456, %parallel_loop3A_458 : vector<16xi32>
        %parallel_loop3A_460 = tpu.bitcast %parallel_loop3A_459 : vector<16xi32> -> vector<16xf32>
        %parallel_loop3A_461 = arith.constant -65536 : i32
        %parallel_loop3A_462 = vector.broadcast %parallel_loop3A_461 : i32 to vector<16xi32>
        %parallel_loop3A_463 = arith.andi %parallel_loop3A_456, %parallel_loop3A_462 : vector<16xi32>
        %parallel_loop3A_464 = tpu.bitcast %parallel_loop3A_463 : vector<16xi32> -> vector<16xf32>
        %parallel_loop3A_465 = arith.index_cast %parallel_loop3A_361 : i32 to index
        %parallel_loop3A_466 = arith.constant 64 : index
        %parallel_loop3A_467 = tpu.vector_load %arg15[%parallel_loop3A_465, %parallel_loop3A_466] {strides = array<i32>} : memref<96x128xf32, #tpu.memory_space<vmem>>, vector<1x16xf32>,
        %parallel_loop3A_468 = vector.shape_cast %parallel_loop3A_467 : vector<1x16xf32> to vector<16xf32>
        %parallel_loop3A_469 = arith.constant 11.3137083 : f32
        %parallel_loop3A_470 = vector.broadcast %parallel_loop3A_469 : f32 to vector<16xf32>
        %parallel_loop3A_471 = arith.mulf %parallel_loop3A_468, %parallel_loop3A_470 : vector<16xf32>
        %parallel_loop3A_472 = arith.addf %parallel_loop3A_471, %parallel_loop3A_460 : vector<16xf32>
        %parallel_loop3A_473 = arith.index_cast %parallel_loop3A_361 : i32 to index
        %parallel_loop3A_474 = arith.constant 64 : index
        %parallel_loop3A_475 = tpu.vector_load %arg15[%parallel_loop3A_473, %parallel_loop3A_474] {strides = array<i32>} : memref<96x128xf32, #tpu.memory_space<vmem>>, vector<1x16xf32>,
        %parallel_loop3A_476 = vector.shape_cast %parallel_loop3A_475 : vector<1x16xf32> to vector<16xf32>
        %parallel_loop3A_477 = vector.shape_cast %parallel_loop3A_472 : vector<16xf32> to vector<1x16xf32>
        tpu.vector_store %arg15[%parallel_loop3A_473, %parallel_loop3A_474], %parallel_loop3A_477 {strides = array<i32>} : memref<96x128xf32, #tpu.memory_space<vmem>>, vector<1x16xf32>,
        %parallel_loop3A_478 = arith.index_cast %parallel_loop3A_361 : i32 to index
        %parallel_loop3A_479 = arith.constant 80 : index
        %parallel_loop3A_480 = tpu.vector_load %arg15[%parallel_loop3A_478, %parallel_loop3A_479] {strides = array<i32>} : memref<96x128xf32, #tpu.memory_space<vmem>>, vector<1x16xf32>,
        %parallel_loop3A_481 = vector.shape_cast %parallel_loop3A_480 : vector<1x16xf32> to vector<16xf32>
        %parallel_loop3A_482 = arith.constant 11.3137083 : f32
        %parallel_loop3A_483 = vector.broadcast %parallel_loop3A_482 : f32 to vector<16xf32>
        %parallel_loop3A_484 = arith.mulf %parallel_loop3A_481, %parallel_loop3A_483 : vector<16xf32>
        %parallel_loop3A_485 = arith.addf %parallel_loop3A_484, %parallel_loop3A_464 : vector<16xf32>
        %parallel_loop3A_486 = arith.index_cast %parallel_loop3A_361 : i32 to index
        %parallel_loop3A_487 = arith.constant 80 : index
        %parallel_loop3A_488 = tpu.vector_load %arg15[%parallel_loop3A_486, %parallel_loop3A_487] {strides = array<i32>} : memref<96x128xf32, #tpu.memory_space<vmem>>, vector<1x16xf32>,
        %parallel_loop3A_489 = vector.shape_cast %parallel_loop3A_488 : vector<1x16xf32> to vector<16xf32>
        %parallel_loop3A_490 = vector.shape_cast %parallel_loop3A_485 : vector<16xf32> to vector<1x16xf32>
        tpu.vector_store %arg15[%parallel_loop3A_486, %parallel_loop3A_487], %parallel_loop3A_490 {strides = array<i32>} : memref<96x128xf32, #tpu.memory_space<vmem>>, vector<1x16xf32>,
        %parallel_loop3A_491 = arith.constant 104 : i32
        %parallel_loop3A_492 = arith.addi %parallel_loop3A_491, %parallel_loop3A_361 : i32
        %parallel_loop3A_493 = arith.constant 64 : i32
        %parallel_loop3A_494 = arith.muli %parallel_loop3A_492, %parallel_loop3A_493 : i32
        %parallel_loop3A_495 = arith.constant 48 : i32
        %parallel_loop3A_496 = arith.addi %parallel_loop3A_494, %parallel_loop3A_495 : i32
        %parallel_loop3A_497 = arith.index_cast %parallel_loop3A_496 : i32 to index
        %parallel_loop3A_498 = tpu.vector_load %arg7[%parallel_loop3A_497] {strides = array<i32>} : memref<12800xi32, #tpu.memory_space<vmem>>, vector<16xi32>,
        %parallel_loop3A_499 = vector.shape_cast %parallel_loop3A_498 : vector<16xi32> to vector<16xi32>
        %parallel_loop3A_500 = arith.constant 16 : i32
        %parallel_loop3A_501 = vector.broadcast %parallel_loop3A_500 : i32 to vector<16xi32>
        %parallel_loop3A_502 = arith.shli %parallel_loop3A_499, %parallel_loop3A_501 : vector<16xi32>
        %parallel_loop3A_503 = tpu.bitcast %parallel_loop3A_502 : vector<16xi32> -> vector<16xf32>
        %parallel_loop3A_504 = arith.constant -65536 : i32
        %parallel_loop3A_505 = vector.broadcast %parallel_loop3A_504 : i32 to vector<16xi32>
        %parallel_loop3A_506 = arith.andi %parallel_loop3A_499, %parallel_loop3A_505 : vector<16xi32>
        %parallel_loop3A_507 = tpu.bitcast %parallel_loop3A_506 : vector<16xi32> -> vector<16xf32>
        %parallel_loop3A_508 = arith.index_cast %parallel_loop3A_361 : i32 to index
        %parallel_loop3A_509 = arith.constant 96 : index
        %parallel_loop3A_510 = tpu.vector_load %arg15[%parallel_loop3A_508, %parallel_loop3A_509] {strides = array<i32>} : memref<96x128xf32, #tpu.memory_space<vmem>>, vector<1x16xf32>,
        %parallel_loop3A_511 = vector.shape_cast %parallel_loop3A_510 : vector<1x16xf32> to vector<16xf32>
        %parallel_loop3A_512 = arith.constant 11.3137083 : f32
        %parallel_loop3A_513 = vector.broadcast %parallel_loop3A_512 : f32 to vector<16xf32>
        %parallel_loop3A_514 = arith.mulf %parallel_loop3A_511, %parallel_loop3A_513 : vector<16xf32>
        %parallel_loop3A_515 = arith.addf %parallel_loop3A_514, %parallel_loop3A_503 : vector<16xf32>
        %parallel_loop3A_516 = arith.index_cast %parallel_loop3A_361 : i32 to index
        %parallel_loop3A_517 = arith.constant 96 : index
        %parallel_loop3A_518 = tpu.vector_load %arg15[%parallel_loop3A_516, %parallel_loop3A_517] {strides = array<i32>} : memref<96x128xf32, #tpu.memory_space<vmem>>, vector<1x16xf32>,
        %parallel_loop3A_519 = vector.shape_cast %parallel_loop3A_518 : vector<1x16xf32> to vector<16xf32>
        %parallel_loop3A_520 = vector.shape_cast %parallel_loop3A_515 : vector<16xf32> to vector<1x16xf32>
        tpu.vector_store %arg15[%parallel_loop3A_516, %parallel_loop3A_517], %parallel_loop3A_520 {strides = array<i32>} : memref<96x128xf32, #tpu.memory_space<vmem>>, vector<1x16xf32>,
        %parallel_loop3A_521 = arith.index_cast %parallel_loop3A_361 : i32 to index
        %parallel_loop3A_522 = arith.constant 112 : index
        %parallel_loop3A_523 = tpu.vector_load %arg15[%parallel_loop3A_521, %parallel_loop3A_522] {strides = array<i32>} : memref<96x128xf32, #tpu.memory_space<vmem>>, vector<1x16xf32>,
        %parallel_loop3A_524 = vector.shape_cast %parallel_loop3A_523 : vector<1x16xf32> to vector<16xf32>
        %parallel_loop3A_525 = arith.constant 11.3137083 : f32
        %parallel_loop3A_526 = vector.broadcast %parallel_loop3A_525 : f32 to vector<16xf32>
        %parallel_loop3A_527 = arith.mulf %parallel_loop3A_524, %parallel_loop3A_526 : vector<16xf32>
        %parallel_loop3A_528 = arith.addf %parallel_loop3A_527, %parallel_loop3A_507 : vector<16xf32>
        %parallel_loop3A_529 = arith.index_cast %parallel_loop3A_361 : i32 to index
        %parallel_loop3A_530 = arith.constant 112 : index
        %parallel_loop3A_531 = tpu.vector_load %arg15[%parallel_loop3A_529, %parallel_loop3A_530] {strides = array<i32>} : memref<96x128xf32, #tpu.memory_space<vmem>>, vector<1x16xf32>,
        %parallel_loop3A_532 = vector.shape_cast %parallel_loop3A_531 : vector<1x16xf32> to vector<16xf32>
        %parallel_loop3A_533 = vector.shape_cast %parallel_loop3A_528 : vector<16xf32> to vector<1x16xf32>
        tpu.vector_store %arg15[%parallel_loop3A_529, %parallel_loop3A_530], %parallel_loop3A_533 {strides = array<i32>} : memref<96x128xf32, #tpu.memory_space<vmem>>, vector<1x16xf32>,
      } {sc.loop_unroll_factor = 4 : i64, sc.parallel_access}
      %dma_wait3A_331 = arith.constant 0 : i32
      %dma_wait3A_332 = arith.constant 0 : i32
      %dma_wait3A_333 = tpu.memref_slice %arg5[%dma_wait3A_331, %dma_wait3A_332] : memref<204800x128xf32, #tpu.memory_space<hbm>> -> memref<96x128xf32, #tpu.memory_space<hbm>>
      %dma_wait3A_334 = arith.constant 0 : i32
      %dma_wait3A_335 = arith.constant 0 : i32
      %dma_wait3A_336 = tpu.memref_slice %arg5[%dma_wait3A_334, %dma_wait3A_335] : memref<204800x128xf32, #tpu.memory_space<hbm>> -> memref<96x128xf32, #tpu.memory_space<hbm>>
      tpu.wait_dma2 semaphore(%arg27 : memref<!tpu.dma_semaphore, #tpu.memory_space<semaphore_mem>>) src(%arg11 : memref<96x128xf32, #tpu.memory_space<vmem>>) dst(%dma_wait3A_336 : memref<96x128xf32, #tpu.memory_space<hbm>>)
      %mul3A_337 = arith.constant 8 : i32
      %mul3A_338 = arith.muli %mul3A_337, %add3A_53 : i32
      %add3A_339 = arith.constant 7 : i32
      %add3A_340 = arith.addi %mul3A_338, %add3A_339 : i32
      %add3A_341 = arith.constant 4 : i32
      %add3A_342 = arith.addi %add3A_340, %add3A_341 : i32
      %lt3A_343 = arith.constant 64 : i32
      %lt3A_344 = arith.cmpi slt, %add3A_342, %lt3A_343 : i32
      %convert_element_type3A_345 = arith.extui %lt3A_344 : i1 to i32
      %cond3A_346 = arith.constant 0 : i32
      %cond3A_347 = arith.cmpi ne, %convert_element_type3A_345, %cond3A_346 : i32
      scf.if %cond3A_347 {
        %add3A_361 = arith.constant 1 : i32
        %add3A_362 = arith.addi %add3A_53, %add3A_361 : i32
        %mul3A_363 = arith.constant 4 : i32
        %mul3A_364 = arith.muli %add3A_362, %mul3A_363 : i32
        %add3A_365 = arith.constant 1 : i32
        %add3A_366 = arith.addi %mul3A_364, %add3A_365 : i32
        %mul3A_367 = arith.constant 200 : i32
        %mul3A_368 = arith.muli %add3A_366, %mul3A_367 : i32
        %add3A_369 = arith.constant 104 : i32
        %add3A_370 = arith.addi %mul3A_368, %add3A_369 : i32
        %dma_start3A_371 = tpu.memref_slice %arg6[%add3A_370] : memref<6400xi32, #tpu.memory_space<vmem>> -> memref<96xi32, #tpu.memory_space<vmem>>
        %dma_start3A_372 = arith.constant 0 : i32
        %dma_start3A_373 = arith.constant 0 : i32
        %dma_start3A_374 = tpu.memref_slice %arg2[%dma_start3A_372, %dma_start3A_373] : memref<1000000x128xf32, #tpu.memory_space<hbm>> -> memref<1000000x128xf32, #tpu.memory_space<hbm>>
        tpu.enqueue_indirect_dma source(%dma_start3A_374 : memref<1000000x128xf32, #tpu.memory_space<hbm>>) target(%arg11 : memref<96x128xf32, #tpu.memory_space<vmem>>) offsets(%dma_start3A_371 : memref<96xi32, #tpu.memory_space<vmem>>) semaphore(%arg19 : memref<!tpu.dma_semaphore, #tpu.memory_space<semaphore_mem>>)
      } else {
      }
      %mul3A_348 = arith.constant 4 : i32
      %mul3A_349 = arith.muli %add3A_53, %mul3A_348 : i32
      %add3A_350 = arith.constant 3 : i32
      %add3A_351 = arith.addi %mul3A_349, %add3A_350 : i32
      %mul3A_352 = arith.constant 200 : i32
      %mul3A_353 = arith.muli %add3A_351, %mul3A_352 : i32
      %add3A_354 = arith.constant 104 : i32
      %add3A_355 = arith.addi %mul3A_353, %add3A_354 : i32
      %add3A_356 = arith.addi %mul3A_2, %add3A_355 : i32
      %dma_start3A_357 = arith.constant 0 : i32
      %dma_start3A_358 = tpu.memref_slice %arg5[%add3A_356, %dma_start3A_357] : memref<204800x128xf32, #tpu.memory_space<hbm>> -> memref<96x128xf32, #tpu.memory_space<hbm>>
      %dma_start3A_359 = arith.constant 0 : i32
      %dma_start3A_360 = tpu.memref_slice %arg5[%add3A_356, %dma_start3A_359] : memref<204800x128xf32, #tpu.memory_space<hbm>> -> memref<96x128xf32, #tpu.memory_space<hbm>>
      tpu.enqueue_dma source(%arg15 : memref<96x128xf32, #tpu.memory_space<vmem>>) target(%dma_start3A_360 : memref<96x128xf32, #tpu.memory_space<hbm>>) target_semaphore(%arg31 : memref<!tpu.dma_semaphore, #tpu.memory_space<semaphore_mem>>)
    }
    %scan3A_25 = arith.constant 8 : i32
    %dma_wait3A = arith.constant 0 : i32
    %dma_wait3A_26 = arith.constant 0 : i32
    %dma_wait3A_27 = tpu.memref_slice %arg5[%dma_wait3A, %dma_wait3A_26] : memref<204800x128xf32, #tpu.memory_space<hbm>> -> memref<104x128xf32, #tpu.memory_space<hbm>>
    %dma_wait3A_28 = arith.constant 0 : i32
    %dma_wait3A_29 = arith.constant 0 : i32
    %dma_wait3A_30 = tpu.memref_slice %arg5[%dma_wait3A_28, %dma_wait3A_29] : memref<204800x128xf32, #tpu.memory_space<hbm>> -> memref<104x128xf32, #tpu.memory_space<hbm>>
    tpu.wait_dma2 semaphore(%arg28 : memref<!tpu.dma_semaphore, #tpu.memory_space<semaphore_mem>>) src(%arg12 : memref<104x128xf32, #tpu.memory_space<vmem>>) dst(%dma_wait3A_30 : memref<104x128xf32, #tpu.memory_space<hbm>>)
    %dma_wait3A_31 = arith.constant 0 : i32
    %dma_wait3A_32 = arith.constant 0 : i32
    %dma_wait3A_33 = tpu.memref_slice %arg5[%dma_wait3A_31, %dma_wait3A_32] : memref<204800x128xf32, #tpu.memory_space<hbm>> -> memref<96x128xf32, #tpu.memory_space<hbm>>
    %dma_wait3A_34 = arith.constant 0 : i32
    %dma_wait3A_35 = arith.constant 0 : i32
    %dma_wait3A_36 = tpu.memref_slice %arg5[%dma_wait3A_34, %dma_wait3A_35] : memref<204800x128xf32, #tpu.memory_space<hbm>> -> memref<96x128xf32, #tpu.memory_space<hbm>>
    tpu.wait_dma2 semaphore(%arg29 : memref<!tpu.dma_semaphore, #tpu.memory_space<semaphore_mem>>) src(%arg13 : memref<96x128xf32, #tpu.memory_space<vmem>>) dst(%dma_wait3A_36 : memref<96x128xf32, #tpu.memory_space<hbm>>)
    %dma_wait3A_37 = arith.constant 0 : i32
    %dma_wait3A_38 = arith.constant 0 : i32
    %dma_wait3A_39 = tpu.memref_slice %arg5[%dma_wait3A_37, %dma_wait3A_38] : memref<204800x128xf32, #tpu.memory_space<hbm>> -> memref<104x128xf32, #tpu.memory_space<hbm>>
    %dma_wait3A_40 = arith.constant 0 : i32
    %dma_wait3A_41 = arith.constant 0 : i32
    %dma_wait3A_42 = tpu.memref_slice %arg5[%dma_wait3A_40, %dma_wait3A_41] : memref<204800x128xf32, #tpu.memory_space<hbm>> -> memref<104x128xf32, #tpu.memory_space<hbm>>
    tpu.wait_dma2 semaphore(%arg30 : memref<!tpu.dma_semaphore, #tpu.memory_space<semaphore_mem>>) src(%arg14 : memref<104x128xf32, #tpu.memory_space<vmem>>) dst(%dma_wait3A_42 : memref<104x128xf32, #tpu.memory_space<hbm>>)
    %dma_wait3A_43 = arith.constant 0 : i32
    %dma_wait3A_44 = arith.constant 0 : i32
    %dma_wait3A_45 = tpu.memref_slice %arg5[%dma_wait3A_43, %dma_wait3A_44] : memref<204800x128xf32, #tpu.memory_space<hbm>> -> memref<96x128xf32, #tpu.memory_space<hbm>>
    %dma_wait3A_46 = arith.constant 0 : i32
    %dma_wait3A_47 = arith.constant 0 : i32
    %dma_wait3A_48 = tpu.memref_slice %arg5[%dma_wait3A_46, %dma_wait3A_47] : memref<204800x128xf32, #tpu.memory_space<hbm>> -> memref<96x128xf32, #tpu.memory_space<hbm>>
    tpu.wait_dma2 semaphore(%arg31 : memref<!tpu.dma_semaphore, #tpu.memory_space<semaphore_mem>>) src(%arg15 : memref<96x128xf32, #tpu.memory_space<vmem>>) dst(%dma_wait3A_48 : memref<96x128xf32, #tpu.memory_space<hbm>>)
    return
  }
}

</mosaic_0001>

<sc_bundles>
// kernel: kernel.3.cloned.1.call-start
scs
__scs_entry_jumppad:
0x0: {  	(pc) =	sbr.rel $0x88, $3  }
0x1: {  	(tag) =	ssettag $0x0;
	lr =	simm.s32 $0x1  }
0x2: {  	[smem:$0x3F9F] =	sst lr;
	_ =	strace $0xD0000000  }
0x3: {  	_ = 	snop  }
0x4: {  	_ = 	snop  }
0x5: {  	_ = 	snop  }
0x6: {  	_ = 	snop  }
0x7: {  	_ = 	snop  }
__scs_overlays_trampoline_lowered:
0x8: {  	[smem:$0x3FAE] =	sst s0  }
0x9: {  	[smem:$0x3FAF] =	sst s1  }
0xa: {  	[smem:$0x3FB0] =	sst s2  }
0xb: {  	[smem:$0x3FB1] =	sst s3  }
0xc: {  	[smem:$0x3FB2] =	sst s4  }
0xd: {  	[smem:$0x3FB3] =	sst s5  }
0xe: {  	[smem:$0x3FB4] =	sst s6  }
0xf: {  	[smem:$0x3FB5] =	sst s7  }
0x10: {  	[smem:$0x3FB6] =	sst s8  }
0x11: {  	[smem:$0x3FB7] =	sst s9;
	s0 =	simm.s32 @!p0 $0x0  }
0x12: {  	s1 =	sld [smem:$0x3F9D];
	s0 =	simm.s32 @p0 $0x1  }
0x13: {  	[smem:$0x3FB8] =	sst s0;
	s0 =	simm.s32 @!p1 $0x0  }
0x14: {  	s2 =	sld [smem:$0x3F9C];
	s0 =	simm.s32 @p1 $0x1  }
0x15: {  	[smem:$0x3FB9] =	sst s0;
	s0 =	simm.s32 @!p2 $0x0  }
0x16: {  	s3 =	sld [smem:$0x3FDB];
	s0 =	simm.s32 @p2 $0x1  }
0x17: {  	s4 =	simm.s32 $0x1BF5;
	[smem:$0x3FBB] =	sst s0  }
0x18: {  	s0 =	sld [smem:$0x3F9E];
	_ =	swait.ge [sflag:s4], $0x0  }
0x19: {  	s7 =	sld [smem:$0x3F9F]  }
0x1a: {  	s8 =	sadd.s32 $0xFFFFE003, lr  }
0x1b: {  	s9 =	sadd.s32 $0xFFFFFEF7, lr;
	s5 =	simm.s32 $0xFFFFFFFF;
	p2 =	slt.u32 s8, $0xFFFFF086  }
0x1c: {  	p1 =	slt.u32 s9, $0xF7A;
	s5 =	simm.s32 @!p2 $0x0  }
0x1d: {  	s5 =	simm.s32 @p1 $0x1;
	p0 =	seq.s32 s7, s2  }
0x1e: {  	s7 =	smul.u32 @!p0 $0xF7A, s2;
	p2 =	seq.s32 @!p0 s5, $0x0  }
0x1f: {  	s9 =	smul.u32 $0xF7A, s1;
	s8 =	simm.s32 @!p0 $0x1BF5;
	p2 =	por !p2, p0  }
0x20: {  	[sflag:s8] =	ssyncset.s32 @!p0 $0xFFFFF086;
	s6 =	sadd.s32 @!p0 s3, s7;
	s7 =	simm.s32 @!p0 $0x108  }
0x21: {  	s3 =	sadd.s32 s3, s9;
	s6 =	sadd.s32 @!p0 $0x88, s6;
	s7 =	simm.s32 @p2 $0x1082  }
0x22: {  	[simem:s7], [sflag:s8] =	dma.local @!p0 [hbm:s6], $0xF7A  }
0x23: {  	s9 =	sor.u32 $0xD0000000, s2;
	s6 =	simm.s32 $0x108;
	_ =	swait.ge @!p0 [sflag:s8], $0x0  }
0x24: {  	s3 =	sadd.s32 $0x88, s3;
	s6 =	simm.s32 @!p1 $0x1082;
	[sflag:s4] =	ssyncset.s32 $0xFFFFF086  }
0x25: {  	[simem:s6], [sflag:s4] =	dma.local [hbm:s3], $0xF7A  }
0x26: {  	[smem:$0x3F9F] =	sst s1;
	(tag) =	ssettag s2;
	_ =	strace s9  }
0x27: {  	s1 =	sld [smem:$0x3FAF]  }
0x28: {  	s2 =	sld [smem:$0x3FB0]  }
0x29: {  	s4 =	sld [smem:$0x3FB2]  }
0x2a: {  	p0 =	seq.s32 s5, $0x0;
	s5 =	sld [smem:$0x3FB3]  }
0x2b: {  	s6 =	sld [smem:$0x3FB4]  }
0x2c: {  	s7 =	sld [smem:$0x3FB5]  }
0x2d: {  	s3 =	simm.s32 $0x108;
	s8 =	sld [smem:$0x3FB6]  }
0x2e: {  	s3 =	simm.s32 @!p0 $0x1082;
	s9 =	sld [smem:$0x3FB7]  }
0x2f: {  	lr =	sadd.s32 s0, s3;
	s0 =	sld [smem:$0x3FAE]  }
0x30: {  	s3 =	sld [smem:$0x3FB1]  }
0x31: {  	[smem:$0x3FBA] =	sst s10  }
0x32: {  	s10 =	sld [smem:$0x3FB8];
	_ =	sdelay $0x3  }
0x33: {  	p0 =	seq.s32 s10, $0x1;
	s10 =	sld [smem:$0x3FBA];
	_ =	sdelay $0x3  }
0x34: {  	[smem:$0x3FBA] =	sst s10  }
0x35: {  	s10 =	sld [smem:$0x3FB9];
	_ =	sdelay $0x3  }
0x36: {  	p1 =	seq.s32 s10, $0x1;
	s10 =	sld [smem:$0x3FBA];
	_ =	sdelay $0x3  }
0x37: {  	[smem:$0x3FBA] =	sst s10  }
0x38: {  	s10 =	sld [smem:$0x3FBB]  }
0x39: {  	_ = 	snop;
	(pc) =	sbr.ind lr, $3  }
0x3a: {  	_ = 	snop  }
0x3b: {  	_ = 	snop  }
0x3c: {  	p2 =	seq.s32 s10, $0x1;
	s10 =	sld [smem:$0x3FBA]  }
0x3d: {  	_ =	shalt  }
0x3e: {  	_ =	shalt  }
0x3f: {  	_ =	shalt  }
0x40: {  	_ =	shalt  }
0x41: {  	_ =	shalt  }
0x42: {  	_ =	shalt  }
0x43: {  	_ =	shalt  }
0x44: {  	_ =	shalt  }
0x45: {  	_ =	shalt  }
0x46: {  	_ =	shalt  }
0x47: {  	_ =	shalt  }
0x48: {  	_ =	shalt  }
0x49: {  	_ =	shalt  }
0x4a: {  	_ =	shalt  }
0x4b: {  	_ =	shalt  }
0x4c: {  	_ =	shalt  }
0x4d: {  	_ =	shalt  }
0x4e: {  	_ =	shalt  }
0x4f: {  	_ =	shalt  }
0x50: {  	_ =	shalt  }
0x51: {  	_ =	shalt  }
0x52: {  	_ =	shalt  }
0x53: {  	_ =	shalt  }
0x54: {  	_ =	shalt  }
0x55: {  	_ =	shalt  }
0x56: {  	_ =	shalt  }
0x57: {  	_ =	shalt  }
0x58: {  	_ =	shalt  }
0x59: {  	_ =	shalt  }
0x5a: {  	_ =	shalt  }
0x5b: {  	_ =	shalt  }
0x5c: {  	_ =	shalt  }
0x5d: {  	_ =	shalt  }
0x5e: {  	_ =	shalt  }
0x5f: {  	_ =	shalt  }
0x60: {  	_ =	shalt  }
0x61: {  	_ =	shalt  }
0x62: {  	_ =	shalt  }
0x63: {  	_ =	shalt  }
0x64: {  	_ =	shalt  }
0x65: {  	_ =	shalt  }
0x66: {  	_ =	shalt  }
0x67: {  	_ =	shalt  }
0x68: {  	_ =	shalt  }
0x69: {  	_ =	shalt  }
0x6a: {  	_ =	shalt  }
0x6b: {  	_ =	shalt  }
0x6c: {  	_ =	shalt  }
0x6d: {  	_ =	shalt  }
0x6e: {  	_ =	shalt  }
0x6f: {  	_ =	shalt  }
0x70: {  	_ =	shalt  }
0x71: {  	_ =	shalt  }
0x72: {  	_ =	shalt  }
0x73: {  	_ =	shalt  }
0x74: {  	_ =	shalt  }
0x75: {  	_ =	shalt  }
0x76: {  	_ =	shalt  }
0x77: {  	_ =	shalt  }
0x78: {  	_ =	shalt  }
0x79: {  	_ =	shalt  }
0x7a: {  	_ =	shalt  }
0x7b: {  	_ =	shalt  }
0x7c: {  	_ =	shalt  }
0x7d: {  	_ =	shalt  }
0x7e: {  	_ =	shalt  }
0x7f: {  	_ =	shalt  }
0x80: {  	_ =	shalt  }
0x81: {  	_ =	shalt  }
0x82: {  	_ =	shalt  }
0x83: {  	_ =	shalt  }
0x84: {  	_ =	shalt  }
0x85: {  	_ =	shalt  }
0x86: {  	_ =	shalt  }
0x87: {  	_ =	shalt  }
.Lfunc_end0:
.L_simem_size_0:
called_computation_lowered:
.L_overlay_start_0:
0x88: {  	s2 =	sld [smem:$0x3FD9]  }
0x89: {  	s3 =	sld [smem:$0x3FFE];
	_ =	sdelay $0x1  }
0x8a: {  	s1 =	srdreg.scid  }
0x8b: {  	s0 =	sand.u32 $0x1, s1  }
0x8c: {  	s17 =	sshll.u32 s0, $0xA;
	s2 =	sadd.s32 s3, s2  }
0x8d: {  	s2 =	sadd.s32 s2, s17  }
0x8e: {  	[smem:$0x3FC6] =	sst s2  }
0x8f: {  	_ = 	snop  }
0x90: {  	s2 =	sld [smem:$0x3FC8]  }
0x91: {  	s18 =	sld [smem:$0x3FD0];
	(tm) =	ssettm $0x1  }
0x92: {  	s4 =	sld [smem:$0x3FFB];
	_ =	sdelay $0x3  }
0x93: {  	_ =	strace s4  }
0x94: {  	s4 =	sld [smem:$0x3FFC];
	_ =	sdelay $0x3  }
0x95: {  	_ =	strace s4  }
0x96: {  	s4 =	sld [smem:$0x3FFD];
	_ =	sdelay $0x3  }
0x97: {  	_ =	strace s4  }
0x98: {  	_ =	strace $0x8FFFFFFF  }
0x99: {  	s19 =	sld [smem:$0x3FDB];
	_ =	sdelay $0x1  }
0x9a: {  	s5 =	simm.s32 $_scs_section_size  }
0x9b: {  	s6 =	simm.s32 $_size__tile_overlayer_lowered;
	s7 =	simm.s32 $_tile_overlayer_lowered  }
0x9c: {  	s22 =	simm.s32 $0x1BFF;
	s21 =	sshll.u32 s7, $0x1;
	s4 =	sadd.s32 s5, s19  }
0x9d: {  	s8 =	simm.s32 $0x0;
	s20 =	sshll.u32 s6, $0x1;
	s6 =	sadd.s32 s21, s4  }
0x9e: {  	[timem:s8], [sflag:s22] =	dma.local [hbm:s6], s20  }
0x9f: {  	_ =	swait.ge [sflag:s22], s20  }
0xa0: {  	s5 =	ssub.s32 $0x0, s20;
	[sflag:s22] =	ssyncset.done $0x0  }
0xa1: {  	[sflag:s22] =	ssyncadd.s32 s5;
	_ =	sdelay $0x1  }
0xa2: {  	s23 =	simm.s32 $0x1B8B  }
0xa3: {  	_ =	swait.ge [sflag:s23], $0x1  }
0xa4: {  	[sflag:s23] =	ssyncset.done $0x0  }
0xa5: {  	s25 =	simm.s32 $0x1B8E;
	s24 =	sld [smem:$0x3FFE];
	[sflag:s23] =	ssyncadd.s32 $0xFFFFFFFF  }
0xa6: {  	s26 =	simm.s32 $execute0_lowered;
	[smem:$0x3FD2] =	sst s25  }
0xa7: {  	s6 =	sshll.u32 s26, $0x1;
	_ =	strace $0x80000046;
	[dreg:$0x1] =	wrdreg $0xFFFFFFFF  }
0xa8: {  	s28 =	simm.s32 $_size_execute0_lowered;
	s4 =	sadd.s32 s4, s6;
	[dreg:$0x0] =	wrdreg $0x0  }
0xa9: {  	s6 =	sshll.u32 s28, $0x1;
	[dreg:$0x2] =	wrdreg s4  }
0xaa: {  	[dreg:$0x3] =	wrdreg s6  }
0xab: {  	[dreg:$0x4] =	wrdreg $0xC0  }
0xac: {  	_ =	task [dreg:s8], $0x5FFFF  }
0xad: {  	[dreg:$0x1] =	wrdreg $0xFFFFFFFF  }
0xae: {  	[dreg:$0x0] =	wrdreg $0x60  }
0xaf: {  	[dreg:$0x2] =	wrdreg s2  }
0xb0: {  	[dreg:$0x3] =	wrdreg s24  }
0xb1: {  	[dreg:$0x4] =	wrdreg s18  }
0xb2: {  	[dreg:$0x5] =	wrdreg $0x9  }
0xb3: {  	_ =	task.clear_ibuf [dreg:s8], $0x6FFFF;
	_ =	strace $0x90000046  }
0xb4: {  	s29 =	simm.s32 $0x9;
	_ =	strace $0x80000048  }
0xb5: {  	_ =	swait.ge [sflag:s29], $0x1  }
0xb6: {  	[sflag:s29] =	ssyncadd.s32 $0xFFFFFFFF  }
0xb7: {  	_ =	strace $0x90000048  }
0xb8: {  	_ =	sfence  }
0xb9: {  	s30 =	sld [smem:$0x0];
	_ =	sdelay $0x2  }
0xba: {  	s31 =	sshll.u32 s1, $0xD;
	s1 =	sshrl.u32 s1, $0x2  }
0xbb: {  	s3 =	sand.u32 $0x4000, s31;
	s1 =	sadd.s32 s1, s30  }
0xbc: {  	s0 =	sor.u32 s3, s0;
	s1 =	sshll.u32 s1, $0x11  }
0xbd: {  	s0 =	sor.u32 s1, s0  }
0xbe: {  	s0 =	sadd.s32 $0x8F2B, s0  }
0xbf: {  	[sflag:s0] =	ssyncadd.remote.s32 $0x1  }
0xc0: {  	_ =	sfence.sel $0xFFFF  }
0xc1: {  	[dreg:$0x0] =	wrdreg $0xFFFFFFFF;
	(pc) =	sbr.abs _section_cstart, $3  }
0xc2: {  	[dreg:$0x1] =	wrdreg $0xFFFFFFFF  }
0xc3: {  	_ =	task.clear_ibuf [dreg:s8], $0x2FFFF;
	_ =	strace $0x9FFFFFFF  }
0xc4: {  	(tm) =	ssettm $0x7FFFFFFF  }
0xc5: {  	_ =	shalt  }
tec
execute0_lowered:
.L_overlay_start_1:
0x0: {  	(tag) =	ssettag $0x1  }
0x1: {  	s1 =	rddreg [dreg:$0x0]  }
0x2: {  	s0 =	srdreg.scid;
	s3 =	stileid.u32  }
0x3: {  	s2 =	rddreg [dreg:$0x1];
	s30 =	simm.s32 $0x11300;
	s29 =	simm.s32 $0x4  }
0x4: {  	s31 =	simm.s32 $0x5;
	s13 =	simm.s32 $0xA;
	s18 =	simm.s32 $0x7  }
0x5: {  	s20 =	simm.s32 $0xB;
	s0 =	sand.u32 $0x1, s0;
	s4 =	sshll.u32 s3, $0x1  }
0x6: {  	s10 =	simm.s32 $0x0;
	s5 =	sor.u32 s0, s4;
	s4 =	simm.s32 $0x0  }
0x7: {  	s0 =	ssub.s32 $0x2, s0;
	s5 =	smul.u32 $0x1900, s5;
	[smem:$0x7FF] =	sst s4  }
0x8: {  	s3 =	rddreg [dreg:$0x2];
	s7 =	sshrl.u32 s0, $0x1;
	_ =	strace $0x80000047  }
0x9: {  	s0 =	ssub.s32 s0, s7;
	s7 =	simm.s32 $0xC;
	s25 =	sor.u32 $0x68, s5  }
0xa: {  	s6 =	sshrl.u32 s5, $0x3;
	s26 =	sor.u32 $0xC8, s5;
	[dreg:$0x6] =	wrdreg s25  }
0xb: {  	s28 =	sadd.s32 $0x130, s5;
	s0 =	smax.u32 s0, $0x1;
	[dreg:$0x7] =	wrdreg s26  }
0xc: {  	s6 =	sadd.s32 s6, s2;
	s2 =	sadd.s32 $0x6800, s2;
	[dreg:$0x8] =	wrdreg s28  }
0xd: {  	[dreg:$0x9] =	wrdreg s0;
	s26 =	simm.s32 $0x3;
	s0 =	simm.s32 $0x6  }
0xe: {  	[dreg:$0x4] =	wrdreg s2;
	s24 =	sadd.s32 $0x400, s6;
	s2 =	simm.s32 $0x9  }
0xf: {  	s6 =	simm.s32 $0x8;
	[dreg:$0x5] =	wrdreg s24;
	s24 =	simm.s32 $0x68  }
.LBB2_1:
0x10: {  	[dreg:$0xa] =	wrdreg s10  }
0x11: {  	s8 =	rddreg [dreg:$0x5];
	s9 =	simm.s32 $0x11  }
0x12: {  	[tilespmem:s4], [sflag:$0x11] =	stream.linear.gather [hbm4b:s8+s4], $0x1900, $0x38;
	[tilespmem:$0x1DB00] =	vst v63  }
0x13: {  	_ =	swait.ge [sflag:s9], $0x1900  }
0x14: {  	[sflag:s9] =	ssyncset.done $0x0  }
0x15: {  	s16 =	simm.s32 $0x1900;
	s15 =	rddreg [dreg:$0x4];
	[sflag:s9] =	ssyncadd.s32 $0xFFFFE700  }
0x16: {  	[tilespmem:s16], [sflag:$0x11] =	stream.linear.gather [hbm4b:s15+s4], $0x3200, $0x38;
	[tilespmem:$0x1DB00] =	vst v63  }
0x17: {  	_ =	swait.ge [sflag:s9], $0x3200  }
0x18: {  	[sflag:s9] =	ssyncset.done $0x0  }
0x19: {  	s17 =	simm.s32 $0x4B00;
	[sflag:s9] =	ssyncadd.s32 $0xFFFFCE00  }
0x1a: {  	[tilespmem:s17], [sflag:$0x1] =	stream.indirect.gather [hbm4b:s1+s24], $0x80, s4, s24, $0xb8;
	[tilespmem:$0x1DB00] =	vst v63  }
0x1b: {  	s19 =	simm.s32 $0x60;
	s21 =	simm.s32 $0x7F00  }
0x1c: {  	[tilespmem:s21], [sflag:$0x2] =	stream.indirect.gather [hbm4b:s1+s19], $0x80, s24, s19, $0xb8;
	[tilespmem:$0x1DB00] =	vst v63  }
0x1d: {  	s22 =	simm.s32 $0xC8;
	s23 =	simm.s32 $0xAF00  }
0x1e: {  	[tilespmem:s23], [sflag:$0x3] =	stream.indirect.gather [hbm4b:s1+s24], $0x80, s22, s24, $0xb8;
	[tilespmem:$0x1DB00] =	vst v63  }
0x1f: {  	s25 =	simm.s32 $0x130;
	s28 =	simm.s32 $0xE300;
	s12 =	simm.s32 $0x0  }
0x20: {  	[tilespmem:s28], [sflag:$0x4] =	stream.indirect.gather [hbm4b:s1+s19], $0x80, s25, s19, $0xb8;
	[tilespmem:$0x1DB00] =	vst v63  }
.LBB2_2:
0x21: {  	s8 =	simm.s32 $0x1  }
0x22: {  	_ =	swait.ge [sflag:s8], $0x3400  }
0x23: {  	[sflag:s8] =	ssyncset.done $0x0  }
0x24: {  	s11 =	simm.s32 $0x4C00;
	[sflag:s8] =	ssyncadd.s32 $0xFFFFCC00  }
0x25: {  	s10 =	simm.s32 $0x1980;
	v0 =	vld [tilespmem:s11+$0x80]  }
0x26: {  	v1 =	vld [tilespmem:s10+$0x40]  }
0x27: {  	v2 =	vld [tilespmem:s11+$0x90]  }
0x28: {  	v3 =	vld [tilespmem:s11+$0xFFFFFF00]  }
0x29: {  	v5 =	vld [tilespmem:s11+$0xFFFFFF10]  }
0x2a: {  	v6 =	vld [tilespmem:s11+$0xFFFFFF90]  }
0x2b: {  	v7 =	vld [tilespmem:s11+$0xB0]  }
0x2c: {  	v8 =	vld [tilespmem:s11+$0x0];
	v0 =	vmul.f32 $1.131370830e+01, v0  }
0x2d: {  	v9 =	vld [tilespmem:s11+$0x10];
	v4 =	vshll.u32 v1, $0x10;
	v2 =	vmul.f32 $1.131370830e+01, v2  }
0x2e: {  	v10 =	vld [tilespmem:s10+$0x0];
	v1 =	vand.u32 $0xFFFF0000, v1;
	v0 =	vadd.f32 v4, v0  }
0x2f: {  	v4 =	vld [tilespmem:s11+$0xFFFFFF80];
	v1 =	vadd.f32 v1, v2  }
0x30: {  	s28 =	simm.s32 $0xC0;
	v2 =	vld [tilespmem:s10+$0xFFFFFFC0];
	[tilespmem:s11+$0x80] =	vst v0  }
0x31: {  	s9 =	sor.u32 $0x50, s28;
	v0 =	vld [tilespmem:s11+$0xA0];
	[tilespmem:s11+$0x90] =	vst v1  }
0x32: {  	v1 =	vld [tilespmem:s9+$0x1900]  }
0x33: {  	v12 =	vld [tilespmem:s10+$0xFFFFFF80]  }
0x34: {  	v13 =	vld [tilespmem:s11+$0xFFFFFF20];
	v6 =	vmul.f32 $1.131370830e+01, v6  }
0x35: {  	v14 =	vld [tilespmem:s11+$0xFFFFFFC0];
	v4 =	vmul.f32 $1.131370830e+01, v4;
	v11 =	vshll.u32 v2, $0x10;
	v2 =	vand.u32 $0xFFFF0000, v2  }
0x36: {  	v15 =	vld [tilespmem:s11+$0xFFFFFF60];
	v2 =	vadd.f32 v2, v6;
	v0 =	vmul.f32 $1.131370830e+01, v0  }
0x37: {  	v7 =	vmul.f32 $1.131370830e+01, v7;
	v6 =	vld [tilespmem:s11+$0xFFFFFF30];
	v4 =	vadd.f32 v11, v4;
	v11 =	vshll.u32 v1, $0x10  }
0x38: {  	v1 =	vand.u32 $0xFFFF0000, v1;
	[tilespmem:s11+$0xFFFFFF90] =	vst v2;
	v2 =	vld [tilespmem:s11+$0xC0];
	v0 =	vadd.f32 v11, v0  }
0x39: {  	[tilespmem:s11+$0xFFFFFF80] =	vst v4;
	v4 =	vld [tilespmem:s11+$0xFFFFFFA0];
	v1 =	vadd.f32 v1, v7  }
0x3a: {  	[tilespmem:s11+$0xA0] =	vst v0;
	v0 =	vmul.f32 $1.131370830e+01, v3;
	v3 =	vmul.f32 $1.131370830e+01, v5;
	v5 =	vld [tilespmem:s11+$0xFFFFFFB0]  }
0x3b: {  	v7 =	vshll.u32 v12, $0x10;
	[tilespmem:s11+$0xB0] =	vst v1;
	v1 =	vmul.f32 $1.131370830e+01, v8;
	v8 =	vand.u32 $0xFFFF0000, v12;
	v12 =	vld [tilespmem:s11+$0x20]  }
0x3c: {  	s15 =	sor.u32 $0x60, s28;
	v0 =	vadd.f32 v7, v0;
	v7 =	vld [tilespmem:s11+$0xD0]  }
0x3d: {  	v11 =	vshll.u32 v10, $0x10;
	v3 =	vadd.f32 v8, v3;
	v8 =	vld [tilespmem:s15+$0x1900]  }
0x3e: {  	v1 =	vadd.f32 v11, v1;
	v11 =	vld [tilespmem:s11+$0xFFFFFF40];
	s15 =	simm.s32 $0x4E00  }
0x3f: {  	v18 =	vld [tilespmem:s15+$0xFFFFFF10]  }
0x40: {  	v33 =	vld [tilespmem:s15+$0xFFFFFF80]  }
0x41: {  	v9 =	vmul.f32 $1.131370830e+01, v9;
	v19 =	vld [tilespmem:s15+$0xFFFFFF90];
	[tilespmem:s11+$0xFFFFFF00] =	vst v0  }
0x42: {  	v10 =	vand.u32 $0xFFFF0000, v10;
	v20 =	vld [tilespmem:s15+$0xB0];
	[tilespmem:s11+$0xFFFFFF10] =	vst v3  }
0x43: {  	s16 =	simm.s32 $0x40;
	v0 =	vadd.f32 v10, v9;
	v9 =	vld [tilespmem:s10+$0xFFFFFF90]  }
0x44: {  	s14 =	sor.u32 $0x50, s16;
	v21 =	vld [tilespmem:s15+$0x0];
	[tilespmem:s11+$0x0] =	vst v1  }
0x45: {  	v1 =	vld [tilespmem:s14+$0x1900];
	[tilespmem:s11+$0x10] =	vst v0;
	v0 =	vmul.f32 $1.131370830e+01, v2  }
0x46: {  	v22 =	vld [tilespmem:s15+$0x10];
	v10 =	vshll.u32 v8, $0x10;
	v7 =	vmul.f32 $1.131370830e+01, v7  }
0x47: {  	v26 =	vld [tilespmem:s15+$0xFFFFFF20];
	v8 =	vand.u32 $0xFFFF0000, v8;
	v0 =	vadd.f32 v10, v0;
	v10 =	vmul.f32 $1.131370830e+01, v13  }
0x48: {  	v6 =	vmul.f32 $1.131370830e+01, v6;
	v3 =	vld [tilespmem:s11+$0x30];
	v7 =	vadd.f32 v8, v7;
	v8 =	vshll.u32 v9, $0x10  }
0x49: {  	v2 =	vld [tilespmem:s10+$0x10];
	[tilespmem:s11+$0xC0] =	vst v0;
	v0 =	vmul.f32 $1.131370830e+01, v4;
	v4 =	vand.u32 $0xFFFF0000, v9;
	v8 =	vadd.f32 v8, v10  }
0x4a: {  	v5 =	vmul.f32 $1.131370830e+01, v5;
	v13 =	vld [tilespmem:s11+$0xFFFFFF50];
	[tilespmem:s11+$0xD0] =	vst v7;
	v7 =	vshll.u32 v1, $0x10;
	v4 =	vadd.f32 v4, v6  }
0x4b: {  	s8 =	sor.u32 $0x70, s28;
	v6 =	vld [tilespmem:s11+$0xF0];
	v1 =	vand.u32 $0xFFFF0000, v1;
	v7 =	vadd.f32 v7, v0;
	[tilespmem:s11+$0xFFFFFF20] =	vst v8  }
0x4c: {  	v0 =	vld [tilespmem:s8+$0x1900];
	v1 =	vadd.f32 v1, v5;
	[tilespmem:s11+$0xFFFFFF30] =	vst v4  }
0x4d: {  	v3 =	vmul.f32 $1.131370830e+01, v3;
	v10 =	vmul.f32 $1.131370830e+01, v12;
	[tilespmem:s11+$0xFFFFFFA0] =	vst v7;
	v7 =	vld [tilespmem:s10+$0xFFFFFFA0]  }
0x4e: {  	s17 =	sor.u32 $0x60, s16;
	v9 =	vld [tilespmem:s11+$0xFFFFFFD0];
	v8 =	vshll.u32 v2, $0x10;
	v2 =	vand.u32 $0xFFFF0000, v2;
	[tilespmem:s11+$0xFFFFFFB0] =	vst v1  }
0x4f: {  	v4 =	vadd.f32 v8, v10;
	v2 =	vadd.f32 v2, v3;
	v10 =	vld [tilespmem:s17+$0x1900]  }
0x50: {  	v35 =	vld [tilespmem:s15+$0xFFFFFF30];
	v1 =	vmul.f32 $1.131370830e+01, v6  }
0x51: {  	v36 =	vld [tilespmem:s15+$0xFFFFFFA0];
	[tilespmem:s11+$0x30] =	vst v2;
	v2 =	vmul.f32 $1.131370830e+01, v11;
	v6 =	vand.u32 $0xFFFF0000, v0  }
0x52: {  	v38 =	vld [tilespmem:s15+$0xC0];
	v11 =	vmul.f32 $1.131370830e+01, v13;
	v6 =	vadd.f32 v6, v1;
	v13 =	vshll.u32 v7, $0x10  }
0x53: {  	v41 =	vld [tilespmem:s15+$0xD0];
	v9 =	vmul.f32 $1.131370830e+01, v9;
	v7 =	vand.u32 $0xFFFF0000, v7;
	v13 =	vadd.f32 v13, v2  }
0x54: {  	[tilespmem:s11+$0xF0] =	vst v6;
	v6 =	vshll.u32 v10, $0x10;
	v7 =	vadd.f32 v7, v11;
	v11 =	vld [tilespmem:s15+$0x80];
	v10 =	vand.u32 $0xFFFF0000, v10  }
0x55: {  	s8 =	simm.s32 $0x1A80;
	v9 =	vadd.f32 v10, v9;
	v10 =	vld [tilespmem:s15+$0x90]  }
0x56: {  	[tilespmem:s11+$0xFFFFFF40] =	vst v13;
	v13 =	vld [tilespmem:s8+$0x40]  }
0x57: {  	v46 =	vld [tilespmem:s15+$0xFFFFFFB0]  }
0x58: {  	v14 =	vmul.f32 $1.131370830e+01, v14;
	v51 =	vld [tilespmem:s15+$0xFFFFFF40]  }
0x59: {  	v55 =	vld [tilespmem:s15+$0xF0]  }
0x5a: {  	v60 =	vld [tilespmem:s15+$0xFFFFFF70];
	v14 =	vadd.f32 v6, v14;
	[tilespmem:s11+$0xFFFFFFD0] =	vst v9;
	v9 =	vmul.f32 $1.131370830e+01, v11  }
0x5b: {  	v8 =	vld [tilespmem:s11+$0x50];
	[tilespmem:s11+$0x20] =	vst v4;
	v10 =	vmul.f32 $1.131370830e+01, v10;
	v17 =	vshll.u32 v13, $0x10  }
0x5c: {  	s9 =	sor.u32 $0x70, s16;
	v16 =	vld [tilespmem:s10+$0x20];
	[tilespmem:s11+$0xFFFFFFC0] =	vst v14;
	v13 =	vand.u32 $0xFFFF0000, v13;
	v9 =	vadd.f32 v17, v9  }
0x5d: {  	[tilespmem:s11+$0xFFFFFF50] =	vst v7;
	v7 =	vld [tilespmem:s9+$0x1900];
	v10 =	vadd.f32 v13, v10  }
0x5e: {  	s9 =	simm.s32 $0x1C0;
	v13 =	vld [tilespmem:s8+$0xFFFFFFC0];
	[tilespmem:s15+$0x80] =	vst v9  }
0x5f: {  	s19 =	sor.u32 $0x50, s9;
	v9 =	vld [tilespmem:s15+$0xA0];
	[tilespmem:s15+$0x90] =	vst v10  }
0x60: {  	v10 =	vld [tilespmem:s19+$0x1900]  }
0x61: {  	v61 =	vld [tilespmem:s15+$0xFFFFFFF0]  }
0x62: {  	v8 =	vmul.f32 $1.131370830e+01, v8;
	v11 =	vld [tilespmem:s15+$0xFFFFFF00]  }
0x63: {  	v23 =	vld [tilespmem:s8+$0xFFFFFF80];
	v45 =	vshll.u32 v16, $0x10;
	v16 =	vand.u32 $0xFFFF0000, v16;
	v17 =	vmul.f32 $1.131370830e+01, v33  }
0x64: {  	v12 =	vld [tilespmem:s11+$0x40];
	v8 =	vadd.f32 v16, v8;
	v24 =	vshll.u32 v13, $0x10;
	v9 =	vmul.f32 $1.131370830e+01, v9  }
0x65: {  	v39 =	vmul.f32 $1.131370830e+01, v19;
	v14 =	vld [tilespmem:s10+$0xFFFFFFB0];
	v17 =	vadd.f32 v24, v17;
	v34 =	vshll.u32 v10, $0x10  }
0x66: {  	v20 =	vmul.f32 $1.131370830e+01, v20;
	v25 =	vld [tilespmem:s8+$0x0];
	[tilespmem:s11+$0x50] =	vst v8;
	v13 =	vand.u32 $0xFFFF0000, v13;
	v9 =	vadd.f32 v34, v9  }
0x67: {  	v5 =	vld [tilespmem:s11+$0xFFFFFFF0];
	v11 =	vmul.f32 $1.131370830e+01, v11;
	v13 =	vadd.f32 v13, v39;
	[tilespmem:s15+$0xFFFFFF80] =	vst v17;
	v10 =	vand.u32 $0xFFFF0000, v10  }
0x68: {  	s16 =	simm.s32 $0x140;
	v3 =	vld [tilespmem:s11+$0xFFFFFFE0];
	v37 =	vshll.u32 v23, $0x10;
	v10 =	vadd.f32 v10, v20;
	[tilespmem:s15+$0xA0] =	vst v9;
	v9 =	vmul.f32 $1.131370830e+01, v18  }
0x69: {  	v15 =	vmul.f32 $1.131370830e+01, v15;
	s22 =	sor.u32 $0x50, s16;
	v4 =	vld [tilespmem:s11+$0xFFFFFF70];
	v40 =	vand.u32 $0xFFFF0000, v23;
	v11 =	vadd.f32 v37, v11;
	[tilespmem:s15+$0xFFFFFF90] =	vst v13  }
0x6a: {  	v22 =	vmul.f32 $1.131370830e+01, v22;
	s21 =	sor.u32 $0x60, s9;
	v48 =	vshll.u32 v14, $0x10;
	v47 =	vld [tilespmem:s22+$0x1900];
	[tilespmem:s15+$0xB0] =	vst v10;
	v9 =	vadd.f32 v40, v9  }
0x6b: {  	v21 =	vmul.f32 $1.131370830e+01, v21;
	v43 =	vand.u32 $0xFFFF0000, v25;
	v8 =	vadd.f32 v48, v15;
	[tilespmem:s15+$0xFFFFFF00] =	vst v11;
	v11 =	vld [tilespmem:s21+$0x1900]  }
0x6c: {  	v1 =	vld [tilespmem:s11+$0x60];
	v42 =	vshll.u32 v25, $0x10;
	v13 =	vadd.f32 v43, v22;
	[tilespmem:s15+$0xFFFFFF10] =	vst v9  }
0x6d: {  	v19 =	vmul.f32 $1.131370830e+01, v41;
	v12 =	vmul.f32 $1.131370830e+01, v12;
	[tilespmem:s11+$0xFFFFFF60] =	vst v8;
	v18 =	vadd.f32 v42, v21;
	v44 =	vld [tilespmem:s8+$0xFFFFFF90]  }
0x6e: {  	v53 =	vmul.f32 $1.131370830e+01, v35;
	v2 =	vld [tilespmem:s11+$0x70];
	v17 =	vmul.f32 $1.131370830e+01, v36;
	[tilespmem:s15+$0x10] =	vst v13  }
0x6f: {  	v12 =	vadd.f32 v45, v12;
	v13 =	vmul.f32 $1.131370830e+01, v38;
	v10 =	vld [tilespmem:s15+$0x20];
	[tilespmem:s15+$0x0] =	vst v18;
	v8 =	vshll.u32 v47, $0x10  }
0x70: {  	v54 =	vmul.f32 $1.131370830e+01, v46;
	v49 =	vld [tilespmem:s8+$0x10];
	v8 =	vadd.f32 v8, v17;
	v50 =	vshll.u32 v11, $0x10  }
0x71: {  	[tilespmem:s11+$0x40] =	vst v12;
	v12 =	vmul.f32 $1.131370830e+01, v26;
	v9 =	vld [tilespmem:s15+$0x30];
	v11 =	vand.u32 $0xFFFF0000, v11;
	v13 =	vadd.f32 v50, v13  }
0x72: {  	v5 =	vmul.f32 $1.131370830e+01, v5;
	v6 =	vld [tilespmem:s11+$0xE0];
	[tilespmem:s15+$0xFFFFFFA0] =	vst v8;
	v11 =	vadd.f32 v11, v19;
	v52 =	vshll.u32 v44, $0x10  }
0x73: {  	v4 =	vmul.f32 $1.131370830e+01, v4;
	v15 =	vld [tilespmem:s15+$0xFFFFFF50];
	[tilespmem:s15+$0xC0] =	vst v13;
	v21 =	vand.u32 $0xFFFF0000, v44;
	v12 =	vadd.f32 v52, v12  }
0x74: {  	v3 =	vmul.f32 $1.131370830e+01, v3;
	v14 =	vand.u32 $0xFFFF0000, v14;
	v8 =	vld [tilespmem:s15+$0x50];
	[tilespmem:s15+$0xD0] =	vst v11;
	v18 =	vadd.f32 v21, v53  }
0x75: {  	s23 =	sor.u32 $0x70, s9;
	v4 =	vadd.f32 v14, v4;
	v16 =	vand.u32 $0xFFFF0000, v47;
	v10 =	vmul.f32 $1.131370830e+01, v10;
	v13 =	vld [tilespmem:s15+$0xFFFFFFC0];
	[tilespmem:s15+$0xFFFFFF20] =	vst v12  }
0x76: {  	v16 =	vadd.f32 v16, v54;
	v9 =	vmul.f32 $1.131370830e+01, v9;
	v56 =	vld [tilespmem:s23+$0x1900];
	v12 =	vshll.u32 v49, $0x10;
	[tilespmem:s15+$0xFFFFFF30] =	vst v18  }
0x77: {  	v1 =	vmul.f32 $1.131370830e+01, v1;
	[tilespmem:s11+$0xFFFFFF70] =	vst v4;
	v57 =	vand.u32 $0xFFFF0000, v49;
	v10 =	vadd.f32 v12, v10;
	v59 =	vld [tilespmem:s8+$0xFFFFFFA0]  }
0x78: {  	s25 =	sor.u32 $0x60, s16;
	v58 =	vshll.u32 v7, $0x10;
	v7 =	vand.u32 $0xFFFF0000, v7;
	[tilespmem:s15+$0xFFFFFFB0] =	vst v16;
	v11 =	vld [tilespmem:s15+$0xFFFFFFD0];
	v9 =	vadd.f32 v57, v9  }
0x79: {  	v6 =	vmul.f32 $1.131370830e+01, v6;
	v3 =	vadd.f32 v58, v3;
	v5 =	vadd.f32 v7, v5;
	[tilespmem:s15+$0x20] =	vst v10;
	v10 =	vld [tilespmem:s25+$0x1900]  }
0x7a: {  	v7 =	vshll.u32 v0, $0x10;
	v0 =	vmul.f32 $1.131370830e+01, v2;
	v2 =	vmul.f32 $1.131370830e+01, v55;
	[tilespmem:s15+$0x30] =	vst v9;
	v12 =	vld [tilespmem:s15+$0x40]  }
0x7b: {  	v4 =	vmul.f32 $1.131370830e+01, v51;
	[tilespmem:s11+$0xFFFFFFE0] =	vst v3;
	v3 =	vadd.f32 v7, v6;
	v6 =	vand.u32 $0xFFFF0000, v56;
	v14 =	vld [tilespmem:s8+$0x20]  }
0x7c: {  	v62 =	vld [tilespmem:s15+$0x60];
	[tilespmem:s11+$0xFFFFFFF0] =	vst v5;
	v5 =	vmul.f32 $1.131370830e+01, v15;
	v2 =	vadd.f32 v6, v2;
	v6 =	vshll.u32 v59, $0x10  }
0x7d: {  	[tilespmem:s11+$0xE0] =	vst v3;
	v9 =	vld [tilespmem:s15+$0xFFFFFF60];
	v3 =	vmul.f32 $1.131370830e+01, v13;
	v7 =	vand.u32 $0xFFFF0000, v59;
	v4 =	vadd.f32 v6, v4  }
0x7e: {  	v15 =	vld [tilespmem:s15+$0xFFFFFFE0];
	[tilespmem:s15+$0xF0] =	vst v2;
	v6 =	vmul.f32 $1.131370830e+01, v11;
	v5 =	vadd.f32 v7, v5;
	v2 =	vshll.u32 v10, $0x10  }
0x7f: {  	v11 =	vmul.f32 $1.131370830e+01, v12;
	v7 =	vand.u32 $0xFFFF0000, v10;
	v3 =	vadd.f32 v2, v3;
	[tilespmem:s15+$0xFFFFFF40] =	vst v4;
	v4 =	vld [tilespmem:s15+$0x70]  }
0x80: {  	v12 =	vmul.f32 $1.131370830e+01, v8;
	v10 =	vadd.f32 v7, v6;
	v6 =	vshll.u32 v14, $0x10;
	[tilespmem:s15+$0xFFFFFF50] =	vst v5;
	v7 =	vld [tilespmem:s15+$0xE0]  }
0x81: {  	v8 =	vmul.f32 $1.131370830e+01, v60;
	v63 =	vadd.f32 v6, v11;
	v11 =	vld [tilespmem:s8+$0xFFFFFFB0];
	[tilespmem:s15+$0xFFFFFFC0] =	vst v3;
	v3 =	vand.u32 $0xFFFF0000, v14  }
0x82: {  	s28 =	sor.u32 $0x70, s16;
	s17 =	simm.s32 $0x1B80;
	v5 =	vmul.f32 $1.131370830e+01, v9;
	v9 =	vmul.f32 $1.131370830e+01, v61;
	[tilespmem:s15+$0xFFFFFFD0] =	vst v10;
	v10 =	vld [tilespmem:s10+$0x30];
	v13 =	vadd.f32 v3, v12  }
0x83: {  	s19 =	simm.s32 $0x4E00;
	v2 =	vshll.u32 v56, $0x10;
	v6 =	vmul.f32 $1.131370830e+01, v15;
	s10 =	simm.s32 $0x4;
	v12 =	vld [tilespmem:s28+$0x1900];
	[tilespmem:s15+$0x40] =	vst v63;
	v3 =	vmul.f32 $1.131370830e+01, v62  }
.LBB2_3:
0x84: {  	v14 =	vld [tilespmem:s17+$0x40];
	[tilespmem:s15+$0x50] =	vst v13;
	v4 =	vmul.f32 $1.131370830e+01, v4;
	s19 =	sadd.s32 $0x200, s19  }
0x85: {  	v13 =	vld [tilespmem:s19+$0x80];
	v7 =	vmul.f32 $1.131370830e+01, v7  }
0x86: {  	v15 =	vld [tilespmem:s19+$0x90];
	v16 =	vshll.u32 v11, $0x10;
	v11 =	vand.u32 $0xFFFF0000, v11  }
0x87: {  	v17 =	vld [tilespmem:s19+$0xFFFFFF00];
	v5 =	vadd.f32 v16, v5;
	v16 =	vshll.u32 v10, $0x10;
	v10 =	vand.u32 $0xFFFF0000, v10  }
0x88: {  	s10 =	sadd.s32 $0x4, s10;
	v8 =	vadd.f32 v11, v8;
	v18 =	vld [tilespmem:s19+$0xFFFFFF10];
	v11 =	vshll.u32 v12, $0x10;
	v12 =	vand.u32 $0xFFFF0000, v12  }
0x89: {  	p0 =	slt.u32 s10, $0x64;
	v19 =	vld [tilespmem:s19+$0xFFFFFF80];
	[tilespmem:s15+$0xFFFFFF60] =	vst v5;
	v5 =	vadd.f32 v11, v6;
	v6 =	vadd.f32 v12, v9  }
0x8a: {  	v10 =	vadd.f32 v10, v0;
	v0 =	vmovc v4;
	v9 =	vld [tilespmem:s19+$0xFFFFFF90];
	v11 =	vmul.f32 $1.131370830e+01, v13;
	[tilespmem:s15+$0xFFFFFF70] =	vst v8;
	v8 =	vadd.f32 v16, v1  }
0x8b: {  	v2 =	vadd.f32 v2, v7;
	v12 =	vshll.u32 v14, $0x10;
	v1 =	vmovc v3;
	v4 =	vld [tilespmem:s19+$0x0];
	v13 =	vmul.f32 $1.131370830e+01, v15;
	[tilespmem:s15+$0xFFFFFFE0] =	vst v5  }
0x8c: {  	v7 =	vand.u32 $0xFFFF0000, v14;
	v3 =	vmul.f32 $1.131370830e+01, v17;
	v5 =	vld [tilespmem:s19+$0x10];
	v11 =	vadd.f32 v12, v11;
	[tilespmem:s15+$0xFFFFFFF0] =	vst v6  }
0x8d: {  	v6 =	vmul.f32 $1.131370830e+01, v18;
	v12 =	vld [tilespmem:s17+$0xFFFFFFC0];
	v7 =	vadd.f32 v7, v13;
	[tilespmem:s11+$0x60] =	vst v8  }
0x8e: {  	s9 =	sadd.s32 $0x100, s9;
	v8 =	vmul.f32 $1.131370830e+01, v19;
	[tilespmem:s19+$0x80] =	vst v11;
	v11 =	vld [tilespmem:s19+$0xA0]  }
0x8f: {  	s14 =	sadd.s32 $0xFFFFFF80, s9;
	s25 =	sor.u32 $0x50, s9;
	v9 =	vmul.f32 $1.131370830e+01, v9;
	[tilespmem:s19+$0x90] =	vst v7;
	v7 =	vld [tilespmem:s19+$0xB0]  }
0x90: {  	s16 =	sor.u32 $0x50, s14;
	s23 =	sor.u32 $0x60, s14;
	s21 =	sor.u32 $0x70, s14;
	v4 =	vmul.f32 $1.131370830e+01, v4;
	v13 =	vld [tilespmem:s25+$0x1900];
	[tilespmem:s11+$0x70] =	vst v10  }
0x91: {  	s11 =	smov.u32 s15;
	v10 =	vld [tilespmem:s17+$0x0];
	v5 =	vmul.f32 $1.131370830e+01, v5;
	[tilespmem:s15+$0xE0] =	vst v2;
	s15 =	smov.u32 s19  }
0x92: {  	v2 =	vld [tilespmem:s17+$0xFFFFFF80];
	v14 =	vshll.u32 v12, $0x10;
	v12 =	vand.u32 $0xFFFF0000, v12  }
0x93: {  	v15 =	vld [tilespmem:s19+$0xFFFFFF20];
	v8 =	vadd.f32 v14, v8;
	v9 =	vadd.f32 v12, v9  }
0x94: {  	v11 =	vmul.f32 $1.131370830e+01, v11;
	v12 =	vld [tilespmem:s19+$0xFFFFFF30]  }
0x95: {  	v7 =	vmul.f32 $1.131370830e+01, v7;
	[tilespmem:s19+$0xFFFFFF80] =	vst v8;
	v8 =	vld [tilespmem:s19+$0xFFFFFFA0];
	v14 =	vshll.u32 v13, $0x10  }
0x96: {  	v13 =	vand.u32 $0xFFFF0000, v13;
	[tilespmem:s19+$0xFFFFFF90] =	vst v9;
	v9 =	vld [tilespmem:s19+$0xFFFFFFB0];
	v16 =	vshll.u32 v10, $0x10;
	v11 =	vadd.f32 v14, v11  }
0x97: {  	v7 =	vadd.f32 v13, v7;
	v14 =	vshll.u32 v2, $0x10;
	v2 =	vand.u32 $0xFFFF0000, v2;
	v17 =	vld [tilespmem:s19+$0x20]  }
0x98: {  	v3 =	vadd.f32 v14, v3;
	v2 =	vadd.f32 v2, v6;
	v6 =	vand.u32 $0xFFFF0000, v10;
	[tilespmem:s19+$0xA0] =	vst v11;
	v10 =	vld [tilespmem:s19+$0xC0]  }
0x99: {  	s14 =	sor.u32 $0x60, s9;
	v4 =	vadd.f32 v16, v4;
	v11 =	vmul.f32 $1.131370830e+01, v15;
	v5 =	vadd.f32 v6, v5;
	[tilespmem:s19+$0xB0] =	vst v7;
	v6 =	vld [tilespmem:s19+$0xD0]  }
0x9a: {  	[tilespmem:s19+$0xFFFFFF00] =	vst v3;
	v3 =	vmul.f32 $1.131370830e+01, v12;
	v7 =	vmul.f32 $1.131370830e+01, v8;
	v8 =	vld [tilespmem:s14+$0x1900]  }
0x9b: {  	[tilespmem:s19+$0xFFFFFF10] =	vst v2;
	v2 =	vmul.f32 $1.131370830e+01, v9;
	v9 =	vld [tilespmem:s19+$0x30]  }
0x9c: {  	v12 =	vld [tilespmem:s17+$0xFFFFFF90];
	[tilespmem:s19+$0x0] =	vst v4;
	v4 =	vmul.f32 $1.131370830e+01, v17  }
0x9d: {  	v13 =	vld [tilespmem:s16+$0x1900];
	[tilespmem:s19+$0x10] =	vst v5  }
0x9e: {  	v10 =	vmul.f32 $1.131370830e+01, v10;
	v5 =	vld [tilespmem:s17+$0x10]  }
0x9f: {  	v6 =	vmul.f32 $1.131370830e+01, v6;
	v14 =	vld [tilespmem:s19+$0xFFFFFF40];
	v15 =	vshll.u32 v8, $0x10  }
0xa0: {  	v8 =	vand.u32 $0xFFFF0000, v8;
	v16 =	vld [tilespmem:s19+$0xFFFFFF50];
	v9 =	vmul.f32 $1.131370830e+01, v9;
	v10 =	vadd.f32 v15, v10  }
0xa1: {  	v6 =	vadd.f32 v8, v6;
	v15 =	vshll.u32 v12, $0x10;
	v12 =	vand.u32 $0xFFFF0000, v12;
	v17 =	vld [tilespmem:s19+$0xFFFFFFC0]  }
0xa2: {  	v8 =	vadd.f32 v15, v11;
	v11 =	vshll.u32 v13, $0x10;
	v13 =	vand.u32 $0xFFFF0000, v13;
	v15 =	vld [tilespmem:s19+$0xFFFFFFD0];
	[tilespmem:s19+$0xC0] =	vst v10  }
0xa3: {  	s14 =	sor.u32 $0x70, s9;
	v3 =	vadd.f32 v12, v3;
	v10 =	vshll.u32 v5, $0x10;
	v5 =	vand.u32 $0xFFFF0000, v5;
	[tilespmem:s19+$0xD0] =	vst v6;
	v6 =	vld [tilespmem:s19+$0xF0]  }
0xa4: {  	v7 =	vadd.f32 v11, v7;
	v2 =	vadd.f32 v13, v2;
	[tilespmem:s19+$0xFFFFFF20] =	vst v8;
	v8 =	vmul.f32 $1.131370830e+01, v14;
	v11 =	vld [tilespmem:s14+$0x1900]  }
0xa5: {  	v4 =	vadd.f32 v10, v4;
	v5 =	vadd.f32 v5, v9;
	[tilespmem:s19+$0xFFFFFF30] =	vst v3;
	v3 =	vmul.f32 $1.131370830e+01, v16;
	v9 =	vld [tilespmem:s19+$0x40]  }
0xa6: {  	[tilespmem:s19+$0xFFFFFFA0] =	vst v7;
	v7 =	vmul.f32 $1.131370830e+01, v17;
	v10 =	vld [tilespmem:s19+$0x50]  }
0xa7: {  	v12 =	vld [tilespmem:s17+$0xFFFFFFA0];
	[tilespmem:s19+$0xFFFFFFB0] =	vst v2;
	v13 =	vmul.f32 $1.131370830e+01, v15  }
0xa8: {  	v14 =	vld [tilespmem:s23+$0x1900];
	[tilespmem:s19+$0x20] =	vst v4;
	v4 =	vmul.f32 $1.131370830e+01, v6  }
0xa9: {  	v6 =	vld [tilespmem:s19+$0xFFFFFF60];
	[tilespmem:s19+$0x30] =	vst v5;
	v2 =	vshll.u32 v11, $0x10;
	v5 =	vand.u32 $0xFFFF0000, v11  }
0xaa: {  	v11 =	vld [tilespmem:s17+$0x20];
	v9 =	vmul.f32 $1.131370830e+01, v9;
	v4 =	vadd.f32 v5, v4  }
0xab: {  	v15 =	vld [tilespmem:s19+$0xFFFFFF70];
	v10 =	vmul.f32 $1.131370830e+01, v10  }
0xac: {  	v5 =	vshll.u32 v12, $0x10;
	v12 =	vand.u32 $0xFFFF0000, v12;
	v16 =	vld [tilespmem:s19+$0xFFFFFFE0];
	[tilespmem:s19+$0xF0] =	vst v4  }
0xad: {  	v4 =	vadd.f32 v5, v8;
	v8 =	vshll.u32 v14, $0x10;
	v14 =	vand.u32 $0xFFFF0000, v14;
	v17 =	vld [tilespmem:s19+$0xFFFFFFF0]  }
0xae: {  	v3 =	vadd.f32 v12, v3;
	v5 =	vmul.f32 $1.131370830e+01, v6;
	v6 =	vadd.f32 v8, v7;
	v18 =	vld [tilespmem:s19+$0x60]  }
.Ltmp0:
0xaf: {  	v12 =	vadd.f32 v14, v13;
	[tilespmem:s19+$0xFFFFFF40] =	vst v4;
	v7 =	vshll.u32 v11, $0x10;
	v11 =	vand.u32 $0xFFFF0000, v11;
	v4 =	vld [tilespmem:s19+$0x70];
	(pc) =	sbr.rel @p0 .LBB2_3-.Ltmp0, $4  }
0xb0: {  	[tilespmem:s19+$0xFFFFFF50] =	vst v3;
	v8 =	vmul.f32 $1.131370830e+01, v15;
	v3 =	vadd.f32 v7, v9;
	v13 =	vadd.f32 v11, v10;
	v7 =	vld [tilespmem:s19+$0xE0]  }
0xb1: {  	v11 =	vld [tilespmem:s17+$0xFFFFFFB0];
	[tilespmem:s19+$0xFFFFFFC0] =	vst v6;
	v6 =	vmul.f32 $1.131370830e+01, v16  }
0xb2: {  	[tilespmem:s19+$0xFFFFFFD0] =	vst v12;
	v9 =	vmul.f32 $1.131370830e+01, v17;
	v10 =	vld [tilespmem:s8+$0x30];
	s8 =	smov.u32 s17  }
0xb3: {  	s17 =	sadd.s32 $0x100, s17;
	v12 =	vld [tilespmem:s21+$0x1900];
	[tilespmem:s19+$0x40] =	vst v3;
	v3 =	vmul.f32 $1.131370830e+01, v18  }
0xb4: {  	_ =	sdelay $0x1  }
0xb5: {  	v14 =	vshll.u32 v11, $0x10  }
0xb6: {  	[tilespmem:s15+$0x50] =	vst v13;
	v7 =	vmul.f32 $1.131370830e+01, v7;
	v11 =	vand.u32 $0xFFFF0000, v11;
	v5 =	vadd.f32 v14, v5  }
0xb7: {  	v13 =	vld [tilespmem:s8+$0x30];
	v8 =	vadd.f32 v11, v8  }
0xb8: {  	v2 =	vadd.f32 v2, v7;
	v11 =	vshll.u32 v12, $0x10;
	[tilespmem:s15+$0xFFFFFF60] =	vst v5  }
0xb9: {  	v5 =	vadd.f32 v11, v6;
	v6 =	vshll.u32 v10, $0x10;
	[tilespmem:s15+$0xFFFFFF70] =	vst v8  }
0xba: {  	v8 =	vand.u32 $0xFFFF0000, v10;
	[tilespmem:s15+$0xE0] =	vst v2;
	v1 =	vadd.f32 v6, v1  }
0xbb: {  	v12 =	vand.u32 $0xFFFF0000, v12;
	v0 =	vadd.f32 v8, v0;
	[tilespmem:s15+$0xFFFFFFE0] =	vst v5  }
0xbc: {  	v4 =	vmul.f32 $1.131370830e+01, v4;
	v9 =	vadd.f32 v12, v9;
	[tilespmem:s11+$0x60] =	vst v1;
	v1 =	vshll.u32 v13, $0x10  }
0xbd: {  	[tilespmem:s11+$0x70] =	vst v0;
	v0 =	vand.u32 $0xFFFF0000, v13;
	v1 =	vadd.f32 v1, v3  }
0xbe: {  	[tilespmem:s15+$0xFFFFFFF0] =	vst v9;
	v0 =	vadd.f32 v0, v4  }
0xbf: {  	p0 =	seq.s32 s12, $0x0;
	[tilespmem:s15+$0x60] =	vst v1  }
0xc0: {  	s21 =	smul.u32 $0x320, s12;
	s8 =	simm.s32 @!p0 $0xD;
	[tilespmem:s15+$0x70] =	vst v0  }
0xc1: {  	_ =	swait.ge @!p0 [sflag:s8], $0x3400  }
0xc2: {  	s28 =	sadd.s32 s5, s21;
	[sflag:s8] =	ssyncset.done @!p0 $0x0  }
0xc3: {  	s19 =	sadd.s32 $0x190, s21;
	[sflag:s8] =	ssyncadd.s32 @!p0 $0xFFFFCC00;
	s8 =	sshll.u32 s28, $0x4  }
0xc4: {  	[tilespmem:s30], [sflag:$0x5] =	stream.indirect.gather [hbm4b:s1+s24], $0x80, s19, s24, $0xb8;
	[tilespmem:$0x1DB00] =	vst v63  }
0xc5: {  	s9 =	simm.s32 $0x4B00;
	s8 =	sadd.s32 s3, s8;
	s30 =	simm.s32 $0x2  }
0xc6: {  	[hbm4b:s8+s4] =	stream.linear.scatter [tilespmem:s9], [sflag:$0x9], $0x3400, $0x38;
	[tilespmem:$0x1DB00] =	vst v63  }
0xc7: {  	_ =	swait.ge [sflag:s30], $0x3000  }
0xc8: {  	[sflag:s30] =	ssyncset.done $0x0  }
0xc9: {  	s11 =	simm.s32 $0x8000;
	[sflag:s30] =	ssyncadd.s32 $0xFFFFD000  }
0xca: {  	s10 =	simm.s32 $0x33F0;
	v0 =	vld [tilespmem:s11+$0x80]  }
0xcb: {  	v1 =	vld [tilespmem:s10+$0xFFFFFFD0]  }
0xcc: {  	v2 =	vld [tilespmem:s11+$0x90]  }
0xcd: {  	v3 =	vld [tilespmem:s11+$0xFFFFFF00]  }
0xce: {  	v5 =	vld [tilespmem:s11+$0xFFFFFF10]  }
0xcf: {  	v6 =	vld [tilespmem:s11+$0xFFFFFF90]  }
0xd0: {  	v7 =	vld [tilespmem:s11+$0xB0]  }
0xd1: {  	v8 =	vld [tilespmem:s11+$0x0]  }
0xd2: {  	v9 =	vld [tilespmem:s11+$0x10]  }
0xd3: {  	v10 =	vld [tilespmem:s10+$0xFFFFFF90]  }
0xd4: {  	v12 =	vld [tilespmem:s10+$0xFFFFFF10];
	v0 =	vmul.f32 $1.131370830e+01, v0  }
0xd5: {  	v13 =	vld [tilespmem:s11+$0xFFFFFF20];
	v4 =	vshll.u32 v1, $0x10;
	v2 =	vmul.f32 $1.131370830e+01, v2  }
0xd6: {  	v14 =	vld [tilespmem:s11+$0xFFFFFFC0];
	v1 =	vand.u32 $0xFFFF0000, v1;
	v0 =	vadd.f32 v4, v0  }
0xd7: {  	v4 =	vld [tilespmem:s11+$0xFFFFFF80];
	v1 =	vadd.f32 v1, v2  }
0xd8: {  	v2 =	vld [tilespmem:s10+$0xFFFFFF50];
	[tilespmem:s11+$0x80] =	vst v0  }
0xd9: {  	v0 =	vld [tilespmem:s11+$0xA0];
	[tilespmem:s11+$0x90] =	vst v1  }
0xda: {  	v1 =	vld [tilespmem:s10+$0xFFFFFFE0]  }
0xdb: {  	s8 =	simm.s32 $0x8200;
	v15 =	vld [tilespmem:s11+$0xFFFFFF60]  }
0xdc: {  	v18 =	vld [tilespmem:s8+$0xFFFFFF10]  }
0xdd: {  	v34 =	vld [tilespmem:s8+$0xFFFFFF80];
	v4 =	vmul.f32 $1.131370830e+01, v4  }
0xde: {  	v19 =	vld [tilespmem:s8+$0xFFFFFF90];
	v11 =	vshll.u32 v2, $0x10;
	v0 =	vmul.f32 $1.131370830e+01, v0  }
0xdf: {  	v20 =	vld [tilespmem:s8+$0xB0];
	v6 =	vmul.f32 $1.131370830e+01, v6;
	v4 =	vadd.f32 v11, v4;
	v11 =	vshll.u32 v1, $0x10  }
0xe0: {  	v21 =	vld [tilespmem:s8+$0x0];
	v7 =	vmul.f32 $1.131370830e+01, v7;
	v2 =	vand.u32 $0xFFFF0000, v2;
	v0 =	vadd.f32 v11, v0  }
0xe1: {  	s9 =	simm.s32 $0x34F0;
	v22 =	vld [tilespmem:s8+$0x10];
	v2 =	vadd.f32 v2, v6;
	v1 =	vand.u32 $0xFFFF0000, v1  }
0xe2: {  	v23 =	vld [tilespmem:s9+$0xFFFFFF10];
	v1 =	vadd.f32 v1, v7;
	[tilespmem:s11+$0xA0] =	vst v0;
	v0 =	vmul.f32 $1.131370830e+01, v3  }
0xe3: {  	v25 =	vld [tilespmem:s9+$0xFFFFFF90];
	[tilespmem:s11+$0xFFFFFF90] =	vst v2;
	v7 =	vshll.u32 v12, $0x10;
	v3 =	vmul.f32 $1.131370830e+01, v5  }
0xe4: {  	v2 =	vld [tilespmem:s11+$0xC0];
	[tilespmem:s11+$0xB0] =	vst v1;
	v1 =	vmul.f32 $1.131370830e+01, v8;
	v8 =	vand.u32 $0xFFFF0000, v12;
	v0 =	vadd.f32 v7, v0  }
0xe5: {  	v7 =	vld [tilespmem:s11+$0xD0];
	v3 =	vadd.f32 v8, v3  }
0xe6: {  	v9 =	vmul.f32 $1.131370830e+01, v9;
	v8 =	vld [tilespmem:s10+$0xFFFFFFF0];
	[tilespmem:s11+$0xFFFFFF00] =	vst v0  }
0xe7: {  	v6 =	vld [tilespmem:s11+$0xFFFFFF30];
	v11 =	vshll.u32 v10, $0x10;
	v10 =	vand.u32 $0xFFFF0000, v10;
	[tilespmem:s11+$0xFFFFFF10] =	vst v3  }
0xe8: {  	v0 =	vadd.f32 v10, v9;
	v9 =	vld [tilespmem:s10+$0xFFFFFF20]  }
0xe9: {  	[tilespmem:s11+$0xFFFFFF80] =	vst v4;
	v4 =	vld [tilespmem:s11+$0xFFFFFFA0];
	v1 =	vadd.f32 v11, v1  }
0xea: {  	v26 =	vld [tilespmem:s8+$0xFFFFFF20];
	[tilespmem:s11+$0x10] =	vst v0;
	v0 =	vmul.f32 $1.131370830e+01, v2  }
0xeb: {  	v12 =	vld [tilespmem:s11+$0x20];
	[tilespmem:s11+$0x0] =	vst v1;
	v10 =	vshll.u32 v8, $0x10;
	v7 =	vmul.f32 $1.131370830e+01, v7  }
0xec: {  	v2 =	vld [tilespmem:s10+$0xFFFFFFA0];
	v8 =	vand.u32 $0xFFFF0000, v8;
	v0 =	vadd.f32 v10, v0;
	v10 =	vmul.f32 $1.131370830e+01, v13  }
0xed: {  	v6 =	vmul.f32 $1.131370830e+01, v6;
	v3 =	vld [tilespmem:s11+$0x30];
	v7 =	vadd.f32 v8, v7;
	v8 =	vshll.u32 v9, $0x10  }
0xee: {  	v36 =	vld [tilespmem:s8+$0xFFFFFF30];
	[tilespmem:s11+$0xC0] =	vst v0;
	v0 =	vmul.f32 $1.131370830e+01, v4;
	v4 =	vand.u32 $0xFFFF0000, v9;
	v8 =	vadd.f32 v8, v10  }
0xef: {  	v11 =	vld [tilespmem:s11+$0xFFFFFF40];
	v4 =	vadd.f32 v4, v6  }
0xf0: {  	v1 =	vld [tilespmem:s10+$0xFFFFFF60];
	v10 =	vmul.f32 $1.131370830e+01, v12;
	[tilespmem:s11+$0xFFFFFF20] =	vst v8  }
0xf1: {  	v13 =	vld [tilespmem:s11+$0xFFFFFF50];
	v8 =	vshll.u32 v2, $0x10;
	[tilespmem:s11+$0xFFFFFF30] =	vst v4  }
0xf2: {  	v3 =	vmul.f32 $1.131370830e+01, v3;
	v4 =	vadd.f32 v8, v10;
	v8 =	vld [tilespmem:s10+$0xFFFFFF30]  }
0xf3: {  	v37 =	vld [tilespmem:s8+$0xFFFFFFA0];
	v2 =	vand.u32 $0xFFFF0000, v2  }
0xf4: {  	v39 =	vld [tilespmem:s8+$0xC0];
	v2 =	vadd.f32 v2, v3  }
0xf5: {  	v5 =	vld [tilespmem:s11+$0xFFFFFFB0]  }
0xf6: {  	v42 =	vld [tilespmem:s8+$0xD0];
	[tilespmem:s11+$0x30] =	vst v2;
	v2 =	vmul.f32 $1.131370830e+01, v11  }
0xf7: {  	[tilespmem:s11+$0xD0] =	vst v7;
	v7 =	vshll.u32 v1, $0x10;
	v6 =	vld [tilespmem:s11+$0xF0];
	v11 =	vmul.f32 $1.131370830e+01, v13;
	v13 =	vshll.u32 v8, $0x10  }
0xf8: {  	v7 =	vadd.f32 v7, v0;
	v0 =	vld [tilespmem:s10+$0x0];
	v8 =	vand.u32 $0xFFFF0000, v8;
	v13 =	vadd.f32 v13, v2  }
0xf9: {  	v8 =	vadd.f32 v8, v11;
	v11 =	vld [tilespmem:s8+$0x80]  }
0xfa: {  	v5 =	vmul.f32 $1.131370830e+01, v5;
	[tilespmem:s11+$0xFFFFFF40] =	vst v13;
	v13 =	vld [tilespmem:s9+$0xFFFFFFD0]  }
0xfb: {  	v1 =	vand.u32 $0xFFFF0000, v1;
	[tilespmem:s11+$0xFFFFFF50] =	vst v8;
	v8 =	vld [tilespmem:s8+$0x90]  }
0xfc: {  	v47 =	vld [tilespmem:s8+$0xFFFFFFB0];
	v1 =	vadd.f32 v1, v5  }
0xfd: {  	v52 =	vld [tilespmem:s8+$0xFFFFFF40];
	[tilespmem:s11+$0xFFFFFFA0] =	vst v7  }
0xfe: {  	v56 =	vld [tilespmem:s8+$0xF0];
	[tilespmem:s11+$0xFFFFFFB0] =	vst v1;
	v1 =	vmul.f32 $1.131370830e+01, v6  }
0xff: {  	v10 =	vld [tilespmem:s10+$0xFFFFFF70];
	v6 =	vand.u32 $0xFFFF0000, v0;
	v11 =	vmul.f32 $1.131370830e+01, v11  }
0x100: {  	v9 =	vld [tilespmem:s11+$0xFFFFFFD0];
	v6 =	vadd.f32 v6, v1;
	v17 =	vshll.u32 v13, $0x10;
	v8 =	vmul.f32 $1.131370830e+01, v8  }
0x101: {  	v7 =	vld [tilespmem:s11+$0x50];
	[tilespmem:s11+$0x20] =	vst v4;
	v13 =	vand.u32 $0xFFFF0000, v13;
	v11 =	vadd.f32 v17, v11  }
0x102: {  	v16 =	vld [tilespmem:s10+$0xFFFFFFB0];
	[tilespmem:s11+$0xF0] =	vst v6;
	v8 =	vadd.f32 v13, v8  }
0x103: {  	v14 =	vmul.f32 $1.131370830e+01, v14;
	v13 =	vld [tilespmem:s9+$0xFFFFFF50];
	[tilespmem:s8+$0x80] =	vst v11  }
0x104: {  	v6 =	vshll.u32 v10, $0x10;
	v11 =	vld [tilespmem:s8+$0xA0];
	[tilespmem:s8+$0x90] =	vst v8  }
0x105: {  	v14 =	vadd.f32 v6, v14;
	v8 =	vld [tilespmem:s9+$0xFFFFFFE0]  }
0x106: {  	v59 =	vld [tilespmem:s8+$0x50];
	v40 =	vmul.f32 $1.131370830e+01, v19  }
0x107: {  	v9 =	vmul.f32 $1.131370830e+01, v9;
	v7 =	vmul.f32 $1.131370830e+01, v7;
	v10 =	vand.u32 $0xFFFF0000, v10;
	[tilespmem:s11+$0xFFFFFFC0] =	vst v14;
	v14 =	vld [tilespmem:s8+$0xFFFFFF00]  }
0x108: {  	v61 =	vld [tilespmem:s8+$0xFFFFFF70];
	v46 =	vshll.u32 v16, $0x10;
	v16 =	vand.u32 $0xFFFF0000, v16;
	v17 =	vmul.f32 $1.131370830e+01, v34  }
0x109: {  	v62 =	vld [tilespmem:s8+$0xFFFFFFF0];
	v7 =	vadd.f32 v16, v7;
	v24 =	vshll.u32 v13, $0x10;
	v11 =	vmul.f32 $1.131370830e+01, v11  }
0x10a: {  	v9 =	vadd.f32 v10, v9;
	v10 =	vld [tilespmem:s10+$0xFFFFFF40];
	v17 =	vadd.f32 v24, v17;
	v35 =	vshll.u32 v8, $0x10  }
0x10b: {  	v20 =	vmul.f32 $1.131370830e+01, v20;
	v12 =	vld [tilespmem:s11+$0x40];
	[tilespmem:s11+$0x50] =	vst v7;
	v13 =	vand.u32 $0xFFFF0000, v13;
	v11 =	vadd.f32 v35, v11  }
0x10c: {  	v5 =	vld [tilespmem:s11+$0xFFFFFFF0];
	v14 =	vmul.f32 $1.131370830e+01, v14;
	v13 =	vadd.f32 v13, v40;
	[tilespmem:s8+$0xFFFFFF80] =	vst v17;
	v8 =	vand.u32 $0xFFFF0000, v8  }
0x10d: {  	v38 =	vshll.u32 v23, $0x10;
	v3 =	vld [tilespmem:s11+$0xFFFFFFE0];
	v8 =	vadd.f32 v8, v20;
	[tilespmem:s8+$0xA0] =	vst v11;
	v11 =	vmul.f32 $1.131370830e+01, v18  }
0x10e: {  	v41 =	vand.u32 $0xFFFF0000, v23;
	v15 =	vmul.f32 $1.131370830e+01, v15;
	v4 =	vld [tilespmem:s11+$0xFFFFFF70];
	v14 =	vadd.f32 v38, v14;
	[tilespmem:s8+$0xFFFFFF90] =	vst v13  }
0x10f: {  	v22 =	vmul.f32 $1.131370830e+01, v22;
	v49 =	vshll.u32 v10, $0x10;
	v48 =	vld [tilespmem:s9+$0xFFFFFF60];
	[tilespmem:s8+$0xB0] =	vst v8;
	v11 =	vadd.f32 v41, v11  }
0x110: {  	v21 =	vmul.f32 $1.131370830e+01, v21;
	v44 =	vand.u32 $0xFFFF0000, v25;
	v7 =	vadd.f32 v49, v15;
	[tilespmem:s8+$0xFFFFFF00] =	vst v14;
	v14 =	vld [tilespmem:s9+$0xFFFFFFF0]  }
0x111: {  	v43 =	vshll.u32 v25, $0x10;
	v1 =	vld [tilespmem:s11+$0x60];
	v13 =	vadd.f32 v44, v22;
	[tilespmem:s8+$0xFFFFFF10] =	vst v11  }
0x112: {  	v19 =	vmul.f32 $1.131370830e+01, v42;
	v12 =	vmul.f32 $1.131370830e+01, v12;
	[tilespmem:s11+$0xFFFFFF60] =	vst v7;
	v18 =	vadd.f32 v43, v21;
	v45 =	vld [tilespmem:s9+$0xFFFFFF20]  }
0x113: {  	v54 =	vmul.f32 $1.131370830e+01, v36;
	v2 =	vld [tilespmem:s11+$0x70];
	v17 =	vmul.f32 $1.131370830e+01, v37;
	[tilespmem:s8+$0x10] =	vst v13  }
0x114: {  	v12 =	vadd.f32 v46, v12;
	v13 =	vmul.f32 $1.131370830e+01, v39;
	v8 =	vld [tilespmem:s8+$0x20];
	[tilespmem:s8+$0x0] =	vst v18;
	v7 =	vshll.u32 v48, $0x10  }
0x115: {  	v55 =	vmul.f32 $1.131370830e+01, v47;
	[tilespmem:s11+$0xFFFFFFD0] =	vst v9;
	v50 =	vld [tilespmem:s9+$0xFFFFFFA0];
	v7 =	vadd.f32 v7, v17;
	v51 =	vshll.u32 v14, $0x10  }
0x116: {  	[tilespmem:s11+$0x40] =	vst v12;
	v12 =	vmul.f32 $1.131370830e+01, v26;
	v11 =	vld [tilespmem:s8+$0x30];
	v14 =	vand.u32 $0xFFFF0000, v14;
	v13 =	vadd.f32 v51, v13  }
0x117: {  	v5 =	vmul.f32 $1.131370830e+01, v5;
	v6 =	vld [tilespmem:s11+$0xE0];
	[tilespmem:s8+$0xFFFFFFA0] =	vst v7;
	v14 =	vadd.f32 v14, v19;
	v53 =	vshll.u32 v45, $0x10  }
0x118: {  	v3 =	vmul.f32 $1.131370830e+01, v3;
	v9 =	vld [tilespmem:s10+$0xFFFFFF80];
	[tilespmem:s8+$0xC0] =	vst v13;
	v21 =	vand.u32 $0xFFFF0000, v45;
	v12 =	vadd.f32 v53, v12  }
0x119: {  	v4 =	vmul.f32 $1.131370830e+01, v4;
	v15 =	vld [tilespmem:s8+$0xFFFFFF50];
	v16 =	vand.u32 $0xFFFF0000, v48;
	[tilespmem:s8+$0xD0] =	vst v14;
	v18 =	vadd.f32 v21, v54  }
0x11a: {  	v16 =	vadd.f32 v16, v55;
	v8 =	vmul.f32 $1.131370830e+01, v8;
	v7 =	vand.u32 $0xFFFF0000, v10;
	v13 =	vld [tilespmem:s8+$0xFFFFFFC0];
	[tilespmem:s8+$0xFFFFFF20] =	vst v12  }
0x11b: {  	v4 =	vadd.f32 v7, v4;
	v11 =	vmul.f32 $1.131370830e+01, v11;
	v57 =	vld [tilespmem:s9+$0x0];
	v12 =	vshll.u32 v50, $0x10;
	[tilespmem:s8+$0xFFFFFF30] =	vst v18  }
0x11c: {  	v1 =	vmul.f32 $1.131370830e+01, v1;
	[tilespmem:s8+$0xFFFFFFB0] =	vst v16;
	v58 =	vand.u32 $0xFFFF0000, v50;
	v8 =	vadd.f32 v12, v8;
	v60 =	vld [tilespmem:s9+$0xFFFFFF30]  }
0x11d: {  	v7 =	vand.u32 $0xFFFF0000, v9;
	v14 =	vld [tilespmem:s8+$0xFFFFFFD0];
	[tilespmem:s11+$0xFFFFFF70] =	vst v4;
	v10 =	vadd.f32 v58, v11;
	v11 =	vshll.u32 v9, $0x10  }
0x11e: {  	v6 =	vmul.f32 $1.131370830e+01, v6;
	v5 =	vadd.f32 v7, v5;
	v3 =	vadd.f32 v11, v3;
	[tilespmem:s8+$0x20] =	vst v8;
	v8 =	vld [tilespmem:s9+$0xFFFFFF70]  }
0x11f: {  	v7 =	vshll.u32 v0, $0x10;
	v0 =	vmul.f32 $1.131370830e+01, v2;
	v2 =	vmul.f32 $1.131370830e+01, v56;
	[tilespmem:s8+$0x30] =	vst v10;
	v12 =	vld [tilespmem:s8+$0x40]  }
0x120: {  	v4 =	vmul.f32 $1.131370830e+01, v52;
	[tilespmem:s11+$0xFFFFFFE0] =	vst v3;
	v3 =	vadd.f32 v7, v6;
	v6 =	vand.u32 $0xFFFF0000, v57;
	v10 =	vld [tilespmem:s9+$0xFFFFFFB0]  }
0x121: {  	[tilespmem:s11+$0xFFFFFFF0] =	vst v5;
	v5 =	vmul.f32 $1.131370830e+01, v15;
	v15 =	vld [tilespmem:s8+$0xFFFFFFE0];
	v2 =	vadd.f32 v6, v2;
	v6 =	vshll.u32 v60, $0x10  }
0x122: {  	v9 =	vld [tilespmem:s8+$0xFFFFFF60];
	[tilespmem:s11+$0xE0] =	vst v3;
	v3 =	vmul.f32 $1.131370830e+01, v13;
	v7 =	vand.u32 $0xFFFF0000, v60;
	v4 =	vadd.f32 v6, v4  }
0x123: {  	[tilespmem:s8+$0xF0] =	vst v2;
	v6 =	vmul.f32 $1.131370830e+01, v14;
	v5 =	vadd.f32 v7, v5;
	v14 =	vld [tilespmem:s8+$0x60];
	v2 =	vshll.u32 v8, $0x10  }
0x124: {  	v11 =	vmul.f32 $1.131370830e+01, v12;
	v7 =	vand.u32 $0xFFFF0000, v8;
	v3 =	vadd.f32 v2, v3;
	[tilespmem:s8+$0xFFFFFF40] =	vst v4;
	v4 =	vld [tilespmem:s8+$0x70]  }
0x125: {  	v13 =	vmul.f32 $1.131370830e+01, v59;
	v12 =	vadd.f32 v7, v6;
	v6 =	vshll.u32 v10, $0x10;
	[tilespmem:s8+$0xFFFFFF50] =	vst v5;
	v7 =	vld [tilespmem:s8+$0xE0]  }
0x126: {  	v8 =	vmul.f32 $1.131370830e+01, v61;
	v63 =	vadd.f32 v6, v11;
	v11 =	vld [tilespmem:s9+$0xFFFFFF40];
	[tilespmem:s8+$0xFFFFFFC0] =	vst v3;
	v3 =	vand.u32 $0xFFFF0000, v10  }
0x127: {  	s17 =	simm.s32 $0x8200;
	v5 =	vmul.f32 $1.131370830e+01, v9;
	v9 =	vmul.f32 $1.131370830e+01, v62;
	[tilespmem:s8+$0xFFFFFFD0] =	vst v12;
	v10 =	vld [tilespmem:s10+$0xFFFFFFC0];
	v13 =	vadd.f32 v3, v13  }
0x128: {  	s15 =	simm.s32 $0x35F0;
	v2 =	vshll.u32 v57, $0x10;
	v6 =	vmul.f32 $1.131370830e+01, v15;
	s10 =	simm.s32 $0x4;
	v12 =	vld [tilespmem:s9+$0xFFFFFF80];
	[tilespmem:s8+$0x40] =	vst v63;
	v3 =	vmul.f32 $1.131370830e+01, v14  }
.LBB2_5:
0x129: {  	v14 =	vld [tilespmem:s15+$0xFFFFFFD0];
	[tilespmem:s8+$0x50] =	vst v13;
	v4 =	vmul.f32 $1.131370830e+01, v4;
	s17 =	sadd.s32 $0x200, s17  }
0x12a: {  	v13 =	vld [tilespmem:s17+$0x80];
	v7 =	vmul.f32 $1.131370830e+01, v7  }
0x12b: {  	v15 =	vld [tilespmem:s17+$0x90];
	v16 =	vshll.u32 v11, $0x10;
	v11 =	vand.u32 $0xFFFF0000, v11  }
0x12c: {  	v17 =	vld [tilespmem:s17+$0xFFFFFF00];
	v5 =	vadd.f32 v16, v5;
	v16 =	vshll.u32 v10, $0x10;
	v10 =	vand.u32 $0xFFFF0000, v10  }
0x12d: {  	s10 =	sadd.s32 $0x4, s10;
	v8 =	vadd.f32 v11, v8;
	v18 =	vld [tilespmem:s17+$0xFFFFFF10];
	v11 =	vshll.u32 v12, $0x10;
	v12 =	vand.u32 $0xFFFF0000, v12  }
0x12e: {  	p1 =	slt.u32 s10, $0x5C;
	v19 =	vld [tilespmem:s17+$0xFFFFFF80];
	[tilespmem:s8+$0xFFFFFF60] =	vst v5;
	v5 =	vadd.f32 v11, v6;
	v6 =	vadd.f32 v12, v9  }
0x12f: {  	v10 =	vadd.f32 v10, v0;
	v0 =	vmovc v4;
	v9 =	vld [tilespmem:s17+$0xFFFFFF90];
	v11 =	vmul.f32 $1.131370830e+01, v13;
	[tilespmem:s8+$0xFFFFFF70] =	vst v8;
	v8 =	vadd.f32 v16, v1  }
0x130: {  	v2 =	vadd.f32 v2, v7;
	v12 =	vshll.u32 v14, $0x10;
	v1 =	vmovc v3;
	v4 =	vld [tilespmem:s17+$0x0];
	v13 =	vmul.f32 $1.131370830e+01, v15;
	[tilespmem:s8+$0xFFFFFFE0] =	vst v5  }
0x131: {  	v7 =	vand.u32 $0xFFFF0000, v14;
	v3 =	vmul.f32 $1.131370830e+01, v17;
	v5 =	vld [tilespmem:s17+$0x10];
	v11 =	vadd.f32 v12, v11;
	[tilespmem:s8+$0xFFFFFFF0] =	vst v6  }
0x132: {  	v6 =	vmul.f32 $1.131370830e+01, v18;
	v12 =	vld [tilespmem:s15+$0xFFFFFF50];
	v7 =	vadd.f32 v7, v13;
	[tilespmem:s11+$0x60] =	vst v8  }
0x133: {  	v8 =	vmul.f32 $1.131370830e+01, v19;
	[tilespmem:s17+$0x80] =	vst v11;
	v11 =	vld [tilespmem:s17+$0xA0]  }
0x134: {  	v9 =	vmul.f32 $1.131370830e+01, v9;
	[tilespmem:s17+$0x90] =	vst v7;
	v7 =	vld [tilespmem:s17+$0xB0]  }
0x135: {  	v4 =	vmul.f32 $1.131370830e+01, v4;
	v13 =	vld [tilespmem:s15+$0xFFFFFFE0];
	[tilespmem:s11+$0x70] =	vst v10;
	s11 =	smov.u32 s8;
	s8 =	smov.u32 s17  }
0x136: {  	v10 =	vld [tilespmem:s15+$0xFFFFFF90];
	v5 =	vmul.f32 $1.131370830e+01, v5;
	[tilespmem:s11+$0xE0] =	vst v2  }
0x137: {  	v2 =	vld [tilespmem:s15+$0xFFFFFF10];
	v14 =	vshll.u32 v12, $0x10;
	v12 =	vand.u32 $0xFFFF0000, v12  }
0x138: {  	v15 =	vld [tilespmem:s17+$0xFFFFFF20];
	v8 =	vadd.f32 v14, v8;
	v9 =	vadd.f32 v12, v9  }
0x139: {  	v11 =	vmul.f32 $1.131370830e+01, v11;
	v12 =	vld [tilespmem:s17+$0xFFFFFF30]  }
0x13a: {  	v7 =	vmul.f32 $1.131370830e+01, v7;
	[tilespmem:s17+$0xFFFFFF80] =	vst v8;
	v8 =	vld [tilespmem:s17+$0xFFFFFFA0];
	v14 =	vshll.u32 v13, $0x10  }
0x13b: {  	v13 =	vand.u32 $0xFFFF0000, v13;
	[tilespmem:s17+$0xFFFFFF90] =	vst v9;
	v9 =	vld [tilespmem:s17+$0xFFFFFFB0];
	v16 =	vshll.u32 v10, $0x10;
	v11 =	vadd.f32 v14, v11  }
0x13c: {  	v7 =	vadd.f32 v13, v7;
	v14 =	vshll.u32 v2, $0x10;
	v2 =	vand.u32 $0xFFFF0000, v2;
	v17 =	vld [tilespmem:s17+$0x20]  }
0x13d: {  	v3 =	vadd.f32 v14, v3;
	v2 =	vadd.f32 v2, v6;
	v6 =	vand.u32 $0xFFFF0000, v10;
	[tilespmem:s17+$0xA0] =	vst v11;
	v10 =	vld [tilespmem:s17+$0xC0]  }
0x13e: {  	v4 =	vadd.f32 v16, v4;
	v11 =	vmul.f32 $1.131370830e+01, v15;
	v5 =	vadd.f32 v6, v5;
	[tilespmem:s17+$0xB0] =	vst v7;
	v6 =	vld [tilespmem:s17+$0xD0]  }
0x13f: {  	[tilespmem:s17+$0xFFFFFF00] =	vst v3;
	v3 =	vmul.f32 $1.131370830e+01, v12;
	v7 =	vmul.f32 $1.131370830e+01, v8;
	v8 =	vld [tilespmem:s15+$0xFFFFFFF0]  }
0x140: {  	[tilespmem:s17+$0xFFFFFF10] =	vst v2;
	v2 =	vmul.f32 $1.131370830e+01, v9;
	v9 =	vld [tilespmem:s17+$0x30]  }
0x141: {  	v12 =	vld [tilespmem:s15+$0xFFFFFF20];
	[tilespmem:s17+$0x0] =	vst v4;
	v4 =	vmul.f32 $1.131370830e+01, v17  }
0x142: {  	v13 =	vld [tilespmem:s15+$0xFFFFFF60];
	[tilespmem:s17+$0x10] =	vst v5  }
0x143: {  	v10 =	vmul.f32 $1.131370830e+01, v10;
	v5 =	vld [tilespmem:s15+$0xFFFFFFA0]  }
0x144: {  	v6 =	vmul.f32 $1.131370830e+01, v6;
	v14 =	vld [tilespmem:s17+$0xFFFFFF40];
	v15 =	vshll.u32 v8, $0x10  }
0x145: {  	v8 =	vand.u32 $0xFFFF0000, v8;
	v16 =	vld [tilespmem:s17+$0xFFFFFF50];
	v9 =	vmul.f32 $1.131370830e+01, v9;
	v10 =	vadd.f32 v15, v10  }
0x146: {  	v6 =	vadd.f32 v8, v6;
	v15 =	vshll.u32 v12, $0x10;
	v12 =	vand.u32 $0xFFFF0000, v12;
	v17 =	vld [tilespmem:s17+$0xFFFFFFC0]  }
0x147: {  	v8 =	vadd.f32 v15, v11;
	v11 =	vshll.u32 v13, $0x10;
	v13 =	vand.u32 $0xFFFF0000, v13;
	v15 =	vld [tilespmem:s17+$0xFFFFFFD0];
	[tilespmem:s17+$0xC0] =	vst v10  }
0x148: {  	v3 =	vadd.f32 v12, v3;
	v10 =	vshll.u32 v5, $0x10;
	v5 =	vand.u32 $0xFFFF0000, v5;
	[tilespmem:s17+$0xD0] =	vst v6;
	v6 =	vld [tilespmem:s17+$0xF0]  }
0x149: {  	v7 =	vadd.f32 v11, v7;
	v2 =	vadd.f32 v13, v2;
	[tilespmem:s17+$0xFFFFFF20] =	vst v8;
	v8 =	vmul.f32 $1.131370830e+01, v14;
	v11 =	vld [tilespmem:s15+$0x0]  }
0x14a: {  	v4 =	vadd.f32 v10, v4;
	v5 =	vadd.f32 v5, v9;
	[tilespmem:s17+$0xFFFFFF30] =	vst v3;
	v3 =	vmul.f32 $1.131370830e+01, v16;
	v9 =	vld [tilespmem:s17+$0x40]  }
0x14b: {  	[tilespmem:s17+$0xFFFFFFA0] =	vst v7;
	v7 =	vmul.f32 $1.131370830e+01, v17;
	v10 =	vld [tilespmem:s17+$0x50]  }
0x14c: {  	v12 =	vld [tilespmem:s15+$0xFFFFFF30];
	[tilespmem:s17+$0xFFFFFFB0] =	vst v2;
	v13 =	vmul.f32 $1.131370830e+01, v15  }
0x14d: {  	v14 =	vld [tilespmem:s15+$0xFFFFFF70];
	[tilespmem:s17+$0x20] =	vst v4;
	v4 =	vmul.f32 $1.131370830e+01, v6  }
0x14e: {  	v6 =	vld [tilespmem:s17+$0xFFFFFF60];
	[tilespmem:s17+$0x30] =	vst v5;
	v2 =	vshll.u32 v11, $0x10;
	v5 =	vand.u32 $0xFFFF0000, v11  }
0x14f: {  	v11 =	vld [tilespmem:s15+$0xFFFFFFB0];
	v9 =	vmul.f32 $1.131370830e+01, v9;
	v4 =	vadd.f32 v5, v4  }
0x150: {  	v15 =	vld [tilespmem:s17+$0xFFFFFF70];
	v10 =	vmul.f32 $1.131370830e+01, v10  }
0x151: {  	v5 =	vshll.u32 v12, $0x10;
	v12 =	vand.u32 $0xFFFF0000, v12;
	v16 =	vld [tilespmem:s17+$0xFFFFFFE0];
	[tilespmem:s17+$0xF0] =	vst v4  }
0x152: {  	v4 =	vadd.f32 v5, v8;
	v8 =	vshll.u32 v14, $0x10;
	v14 =	vand.u32 $0xFFFF0000, v14;
	v17 =	vld [tilespmem:s17+$0xFFFFFFF0]  }
0x153: {  	v3 =	vadd.f32 v12, v3;
	v5 =	vmul.f32 $1.131370830e+01, v6;
	v6 =	vadd.f32 v8, v7;
	v18 =	vld [tilespmem:s17+$0x60]  }
.Ltmp1:
0x154: {  	v12 =	vadd.f32 v14, v13;
	[tilespmem:s17+$0xFFFFFF40] =	vst v4;
	v7 =	vshll.u32 v11, $0x10;
	v11 =	vand.u32 $0xFFFF0000, v11;
	v4 =	vld [tilespmem:s17+$0x70];
	(pc) =	sbr.rel @p1 .LBB2_5-.Ltmp1, $4  }
0x155: {  	[tilespmem:s17+$0xFFFFFF50] =	vst v3;
	v8 =	vmul.f32 $1.131370830e+01, v15;
	v3 =	vadd.f32 v7, v9;
	v13 =	vadd.f32 v11, v10;
	v7 =	vld [tilespmem:s17+$0xE0]  }
0x156: {  	v11 =	vld [tilespmem:s15+$0xFFFFFF40];
	[tilespmem:s17+$0xFFFFFFC0] =	vst v6;
	v6 =	vmul.f32 $1.131370830e+01, v16  }
0x157: {  	[tilespmem:s17+$0xFFFFFFD0] =	vst v12;
	v9 =	vmul.f32 $1.131370830e+01, v17;
	v10 =	vld [tilespmem:s9+$0xFFFFFFC0];
	s9 =	smov.u32 s15  }
0x158: {  	s15 =	sadd.s32 $0x100, s15;
	v12 =	vld [tilespmem:s9+$0xFFFFFF80];
	[tilespmem:s17+$0x40] =	vst v3;
	v3 =	vmul.f32 $1.131370830e+01, v18  }
0x159: {  	_ =	sdelay $0x1  }
0x15a: {  	v14 =	vshll.u32 v11, $0x10  }
0x15b: {  	[tilespmem:s8+$0x50] =	vst v13;
	v7 =	vmul.f32 $1.131370830e+01, v7;
	v11 =	vand.u32 $0xFFFF0000, v11;
	v5 =	vadd.f32 v14, v5  }
0x15c: {  	v13 =	vld [tilespmem:s9+$0xFFFFFFC0];
	v8 =	vadd.f32 v11, v8  }
0x15d: {  	v2 =	vadd.f32 v2, v7;
	v11 =	vshll.u32 v12, $0x10;
	[tilespmem:s8+$0xFFFFFF60] =	vst v5  }
0x15e: {  	v5 =	vadd.f32 v11, v6;
	v6 =	vshll.u32 v10, $0x10;
	[tilespmem:s8+$0xFFFFFF70] =	vst v8  }
0x15f: {  	v8 =	vand.u32 $0xFFFF0000, v10;
	[tilespmem:s8+$0xE0] =	vst v2;
	v1 =	vadd.f32 v6, v1  }
0x160: {  	v12 =	vand.u32 $0xFFFF0000, v12;
	v0 =	vadd.f32 v8, v0;
	[tilespmem:s8+$0xFFFFFFE0] =	vst v5  }
0x161: {  	v4 =	vmul.f32 $1.131370830e+01, v4;
	v9 =	vadd.f32 v12, v9;
	[tilespmem:s11+$0x60] =	vst v1;
	v1 =	vshll.u32 v13, $0x10  }
0x162: {  	[tilespmem:s11+$0x70] =	vst v0;
	v0 =	vand.u32 $0xFFFF0000, v13;
	v1 =	vadd.f32 v1, v3  }
0x163: {  	[tilespmem:s8+$0xFFFFFFF0] =	vst v9;
	v0 =	vadd.f32 v0, v4  }
0x164: {  	[tilespmem:s8+$0x60] =	vst v1  }
0x165: {  	[tilespmem:s8+$0x70] =	vst v0;
	s8 =	simm.s32 @!p0 $0xE  }
0x166: {  	s17 =	sadd.s32 $0x1F8, s21;
	_ =	swait.ge @!p0 [sflag:s8], $0x3000  }
0x167: {  	s14 =	simm.s32 $0x60;
	[sflag:s8] =	ssyncset.done @!p0 $0x0;
	s16 =	rddreg [dreg:$0x6]  }
0x168: {  	s15 =	simm.s32 $0x14700;
	[sflag:s8] =	ssyncadd.s32 @!p0 $0xFFFFD000;
	s8 =	sadd.s32 s21, s16  }
0x169: {  	[tilespmem:s15], [sflag:$0x6] =	stream.indirect.gather [hbm4b:s1+s14], $0x80, s17, s14, $0xb8;
	[tilespmem:$0x1DB00] =	vst v63  }
0x16a: {  	s8 =	sshll.u32 s8, $0x4  }
0x16b: {  	s22 =	simm.s32 $0x7F00;
	s8 =	sadd.s32 s3, s8  }
0x16c: {  	[hbm4b:s8+s4] =	stream.linear.scatter [tilespmem:s22], [sflag:$0xA], $0x3000, $0x38;
	[tilespmem:$0x1DB00] =	vst v63  }
0x16d: {  	_ =	swait.ge [sflag:s26], $0x3400  }
0x16e: {  	[sflag:s26] =	ssyncset.done $0x0  }
0x16f: {  	s11 =	simm.s32 $0xB000;
	[sflag:s26] =	ssyncadd.s32 $0xFFFFCC00  }
0x170: {  	s10 =	simm.s32 $0x1980;
	v0 =	vld [tilespmem:s11+$0x80]  }
0x171: {  	v1 =	vld [tilespmem:s10+$0x40]  }
0x172: {  	v2 =	vld [tilespmem:s11+$0x90]  }
0x173: {  	v3 =	vld [tilespmem:s11+$0xFFFFFF00]  }
0x174: {  	v5 =	vld [tilespmem:s11+$0xFFFFFF10]  }
0x175: {  	v6 =	vld [tilespmem:s11+$0xFFFFFF90]  }
0x176: {  	v7 =	vld [tilespmem:s11+$0xB0];
	v0 =	vmul.f32 $1.131370830e+01, v0  }
0x177: {  	v8 =	vld [tilespmem:s11+$0x0];
	v4 =	vshll.u32 v1, $0x10;
	v2 =	vmul.f32 $1.131370830e+01, v2  }
0x178: {  	v9 =	vld [tilespmem:s11+$0x10];
	v1 =	vand.u32 $0xFFFF0000, v1;
	v0 =	vadd.f32 v4, v0  }
0x179: {  	v4 =	vld [tilespmem:s11+$0xFFFFFF80];
	v1 =	vadd.f32 v1, v2  }
0x17a: {  	s23 =	simm.s32 $0xC0;
	v2 =	vld [tilespmem:s10+$0xFFFFFFC0];
	[tilespmem:s11+$0x80] =	vst v0  }
0x17b: {  	s25 =	sor.u32 $0x50, s23;
	v0 =	vld [tilespmem:s11+$0xA0];
	[tilespmem:s11+$0x90] =	vst v1  }
0x17c: {  	v1 =	vld [tilespmem:s25+$0x1900]  }
0x17d: {  	v10 =	vld [tilespmem:s10+$0x0]  }
0x17e: {  	v12 =	vld [tilespmem:s10+$0xFFFFFF80];
	v6 =	vmul.f32 $1.131370830e+01, v6  }
0x17f: {  	v13 =	vld [tilespmem:s11+$0xFFFFFF20];
	v4 =	vmul.f32 $1.131370830e+01, v4;
	v11 =	vshll.u32 v2, $0x10;
	v2 =	vand.u32 $0xFFFF0000, v2  }
0x180: {  	v14 =	vld [tilespmem:s11+$0xFFFFFFC0];
	v2 =	vadd.f32 v2, v6;
	v0 =	vmul.f32 $1.131370830e+01, v0  }
0x181: {  	v15 =	vld [tilespmem:s11+$0xFFFFFF60];
	v4 =	vadd.f32 v11, v4;
	v11 =	vshll.u32 v1, $0x10  }
0x182: {  	v7 =	vmul.f32 $1.131370830e+01, v7;
	v6 =	vld [tilespmem:s11+$0xFFFFFF30];
	[tilespmem:s11+$0xFFFFFF90] =	vst v2;
	v0 =	vadd.f32 v11, v0  }
0x183: {  	v1 =	vand.u32 $0xFFFF0000, v1;
	v2 =	vld [tilespmem:s11+$0xC0];
	[tilespmem:s11+$0xFFFFFF80] =	vst v4  }
0x184: {  	v4 =	vld [tilespmem:s11+$0xFFFFFFA0];
	v1 =	vadd.f32 v1, v7;
	[tilespmem:s11+$0xA0] =	vst v0;
	v0 =	vmul.f32 $1.131370830e+01, v3  }
0x185: {  	v7 =	vshll.u32 v12, $0x10;
	v3 =	vmul.f32 $1.131370830e+01, v5;
	v5 =	vld [tilespmem:s11+$0xFFFFFFB0]  }
0x186: {  	s28 =	sor.u32 $0x60, s23;
	[tilespmem:s11+$0xB0] =	vst v1;
	v1 =	vmul.f32 $1.131370830e+01, v8;
	v8 =	vand.u32 $0xFFFF0000, v12;
	v0 =	vadd.f32 v7, v0;
	v7 =	vld [tilespmem:s11+$0xD0]  }
0x187: {  	v9 =	vmul.f32 $1.131370830e+01, v9;
	v3 =	vadd.f32 v8, v3;
	v8 =	vld [tilespmem:s28+$0x1900]  }
0x188: {  	v11 =	vshll.u32 v10, $0x10;
	v10 =	vand.u32 $0xFFFF0000, v10;
	v12 =	vld [tilespmem:s11+$0x20];
	[tilespmem:s11+$0xFFFFFF00] =	vst v0  }
0x189: {  	v1 =	vadd.f32 v11, v1;
	v11 =	vld [tilespmem:s11+$0xFFFFFF40];
	v0 =	vadd.f32 v10, v9;
	[tilespmem:s11+$0xFFFFFF10] =	vst v3  }
0x18a: {  	s30 =	simm.s32 $0x40;
	v9 =	vld [tilespmem:s10+$0xFFFFFF90]  }
0x18b: {  	s14 =	sor.u32 $0x50, s30;
	v3 =	vld [tilespmem:s11+$0x30];
	[tilespmem:s11+$0x10] =	vst v0;
	v0 =	vmul.f32 $1.131370830e+01, v2  }
0x18c: {  	[tilespmem:s11+$0x0] =	vst v1;
	v1 =	vld [tilespmem:s14+$0x1900];
	v10 =	vshll.u32 v8, $0x10;
	v7 =	vmul.f32 $1.131370830e+01, v7  }
0x18d: {  	v2 =	vld [tilespmem:s10+$0x10];
	v8 =	vand.u32 $0xFFFF0000, v8;
	v0 =	vadd.f32 v10, v0  }
0x18e: {  	v6 =	vmul.f32 $1.131370830e+01, v6;
	v10 =	vmul.f32 $1.131370830e+01, v13;
	v13 =	vld [tilespmem:s11+$0xFFFFFF50];
	v7 =	vadd.f32 v8, v7  }
0x18f: {  	v8 =	vshll.u32 v9, $0x10;
	[tilespmem:s11+$0xC0] =	vst v0;
	v0 =	vmul.f32 $1.131370830e+01, v4;
	v4 =	vand.u32 $0xFFFF0000, v9;
	v9 =	vld [tilespmem:s11+$0xFFFFFFD0]  }
0x190: {  	v5 =	vmul.f32 $1.131370830e+01, v5;
	v4 =	vadd.f32 v4, v6;
	v6 =	vld [tilespmem:s11+$0xF0]  }
0x191: {  	s8 =	sor.u32 $0x70, s23;
	v8 =	vadd.f32 v8, v10;
	[tilespmem:s11+$0xD0] =	vst v7;
	v7 =	vshll.u32 v1, $0x10;
	v10 =	vmul.f32 $1.131370830e+01, v12;
	v12 =	vld [tilespmem:s11+$0x40]  }
0x192: {  	v1 =	vand.u32 $0xFFFF0000, v1;
	v7 =	vadd.f32 v7, v0;
	v0 =	vld [tilespmem:s8+$0x1900]  }
0x193: {  	v1 =	vadd.f32 v1, v5;
	v5 =	vld [tilespmem:s11+$0xFFFFFFF0];
	s8 =	simm.s32 $0x1A80  }
0x194: {  	v23 =	vld [tilespmem:s8+$0xFFFFFF80]  }
0x195: {  	[tilespmem:s11+$0xFFFFFF20] =	vst v8;
	v8 =	vshll.u32 v2, $0x10;
	v25 =	vld [tilespmem:s8+$0x0]  }
0x196: {  	v3 =	vmul.f32 $1.131370830e+01, v3;
	[tilespmem:s11+$0xFFFFFF30] =	vst v4;
	v4 =	vadd.f32 v8, v10;
	v8 =	vld [tilespmem:s11+$0x50]  }
0x197: {  	v2 =	vand.u32 $0xFFFF0000, v2;
	[tilespmem:s11+$0xFFFFFFA0] =	vst v7;
	v7 =	vld [tilespmem:s10+$0xFFFFFFA0]  }
0x198: {  	s15 =	sor.u32 $0x60, s30;
	v2 =	vadd.f32 v2, v3;
	[tilespmem:s11+$0xFFFFFFB0] =	vst v1;
	v3 =	vld [tilespmem:s11+$0xFFFFFFE0]  }
0x199: {  	v10 =	vld [tilespmem:s15+$0x1900]  }
0x19a: {  	s15 =	simm.s32 $0xB200;
	[tilespmem:s11+$0x20] =	vst v4;
	v4 =	vld [tilespmem:s11+$0xFFFFFF70]  }
0x19b: {  	v1 =	vmul.f32 $1.131370830e+01, v6;
	v18 =	vld [tilespmem:s15+$0xFFFFFF10]  }
0x19c: {  	[tilespmem:s11+$0x30] =	vst v2;
	v2 =	vmul.f32 $1.131370830e+01, v11;
	v33 =	vld [tilespmem:s15+$0xFFFFFF80];
	v6 =	vand.u32 $0xFFFF0000, v0  }
0x19d: {  	v11 =	vmul.f32 $1.131370830e+01, v13;
	v19 =	vld [tilespmem:s15+$0xFFFFFF90];
	v6 =	vadd.f32 v6, v1;
	v13 =	vshll.u32 v7, $0x10  }
0x19e: {  	v9 =	vmul.f32 $1.131370830e+01, v9;
	v20 =	vld [tilespmem:s15+$0xB0];
	v7 =	vand.u32 $0xFFFF0000, v7;
	v13 =	vadd.f32 v13, v2  }
0x19f: {  	[tilespmem:s11+$0xF0] =	vst v6;
	v6 =	vshll.u32 v10, $0x10;
	v7 =	vadd.f32 v7, v11;
	v11 =	vld [tilespmem:s15+$0x80];
	v10 =	vand.u32 $0xFFFF0000, v10  }
0x1a0: {  	v9 =	vadd.f32 v10, v9;
	v10 =	vld [tilespmem:s15+$0x90]  }
0x1a1: {  	[tilespmem:s11+$0xFFFFFF40] =	vst v13;
	v13 =	vld [tilespmem:s8+$0x40]  }
0x1a2: {  	v21 =	vld [tilespmem:s15+$0x0]  }
0x1a3: {  	v14 =	vmul.f32 $1.131370830e+01, v14;
	v22 =	vld [tilespmem:s15+$0x10]  }
0x1a4: {  	v26 =	vld [tilespmem:s15+$0xFFFFFF20]  }
0x1a5: {  	v35 =	vld [tilespmem:s15+$0xFFFFFF30];
	v14 =	vadd.f32 v6, v14;
	[tilespmem:s11+$0xFFFFFFD0] =	vst v9;
	v9 =	vmul.f32 $1.131370830e+01, v11  }
0x1a6: {  	v36 =	vld [tilespmem:s15+$0xFFFFFFA0];
	v10 =	vmul.f32 $1.131370830e+01, v10;
	v17 =	vshll.u32 v13, $0x10  }
0x1a7: {  	s9 =	sor.u32 $0x70, s30;
	v16 =	vld [tilespmem:s10+$0x20];
	[tilespmem:s11+$0xFFFFFFC0] =	vst v14;
	v13 =	vand.u32 $0xFFFF0000, v13;
	v9 =	vadd.f32 v17, v9  }
0x1a8: {  	[tilespmem:s11+$0xFFFFFF50] =	vst v7;
	v7 =	vld [tilespmem:s9+$0x1900];
	v10 =	vadd.f32 v13, v10  }
0x1a9: {  	s9 =	simm.s32 $0x1C0;
	v13 =	vld [tilespmem:s8+$0xFFFFFFC0];
	[tilespmem:s15+$0x80] =	vst v9  }
0x1aa: {  	s16 =	sor.u32 $0x50, s9;
	v9 =	vld [tilespmem:s15+$0xA0];
	[tilespmem:s15+$0x90] =	vst v10  }
0x1ab: {  	v10 =	vld [tilespmem:s16+$0x1900]  }
0x1ac: {  	v38 =	vld [tilespmem:s15+$0xC0]  }
0x1ad: {  	v8 =	vmul.f32 $1.131370830e+01, v8;
	v11 =	vld [tilespmem:s15+$0xFFFFFF00]  }
0x1ae: {  	v41 =	vld [tilespmem:s15+$0xD0];
	v45 =	vshll.u32 v16, $0x10;
	v16 =	vand.u32 $0xFFFF0000, v16;
	v17 =	vmul.f32 $1.131370830e+01, v33  }
0x1af: {  	v46 =	vld [tilespmem:s15+$0xFFFFFFB0];
	v8 =	vadd.f32 v16, v8;
	v24 =	vshll.u32 v13, $0x10;
	v9 =	vmul.f32 $1.131370830e+01, v9  }
0x1b0: {  	v39 =	vmul.f32 $1.131370830e+01, v19;
	v14 =	vld [tilespmem:s10+$0xFFFFFFB0];
	v17 =	vadd.f32 v24, v17;
	v34 =	vshll.u32 v10, $0x10  }
0x1b1: {  	v51 =	vld [tilespmem:s15+$0xFFFFFF40];
	v20 =	vmul.f32 $1.131370830e+01, v20;
	[tilespmem:s11+$0x50] =	vst v8;
	v13 =	vand.u32 $0xFFFF0000, v13;
	v9 =	vadd.f32 v34, v9  }
0x1b2: {  	v55 =	vld [tilespmem:s15+$0xF0];
	v11 =	vmul.f32 $1.131370830e+01, v11;
	v13 =	vadd.f32 v13, v39;
	[tilespmem:s15+$0xFFFFFF80] =	vst v17;
	v10 =	vand.u32 $0xFFFF0000, v10  }
0x1b3: {  	v60 =	vld [tilespmem:s15+$0xFFFFFF70];
	v37 =	vshll.u32 v23, $0x10;
	s16 =	simm.s32 $0x140;
	v10 =	vadd.f32 v10, v20;
	[tilespmem:s15+$0xA0] =	vst v9;
	v9 =	vmul.f32 $1.131370830e+01, v18  }
0x1b4: {  	v15 =	vmul.f32 $1.131370830e+01, v15;
	v61 =	vld [tilespmem:s15+$0xFFFFFFF0];
	v40 =	vand.u32 $0xFFFF0000, v23;
	v11 =	vadd.f32 v37, v11;
	s23 =	sor.u32 $0x50, s16;
	[tilespmem:s15+$0xFFFFFF90] =	vst v13  }
0x1b5: {  	v22 =	vmul.f32 $1.131370830e+01, v22;
	s22 =	sor.u32 $0x60, s9;
	v48 =	vshll.u32 v14, $0x10;
	v47 =	vld [tilespmem:s23+$0x1900];
	[tilespmem:s15+$0xB0] =	vst v10;
	v9 =	vadd.f32 v40, v9  }
0x1b6: {  	v43 =	vand.u32 $0xFFFF0000, v25;
	v21 =	vmul.f32 $1.131370830e+01, v21;
	v8 =	vadd.f32 v48, v15;
	[tilespmem:s15+$0xFFFFFF00] =	vst v11;
	v11 =	vld [tilespmem:s22+$0x1900]  }
0x1b7: {  	v1 =	vld [tilespmem:s11+$0x60];
	v42 =	vshll.u32 v25, $0x10;
	v13 =	vadd.f32 v43, v22;
	[tilespmem:s15+$0xFFFFFF10] =	vst v9  }
0x1b8: {  	v12 =	vmul.f32 $1.131370830e+01, v12;
	v5 =	vmul.f32 $1.131370830e+01, v5;
	[tilespmem:s11+$0xFFFFFF60] =	vst v8;
	v18 =	vadd.f32 v42, v21;
	v44 =	vld [tilespmem:s8+$0xFFFFFF90]  }
0x1b9: {  	v3 =	vmul.f32 $1.131370830e+01, v3;
	v2 =	vld [tilespmem:s11+$0x70];
	v17 =	vmul.f32 $1.131370830e+01, v36;
	[tilespmem:s15+$0x10] =	vst v13  }
0x1ba: {  	v12 =	vadd.f32 v45, v12;
	v13 =	vmul.f32 $1.131370830e+01, v38;
	v10 =	vld [tilespmem:s15+$0x20];
	[tilespmem:s15+$0x0] =	vst v18;
	v8 =	vshll.u32 v47, $0x10  }
0x1bb: {  	v19 =	vmul.f32 $1.131370830e+01, v41;
	v49 =	vld [tilespmem:s8+$0x10];
	v8 =	vadd.f32 v8, v17;
	v50 =	vshll.u32 v11, $0x10  }
0x1bc: {  	[tilespmem:s11+$0x40] =	vst v12;
	v12 =	vmul.f32 $1.131370830e+01, v26;
	v9 =	vld [tilespmem:s15+$0x30];
	v11 =	vand.u32 $0xFFFF0000, v11;
	v13 =	vadd.f32 v50, v13  }
0x1bd: {  	v6 =	vld [tilespmem:s11+$0xE0];
	v53 =	vmul.f32 $1.131370830e+01, v35;
	[tilespmem:s15+$0xFFFFFFA0] =	vst v8;
	v11 =	vadd.f32 v11, v19;
	v52 =	vshll.u32 v44, $0x10  }
0x1be: {  	v4 =	vmul.f32 $1.131370830e+01, v4;
	v15 =	vld [tilespmem:s15+$0xFFFFFF50];
	[tilespmem:s15+$0xC0] =	vst v13;
	v21 =	vand.u32 $0xFFFF0000, v44;
	v12 =	vadd.f32 v52, v12  }
0x1bf: {  	v54 =	vmul.f32 $1.131370830e+01, v46;
	v14 =	vand.u32 $0xFFFF0000, v14;
	v8 =	vld [tilespmem:s15+$0x50];
	[tilespmem:s15+$0xD0] =	vst v11;
	v18 =	vadd.f32 v21, v53  }
0x1c0: {  	s25 =	sor.u32 $0x70, s9;
	v4 =	vadd.f32 v14, v4;
	v16 =	vand.u32 $0xFFFF0000, v47;
	v10 =	vmul.f32 $1.131370830e+01, v10;
	v13 =	vld [tilespmem:s15+$0xFFFFFFC0];
	[tilespmem:s15+$0xFFFFFF20] =	vst v12  }
0x1c1: {  	v16 =	vadd.f32 v16, v54;
	v9 =	vmul.f32 $1.131370830e+01, v9;
	v56 =	vld [tilespmem:s25+$0x1900];
	v12 =	vshll.u32 v49, $0x10;
	[tilespmem:s15+$0xFFFFFF30] =	vst v18  }
0x1c2: {  	v1 =	vmul.f32 $1.131370830e+01, v1;
	[tilespmem:s11+$0xFFFFFF70] =	vst v4;
	v57 =	vand.u32 $0xFFFF0000, v49;
	v10 =	vadd.f32 v12, v10;
	v59 =	vld [tilespmem:s8+$0xFFFFFFA0]  }
0x1c3: {  	v58 =	vshll.u32 v7, $0x10;
	v7 =	vand.u32 $0xFFFF0000, v7;
	s28 =	sor.u32 $0x60, s16;
	[tilespmem:s15+$0xFFFFFFB0] =	vst v16;
	v11 =	vld [tilespmem:s15+$0xFFFFFFD0];
	v9 =	vadd.f32 v57, v9  }
0x1c4: {  	v6 =	vmul.f32 $1.131370830e+01, v6;
	v3 =	vadd.f32 v58, v3;
	v5 =	vadd.f32 v7, v5;
	[tilespmem:s15+$0x20] =	vst v10;
	v10 =	vld [tilespmem:s28+$0x1900]  }
0x1c5: {  	v7 =	vshll.u32 v0, $0x10;
	v0 =	vmul.f32 $1.131370830e+01, v2;
	v2 =	vmul.f32 $1.131370830e+01, v55;
	[tilespmem:s15+$0x30] =	vst v9;
	v12 =	vld [tilespmem:s15+$0x40]  }
0x1c6: {  	v4 =	vmul.f32 $1.131370830e+01, v51;
	[tilespmem:s11+$0xFFFFFFE0] =	vst v3;
	v3 =	vadd.f32 v7, v6;
	v6 =	vand.u32 $0xFFFF0000, v56;
	v14 =	vld [tilespmem:s8+$0x20]  }
0x1c7: {  	v62 =	vld [tilespmem:s15+$0x60];
	[tilespmem:s11+$0xFFFFFFF0] =	vst v5;
	v5 =	vmul.f32 $1.131370830e+01, v15;
	v2 =	vadd.f32 v6, v2;
	v6 =	vshll.u32 v59, $0x10  }
0x1c8: {  	[tilespmem:s11+$0xE0] =	vst v3;
	v9 =	vld [tilespmem:s15+$0xFFFFFF60];
	v3 =	vmul.f32 $1.131370830e+01, v13;
	v7 =	vand.u32 $0xFFFF0000, v59;
	v4 =	vadd.f32 v6, v4  }
0x1c9: {  	v15 =	vld [tilespmem:s15+$0xFFFFFFE0];
	[tilespmem:s15+$0xF0] =	vst v2;
	v6 =	vmul.f32 $1.131370830e+01, v11;
	v5 =	vadd.f32 v7, v5;
	v2 =	vshll.u32 v10, $0x10  }
0x1ca: {  	v11 =	vmul.f32 $1.131370830e+01, v12;
	v7 =	vand.u32 $0xFFFF0000, v10;
	v3 =	vadd.f32 v2, v3;
	[tilespmem:s15+$0xFFFFFF40] =	vst v4;
	v4 =	vld [tilespmem:s15+$0x70]  }
0x1cb: {  	v12 =	vmul.f32 $1.131370830e+01, v8;
	v10 =	vadd.f32 v7, v6;
	v6 =	vshll.u32 v14, $0x10;
	[tilespmem:s15+$0xFFFFFF50] =	vst v5;
	v7 =	vld [tilespmem:s15+$0xE0]  }
0x1cc: {  	v8 =	vmul.f32 $1.131370830e+01, v60;
	v63 =	vadd.f32 v6, v11;
	v11 =	vld [tilespmem:s8+$0xFFFFFFB0];
	[tilespmem:s15+$0xFFFFFFC0] =	vst v3;
	v3 =	vand.u32 $0xFFFF0000, v14  }
0x1cd: {  	s30 =	sor.u32 $0x70, s16;
	s23 =	simm.s32 $0x1B80;
	v5 =	vmul.f32 $1.131370830e+01, v9;
	v9 =	vmul.f32 $1.131370830e+01, v61;
	[tilespmem:s15+$0xFFFFFFD0] =	vst v10;
	v10 =	vld [tilespmem:s10+$0x30];
	v13 =	vadd.f32 v3, v12  }
0x1ce: {  	s25 =	simm.s32 $0xB200;
	v2 =	vshll.u32 v56, $0x10;
	v6 =	vmul.f32 $1.131370830e+01, v15;
	s10 =	simm.s32 $0x4;
	v12 =	vld [tilespmem:s30+$0x1900];
	[tilespmem:s15+$0x40] =	vst v63;
	v3 =	vmul.f32 $1.131370830e+01, v62  }
.LBB2_7:
0x1cf: {  	v14 =	vld [tilespmem:s23+$0x40];
	[tilespmem:s15+$0x50] =	vst v13;
	v4 =	vmul.f32 $1.131370830e+01, v4;
	s25 =	sadd.s32 $0x200, s25  }
0x1d0: {  	v13 =	vld [tilespmem:s25+$0x80];
	v7 =	vmul.f32 $1.131370830e+01, v7  }
0x1d1: {  	v15 =	vld [tilespmem:s25+$0x90];
	v16 =	vshll.u32 v11, $0x10;
	v11 =	vand.u32 $0xFFFF0000, v11  }
0x1d2: {  	v17 =	vld [tilespmem:s25+$0xFFFFFF00];
	v5 =	vadd.f32 v16, v5;
	v16 =	vshll.u32 v10, $0x10;
	v10 =	vand.u32 $0xFFFF0000, v10  }
0x1d3: {  	s10 =	sadd.s32 $0x4, s10;
	v8 =	vadd.f32 v11, v8;
	v18 =	vld [tilespmem:s25+$0xFFFFFF10];
	v11 =	vshll.u32 v12, $0x10;
	v12 =	vand.u32 $0xFFFF0000, v12  }
0x1d4: {  	p1 =	slt.u32 s10, $0x64;
	v19 =	vld [tilespmem:s25+$0xFFFFFF80];
	[tilespmem:s15+$0xFFFFFF60] =	vst v5;
	v5 =	vadd.f32 v11, v6;
	v6 =	vadd.f32 v12, v9  }
0x1d5: {  	v10 =	vadd.f32 v10, v0;
	v0 =	vmovc v4;
	v9 =	vld [tilespmem:s25+$0xFFFFFF90];
	v11 =	vmul.f32 $1.131370830e+01, v13;
	[tilespmem:s15+$0xFFFFFF70] =	vst v8;
	v8 =	vadd.f32 v16, v1  }
0x1d6: {  	v2 =	vadd.f32 v2, v7;
	v12 =	vshll.u32 v14, $0x10;
	v1 =	vmovc v3;
	v4 =	vld [tilespmem:s25+$0x0];
	v13 =	vmul.f32 $1.131370830e+01, v15;
	[tilespmem:s15+$0xFFFFFFE0] =	vst v5  }
0x1d7: {  	v7 =	vand.u32 $0xFFFF0000, v14;
	v3 =	vmul.f32 $1.131370830e+01, v17;
	v5 =	vld [tilespmem:s25+$0x10];
	v11 =	vadd.f32 v12, v11;
	[tilespmem:s15+$0xFFFFFFF0] =	vst v6  }
0x1d8: {  	v6 =	vmul.f32 $1.131370830e+01, v18;
	v12 =	vld [tilespmem:s23+$0xFFFFFFC0];
	v7 =	vadd.f32 v7, v13;
	[tilespmem:s11+$0x60] =	vst v8  }
0x1d9: {  	s9 =	sadd.s32 $0x100, s9;
	v8 =	vmul.f32 $1.131370830e+01, v19;
	[tilespmem:s25+$0x80] =	vst v11;
	v11 =	vld [tilespmem:s25+$0xA0]  }
0x1da: {  	s14 =	sadd.s32 $0xFFFFFF80, s9;
	s22 =	sor.u32 $0x50, s9;
	v9 =	vmul.f32 $1.131370830e+01, v9;
	[tilespmem:s25+$0x90] =	vst v7;
	v7 =	vld [tilespmem:s25+$0xB0]  }
0x1db: {  	s16 =	sor.u32 $0x50, s14;
	s30 =	sor.u32 $0x60, s14;
	s28 =	sor.u32 $0x70, s14;
	v4 =	vmul.f32 $1.131370830e+01, v4;
	v13 =	vld [tilespmem:s22+$0x1900];
	[tilespmem:s11+$0x70] =	vst v10  }
0x1dc: {  	s11 =	smov.u32 s15;
	v10 =	vld [tilespmem:s23+$0x0];
	v5 =	vmul.f32 $1.131370830e+01, v5;
	[tilespmem:s15+$0xE0] =	vst v2;
	s15 =	smov.u32 s25  }
0x1dd: {  	v2 =	vld [tilespmem:s23+$0xFFFFFF80];
	v14 =	vshll.u32 v12, $0x10;
	v12 =	vand.u32 $0xFFFF0000, v12  }
0x1de: {  	v15 =	vld [tilespmem:s25+$0xFFFFFF20];
	v8 =	vadd.f32 v14, v8;
	v9 =	vadd.f32 v12, v9  }
0x1df: {  	v11 =	vmul.f32 $1.131370830e+01, v11;
	v12 =	vld [tilespmem:s25+$0xFFFFFF30]  }
0x1e0: {  	v7 =	vmul.f32 $1.131370830e+01, v7;
	[tilespmem:s25+$0xFFFFFF80] =	vst v8;
	v8 =	vld [tilespmem:s25+$0xFFFFFFA0];
	v14 =	vshll.u32 v13, $0x10  }
0x1e1: {  	v13 =	vand.u32 $0xFFFF0000, v13;
	[tilespmem:s25+$0xFFFFFF90] =	vst v9;
	v9 =	vld [tilespmem:s25+$0xFFFFFFB0];
	v16 =	vshll.u32 v10, $0x10;
	v11 =	vadd.f32 v14, v11  }
0x1e2: {  	v7 =	vadd.f32 v13, v7;
	v14 =	vshll.u32 v2, $0x10;
	v2 =	vand.u32 $0xFFFF0000, v2;
	v17 =	vld [tilespmem:s25+$0x20]  }
0x1e3: {  	v3 =	vadd.f32 v14, v3;
	v2 =	vadd.f32 v2, v6;
	v6 =	vand.u32 $0xFFFF0000, v10;
	[tilespmem:s25+$0xA0] =	vst v11;
	v10 =	vld [tilespmem:s25+$0xC0]  }
0x1e4: {  	s14 =	sor.u32 $0x60, s9;
	v4 =	vadd.f32 v16, v4;
	v11 =	vmul.f32 $1.131370830e+01, v15;
	v5 =	vadd.f32 v6, v5;
	[tilespmem:s25+$0xB0] =	vst v7;
	v6 =	vld [tilespmem:s25+$0xD0]  }
0x1e5: {  	[tilespmem:s25+$0xFFFFFF00] =	vst v3;
	v3 =	vmul.f32 $1.131370830e+01, v12;
	v7 =	vmul.f32 $1.131370830e+01, v8;
	v8 =	vld [tilespmem:s14+$0x1900]  }
0x1e6: {  	[tilespmem:s25+$0xFFFFFF10] =	vst v2;
	v2 =	vmul.f32 $1.131370830e+01, v9;
	v9 =	vld [tilespmem:s25+$0x30]  }
0x1e7: {  	v12 =	vld [tilespmem:s23+$0xFFFFFF90];
	[tilespmem:s25+$0x0] =	vst v4;
	v4 =	vmul.f32 $1.131370830e+01, v17  }
0x1e8: {  	v13 =	vld [tilespmem:s16+$0x1900];
	[tilespmem:s25+$0x10] =	vst v5  }
0x1e9: {  	v10 =	vmul.f32 $1.131370830e+01, v10;
	v5 =	vld [tilespmem:s23+$0x10]  }
0x1ea: {  	v6 =	vmul.f32 $1.131370830e+01, v6;
	v14 =	vld [tilespmem:s25+$0xFFFFFF40];
	v15 =	vshll.u32 v8, $0x10  }
0x1eb: {  	v8 =	vand.u32 $0xFFFF0000, v8;
	v16 =	vld [tilespmem:s25+$0xFFFFFF50];
	v9 =	vmul.f32 $1.131370830e+01, v9;
	v10 =	vadd.f32 v15, v10  }
0x1ec: {  	v6 =	vadd.f32 v8, v6;
	v15 =	vshll.u32 v12, $0x10;
	v12 =	vand.u32 $0xFFFF0000, v12;
	v17 =	vld [tilespmem:s25+$0xFFFFFFC0]  }
0x1ed: {  	v8 =	vadd.f32 v15, v11;
	v11 =	vshll.u32 v13, $0x10;
	v13 =	vand.u32 $0xFFFF0000, v13;
	v15 =	vld [tilespmem:s25+$0xFFFFFFD0];
	[tilespmem:s25+$0xC0] =	vst v10  }
0x1ee: {  	s14 =	sor.u32 $0x70, s9;
	v3 =	vadd.f32 v12, v3;
	v10 =	vshll.u32 v5, $0x10;
	v5 =	vand.u32 $0xFFFF0000, v5;
	[tilespmem:s25+$0xD0] =	vst v6;
	v6 =	vld [tilespmem:s25+$0xF0]  }
0x1ef: {  	v7 =	vadd.f32 v11, v7;
	v2 =	vadd.f32 v13, v2;
	[tilespmem:s25+$0xFFFFFF20] =	vst v8;
	v8 =	vmul.f32 $1.131370830e+01, v14;
	v11 =	vld [tilespmem:s14+$0x1900]  }
0x1f0: {  	v4 =	vadd.f32 v10, v4;
	v5 =	vadd.f32 v5, v9;
	[tilespmem:s25+$0xFFFFFF30] =	vst v3;
	v3 =	vmul.f32 $1.131370830e+01, v16;
	v9 =	vld [tilespmem:s25+$0x40]  }
0x1f1: {  	[tilespmem:s25+$0xFFFFFFA0] =	vst v7;
	v7 =	vmul.f32 $1.131370830e+01, v17;
	v10 =	vld [tilespmem:s25+$0x50]  }
0x1f2: {  	v12 =	vld [tilespmem:s23+$0xFFFFFFA0];
	[tilespmem:s25+$0xFFFFFFB0] =	vst v2;
	v13 =	vmul.f32 $1.131370830e+01, v15  }
0x1f3: {  	v14 =	vld [tilespmem:s30+$0x1900];
	[tilespmem:s25+$0x20] =	vst v4;
	v4 =	vmul.f32 $1.131370830e+01, v6  }
0x1f4: {  	v6 =	vld [tilespmem:s25+$0xFFFFFF60];
	[tilespmem:s25+$0x30] =	vst v5;
	v2 =	vshll.u32 v11, $0x10;
	v5 =	vand.u32 $0xFFFF0000, v11  }
0x1f5: {  	v11 =	vld [tilespmem:s23+$0x20];
	v9 =	vmul.f32 $1.131370830e+01, v9;
	v4 =	vadd.f32 v5, v4  }
0x1f6: {  	v15 =	vld [tilespmem:s25+$0xFFFFFF70];
	v10 =	vmul.f32 $1.131370830e+01, v10  }
0x1f7: {  	v5 =	vshll.u32 v12, $0x10;
	v12 =	vand.u32 $0xFFFF0000, v12;
	v16 =	vld [tilespmem:s25+$0xFFFFFFE0];
	[tilespmem:s25+$0xF0] =	vst v4  }
0x1f8: {  	v4 =	vadd.f32 v5, v8;
	v8 =	vshll.u32 v14, $0x10;
	v14 =	vand.u32 $0xFFFF0000, v14;
	v17 =	vld [tilespmem:s25+$0xFFFFFFF0]  }
0x1f9: {  	v3 =	vadd.f32 v12, v3;
	v5 =	vmul.f32 $1.131370830e+01, v6;
	v6 =	vadd.f32 v8, v7;
	v18 =	vld [tilespmem:s25+$0x60]  }
.Ltmp2:
0x1fa: {  	v12 =	vadd.f32 v14, v13;
	[tilespmem:s25+$0xFFFFFF40] =	vst v4;
	v7 =	vshll.u32 v11, $0x10;
	v11 =	vand.u32 $0xFFFF0000, v11;
	v4 =	vld [tilespmem:s25+$0x70];
	(pc) =	sbr.rel @p1 .LBB2_7-.Ltmp2, $4  }
0x1fb: {  	[tilespmem:s25+$0xFFFFFF50] =	vst v3;
	v8 =	vmul.f32 $1.131370830e+01, v15;
	v3 =	vadd.f32 v7, v9;
	v13 =	vadd.f32 v11, v10;
	v7 =	vld [tilespmem:s25+$0xE0]  }
0x1fc: {  	v11 =	vld [tilespmem:s23+$0xFFFFFFB0];
	[tilespmem:s25+$0xFFFFFFC0] =	vst v6;
	v6 =	vmul.f32 $1.131370830e+01, v16  }
0x1fd: {  	[tilespmem:s25+$0xFFFFFFD0] =	vst v12;
	v9 =	vmul.f32 $1.131370830e+01, v17;
	v10 =	vld [tilespmem:s8+$0x30];
	s8 =	smov.u32 s23  }
0x1fe: {  	s23 =	sadd.s32 $0x100, s23;
	v12 =	vld [tilespmem:s28+$0x1900];
	[tilespmem:s25+$0x40] =	vst v3;
	v3 =	vmul.f32 $1.131370830e+01, v18  }
0x1ff: {  	_ =	sdelay $0x1  }
0x200: {  	v14 =	vshll.u32 v11, $0x10  }
0x201: {  	[tilespmem:s15+$0x50] =	vst v13;
	v7 =	vmul.f32 $1.131370830e+01, v7;
	v11 =	vand.u32 $0xFFFF0000, v11;
	v5 =	vadd.f32 v14, v5  }
0x202: {  	v13 =	vld [tilespmem:s8+$0x30];
	v8 =	vadd.f32 v11, v8  }
0x203: {  	v2 =	vadd.f32 v2, v7;
	v11 =	vshll.u32 v12, $0x10;
	[tilespmem:s15+$0xFFFFFF60] =	vst v5  }
0x204: {  	v5 =	vadd.f32 v11, v6;
	v6 =	vshll.u32 v10, $0x10;
	[tilespmem:s15+$0xFFFFFF70] =	vst v8  }
0x205: {  	v8 =	vand.u32 $0xFFFF0000, v10;
	[tilespmem:s15+$0xE0] =	vst v2;
	v1 =	vadd.f32 v6, v1  }
0x206: {  	v12 =	vand.u32 $0xFFFF0000, v12;
	v0 =	vadd.f32 v8, v0;
	[tilespmem:s15+$0xFFFFFFE0] =	vst v5  }
0x207: {  	v4 =	vmul.f32 $1.131370830e+01, v4;
	v9 =	vadd.f32 v12, v9;
	[tilespmem:s11+$0x60] =	vst v1;
	v1 =	vshll.u32 v13, $0x10  }
0x208: {  	[tilespmem:s11+$0x70] =	vst v0;
	v0 =	vand.u32 $0xFFFF0000, v13;
	v1 =	vadd.f32 v1, v3  }
0x209: {  	[tilespmem:s15+$0xFFFFFFF0] =	vst v9;
	v0 =	vadd.f32 v0, v4  }
0x20a: {  	[tilespmem:s15+$0x60] =	vst v1  }
0x20b: {  	s8 =	simm.s32 @!p0 $0xF;
	[tilespmem:s15+$0x70] =	vst v0  }
0x20c: {  	_ =	swait.ge @!p0 [sflag:s8], $0x3400  }
0x20d: {  	s28 =	simm.s32 $0x17700;
	[sflag:s8] =	ssyncset.done @!p0 $0x0;
	s30 =	rddreg [dreg:$0x7]  }
0x20e: {  	s15 =	sadd.s32 $0x258, s21;
	[sflag:s8] =	ssyncadd.s32 @!p0 $0xFFFFCC00;
	s8 =	sadd.s32 s21, s30  }
0x20f: {  	[tilespmem:s28], [sflag:$0x7] =	stream.indirect.gather [hbm4b:s1+s24], $0x80, s15, s24, $0xb8;
	[tilespmem:$0x1DB00] =	vst v63  }
0x210: {  	s8 =	sshll.u32 s8, $0x4  }
0x211: {  	s9 =	simm.s32 $0xAF00;
	s8 =	sadd.s32 s3, s8  }
0x212: {  	[hbm4b:s8+s4] =	stream.linear.scatter [tilespmem:s9], [sflag:$0xB], $0x3400, $0x38;
	[tilespmem:$0x1DB00] =	vst v63  }
0x213: {  	_ =	swait.ge [sflag:s29], $0x3000  }
0x214: {  	[sflag:s29] =	ssyncset.done $0x0  }
0x215: {  	s11 =	simm.s32 $0xE400;
	[sflag:s29] =	ssyncadd.s32 $0xFFFFD000  }
0x216: {  	s10 =	simm.s32 $0x33F0;
	v0 =	vld [tilespmem:s11+$0x80]  }
0x217: {  	v1 =	vld [tilespmem:s10+$0xFFFFFFD0]  }
0x218: {  	v2 =	vld [tilespmem:s11+$0x90]  }
0x219: {  	v3 =	vld [tilespmem:s11+$0xFFFFFF00]  }
0x21a: {  	v5 =	vld [tilespmem:s11+$0xFFFFFF10]  }
0x21b: {  	v6 =	vld [tilespmem:s11+$0xFFFFFF90]  }
0x21c: {  	v7 =	vld [tilespmem:s11+$0xB0]  }
0x21d: {  	v8 =	vld [tilespmem:s11+$0x0]  }
0x21e: {  	v9 =	vld [tilespmem:s11+$0x10]  }
0x21f: {  	v10 =	vld [tilespmem:s10+$0xFFFFFF90]  }
0x220: {  	v12 =	vld [tilespmem:s10+$0xFFFFFF10];
	v0 =	vmul.f32 $1.131370830e+01, v0  }
0x221: {  	v13 =	vld [tilespmem:s11+$0xFFFFFF20];
	v4 =	vshll.u32 v1, $0x10;
	v2 =	vmul.f32 $1.131370830e+01, v2  }
0x222: {  	v14 =	vld [tilespmem:s11+$0xFFFFFFC0];
	v1 =	vand.u32 $0xFFFF0000, v1;
	v0 =	vadd.f32 v4, v0  }
0x223: {  	v4 =	vld [tilespmem:s11+$0xFFFFFF80];
	v1 =	vadd.f32 v1, v2  }
0x224: {  	v2 =	vld [tilespmem:s10+$0xFFFFFF50];
	[tilespmem:s11+$0x80] =	vst v0  }
0x225: {  	v0 =	vld [tilespmem:s11+$0xA0];
	[tilespmem:s11+$0x90] =	vst v1  }
0x226: {  	v1 =	vld [tilespmem:s10+$0xFFFFFFE0]  }
0x227: {  	s8 =	simm.s32 $0xE600;
	v15 =	vld [tilespmem:s11+$0xFFFFFF60]  }
0x228: {  	v18 =	vld [tilespmem:s8+$0xFFFFFF10]  }
0x229: {  	v34 =	vld [tilespmem:s8+$0xFFFFFF80];
	v4 =	vmul.f32 $1.131370830e+01, v4  }
0x22a: {  	v19 =	vld [tilespmem:s8+$0xFFFFFF90];
	v11 =	vshll.u32 v2, $0x10;
	v0 =	vmul.f32 $1.131370830e+01, v0  }
0x22b: {  	v20 =	vld [tilespmem:s8+$0xB0];
	v6 =	vmul.f32 $1.131370830e+01, v6;
	v4 =	vadd.f32 v11, v4;
	v11 =	vshll.u32 v1, $0x10  }
0x22c: {  	v21 =	vld [tilespmem:s8+$0x0];
	v7 =	vmul.f32 $1.131370830e+01, v7;
	v2 =	vand.u32 $0xFFFF0000, v2;
	v0 =	vadd.f32 v11, v0  }
0x22d: {  	s9 =	simm.s32 $0x34F0;
	v22 =	vld [tilespmem:s8+$0x10];
	v2 =	vadd.f32 v2, v6;
	v1 =	vand.u32 $0xFFFF0000, v1  }
0x22e: {  	v23 =	vld [tilespmem:s9+$0xFFFFFF10];
	v1 =	vadd.f32 v1, v7;
	[tilespmem:s11+$0xA0] =	vst v0;
	v0 =	vmul.f32 $1.131370830e+01, v3  }
0x22f: {  	v25 =	vld [tilespmem:s9+$0xFFFFFF90];
	[tilespmem:s11+$0xFFFFFF90] =	vst v2;
	v7 =	vshll.u32 v12, $0x10;
	v3 =	vmul.f32 $1.131370830e+01, v5  }
0x230: {  	v2 =	vld [tilespmem:s11+$0xC0];
	[tilespmem:s11+$0xB0] =	vst v1;
	v1 =	vmul.f32 $1.131370830e+01, v8;
	v8 =	vand.u32 $0xFFFF0000, v12;
	v0 =	vadd.f32 v7, v0  }
0x231: {  	v7 =	vld [tilespmem:s11+$0xD0];
	v3 =	vadd.f32 v8, v3  }
0x232: {  	v9 =	vmul.f32 $1.131370830e+01, v9;
	v8 =	vld [tilespmem:s10+$0xFFFFFFF0];
	[tilespmem:s11+$0xFFFFFF00] =	vst v0  }
0x233: {  	v6 =	vld [tilespmem:s11+$0xFFFFFF30];
	v11 =	vshll.u32 v10, $0x10;
	v10 =	vand.u32 $0xFFFF0000, v10;
	[tilespmem:s11+$0xFFFFFF10] =	vst v3  }
0x234: {  	v0 =	vadd.f32 v10, v9;
	v9 =	vld [tilespmem:s10+$0xFFFFFF20]  }
0x235: {  	[tilespmem:s11+$0xFFFFFF80] =	vst v4;
	v4 =	vld [tilespmem:s11+$0xFFFFFFA0];
	v1 =	vadd.f32 v11, v1  }
0x236: {  	v26 =	vld [tilespmem:s8+$0xFFFFFF20];
	[tilespmem:s11+$0x10] =	vst v0;
	v0 =	vmul.f32 $1.131370830e+01, v2  }
0x237: {  	v12 =	vld [tilespmem:s11+$0x20];
	[tilespmem:s11+$0x0] =	vst v1;
	v10 =	vshll.u32 v8, $0x10;
	v7 =	vmul.f32 $1.131370830e+01, v7  }
0x238: {  	v2 =	vld [tilespmem:s10+$0xFFFFFFA0];
	v8 =	vand.u32 $0xFFFF0000, v8;
	v0 =	vadd.f32 v10, v0;
	v10 =	vmul.f32 $1.131370830e+01, v13  }
0x239: {  	v6 =	vmul.f32 $1.131370830e+01, v6;
	v3 =	vld [tilespmem:s11+$0x30];
	v7 =	vadd.f32 v8, v7;
	v8 =	vshll.u32 v9, $0x10  }
0x23a: {  	v36 =	vld [tilespmem:s8+$0xFFFFFF30];
	[tilespmem:s11+$0xC0] =	vst v0;
	v0 =	vmul.f32 $1.131370830e+01, v4;
	v4 =	vand.u32 $0xFFFF0000, v9;
	v8 =	vadd.f32 v8, v10  }
0x23b: {  	v11 =	vld [tilespmem:s11+$0xFFFFFF40];
	v4 =	vadd.f32 v4, v6  }
0x23c: {  	v1 =	vld [tilespmem:s10+$0xFFFFFF60];
	v10 =	vmul.f32 $1.131370830e+01, v12;
	[tilespmem:s11+$0xFFFFFF20] =	vst v8  }
0x23d: {  	v13 =	vld [tilespmem:s11+$0xFFFFFF50];
	v8 =	vshll.u32 v2, $0x10;
	[tilespmem:s11+$0xFFFFFF30] =	vst v4  }
0x23e: {  	v3 =	vmul.f32 $1.131370830e+01, v3;
	v4 =	vadd.f32 v8, v10;
	v8 =	vld [tilespmem:s10+$0xFFFFFF30]  }
0x23f: {  	v37 =	vld [tilespmem:s8+$0xFFFFFFA0];
	v2 =	vand.u32 $0xFFFF0000, v2  }
0x240: {  	v39 =	vld [tilespmem:s8+$0xC0];
	v2 =	vadd.f32 v2, v3  }
0x241: {  	v5 =	vld [tilespmem:s11+$0xFFFFFFB0]  }
0x242: {  	v42 =	vld [tilespmem:s8+$0xD0];
	[tilespmem:s11+$0x30] =	vst v2;
	v2 =	vmul.f32 $1.131370830e+01, v11  }
0x243: {  	[tilespmem:s11+$0xD0] =	vst v7;
	v7 =	vshll.u32 v1, $0x10;
	v6 =	vld [tilespmem:s11+$0xF0];
	v11 =	vmul.f32 $1.131370830e+01, v13;
	v13 =	vshll.u32 v8, $0x10  }
0x244: {  	v7 =	vadd.f32 v7, v0;
	v0 =	vld [tilespmem:s10+$0x0];
	v8 =	vand.u32 $0xFFFF0000, v8;
	v13 =	vadd.f32 v13, v2  }
0x245: {  	v8 =	vadd.f32 v8, v11;
	v11 =	vld [tilespmem:s8+$0x80]  }
0x246: {  	v5 =	vmul.f32 $1.131370830e+01, v5;
	[tilespmem:s11+$0xFFFFFF40] =	vst v13;
	v13 =	vld [tilespmem:s9+$0xFFFFFFD0]  }
0x247: {  	v1 =	vand.u32 $0xFFFF0000, v1;
	[tilespmem:s11+$0xFFFFFF50] =	vst v8;
	v8 =	vld [tilespmem:s8+$0x90]  }
0x248: {  	v47 =	vld [tilespmem:s8+$0xFFFFFFB0];
	v1 =	vadd.f32 v1, v5  }
0x249: {  	v52 =	vld [tilespmem:s8+$0xFFFFFF40];
	[tilespmem:s11+$0xFFFFFFA0] =	vst v7  }
0x24a: {  	v56 =	vld [tilespmem:s8+$0xF0];
	[tilespmem:s11+$0xFFFFFFB0] =	vst v1;
	v1 =	vmul.f32 $1.131370830e+01, v6  }
0x24b: {  	v10 =	vld [tilespmem:s10+$0xFFFFFF70];
	v6 =	vand.u32 $0xFFFF0000, v0;
	v11 =	vmul.f32 $1.131370830e+01, v11  }
0x24c: {  	v9 =	vld [tilespmem:s11+$0xFFFFFFD0];
	v6 =	vadd.f32 v6, v1;
	v17 =	vshll.u32 v13, $0x10;
	v8 =	vmul.f32 $1.131370830e+01, v8  }
0x24d: {  	v7 =	vld [tilespmem:s11+$0x50];
	[tilespmem:s11+$0x20] =	vst v4;
	v13 =	vand.u32 $0xFFFF0000, v13;
	v11 =	vadd.f32 v17, v11  }
0x24e: {  	v16 =	vld [tilespmem:s10+$0xFFFFFFB0];
	[tilespmem:s11+$0xF0] =	vst v6;
	v8 =	vadd.f32 v13, v8  }
0x24f: {  	v14 =	vmul.f32 $1.131370830e+01, v14;
	v13 =	vld [tilespmem:s9+$0xFFFFFF50];
	[tilespmem:s8+$0x80] =	vst v11  }
0x250: {  	v6 =	vshll.u32 v10, $0x10;
	v11 =	vld [tilespmem:s8+$0xA0];
	[tilespmem:s8+$0x90] =	vst v8  }
0x251: {  	v14 =	vadd.f32 v6, v14;
	v8 =	vld [tilespmem:s9+$0xFFFFFFE0]  }
0x252: {  	v59 =	vld [tilespmem:s8+$0x50];
	v40 =	vmul.f32 $1.131370830e+01, v19  }
0x253: {  	v9 =	vmul.f32 $1.131370830e+01, v9;
	v7 =	vmul.f32 $1.131370830e+01, v7;
	v10 =	vand.u32 $0xFFFF0000, v10;
	[tilespmem:s11+$0xFFFFFFC0] =	vst v14;
	v14 =	vld [tilespmem:s8+$0xFFFFFF00]  }
0x254: {  	v61 =	vld [tilespmem:s8+$0xFFFFFF70];
	v46 =	vshll.u32 v16, $0x10;
	v16 =	vand.u32 $0xFFFF0000, v16;
	v17 =	vmul.f32 $1.131370830e+01, v34  }
0x255: {  	v62 =	vld [tilespmem:s8+$0xFFFFFFF0];
	v7 =	vadd.f32 v16, v7;
	v24 =	vshll.u32 v13, $0x10;
	v11 =	vmul.f32 $1.131370830e+01, v11  }
0x256: {  	v9 =	vadd.f32 v10, v9;
	v10 =	vld [tilespmem:s10+$0xFFFFFF40];
	v17 =	vadd.f32 v24, v17;
	v35 =	vshll.u32 v8, $0x10  }
0x257: {  	v20 =	vmul.f32 $1.131370830e+01, v20;
	v12 =	vld [tilespmem:s11+$0x40];
	[tilespmem:s11+$0x50] =	vst v7;
	v13 =	vand.u32 $0xFFFF0000, v13;
	v11 =	vadd.f32 v35, v11  }
0x258: {  	v5 =	vld [tilespmem:s11+$0xFFFFFFF0];
	v14 =	vmul.f32 $1.131370830e+01, v14;
	v13 =	vadd.f32 v13, v40;
	[tilespmem:s8+$0xFFFFFF80] =	vst v17;
	v8 =	vand.u32 $0xFFFF0000, v8  }
0x259: {  	v38 =	vshll.u32 v23, $0x10;
	v3 =	vld [tilespmem:s11+$0xFFFFFFE0];
	v8 =	vadd.f32 v8, v20;
	[tilespmem:s8+$0xA0] =	vst v11;
	v11 =	vmul.f32 $1.131370830e+01, v18  }
0x25a: {  	v41 =	vand.u32 $0xFFFF0000, v23;
	v15 =	vmul.f32 $1.131370830e+01, v15;
	v4 =	vld [tilespmem:s11+$0xFFFFFF70];
	v14 =	vadd.f32 v38, v14;
	[tilespmem:s8+$0xFFFFFF90] =	vst v13  }
0x25b: {  	v22 =	vmul.f32 $1.131370830e+01, v22;
	v49 =	vshll.u32 v10, $0x10;
	v48 =	vld [tilespmem:s9+$0xFFFFFF60];
	[tilespmem:s8+$0xB0] =	vst v8;
	v11 =	vadd.f32 v41, v11  }
0x25c: {  	v21 =	vmul.f32 $1.131370830e+01, v21;
	v44 =	vand.u32 $0xFFFF0000, v25;
	v7 =	vadd.f32 v49, v15;
	[tilespmem:s8+$0xFFFFFF00] =	vst v14;
	v14 =	vld [tilespmem:s9+$0xFFFFFFF0]  }
0x25d: {  	v43 =	vshll.u32 v25, $0x10;
	v1 =	vld [tilespmem:s11+$0x60];
	v13 =	vadd.f32 v44, v22;
	[tilespmem:s8+$0xFFFFFF10] =	vst v11  }
0x25e: {  	v19 =	vmul.f32 $1.131370830e+01, v42;
	v12 =	vmul.f32 $1.131370830e+01, v12;
	[tilespmem:s11+$0xFFFFFF60] =	vst v7;
	v18 =	vadd.f32 v43, v21;
	v45 =	vld [tilespmem:s9+$0xFFFFFF20]  }
0x25f: {  	v54 =	vmul.f32 $1.131370830e+01, v36;
	v2 =	vld [tilespmem:s11+$0x70];
	v17 =	vmul.f32 $1.131370830e+01, v37;
	[tilespmem:s8+$0x10] =	vst v13  }
0x260: {  	v12 =	vadd.f32 v46, v12;
	v13 =	vmul.f32 $1.131370830e+01, v39;
	v8 =	vld [tilespmem:s8+$0x20];
	[tilespmem:s8+$0x0] =	vst v18;
	v7 =	vshll.u32 v48, $0x10  }
0x261: {  	v55 =	vmul.f32 $1.131370830e+01, v47;
	[tilespmem:s11+$0xFFFFFFD0] =	vst v9;
	v50 =	vld [tilespmem:s9+$0xFFFFFFA0];
	v7 =	vadd.f32 v7, v17;
	v51 =	vshll.u32 v14, $0x10  }
0x262: {  	[tilespmem:s11+$0x40] =	vst v12;
	v12 =	vmul.f32 $1.131370830e+01, v26;
	v11 =	vld [tilespmem:s8+$0x30];
	v14 =	vand.u32 $0xFFFF0000, v14;
	v13 =	vadd.f32 v51, v13  }
0x263: {  	v5 =	vmul.f32 $1.131370830e+01, v5;
	v6 =	vld [tilespmem:s11+$0xE0];
	[tilespmem:s8+$0xFFFFFFA0] =	vst v7;
	v14 =	vadd.f32 v14, v19;
	v53 =	vshll.u32 v45, $0x10  }
0x264: {  	v3 =	vmul.f32 $1.131370830e+01, v3;
	v9 =	vld [tilespmem:s10+$0xFFFFFF80];
	[tilespmem:s8+$0xC0] =	vst v13;
	v21 =	vand.u32 $0xFFFF0000, v45;
	v12 =	vadd.f32 v53, v12  }
0x265: {  	v4 =	vmul.f32 $1.131370830e+01, v4;
	v15 =	vld [tilespmem:s8+$0xFFFFFF50];
	v16 =	vand.u32 $0xFFFF0000, v48;
	[tilespmem:s8+$0xD0] =	vst v14;
	v18 =	vadd.f32 v21, v54  }
0x266: {  	v16 =	vadd.f32 v16, v55;
	v8 =	vmul.f32 $1.131370830e+01, v8;
	v7 =	vand.u32 $0xFFFF0000, v10;
	v13 =	vld [tilespmem:s8+$0xFFFFFFC0];
	[tilespmem:s8+$0xFFFFFF20] =	vst v12  }
0x267: {  	v4 =	vadd.f32 v7, v4;
	v11 =	vmul.f32 $1.131370830e+01, v11;
	v57 =	vld [tilespmem:s9+$0x0];
	v12 =	vshll.u32 v50, $0x10;
	[tilespmem:s8+$0xFFFFFF30] =	vst v18  }
0x268: {  	v1 =	vmul.f32 $1.131370830e+01, v1;
	[tilespmem:s8+$0xFFFFFFB0] =	vst v16;
	v58 =	vand.u32 $0xFFFF0000, v50;
	v8 =	vadd.f32 v12, v8;
	v60 =	vld [tilespmem:s9+$0xFFFFFF30]  }
0x269: {  	v7 =	vand.u32 $0xFFFF0000, v9;
	v14 =	vld [tilespmem:s8+$0xFFFFFFD0];
	[tilespmem:s11+$0xFFFFFF70] =	vst v4;
	v10 =	vadd.f32 v58, v11;
	v11 =	vshll.u32 v9, $0x10  }
0x26a: {  	v6 =	vmul.f32 $1.131370830e+01, v6;
	v5 =	vadd.f32 v7, v5;
	v3 =	vadd.f32 v11, v3;
	[tilespmem:s8+$0x20] =	vst v8;
	v8 =	vld [tilespmem:s9+$0xFFFFFF70]  }
0x26b: {  	v7 =	vshll.u32 v0, $0x10;
	v0 =	vmul.f32 $1.131370830e+01, v2;
	v2 =	vmul.f32 $1.131370830e+01, v56;
	[tilespmem:s8+$0x30] =	vst v10;
	v12 =	vld [tilespmem:s8+$0x40]  }
0x26c: {  	v4 =	vmul.f32 $1.131370830e+01, v52;
	[tilespmem:s11+$0xFFFFFFE0] =	vst v3;
	v3 =	vadd.f32 v7, v6;
	v6 =	vand.u32 $0xFFFF0000, v57;
	v10 =	vld [tilespmem:s9+$0xFFFFFFB0]  }
0x26d: {  	[tilespmem:s11+$0xFFFFFFF0] =	vst v5;
	v5 =	vmul.f32 $1.131370830e+01, v15;
	v15 =	vld [tilespmem:s8+$0xFFFFFFE0];
	v2 =	vadd.f32 v6, v2;
	v6 =	vshll.u32 v60, $0x10  }
0x26e: {  	v9 =	vld [tilespmem:s8+$0xFFFFFF60];
	[tilespmem:s11+$0xE0] =	vst v3;
	v3 =	vmul.f32 $1.131370830e+01, v13;
	v7 =	vand.u32 $0xFFFF0000, v60;
	v4 =	vadd.f32 v6, v4  }
0x26f: {  	[tilespmem:s8+$0xF0] =	vst v2;
	v6 =	vmul.f32 $1.131370830e+01, v14;
	v5 =	vadd.f32 v7, v5;
	v14 =	vld [tilespmem:s8+$0x60];
	v2 =	vshll.u32 v8, $0x10  }
0x270: {  	v11 =	vmul.f32 $1.131370830e+01, v12;
	v7 =	vand.u32 $0xFFFF0000, v8;
	v3 =	vadd.f32 v2, v3;
	[tilespmem:s8+$0xFFFFFF40] =	vst v4;
	v4 =	vld [tilespmem:s8+$0x70]  }
0x271: {  	v13 =	vmul.f32 $1.131370830e+01, v59;
	v12 =	vadd.f32 v7, v6;
	v6 =	vshll.u32 v10, $0x10;
	[tilespmem:s8+$0xFFFFFF50] =	vst v5;
	v7 =	vld [tilespmem:s8+$0xE0]  }
0x272: {  	v8 =	vmul.f32 $1.131370830e+01, v61;
	v63 =	vadd.f32 v6, v11;
	v11 =	vld [tilespmem:s9+$0xFFFFFF40];
	[tilespmem:s8+$0xFFFFFFC0] =	vst v3;
	v3 =	vand.u32 $0xFFFF0000, v10  }
0x273: {  	s23 =	simm.s32 $0x35F0;
	v5 =	vmul.f32 $1.131370830e+01, v9;
	v9 =	vmul.f32 $1.131370830e+01, v62;
	[tilespmem:s8+$0xFFFFFFD0] =	vst v12;
	v10 =	vld [tilespmem:s10+$0xFFFFFFC0];
	v13 =	vadd.f32 v3, v13  }
0x274: {  	s25 =	simm.s32 $0xE600;
	v2 =	vshll.u32 v57, $0x10;
	v6 =	vmul.f32 $1.131370830e+01, v15;
	s10 =	simm.s32 $0x4;
	v12 =	vld [tilespmem:s9+$0xFFFFFF80];
	[tilespmem:s8+$0x40] =	vst v63;
	v3 =	vmul.f32 $1.131370830e+01, v14  }
.LBB2_9:
0x275: {  	v14 =	vld [tilespmem:s23+$0xFFFFFFD0];
	[tilespmem:s8+$0x50] =	vst v13;
	v4 =	vmul.f32 $1.131370830e+01, v4;
	s25 =	sadd.s32 $0x200, s25  }
0x276: {  	v13 =	vld [tilespmem:s25+$0x80];
	v7 =	vmul.f32 $1.131370830e+01, v7  }
0x277: {  	v15 =	vld [tilespmem:s25+$0x90];
	v16 =	vshll.u32 v11, $0x10;
	v11 =	vand.u32 $0xFFFF0000, v11  }
0x278: {  	v17 =	vld [tilespmem:s25+$0xFFFFFF00];
	v5 =	vadd.f32 v16, v5;
	v16 =	vshll.u32 v10, $0x10;
	v10 =	vand.u32 $0xFFFF0000, v10  }
0x279: {  	s10 =	sadd.s32 $0x4, s10;
	v8 =	vadd.f32 v11, v8;
	v18 =	vld [tilespmem:s25+$0xFFFFFF10];
	v11 =	vshll.u32 v12, $0x10;
	v12 =	vand.u32 $0xFFFF0000, v12  }
0x27a: {  	p1 =	slt.u32 s10, $0x5C;
	v19 =	vld [tilespmem:s25+$0xFFFFFF80];
	[tilespmem:s8+$0xFFFFFF60] =	vst v5;
	v5 =	vadd.f32 v11, v6;
	v6 =	vadd.f32 v12, v9  }
0x27b: {  	v10 =	vadd.f32 v10, v0;
	v0 =	vmovc v4;
	v9 =	vld [tilespmem:s25+$0xFFFFFF90];
	v11 =	vmul.f32 $1.131370830e+01, v13;
	[tilespmem:s8+$0xFFFFFF70] =	vst v8;
	v8 =	vadd.f32 v16, v1  }
0x27c: {  	v2 =	vadd.f32 v2, v7;
	v12 =	vshll.u32 v14, $0x10;
	v1 =	vmovc v3;
	v4 =	vld [tilespmem:s25+$0x0];
	v13 =	vmul.f32 $1.131370830e+01, v15;
	[tilespmem:s8+$0xFFFFFFE0] =	vst v5  }
0x27d: {  	v7 =	vand.u32 $0xFFFF0000, v14;
	v3 =	vmul.f32 $1.131370830e+01, v17;
	v5 =	vld [tilespmem:s25+$0x10];
	v11 =	vadd.f32 v12, v11;
	[tilespmem:s8+$0xFFFFFFF0] =	vst v6  }
0x27e: {  	v6 =	vmul.f32 $1.131370830e+01, v18;
	v12 =	vld [tilespmem:s23+$0xFFFFFF50];
	v7 =	vadd.f32 v7, v13;
	[tilespmem:s11+$0x60] =	vst v8  }
0x27f: {  	v8 =	vmul.f32 $1.131370830e+01, v19;
	[tilespmem:s25+$0x80] =	vst v11;
	v11 =	vld [tilespmem:s25+$0xA0]  }
0x280: {  	v9 =	vmul.f32 $1.131370830e+01, v9;
	[tilespmem:s25+$0x90] =	vst v7;
	v7 =	vld [tilespmem:s25+$0xB0]  }
0x281: {  	v4 =	vmul.f32 $1.131370830e+01, v4;
	v13 =	vld [tilespmem:s23+$0xFFFFFFE0];
	[tilespmem:s11+$0x70] =	vst v10;
	s11 =	smov.u32 s8;
	s8 =	smov.u32 s25  }
0x282: {  	v10 =	vld [tilespmem:s23+$0xFFFFFF90];
	v5 =	vmul.f32 $1.131370830e+01, v5;
	[tilespmem:s11+$0xE0] =	vst v2  }
0x283: {  	v2 =	vld [tilespmem:s23+$0xFFFFFF10];
	v14 =	vshll.u32 v12, $0x10;
	v12 =	vand.u32 $0xFFFF0000, v12  }
0x284: {  	v15 =	vld [tilespmem:s25+$0xFFFFFF20];
	v8 =	vadd.f32 v14, v8;
	v9 =	vadd.f32 v12, v9  }
0x285: {  	v11 =	vmul.f32 $1.131370830e+01, v11;
	v12 =	vld [tilespmem:s25+$0xFFFFFF30]  }
0x286: {  	v7 =	vmul.f32 $1.131370830e+01, v7;
	[tilespmem:s25+$0xFFFFFF80] =	vst v8;
	v8 =	vld [tilespmem:s25+$0xFFFFFFA0];
	v14 =	vshll.u32 v13, $0x10  }
0x287: {  	v13 =	vand.u32 $0xFFFF0000, v13;
	[tilespmem:s25+$0xFFFFFF90] =	vst v9;
	v9 =	vld [tilespmem:s25+$0xFFFFFFB0];
	v16 =	vshll.u32 v10, $0x10;
	v11 =	vadd.f32 v14, v11  }
0x288: {  	v7 =	vadd.f32 v13, v7;
	v14 =	vshll.u32 v2, $0x10;
	v2 =	vand.u32 $0xFFFF0000, v2;
	v17 =	vld [tilespmem:s25+$0x20]  }
0x289: {  	v3 =	vadd.f32 v14, v3;
	v2 =	vadd.f32 v2, v6;
	v6 =	vand.u32 $0xFFFF0000, v10;
	[tilespmem:s25+$0xA0] =	vst v11;
	v10 =	vld [tilespmem:s25+$0xC0]  }
0x28a: {  	v4 =	vadd.f32 v16, v4;
	v11 =	vmul.f32 $1.131370830e+01, v15;
	v5 =	vadd.f32 v6, v5;
	[tilespmem:s25+$0xB0] =	vst v7;
	v6 =	vld [tilespmem:s25+$0xD0]  }
0x28b: {  	[tilespmem:s25+$0xFFFFFF00] =	vst v3;
	v3 =	vmul.f32 $1.131370830e+01, v12;
	v7 =	vmul.f32 $1.131370830e+01, v8;
	v8 =	vld [tilespmem:s23+$0xFFFFFFF0]  }
0x28c: {  	[tilespmem:s25+$0xFFFFFF10] =	vst v2;
	v2 =	vmul.f32 $1.131370830e+01, v9;
	v9 =	vld [tilespmem:s25+$0x30]  }
0x28d: {  	v12 =	vld [tilespmem:s23+$0xFFFFFF20];
	[tilespmem:s25+$0x0] =	vst v4;
	v4 =	vmul.f32 $1.131370830e+01, v17  }
0x28e: {  	v13 =	vld [tilespmem:s23+$0xFFFFFF60];
	[tilespmem:s25+$0x10] =	vst v5  }
0x28f: {  	v10 =	vmul.f32 $1.131370830e+01, v10;
	v5 =	vld [tilespmem:s23+$0xFFFFFFA0]  }
0x290: {  	v6 =	vmul.f32 $1.131370830e+01, v6;
	v14 =	vld [tilespmem:s25+$0xFFFFFF40];
	v15 =	vshll.u32 v8, $0x10  }
0x291: {  	v8 =	vand.u32 $0xFFFF0000, v8;
	v16 =	vld [tilespmem:s25+$0xFFFFFF50];
	v9 =	vmul.f32 $1.131370830e+01, v9;
	v10 =	vadd.f32 v15, v10  }
0x292: {  	v6 =	vadd.f32 v8, v6;
	v15 =	vshll.u32 v12, $0x10;
	v12 =	vand.u32 $0xFFFF0000, v12;
	v17 =	vld [tilespmem:s25+$0xFFFFFFC0]  }
0x293: {  	v8 =	vadd.f32 v15, v11;
	v11 =	vshll.u32 v13, $0x10;
	v13 =	vand.u32 $0xFFFF0000, v13;
	v15 =	vld [tilespmem:s25+$0xFFFFFFD0];
	[tilespmem:s25+$0xC0] =	vst v10  }
0x294: {  	v3 =	vadd.f32 v12, v3;
	v10 =	vshll.u32 v5, $0x10;
	v5 =	vand.u32 $0xFFFF0000, v5;
	[tilespmem:s25+$0xD0] =	vst v6;
	v6 =	vld [tilespmem:s25+$0xF0]  }
0x295: {  	v7 =	vadd.f32 v11, v7;
	v2 =	vadd.f32 v13, v2;
	[tilespmem:s25+$0xFFFFFF20] =	vst v8;
	v8 =	vmul.f32 $1.131370830e+01, v14;
	v11 =	vld [tilespmem:s23+$0x0]  }
0x296: {  	v4 =	vadd.f32 v10, v4;
	v5 =	vadd.f32 v5, v9;
	[tilespmem:s25+$0xFFFFFF30] =	vst v3;
	v3 =	vmul.f32 $1.131370830e+01, v16;
	v9 =	vld [tilespmem:s25+$0x40]  }
0x297: {  	[tilespmem:s25+$0xFFFFFFA0] =	vst v7;
	v7 =	vmul.f32 $1.131370830e+01, v17;
	v10 =	vld [tilespmem:s25+$0x50]  }
0x298: {  	v12 =	vld [tilespmem:s23+$0xFFFFFF30];
	[tilespmem:s25+$0xFFFFFFB0] =	vst v2;
	v13 =	vmul.f32 $1.131370830e+01, v15  }
0x299: {  	v14 =	vld [tilespmem:s23+$0xFFFFFF70];
	[tilespmem:s25+$0x20] =	vst v4;
	v4 =	vmul.f32 $1.131370830e+01, v6  }
0x29a: {  	v6 =	vld [tilespmem:s25+$0xFFFFFF60];
	[tilespmem:s25+$0x30] =	vst v5;
	v2 =	vshll.u32 v11, $0x10;
	v5 =	vand.u32 $0xFFFF0000, v11  }
0x29b: {  	v11 =	vld [tilespmem:s23+$0xFFFFFFB0];
	v9 =	vmul.f32 $1.131370830e+01, v9;
	v4 =	vadd.f32 v5, v4  }
0x29c: {  	v15 =	vld [tilespmem:s25+$0xFFFFFF70];
	v10 =	vmul.f32 $1.131370830e+01, v10  }
0x29d: {  	v5 =	vshll.u32 v12, $0x10;
	v12 =	vand.u32 $0xFFFF0000, v12;
	v16 =	vld [tilespmem:s25+$0xFFFFFFE0];
	[tilespmem:s25+$0xF0] =	vst v4  }
0x29e: {  	v4 =	vadd.f32 v5, v8;
	v8 =	vshll.u32 v14, $0x10;
	v14 =	vand.u32 $0xFFFF0000, v14;
	v17 =	vld [tilespmem:s25+$0xFFFFFFF0]  }
0x29f: {  	v3 =	vadd.f32 v12, v3;
	v5 =	vmul.f32 $1.131370830e+01, v6;
	v6 =	vadd.f32 v8, v7;
	v18 =	vld [tilespmem:s25+$0x60]  }
.Ltmp3:
0x2a0: {  	v12 =	vadd.f32 v14, v13;
	[tilespmem:s25+$0xFFFFFF40] =	vst v4;
	v7 =	vshll.u32 v11, $0x10;
	v11 =	vand.u32 $0xFFFF0000, v11;
	v4 =	vld [tilespmem:s25+$0x70];
	(pc) =	sbr.rel @p1 .LBB2_9-.Ltmp3, $4  }
0x2a1: {  	[tilespmem:s25+$0xFFFFFF50] =	vst v3;
	v8 =	vmul.f32 $1.131370830e+01, v15;
	v3 =	vadd.f32 v7, v9;
	v13 =	vadd.f32 v11, v10;
	v7 =	vld [tilespmem:s25+$0xE0]  }
0x2a2: {  	v11 =	vld [tilespmem:s23+$0xFFFFFF40];
	[tilespmem:s25+$0xFFFFFFC0] =	vst v6;
	v6 =	vmul.f32 $1.131370830e+01, v16  }
0x2a3: {  	[tilespmem:s25+$0xFFFFFFD0] =	vst v12;
	v9 =	vmul.f32 $1.131370830e+01, v17;
	v10 =	vld [tilespmem:s9+$0xFFFFFFC0];
	s9 =	smov.u32 s23  }
0x2a4: {  	s23 =	sadd.s32 $0x100, s23;
	v12 =	vld [tilespmem:s9+$0xFFFFFF80];
	[tilespmem:s25+$0x40] =	vst v3;
	v3 =	vmul.f32 $1.131370830e+01, v18  }
0x2a5: {  	_ =	sdelay $0x1  }
0x2a6: {  	v14 =	vshll.u32 v11, $0x10  }
0x2a7: {  	[tilespmem:s8+$0x50] =	vst v13;
	v7 =	vmul.f32 $1.131370830e+01, v7;
	v11 =	vand.u32 $0xFFFF0000, v11;
	v5 =	vadd.f32 v14, v5  }
0x2a8: {  	v13 =	vld [tilespmem:s9+$0xFFFFFFC0];
	v8 =	vadd.f32 v11, v8  }
0x2a9: {  	v2 =	vadd.f32 v2, v7;
	v11 =	vshll.u32 v12, $0x10;
	[tilespmem:s8+$0xFFFFFF60] =	vst v5  }
0x2aa: {  	v5 =	vadd.f32 v11, v6;
	v6 =	vshll.u32 v10, $0x10;
	[tilespmem:s8+$0xFFFFFF70] =	vst v8  }
0x2ab: {  	v8 =	vand.u32 $0xFFFF0000, v10;
	[tilespmem:s8+$0xE0] =	vst v2;
	v1 =	vadd.f32 v6, v1  }
0x2ac: {  	v12 =	vand.u32 $0xFFFF0000, v12;
	v0 =	vadd.f32 v8, v0;
	[tilespmem:s8+$0xFFFFFFE0] =	vst v5  }
0x2ad: {  	v4 =	vmul.f32 $1.131370830e+01, v4;
	v9 =	vadd.f32 v12, v9;
	[tilespmem:s11+$0x60] =	vst v1;
	v1 =	vshll.u32 v13, $0x10  }
0x2ae: {  	[tilespmem:s11+$0x70] =	vst v0;
	v0 =	vand.u32 $0xFFFF0000, v13;
	v1 =	vadd.f32 v1, v3  }
0x2af: {  	[tilespmem:s8+$0xFFFFFFF0] =	vst v9;
	v0 =	vadd.f32 v0, v4  }
0x2b0: {  	[tilespmem:s8+$0x60] =	vst v1  }
0x2b1: {  	[tilespmem:s8+$0x70] =	vst v0;
	s8 =	simm.s32 @!p0 $0x10  }
0x2b2: {  	s10 =	simm.s32 $0x60;
	_ =	swait.ge @!p0 [sflag:s8], $0x3000  }
0x2b3: {  	s14 =	simm.s32 $0x1AB00;
	[sflag:s8] =	ssyncset.done @!p0 $0x0;
	s16 =	rddreg [dreg:$0x8]  }
0x2b4: {  	s11 =	sadd.s32 $0x2C0, s21;
	[sflag:s8] =	ssyncadd.s32 @!p0 $0xFFFFD000;
	s8 =	sadd.s32 s21, s16  }
0x2b5: {  	[tilespmem:s14], [sflag:$0x8] =	stream.indirect.gather [hbm4b:s1+s10], $0x80, s11, s10, $0xb8;
	[tilespmem:$0x1DB00] =	vst v63  }
0x2b6: {  	s8 =	sshll.u32 s8, $0x4  }
0x2b7: {  	s21 =	simm.s32 $0xE300;
	s8 =	sadd.s32 s3, s8  }
0x2b8: {  	[hbm4b:s8+s4] =	stream.linear.scatter [tilespmem:s21], [sflag:$0xC], $0x3000, $0x38;
	[tilespmem:$0x1DB00] =	vst v63  }
0x2b9: {  	_ =	swait.ge [sflag:s31], $0x3400  }
0x2ba: {  	[sflag:s31] =	ssyncset.done $0x0  }
0x2bb: {  	s21 =	simm.s32 $0x11400;
	[sflag:s31] =	ssyncadd.s32 $0xFFFFCC00  }
0x2bc: {  	s23 =	simm.s32 $0x1980;
	v0 =	vld [tilespmem:s21+$0x80]  }
0x2bd: {  	v1 =	vld [tilespmem:s23+$0x40]  }
0x2be: {  	v2 =	vld [tilespmem:s21+$0x90]  }
0x2bf: {  	v3 =	vld [tilespmem:s21+$0xFFFFFF00]  }
0x2c0: {  	v5 =	vld [tilespmem:s21+$0xFFFFFF10]  }
0x2c1: {  	v6 =	vld [tilespmem:s21+$0xFFFFFF90]  }
0x2c2: {  	v7 =	vld [tilespmem:s21+$0xB0]  }
0x2c3: {  	v8 =	vld [tilespmem:s21+$0x0]  }
0x2c4: {  	v9 =	vld [tilespmem:s21+$0x10];
	v0 =	vmul.f32 $1.131370830e+01, v0  }
0x2c5: {  	v10 =	vld [tilespmem:s23+$0x0];
	v4 =	vshll.u32 v1, $0x10;
	v2 =	vmul.f32 $1.131370830e+01, v2  }
0x2c6: {  	v12 =	vld [tilespmem:s23+$0xFFFFFF80];
	v1 =	vand.u32 $0xFFFF0000, v1;
	v0 =	vadd.f32 v4, v0  }
0x2c7: {  	v4 =	vld [tilespmem:s21+$0xFFFFFF80];
	v1 =	vadd.f32 v1, v2  }
0x2c8: {  	s22 =	simm.s32 $0xC0;
	v2 =	vld [tilespmem:s23+$0xFFFFFFC0];
	[tilespmem:s21+$0x80] =	vst v0  }
0x2c9: {  	s24 =	sor.u32 $0x50, s22;
	v0 =	vld [tilespmem:s21+$0xA0];
	[tilespmem:s21+$0x90] =	vst v1  }
0x2ca: {  	v1 =	vld [tilespmem:s24+$0x1900]  }
0x2cb: {  	v13 =	vld [tilespmem:s21+$0xFFFFFF20]  }
0x2cc: {  	v14 =	vld [tilespmem:s21+$0xFFFFFFC0];
	v6 =	vmul.f32 $1.131370830e+01, v6  }
0x2cd: {  	s9 =	simm.s32 $0x1A80;
	v15 =	vld [tilespmem:s21+$0xFFFFFF60];
	v4 =	vmul.f32 $1.131370830e+01, v4;
	v11 =	vshll.u32 v2, $0x10;
	v2 =	vand.u32 $0xFFFF0000, v2  }
0x2ce: {  	v23 =	vld [tilespmem:s9+$0xFFFFFF80];
	v2 =	vadd.f32 v2, v6;
	v0 =	vmul.f32 $1.131370830e+01, v0  }
0x2cf: {  	v25 =	vld [tilespmem:s9+$0x0];
	v4 =	vadd.f32 v11, v4;
	v11 =	vshll.u32 v1, $0x10  }
0x2d0: {  	v7 =	vmul.f32 $1.131370830e+01, v7;
	v6 =	vld [tilespmem:s21+$0xFFFFFF30];
	[tilespmem:s21+$0xFFFFFF90] =	vst v2;
	v0 =	vadd.f32 v11, v0  }
0x2d1: {  	v1 =	vand.u32 $0xFFFF0000, v1;
	v2 =	vld [tilespmem:s21+$0xC0];
	[tilespmem:s21+$0xFFFFFF80] =	vst v4  }
0x2d2: {  	v4 =	vld [tilespmem:s21+$0xFFFFFFA0];
	v1 =	vadd.f32 v1, v7;
	[tilespmem:s21+$0xA0] =	vst v0;
	v0 =	vmul.f32 $1.131370830e+01, v3  }
0x2d3: {  	v7 =	vshll.u32 v12, $0x10;
	v3 =	vmul.f32 $1.131370830e+01, v5;
	v5 =	vld [tilespmem:s21+$0xFFFFFFB0]  }
0x2d4: {  	s25 =	sor.u32 $0x60, s22;
	[tilespmem:s21+$0xB0] =	vst v1;
	v1 =	vmul.f32 $1.131370830e+01, v8;
	v8 =	vand.u32 $0xFFFF0000, v12;
	v0 =	vadd.f32 v7, v0;
	v7 =	vld [tilespmem:s21+$0xD0]  }
0x2d5: {  	v9 =	vmul.f32 $1.131370830e+01, v9;
	v3 =	vadd.f32 v8, v3;
	v8 =	vld [tilespmem:s25+$0x1900]  }
0x2d6: {  	v11 =	vshll.u32 v10, $0x10;
	v10 =	vand.u32 $0xFFFF0000, v10;
	v12 =	vld [tilespmem:s21+$0x20];
	[tilespmem:s21+$0xFFFFFF00] =	vst v0  }
0x2d7: {  	v1 =	vadd.f32 v11, v1;
	v11 =	vld [tilespmem:s21+$0xFFFFFF40];
	v0 =	vadd.f32 v10, v9;
	[tilespmem:s21+$0xFFFFFF10] =	vst v3  }
0x2d8: {  	s10 =	simm.s32 $0x40;
	v9 =	vld [tilespmem:s23+$0xFFFFFF90]  }
0x2d9: {  	s30 =	sor.u32 $0x50, s10;
	v3 =	vld [tilespmem:s21+$0x30];
	[tilespmem:s21+$0x10] =	vst v0;
	v0 =	vmul.f32 $1.131370830e+01, v2  }
0x2da: {  	[tilespmem:s21+$0x0] =	vst v1;
	v1 =	vld [tilespmem:s30+$0x1900];
	v10 =	vshll.u32 v8, $0x10;
	v7 =	vmul.f32 $1.131370830e+01, v7  }
0x2db: {  	v2 =	vld [tilespmem:s23+$0x10];
	v8 =	vand.u32 $0xFFFF0000, v8;
	v0 =	vadd.f32 v10, v0  }
0x2dc: {  	v6 =	vmul.f32 $1.131370830e+01, v6;
	v10 =	vmul.f32 $1.131370830e+01, v13;
	v13 =	vld [tilespmem:s21+$0xFFFFFF50];
	v7 =	vadd.f32 v8, v7  }
0x2dd: {  	v8 =	vshll.u32 v9, $0x10;
	[tilespmem:s21+$0xC0] =	vst v0;
	v0 =	vmul.f32 $1.131370830e+01, v4;
	v4 =	vand.u32 $0xFFFF0000, v9;
	v9 =	vld [tilespmem:s21+$0xFFFFFFD0]  }
0x2de: {  	v5 =	vmul.f32 $1.131370830e+01, v5;
	v4 =	vadd.f32 v4, v6;
	v6 =	vld [tilespmem:s21+$0xF0]  }
0x2df: {  	s8 =	sor.u32 $0x70, s22;
	v8 =	vadd.f32 v8, v10;
	[tilespmem:s21+$0xD0] =	vst v7;
	v7 =	vshll.u32 v1, $0x10;
	v10 =	vmul.f32 $1.131370830e+01, v12;
	v12 =	vld [tilespmem:s21+$0x40]  }
0x2e0: {  	v1 =	vand.u32 $0xFFFF0000, v1;
	v7 =	vadd.f32 v7, v0;
	v0 =	vld [tilespmem:s8+$0x1900]  }
0x2e1: {  	v1 =	vadd.f32 v1, v5;
	v5 =	vld [tilespmem:s21+$0xFFFFFFF0];
	s8 =	simm.s32 $0x11600  }
0x2e2: {  	[tilespmem:s21+$0xFFFFFF20] =	vst v8;
	v18 =	vld [tilespmem:s8+$0xFFFFFF10]  }
0x2e3: {  	[tilespmem:s21+$0xFFFFFF30] =	vst v4;
	v33 =	vld [tilespmem:s8+$0xFFFFFF80]  }
0x2e4: {  	v3 =	vmul.f32 $1.131370830e+01, v3;
	[tilespmem:s21+$0xFFFFFFA0] =	vst v7;
	v7 =	vld [tilespmem:s23+$0xFFFFFFA0]  }
0x2e5: {  	s14 =	sor.u32 $0x60, s10;
	v8 =	vshll.u32 v2, $0x10;
	v2 =	vand.u32 $0xFFFF0000, v2;
	v19 =	vld [tilespmem:s8+$0xFFFFFF90];
	[tilespmem:s21+$0xFFFFFFB0] =	vst v1  }
0x2e6: {  	v4 =	vadd.f32 v8, v10;
	v2 =	vadd.f32 v2, v3;
	v10 =	vld [tilespmem:s14+$0x1900]  }
0x2e7: {  	v20 =	vld [tilespmem:s8+$0xB0];
	v1 =	vmul.f32 $1.131370830e+01, v6  }
0x2e8: {  	v21 =	vld [tilespmem:s8+$0x0];
	[tilespmem:s21+$0x30] =	vst v2;
	v2 =	vmul.f32 $1.131370830e+01, v11;
	v6 =	vand.u32 $0xFFFF0000, v0  }
0x2e9: {  	v22 =	vld [tilespmem:s8+$0x10];
	v11 =	vmul.f32 $1.131370830e+01, v13;
	v6 =	vadd.f32 v6, v1;
	v13 =	vshll.u32 v7, $0x10  }
0x2ea: {  	v26 =	vld [tilespmem:s8+$0xFFFFFF20];
	v9 =	vmul.f32 $1.131370830e+01, v9;
	v7 =	vand.u32 $0xFFFF0000, v7;
	v13 =	vadd.f32 v13, v2  }
0x2eb: {  	[tilespmem:s21+$0xF0] =	vst v6;
	v6 =	vshll.u32 v10, $0x10;
	v7 =	vadd.f32 v7, v11;
	v11 =	vld [tilespmem:s8+$0x80];
	v10 =	vand.u32 $0xFFFF0000, v10  }
0x2ec: {  	v9 =	vadd.f32 v10, v9;
	v10 =	vld [tilespmem:s8+$0x90]  }
0x2ed: {  	[tilespmem:s21+$0xFFFFFF40] =	vst v13;
	v13 =	vld [tilespmem:s9+$0x40]  }
0x2ee: {  	v35 =	vld [tilespmem:s8+$0xFFFFFF30]  }
0x2ef: {  	v14 =	vmul.f32 $1.131370830e+01, v14;
	v36 =	vld [tilespmem:s8+$0xFFFFFFA0]  }
0x2f0: {  	v38 =	vld [tilespmem:s8+$0xC0]  }
0x2f1: {  	v41 =	vld [tilespmem:s8+$0xD0];
	v14 =	vadd.f32 v6, v14;
	[tilespmem:s21+$0xFFFFFFD0] =	vst v9;
	v9 =	vmul.f32 $1.131370830e+01, v11  }
0x2f2: {  	v8 =	vld [tilespmem:s21+$0x50];
	[tilespmem:s21+$0x20] =	vst v4;
	v10 =	vmul.f32 $1.131370830e+01, v10;
	v17 =	vshll.u32 v13, $0x10  }
0x2f3: {  	s10 =	sor.u32 $0x70, s10;
	v16 =	vld [tilespmem:s23+$0x20];
	[tilespmem:s21+$0xFFFFFFC0] =	vst v14;
	v13 =	vand.u32 $0xFFFF0000, v13;
	v9 =	vadd.f32 v17, v9  }
0x2f4: {  	[tilespmem:s21+$0xFFFFFF50] =	vst v7;
	v7 =	vld [tilespmem:s10+$0x1900];
	v10 =	vadd.f32 v13, v10  }
0x2f5: {  	s10 =	simm.s32 $0x1C0;
	v11 =	vld [tilespmem:s8+$0xFFFFFF00];
	[tilespmem:s8+$0x80] =	vst v9  }
0x2f6: {  	s14 =	sor.u32 $0x50, s10;
	v9 =	vld [tilespmem:s8+$0xA0];
	[tilespmem:s8+$0x90] =	vst v10  }
0x2f7: {  	v10 =	vld [tilespmem:s14+$0x1900]  }
0x2f8: {  	v46 =	vld [tilespmem:s8+$0xFFFFFFB0]  }
0x2f9: {  	v13 =	vld [tilespmem:s9+$0xFFFFFFC0]  }
0x2fa: {  	v37 =	vshll.u32 v23, $0x10;
	v51 =	vld [tilespmem:s8+$0xFFFFFF40];
	v8 =	vmul.f32 $1.131370830e+01, v8  }
0x2fb: {  	v55 =	vld [tilespmem:s8+$0xF0];
	v45 =	vshll.u32 v16, $0x10;
	v16 =	vand.u32 $0xFFFF0000, v16;
	v9 =	vmul.f32 $1.131370830e+01, v9  }
0x2fc: {  	v60 =	vld [tilespmem:s8+$0xFFFFFF70];
	v8 =	vadd.f32 v16, v8;
	v11 =	vmul.f32 $1.131370830e+01, v11;
	v34 =	vshll.u32 v10, $0x10  }
0x2fd: {  	v61 =	vld [tilespmem:s8+$0xFFFFFFF0];
	v20 =	vmul.f32 $1.131370830e+01, v20;
	v39 =	vmul.f32 $1.131370830e+01, v19;
	v9 =	vadd.f32 v34, v9  }
0x2fe: {  	v3 =	vld [tilespmem:s21+$0xFFFFFFE0];
	[tilespmem:s21+$0x50] =	vst v8;
	v11 =	vadd.f32 v37, v11;
	v24 =	vshll.u32 v13, $0x10;
	v10 =	vand.u32 $0xFFFF0000, v10  }
0x2ff: {  	v4 =	vld [tilespmem:s21+$0xFFFFFF70];
	v13 =	vand.u32 $0xFFFF0000, v13;
	v10 =	vadd.f32 v10, v20;
	[tilespmem:s8+$0xA0] =	vst v9;
	v9 =	vmul.f32 $1.131370830e+01, v18  }
0x300: {  	v40 =	vand.u32 $0xFFFF0000, v23;
	v14 =	vld [tilespmem:s23+$0xFFFFFFB0];
	v17 =	vmul.f32 $1.131370830e+01, v33;
	v13 =	vadd.f32 v13, v39;
	[tilespmem:s8+$0xFFFFFF00] =	vst v11  }
0x301: {  	v42 =	vshll.u32 v25, $0x10;
	v1 =	vld [tilespmem:s21+$0x60];
	v22 =	vmul.f32 $1.131370830e+01, v22;
	s16 =	sor.u32 $0x60, s10;
	[tilespmem:s8+$0xB0] =	vst v10;
	v9 =	vadd.f32 v40, v9  }
0x302: {  	v43 =	vand.u32 $0xFFFF0000, v25;
	v21 =	vmul.f32 $1.131370830e+01, v21;
	v17 =	vadd.f32 v24, v17;
	[tilespmem:s8+$0xFFFFFF90] =	vst v13;
	v11 =	vld [tilespmem:s16+$0x1900]  }
0x303: {  	v15 =	vmul.f32 $1.131370830e+01, v15;
	v12 =	vmul.f32 $1.131370830e+01, v12;
	v2 =	vld [tilespmem:s21+$0x70];
	v13 =	vadd.f32 v43, v22;
	[tilespmem:s8+$0xFFFFFF10] =	vst v9  }
0x304: {  	v5 =	vmul.f32 $1.131370830e+01, v5;
	v19 =	vmul.f32 $1.131370830e+01, v41;
	[tilespmem:s8+$0xFFFFFF80] =	vst v17;
	v18 =	vadd.f32 v42, v21;
	s16 =	simm.s32 $0x140;
	v44 =	vld [tilespmem:s9+$0xFFFFFF90]  }
0x305: {  	v4 =	vmul.f32 $1.131370830e+01, v4;
	v12 =	vadd.f32 v45, v12;
	v48 =	vshll.u32 v14, $0x10;
	[tilespmem:s8+$0x10] =	vst v13;
	v10 =	vld [tilespmem:s8+$0x20];
	s22 =	sor.u32 $0x50, s16  }
0x306: {  	v14 =	vand.u32 $0xFFFF0000, v14;
	v8 =	vadd.f32 v48, v15;
	v13 =	vmul.f32 $1.131370830e+01, v38;
	[tilespmem:s8+$0x0] =	vst v18;
	v47 =	vld [tilespmem:s22+$0x1900]  }
0x307: {  	v53 =	vmul.f32 $1.131370830e+01, v35;
	[tilespmem:s21+$0x40] =	vst v12;
	v4 =	vadd.f32 v14, v4;
	v49 =	vld [tilespmem:s9+$0x10];
	v50 =	vshll.u32 v11, $0x10  }
0x308: {  	v12 =	vmul.f32 $1.131370830e+01, v26;
	[tilespmem:s21+$0xFFFFFF60] =	vst v8;
	v9 =	vld [tilespmem:s8+$0x30];
	v11 =	vand.u32 $0xFFFF0000, v11;
	v13 =	vadd.f32 v50, v13  }
0x309: {  	v54 =	vmul.f32 $1.131370830e+01, v46;
	v6 =	vld [tilespmem:s21+$0xE0];
	[tilespmem:s21+$0xFFFFFF70] =	vst v4;
	v11 =	vadd.f32 v11, v19;
	v52 =	vshll.u32 v44, $0x10  }
0x30a: {  	v15 =	vld [tilespmem:s8+$0xFFFFFF50];
	v17 =	vmul.f32 $1.131370830e+01, v36;
	[tilespmem:s8+$0xC0] =	vst v13;
	v21 =	vand.u32 $0xFFFF0000, v44;
	v12 =	vadd.f32 v52, v12  }
0x30b: {  	v3 =	vmul.f32 $1.131370830e+01, v3;
	v8 =	vshll.u32 v47, $0x10;
	v13 =	vld [tilespmem:s8+$0xFFFFFFC0];
	[tilespmem:s8+$0xD0] =	vst v11;
	v18 =	vadd.f32 v21, v53  }
0x30c: {  	s24 =	sor.u32 $0x70, s10;
	v10 =	vmul.f32 $1.131370830e+01, v10;
	v16 =	vand.u32 $0xFFFF0000, v47;
	v11 =	vld [tilespmem:s8+$0xFFFFFFD0];
	v8 =	vadd.f32 v8, v17;
	[tilespmem:s8+$0xFFFFFF20] =	vst v12  }
0x30d: {  	v16 =	vadd.f32 v16, v54;
	v9 =	vmul.f32 $1.131370830e+01, v9;
	v56 =	vld [tilespmem:s24+$0x1900];
	v12 =	vshll.u32 v49, $0x10;
	[tilespmem:s8+$0xFFFFFF30] =	vst v18  }
0x30e: {  	v1 =	vmul.f32 $1.131370830e+01, v1;
	v57 =	vand.u32 $0xFFFF0000, v49;
	[tilespmem:s8+$0xFFFFFFA0] =	vst v8;
	v10 =	vadd.f32 v12, v10;
	v59 =	vld [tilespmem:s9+$0xFFFFFFA0]  }
0x30f: {  	v58 =	vshll.u32 v7, $0x10;
	v7 =	vand.u32 $0xFFFF0000, v7;
	s25 =	sor.u32 $0x60, s16;
	v8 =	vld [tilespmem:s8+$0x50];
	v9 =	vadd.f32 v57, v9;
	[tilespmem:s8+$0xFFFFFFB0] =	vst v16  }
0x310: {  	v6 =	vmul.f32 $1.131370830e+01, v6;
	v3 =	vadd.f32 v58, v3;
	v5 =	vadd.f32 v7, v5;
	[tilespmem:s8+$0x20] =	vst v10;
	v10 =	vld [tilespmem:s25+$0x1900]  }
0x311: {  	v7 =	vshll.u32 v0, $0x10;
	v0 =	vmul.f32 $1.131370830e+01, v2;
	v2 =	vmul.f32 $1.131370830e+01, v55;
	[tilespmem:s8+$0x30] =	vst v9;
	v12 =	vld [tilespmem:s8+$0x40]  }
0x312: {  	v4 =	vmul.f32 $1.131370830e+01, v51;
	[tilespmem:s21+$0xFFFFFFE0] =	vst v3;
	v3 =	vadd.f32 v7, v6;
	v6 =	vand.u32 $0xFFFF0000, v56;
	v14 =	vld [tilespmem:s9+$0x20]  }
0x313: {  	v62 =	vld [tilespmem:s8+$0x60];
	[tilespmem:s21+$0xFFFFFFF0] =	vst v5;
	v5 =	vmul.f32 $1.131370830e+01, v15;
	v2 =	vadd.f32 v6, v2;
	v6 =	vshll.u32 v59, $0x10  }
0x314: {  	[tilespmem:s21+$0xE0] =	vst v3;
	v9 =	vld [tilespmem:s8+$0xFFFFFF60];
	v3 =	vmul.f32 $1.131370830e+01, v13;
	v7 =	vand.u32 $0xFFFF0000, v59;
	v4 =	vadd.f32 v6, v4  }
0x315: {  	v15 =	vld [tilespmem:s8+$0xFFFFFFE0];
	[tilespmem:s8+$0xF0] =	vst v2;
	v6 =	vmul.f32 $1.131370830e+01, v11;
	v5 =	vadd.f32 v7, v5;
	v2 =	vshll.u32 v10, $0x10  }
0x316: {  	v11 =	vmul.f32 $1.131370830e+01, v12;
	v7 =	vand.u32 $0xFFFF0000, v10;
	v3 =	vadd.f32 v2, v3;
	[tilespmem:s8+$0xFFFFFF40] =	vst v4;
	v4 =	vld [tilespmem:s8+$0x70]  }
0x317: {  	v12 =	vmul.f32 $1.131370830e+01, v8;
	v10 =	vadd.f32 v7, v6;
	v6 =	vshll.u32 v14, $0x10;
	[tilespmem:s8+$0xFFFFFF50] =	vst v5;
	v7 =	vld [tilespmem:s8+$0xE0]  }
0x318: {  	v8 =	vmul.f32 $1.131370830e+01, v60;
	v63 =	vadd.f32 v6, v11;
	v11 =	vld [tilespmem:s9+$0xFFFFFFB0];
	[tilespmem:s8+$0xFFFFFFC0] =	vst v3;
	v3 =	vand.u32 $0xFFFF0000, v14  }
0x319: {  	s28 =	simm.s32 $0x11600;
	s30 =	sor.u32 $0x70, s16;
	v5 =	vmul.f32 $1.131370830e+01, v9;
	v9 =	vmul.f32 $1.131370830e+01, v61;
	[tilespmem:s8+$0xFFFFFFD0] =	vst v10;
	v10 =	vld [tilespmem:s23+$0x30];
	v13 =	vadd.f32 v3, v12  }
0x31a: {  	s25 =	simm.s32 $0x1B80;
	v2 =	vshll.u32 v56, $0x10;
	v6 =	vmul.f32 $1.131370830e+01, v15;
	s23 =	simm.s32 $0x4;
	v12 =	vld [tilespmem:s30+$0x1900];
	[tilespmem:s8+$0x40] =	vst v63;
	v3 =	vmul.f32 $1.131370830e+01, v62  }
.LBB2_11:
0x31b: {  	v14 =	vld [tilespmem:s25+$0x40];
	[tilespmem:s8+$0x50] =	vst v13;
	v4 =	vmul.f32 $1.131370830e+01, v4;
	s28 =	sadd.s32 $0x200, s28  }
0x31c: {  	v13 =	vld [tilespmem:s28+$0x80];
	v7 =	vmul.f32 $1.131370830e+01, v7  }
0x31d: {  	v15 =	vld [tilespmem:s28+$0x90];
	v16 =	vshll.u32 v11, $0x10;
	v11 =	vand.u32 $0xFFFF0000, v11  }
0x31e: {  	v17 =	vld [tilespmem:s28+$0xFFFFFF00];
	v5 =	vadd.f32 v16, v5;
	v16 =	vshll.u32 v10, $0x10;
	v10 =	vand.u32 $0xFFFF0000, v10  }
0x31f: {  	s23 =	sadd.s32 $0x4, s23;
	v8 =	vadd.f32 v11, v8;
	v18 =	vld [tilespmem:s28+$0xFFFFFF10];
	v11 =	vshll.u32 v12, $0x10;
	v12 =	vand.u32 $0xFFFF0000, v12  }
0x320: {  	p0 =	slt.u32 s23, $0x64;
	v19 =	vld [tilespmem:s28+$0xFFFFFF80];
	[tilespmem:s8+$0xFFFFFF60] =	vst v5;
	v5 =	vadd.f32 v11, v6;
	v6 =	vadd.f32 v12, v9  }
0x321: {  	v10 =	vadd.f32 v10, v0;
	v0 =	vmovc v4;
	v9 =	vld [tilespmem:s28+$0xFFFFFF90];
	v11 =	vmul.f32 $1.131370830e+01, v13;
	[tilespmem:s8+$0xFFFFFF70] =	vst v8;
	v8 =	vadd.f32 v16, v1  }
0x322: {  	v2 =	vadd.f32 v2, v7;
	v12 =	vshll.u32 v14, $0x10;
	v1 =	vmovc v3;
	v4 =	vld [tilespmem:s28+$0x0];
	v13 =	vmul.f32 $1.131370830e+01, v15;
	[tilespmem:s8+$0xFFFFFFE0] =	vst v5  }
0x323: {  	v7 =	vand.u32 $0xFFFF0000, v14;
	v3 =	vmul.f32 $1.131370830e+01, v17;
	v5 =	vld [tilespmem:s28+$0x10];
	v11 =	vadd.f32 v12, v11;
	[tilespmem:s8+$0xFFFFFFF0] =	vst v6  }
0x324: {  	v6 =	vmul.f32 $1.131370830e+01, v18;
	v12 =	vld [tilespmem:s25+$0xFFFFFFC0];
	v7 =	vadd.f32 v7, v13;
	[tilespmem:s21+$0x60] =	vst v8  }
0x325: {  	s10 =	sadd.s32 $0x100, s10;
	v8 =	vmul.f32 $1.131370830e+01, v19;
	[tilespmem:s28+$0x80] =	vst v11;
	v11 =	vld [tilespmem:s28+$0xA0]  }
0x326: {  	s22 =	sadd.s32 $0xFFFFFF80, s10;
	s24 =	sor.u32 $0x50, s10;
	v9 =	vmul.f32 $1.131370830e+01, v9;
	[tilespmem:s28+$0x90] =	vst v7;
	v7 =	vld [tilespmem:s28+$0xB0]  }
0x327: {  	s14 =	sor.u32 $0x50, s22;
	s16 =	sor.u32 $0x60, s22;
	s30 =	sor.u32 $0x70, s22;
	v4 =	vmul.f32 $1.131370830e+01, v4;
	v13 =	vld [tilespmem:s24+$0x1900];
	[tilespmem:s21+$0x70] =	vst v10  }
0x328: {  	s21 =	smov.u32 s8;
	v10 =	vld [tilespmem:s25+$0x0];
	v5 =	vmul.f32 $1.131370830e+01, v5;
	[tilespmem:s8+$0xE0] =	vst v2;
	s8 =	smov.u32 s28  }
0x329: {  	v2 =	vld [tilespmem:s25+$0xFFFFFF80];
	v14 =	vshll.u32 v12, $0x10;
	v12 =	vand.u32 $0xFFFF0000, v12  }
0x32a: {  	v15 =	vld [tilespmem:s28+$0xFFFFFF20];
	v8 =	vadd.f32 v14, v8;
	v9 =	vadd.f32 v12, v9  }
0x32b: {  	v11 =	vmul.f32 $1.131370830e+01, v11;
	v12 =	vld [tilespmem:s28+$0xFFFFFF30]  }
0x32c: {  	v7 =	vmul.f32 $1.131370830e+01, v7;
	[tilespmem:s28+$0xFFFFFF80] =	vst v8;
	v8 =	vld [tilespmem:s28+$0xFFFFFFA0];
	v14 =	vshll.u32 v13, $0x10  }
0x32d: {  	v13 =	vand.u32 $0xFFFF0000, v13;
	[tilespmem:s28+$0xFFFFFF90] =	vst v9;
	v9 =	vld [tilespmem:s28+$0xFFFFFFB0];
	v16 =	vshll.u32 v10, $0x10;
	v11 =	vadd.f32 v14, v11  }
0x32e: {  	v7 =	vadd.f32 v13, v7;
	v14 =	vshll.u32 v2, $0x10;
	v2 =	vand.u32 $0xFFFF0000, v2;
	v17 =	vld [tilespmem:s28+$0x20]  }
0x32f: {  	v3 =	vadd.f32 v14, v3;
	v2 =	vadd.f32 v2, v6;
	v6 =	vand.u32 $0xFFFF0000, v10;
	[tilespmem:s28+$0xA0] =	vst v11;
	v10 =	vld [tilespmem:s28+$0xC0]  }
0x330: {  	s22 =	sor.u32 $0x60, s10;
	v4 =	vadd.f32 v16, v4;
	v11 =	vmul.f32 $1.131370830e+01, v15;
	v5 =	vadd.f32 v6, v5;
	[tilespmem:s28+$0xB0] =	vst v7;
	v6 =	vld [tilespmem:s28+$0xD0]  }
0x331: {  	[tilespmem:s28+$0xFFFFFF00] =	vst v3;
	v3 =	vmul.f32 $1.131370830e+01, v12;
	v7 =	vmul.f32 $1.131370830e+01, v8;
	v8 =	vld [tilespmem:s22+$0x1900]  }
0x332: {  	[tilespmem:s28+$0xFFFFFF10] =	vst v2;
	v2 =	vmul.f32 $1.131370830e+01, v9;
	v9 =	vld [tilespmem:s28+$0x30]  }
0x333: {  	v12 =	vld [tilespmem:s25+$0xFFFFFF90];
	[tilespmem:s28+$0x0] =	vst v4;
	v4 =	vmul.f32 $1.131370830e+01, v17  }
0x334: {  	v13 =	vld [tilespmem:s14+$0x1900];
	[tilespmem:s28+$0x10] =	vst v5  }
0x335: {  	v10 =	vmul.f32 $1.131370830e+01, v10;
	v5 =	vld [tilespmem:s25+$0x10]  }
0x336: {  	v6 =	vmul.f32 $1.131370830e+01, v6;
	v14 =	vld [tilespmem:s28+$0xFFFFFF40];
	v15 =	vshll.u32 v8, $0x10  }
0x337: {  	v8 =	vand.u32 $0xFFFF0000, v8;
	v16 =	vld [tilespmem:s28+$0xFFFFFF50];
	v9 =	vmul.f32 $1.131370830e+01, v9;
	v10 =	vadd.f32 v15, v10  }
0x338: {  	v6 =	vadd.f32 v8, v6;
	v15 =	vshll.u32 v12, $0x10;
	v12 =	vand.u32 $0xFFFF0000, v12;
	v17 =	vld [tilespmem:s28+$0xFFFFFFC0]  }
0x339: {  	v8 =	vadd.f32 v15, v11;
	v11 =	vshll.u32 v13, $0x10;
	v13 =	vand.u32 $0xFFFF0000, v13;
	v15 =	vld [tilespmem:s28+$0xFFFFFFD0];
	[tilespmem:s28+$0xC0] =	vst v10  }
0x33a: {  	s14 =	sor.u32 $0x70, s10;
	v3 =	vadd.f32 v12, v3;
	v10 =	vshll.u32 v5, $0x10;
	v5 =	vand.u32 $0xFFFF0000, v5;
	[tilespmem:s28+$0xD0] =	vst v6;
	v6 =	vld [tilespmem:s28+$0xF0]  }
0x33b: {  	v7 =	vadd.f32 v11, v7;
	v2 =	vadd.f32 v13, v2;
	[tilespmem:s28+$0xFFFFFF20] =	vst v8;
	v8 =	vmul.f32 $1.131370830e+01, v14;
	v11 =	vld [tilespmem:s14+$0x1900]  }
0x33c: {  	v4 =	vadd.f32 v10, v4;
	v5 =	vadd.f32 v5, v9;
	[tilespmem:s28+$0xFFFFFF30] =	vst v3;
	v3 =	vmul.f32 $1.131370830e+01, v16;
	v9 =	vld [tilespmem:s28+$0x40]  }
0x33d: {  	[tilespmem:s28+$0xFFFFFFA0] =	vst v7;
	v7 =	vmul.f32 $1.131370830e+01, v17;
	v10 =	vld [tilespmem:s28+$0x50]  }
0x33e: {  	v12 =	vld [tilespmem:s25+$0xFFFFFFA0];
	[tilespmem:s28+$0xFFFFFFB0] =	vst v2;
	v13 =	vmul.f32 $1.131370830e+01, v15  }
0x33f: {  	v14 =	vld [tilespmem:s16+$0x1900];
	[tilespmem:s28+$0x20] =	vst v4;
	v4 =	vmul.f32 $1.131370830e+01, v6  }
0x340: {  	v6 =	vld [tilespmem:s28+$0xFFFFFF60];
	[tilespmem:s28+$0x30] =	vst v5;
	v2 =	vshll.u32 v11, $0x10;
	v5 =	vand.u32 $0xFFFF0000, v11  }
0x341: {  	v11 =	vld [tilespmem:s25+$0x20];
	v9 =	vmul.f32 $1.131370830e+01, v9;
	v4 =	vadd.f32 v5, v4  }
0x342: {  	v15 =	vld [tilespmem:s28+$0xFFFFFF70];
	v10 =	vmul.f32 $1.131370830e+01, v10  }
0x343: {  	v5 =	vshll.u32 v12, $0x10;
	v12 =	vand.u32 $0xFFFF0000, v12;
	v16 =	vld [tilespmem:s28+$0xFFFFFFE0];
	[tilespmem:s28+$0xF0] =	vst v4  }
0x344: {  	v4 =	vadd.f32 v5, v8;
	v8 =	vshll.u32 v14, $0x10;
	v14 =	vand.u32 $0xFFFF0000, v14;
	v17 =	vld [tilespmem:s28+$0xFFFFFFF0]  }
0x345: {  	v3 =	vadd.f32 v12, v3;
	v5 =	vmul.f32 $1.131370830e+01, v6;
	v6 =	vadd.f32 v8, v7;
	v18 =	vld [tilespmem:s28+$0x60]  }
.Ltmp4:
0x346: {  	v12 =	vadd.f32 v14, v13;
	[tilespmem:s28+$0xFFFFFF40] =	vst v4;
	v7 =	vshll.u32 v11, $0x10;
	v11 =	vand.u32 $0xFFFF0000, v11;
	v4 =	vld [tilespmem:s28+$0x70];
	(pc) =	sbr.rel @p0 .LBB2_11-.Ltmp4, $4  }
0x347: {  	[tilespmem:s28+$0xFFFFFF50] =	vst v3;
	v8 =	vmul.f32 $1.131370830e+01, v15;
	v3 =	vadd.f32 v7, v9;
	v13 =	vadd.f32 v11, v10;
	v7 =	vld [tilespmem:s28+$0xE0]  }
0x348: {  	v11 =	vld [tilespmem:s25+$0xFFFFFFB0];
	[tilespmem:s28+$0xFFFFFFC0] =	vst v6;
	v6 =	vmul.f32 $1.131370830e+01, v16  }
0x349: {  	[tilespmem:s28+$0xFFFFFFD0] =	vst v12;
	v9 =	vmul.f32 $1.131370830e+01, v17;
	v10 =	vld [tilespmem:s9+$0x30];
	s9 =	smov.u32 s25  }
0x34a: {  	s25 =	sadd.s32 $0x100, s25;
	v12 =	vld [tilespmem:s30+$0x1900];
	[tilespmem:s28+$0x40] =	vst v3;
	v3 =	vmul.f32 $1.131370830e+01, v18  }
0x34b: {  	_ =	sdelay $0x1  }
0x34c: {  	v14 =	vshll.u32 v11, $0x10  }
0x34d: {  	[tilespmem:s8+$0x50] =	vst v13;
	v7 =	vmul.f32 $1.131370830e+01, v7;
	v11 =	vand.u32 $0xFFFF0000, v11;
	v5 =	vadd.f32 v14, v5  }
0x34e: {  	v13 =	vld [tilespmem:s9+$0x30];
	v8 =	vadd.f32 v11, v8  }
0x34f: {  	v2 =	vadd.f32 v2, v7;
	v11 =	vshll.u32 v12, $0x10;
	[tilespmem:s8+$0xFFFFFF60] =	vst v5  }
0x350: {  	v5 =	vadd.f32 v11, v6;
	v6 =	vshll.u32 v10, $0x10;
	[tilespmem:s8+$0xFFFFFF70] =	vst v8  }
0x351: {  	v8 =	vand.u32 $0xFFFF0000, v10;
	[tilespmem:s8+$0xE0] =	vst v2;
	v1 =	vadd.f32 v6, v1  }
0x352: {  	v12 =	vand.u32 $0xFFFF0000, v12;
	v0 =	vadd.f32 v8, v0;
	[tilespmem:s8+$0xFFFFFFE0] =	vst v5  }
0x353: {  	v4 =	vmul.f32 $1.131370830e+01, v4;
	v9 =	vadd.f32 v12, v9;
	[tilespmem:s21+$0x60] =	vst v1;
	v1 =	vshll.u32 v13, $0x10  }
0x354: {  	[tilespmem:s21+$0x70] =	vst v0;
	v0 =	vand.u32 $0xFFFF0000, v13;
	v1 =	vadd.f32 v1, v3  }
0x355: {  	[tilespmem:s8+$0xFFFFFFF0] =	vst v9;
	v0 =	vadd.f32 v0, v4  }
0x356: {  	p0 =	seq.s32 s12, $0x7;
	[tilespmem:s8+$0x60] =	vst v1  }
0x357: {  	[tilespmem:s8+$0x70] =	vst v0;
	s8 =	smul.u32 @!p0 $0xC80, s12  }
0x358: {  	s25 =	sadd.s32 s5, s19;
	_ =	swait.ge [sflag:s2], $0x3400  }
0x359: {  	s9 =	simm.s32 @!p0 $0x68;
	[sflag:s2] =	ssyncset.done $0x0;
	s21 =	sshra.s32 @!p0 s8, $0x2  }
0x35a: {  	s10 =	simm.s32 @!p0 $0x4B00;
	[sflag:s2] =	ssyncadd.s32 $0xFFFFCC00;
	s8 =	sadd.s32 @!p0 $0x320, s21  }
0x35b: {  	[tilespmem:s10], [sflag:$0x1] =	stream.indirect.gather @!p0 [hbm4b:s1+s9], $0x80, s8, s9, $0xb8;
	[tilespmem:$0x1DB00] =	vst v63  }
0x35c: {  	s8 =	sshll.u32 s25, $0x4  }
0x35d: {  	s30 =	simm.s32 $0x11300;
	s8 =	sadd.s32 s3, s8  }
0x35e: {  	[hbm4b:s8+s4] =	stream.linear.scatter [tilespmem:s30], [sflag:$0xD], $0x3400, $0x38;
	[tilespmem:$0x1DB00] =	vst v63  }
0x35f: {  	_ =	swait.ge [sflag:s0], $0x3000  }
0x360: {  	[sflag:s0] =	ssyncset.done $0x0  }
0x361: {  	s19 =	simm.s32 $0x14800;
	[sflag:s0] =	ssyncadd.s32 $0xFFFFD000  }
0x362: {  	s28 =	simm.s32 $0x33F0;
	v0 =	vld [tilespmem:s19+$0x80]  }
0x363: {  	v1 =	vld [tilespmem:s28+$0xFFFFFFD0]  }
0x364: {  	v2 =	vld [tilespmem:s19+$0x90]  }
0x365: {  	v3 =	vld [tilespmem:s19+$0xFFFFFF00]  }
0x366: {  	v5 =	vld [tilespmem:s19+$0xFFFFFF10]  }
0x367: {  	v6 =	vld [tilespmem:s19+$0xFFFFFF90]  }
0x368: {  	v7 =	vld [tilespmem:s19+$0xB0]  }
0x369: {  	v8 =	vld [tilespmem:s19+$0x0]  }
0x36a: {  	v9 =	vld [tilespmem:s19+$0x10]  }
0x36b: {  	v10 =	vld [tilespmem:s28+$0xFFFFFF90]  }
0x36c: {  	v12 =	vld [tilespmem:s28+$0xFFFFFF10];
	v0 =	vmul.f32 $1.131370830e+01, v0  }
0x36d: {  	v13 =	vld [tilespmem:s19+$0xFFFFFF20];
	v4 =	vshll.u32 v1, $0x10;
	v2 =	vmul.f32 $1.131370830e+01, v2  }
0x36e: {  	v14 =	vld [tilespmem:s19+$0xFFFFFFC0];
	v1 =	vand.u32 $0xFFFF0000, v1;
	v0 =	vadd.f32 v4, v0  }
0x36f: {  	v4 =	vld [tilespmem:s19+$0xFFFFFF80];
	v1 =	vadd.f32 v1, v2  }
0x370: {  	v2 =	vld [tilespmem:s28+$0xFFFFFF50];
	[tilespmem:s19+$0x80] =	vst v0  }
0x371: {  	v0 =	vld [tilespmem:s19+$0xA0];
	[tilespmem:s19+$0x90] =	vst v1  }
0x372: {  	v1 =	vld [tilespmem:s28+$0xFFFFFFE0]  }
0x373: {  	s8 =	simm.s32 $0x14A00;
	v15 =	vld [tilespmem:s19+$0xFFFFFF60]  }
0x374: {  	v18 =	vld [tilespmem:s8+$0xFFFFFF10]  }
0x375: {  	v34 =	vld [tilespmem:s8+$0xFFFFFF80];
	v4 =	vmul.f32 $1.131370830e+01, v4  }
0x376: {  	v19 =	vld [tilespmem:s8+$0xFFFFFF90];
	v11 =	vshll.u32 v2, $0x10;
	v0 =	vmul.f32 $1.131370830e+01, v0  }
0x377: {  	v20 =	vld [tilespmem:s8+$0xB0];
	v6 =	vmul.f32 $1.131370830e+01, v6;
	v4 =	vadd.f32 v11, v4;
	v11 =	vshll.u32 v1, $0x10  }
0x378: {  	v21 =	vld [tilespmem:s8+$0x0];
	v7 =	vmul.f32 $1.131370830e+01, v7;
	v2 =	vand.u32 $0xFFFF0000, v2;
	v0 =	vadd.f32 v11, v0  }
0x379: {  	s9 =	simm.s32 $0x34F0;
	v22 =	vld [tilespmem:s8+$0x10];
	v2 =	vadd.f32 v2, v6;
	v1 =	vand.u32 $0xFFFF0000, v1  }
0x37a: {  	v23 =	vld [tilespmem:s9+$0xFFFFFF10];
	v1 =	vadd.f32 v1, v7;
	[tilespmem:s19+$0xA0] =	vst v0;
	v0 =	vmul.f32 $1.131370830e+01, v3  }
0x37b: {  	v25 =	vld [tilespmem:s9+$0xFFFFFF90];
	[tilespmem:s19+$0xFFFFFF90] =	vst v2;
	v7 =	vshll.u32 v12, $0x10;
	v3 =	vmul.f32 $1.131370830e+01, v5  }
0x37c: {  	v2 =	vld [tilespmem:s19+$0xC0];
	[tilespmem:s19+$0xB0] =	vst v1;
	v1 =	vmul.f32 $1.131370830e+01, v8;
	v8 =	vand.u32 $0xFFFF0000, v12;
	v0 =	vadd.f32 v7, v0  }
0x37d: {  	v7 =	vld [tilespmem:s19+$0xD0];
	v3 =	vadd.f32 v8, v3  }
0x37e: {  	v9 =	vmul.f32 $1.131370830e+01, v9;
	v8 =	vld [tilespmem:s28+$0xFFFFFFF0];
	[tilespmem:s19+$0xFFFFFF00] =	vst v0  }
0x37f: {  	v6 =	vld [tilespmem:s19+$0xFFFFFF30];
	v11 =	vshll.u32 v10, $0x10;
	v10 =	vand.u32 $0xFFFF0000, v10;
	[tilespmem:s19+$0xFFFFFF10] =	vst v3  }
0x380: {  	v0 =	vadd.f32 v10, v9;
	v9 =	vld [tilespmem:s28+$0xFFFFFF20]  }
0x381: {  	[tilespmem:s19+$0xFFFFFF80] =	vst v4;
	v4 =	vld [tilespmem:s19+$0xFFFFFFA0];
	v1 =	vadd.f32 v11, v1  }
0x382: {  	v26 =	vld [tilespmem:s8+$0xFFFFFF20];
	[tilespmem:s19+$0x10] =	vst v0;
	v0 =	vmul.f32 $1.131370830e+01, v2  }
0x383: {  	v12 =	vld [tilespmem:s19+$0x20];
	[tilespmem:s19+$0x0] =	vst v1;
	v10 =	vshll.u32 v8, $0x10;
	v7 =	vmul.f32 $1.131370830e+01, v7  }
0x384: {  	v2 =	vld [tilespmem:s28+$0xFFFFFFA0];
	v8 =	vand.u32 $0xFFFF0000, v8;
	v0 =	vadd.f32 v10, v0;
	v10 =	vmul.f32 $1.131370830e+01, v13  }
0x385: {  	v6 =	vmul.f32 $1.131370830e+01, v6;
	v3 =	vld [tilespmem:s19+$0x30];
	v7 =	vadd.f32 v8, v7;
	v8 =	vshll.u32 v9, $0x10  }
0x386: {  	v36 =	vld [tilespmem:s8+$0xFFFFFF30];
	[tilespmem:s19+$0xC0] =	vst v0;
	v0 =	vmul.f32 $1.131370830e+01, v4;
	v4 =	vand.u32 $0xFFFF0000, v9;
	v8 =	vadd.f32 v8, v10  }
0x387: {  	v11 =	vld [tilespmem:s19+$0xFFFFFF40];
	v4 =	vadd.f32 v4, v6  }
0x388: {  	v1 =	vld [tilespmem:s28+$0xFFFFFF60];
	v10 =	vmul.f32 $1.131370830e+01, v12;
	[tilespmem:s19+$0xFFFFFF20] =	vst v8  }
0x389: {  	v13 =	vld [tilespmem:s19+$0xFFFFFF50];
	v8 =	vshll.u32 v2, $0x10;
	[tilespmem:s19+$0xFFFFFF30] =	vst v4  }
0x38a: {  	v3 =	vmul.f32 $1.131370830e+01, v3;
	v4 =	vadd.f32 v8, v10;
	v8 =	vld [tilespmem:s28+$0xFFFFFF30]  }
0x38b: {  	v37 =	vld [tilespmem:s8+$0xFFFFFFA0];
	v2 =	vand.u32 $0xFFFF0000, v2  }
0x38c: {  	v39 =	vld [tilespmem:s8+$0xC0];
	v2 =	vadd.f32 v2, v3  }
0x38d: {  	v5 =	vld [tilespmem:s19+$0xFFFFFFB0]  }
0x38e: {  	v42 =	vld [tilespmem:s8+$0xD0];
	[tilespmem:s19+$0x30] =	vst v2;
	v2 =	vmul.f32 $1.131370830e+01, v11  }
0x38f: {  	[tilespmem:s19+$0xD0] =	vst v7;
	v7 =	vshll.u32 v1, $0x10;
	v6 =	vld [tilespmem:s19+$0xF0];
	v11 =	vmul.f32 $1.131370830e+01, v13;
	v13 =	vshll.u32 v8, $0x10  }
0x390: {  	v7 =	vadd.f32 v7, v0;
	v0 =	vld [tilespmem:s28+$0x0];
	v8 =	vand.u32 $0xFFFF0000, v8;
	v13 =	vadd.f32 v13, v2  }
0x391: {  	v8 =	vadd.f32 v8, v11;
	v11 =	vld [tilespmem:s8+$0x80]  }
0x392: {  	v5 =	vmul.f32 $1.131370830e+01, v5;
	[tilespmem:s19+$0xFFFFFF40] =	vst v13;
	v13 =	vld [tilespmem:s9+$0xFFFFFFD0]  }
0x393: {  	v1 =	vand.u32 $0xFFFF0000, v1;
	[tilespmem:s19+$0xFFFFFF50] =	vst v8;
	v8 =	vld [tilespmem:s8+$0x90]  }
0x394: {  	v47 =	vld [tilespmem:s8+$0xFFFFFFB0];
	v1 =	vadd.f32 v1, v5  }
0x395: {  	v52 =	vld [tilespmem:s8+$0xFFFFFF40];
	[tilespmem:s19+$0xFFFFFFA0] =	vst v7  }
0x396: {  	v56 =	vld [tilespmem:s8+$0xF0];
	[tilespmem:s19+$0xFFFFFFB0] =	vst v1;
	v1 =	vmul.f32 $1.131370830e+01, v6  }
0x397: {  	v10 =	vld [tilespmem:s28+$0xFFFFFF70];
	v6 =	vand.u32 $0xFFFF0000, v0;
	v11 =	vmul.f32 $1.131370830e+01, v11  }
0x398: {  	v9 =	vld [tilespmem:s19+$0xFFFFFFD0];
	v6 =	vadd.f32 v6, v1;
	v17 =	vshll.u32 v13, $0x10;
	v8 =	vmul.f32 $1.131370830e+01, v8  }
0x399: {  	v7 =	vld [tilespmem:s19+$0x50];
	[tilespmem:s19+$0x20] =	vst v4;
	v13 =	vand.u32 $0xFFFF0000, v13;
	v11 =	vadd.f32 v17, v11  }
0x39a: {  	v16 =	vld [tilespmem:s28+$0xFFFFFFB0];
	[tilespmem:s19+$0xF0] =	vst v6;
	v8 =	vadd.f32 v13, v8  }
0x39b: {  	v14 =	vmul.f32 $1.131370830e+01, v14;
	v13 =	vld [tilespmem:s9+$0xFFFFFF50];
	[tilespmem:s8+$0x80] =	vst v11  }
0x39c: {  	v6 =	vshll.u32 v10, $0x10;
	v11 =	vld [tilespmem:s8+$0xA0];
	[tilespmem:s8+$0x90] =	vst v8  }
0x39d: {  	v14 =	vadd.f32 v6, v14;
	v8 =	vld [tilespmem:s9+$0xFFFFFFE0]  }
0x39e: {  	v59 =	vld [tilespmem:s8+$0x50];
	v40 =	vmul.f32 $1.131370830e+01, v19  }
0x39f: {  	v9 =	vmul.f32 $1.131370830e+01, v9;
	v7 =	vmul.f32 $1.131370830e+01, v7;
	v10 =	vand.u32 $0xFFFF0000, v10;
	[tilespmem:s19+$0xFFFFFFC0] =	vst v14;
	v14 =	vld [tilespmem:s8+$0xFFFFFF00]  }
0x3a0: {  	v61 =	vld [tilespmem:s8+$0xFFFFFF70];
	v46 =	vshll.u32 v16, $0x10;
	v16 =	vand.u32 $0xFFFF0000, v16;
	v17 =	vmul.f32 $1.131370830e+01, v34  }
0x3a1: {  	v62 =	vld [tilespmem:s8+$0xFFFFFFF0];
	v7 =	vadd.f32 v16, v7;
	v24 =	vshll.u32 v13, $0x10;
	v11 =	vmul.f32 $1.131370830e+01, v11  }
0x3a2: {  	v9 =	vadd.f32 v10, v9;
	v10 =	vld [tilespmem:s28+$0xFFFFFF40];
	v17 =	vadd.f32 v24, v17;
	v35 =	vshll.u32 v8, $0x10  }
0x3a3: {  	v20 =	vmul.f32 $1.131370830e+01, v20;
	v12 =	vld [tilespmem:s19+$0x40];
	[tilespmem:s19+$0x50] =	vst v7;
	v13 =	vand.u32 $0xFFFF0000, v13;
	v11 =	vadd.f32 v35, v11  }
0x3a4: {  	v5 =	vld [tilespmem:s19+$0xFFFFFFF0];
	v14 =	vmul.f32 $1.131370830e+01, v14;
	v13 =	vadd.f32 v13, v40;
	[tilespmem:s8+$0xFFFFFF80] =	vst v17;
	v8 =	vand.u32 $0xFFFF0000, v8  }
0x3a5: {  	v38 =	vshll.u32 v23, $0x10;
	v3 =	vld [tilespmem:s19+$0xFFFFFFE0];
	v8 =	vadd.f32 v8, v20;
	[tilespmem:s8+$0xA0] =	vst v11;
	v11 =	vmul.f32 $1.131370830e+01, v18  }
0x3a6: {  	v41 =	vand.u32 $0xFFFF0000, v23;
	v15 =	vmul.f32 $1.131370830e+01, v15;
	v4 =	vld [tilespmem:s19+$0xFFFFFF70];
	v14 =	vadd.f32 v38, v14;
	[tilespmem:s8+$0xFFFFFF90] =	vst v13  }
0x3a7: {  	v22 =	vmul.f32 $1.131370830e+01, v22;
	v49 =	vshll.u32 v10, $0x10;
	v48 =	vld [tilespmem:s9+$0xFFFFFF60];
	[tilespmem:s8+$0xB0] =	vst v8;
	v11 =	vadd.f32 v41, v11  }
0x3a8: {  	v21 =	vmul.f32 $1.131370830e+01, v21;
	v44 =	vand.u32 $0xFFFF0000, v25;
	v7 =	vadd.f32 v49, v15;
	[tilespmem:s8+$0xFFFFFF00] =	vst v14;
	v14 =	vld [tilespmem:s9+$0xFFFFFFF0]  }
0x3a9: {  	v43 =	vshll.u32 v25, $0x10;
	v1 =	vld [tilespmem:s19+$0x60];
	v13 =	vadd.f32 v44, v22;
	[tilespmem:s8+$0xFFFFFF10] =	vst v11  }
0x3aa: {  	v19 =	vmul.f32 $1.131370830e+01, v42;
	v12 =	vmul.f32 $1.131370830e+01, v12;
	[tilespmem:s19+$0xFFFFFF60] =	vst v7;
	v18 =	vadd.f32 v43, v21;
	v45 =	vld [tilespmem:s9+$0xFFFFFF20]  }
0x3ab: {  	v54 =	vmul.f32 $1.131370830e+01, v36;
	v2 =	vld [tilespmem:s19+$0x70];
	v17 =	vmul.f32 $1.131370830e+01, v37;
	[tilespmem:s8+$0x10] =	vst v13  }
0x3ac: {  	v12 =	vadd.f32 v46, v12;
	v13 =	vmul.f32 $1.131370830e+01, v39;
	v8 =	vld [tilespmem:s8+$0x20];
	[tilespmem:s8+$0x0] =	vst v18;
	v7 =	vshll.u32 v48, $0x10  }
0x3ad: {  	v55 =	vmul.f32 $1.131370830e+01, v47;
	[tilespmem:s19+$0xFFFFFFD0] =	vst v9;
	v50 =	vld [tilespmem:s9+$0xFFFFFFA0];
	v7 =	vadd.f32 v7, v17;
	v51 =	vshll.u32 v14, $0x10  }
0x3ae: {  	[tilespmem:s19+$0x40] =	vst v12;
	v12 =	vmul.f32 $1.131370830e+01, v26;
	v11 =	vld [tilespmem:s8+$0x30];
	v14 =	vand.u32 $0xFFFF0000, v14;
	v13 =	vadd.f32 v51, v13  }
0x3af: {  	v5 =	vmul.f32 $1.131370830e+01, v5;
	v6 =	vld [tilespmem:s19+$0xE0];
	[tilespmem:s8+$0xFFFFFFA0] =	vst v7;
	v14 =	vadd.f32 v14, v19;
	v53 =	vshll.u32 v45, $0x10  }
0x3b0: {  	v3 =	vmul.f32 $1.131370830e+01, v3;
	v9 =	vld [tilespmem:s28+$0xFFFFFF80];
	[tilespmem:s8+$0xC0] =	vst v13;
	v21 =	vand.u32 $0xFFFF0000, v45;
	v12 =	vadd.f32 v53, v12  }
0x3b1: {  	v4 =	vmul.f32 $1.131370830e+01, v4;
	v15 =	vld [tilespmem:s8+$0xFFFFFF50];
	v16 =	vand.u32 $0xFFFF0000, v48;
	[tilespmem:s8+$0xD0] =	vst v14;
	v18 =	vadd.f32 v21, v54  }
0x3b2: {  	v16 =	vadd.f32 v16, v55;
	v8 =	vmul.f32 $1.131370830e+01, v8;
	v7 =	vand.u32 $0xFFFF0000, v10;
	v13 =	vld [tilespmem:s8+$0xFFFFFFC0];
	[tilespmem:s8+$0xFFFFFF20] =	vst v12  }
0x3b3: {  	v4 =	vadd.f32 v7, v4;
	v11 =	vmul.f32 $1.131370830e+01, v11;
	v57 =	vld [tilespmem:s9+$0x0];
	v12 =	vshll.u32 v50, $0x10;
	[tilespmem:s8+$0xFFFFFF30] =	vst v18  }
0x3b4: {  	v1 =	vmul.f32 $1.131370830e+01, v1;
	[tilespmem:s8+$0xFFFFFFB0] =	vst v16;
	v58 =	vand.u32 $0xFFFF0000, v50;
	v8 =	vadd.f32 v12, v8;
	v60 =	vld [tilespmem:s9+$0xFFFFFF30]  }
0x3b5: {  	v7 =	vand.u32 $0xFFFF0000, v9;
	v14 =	vld [tilespmem:s8+$0xFFFFFFD0];
	[tilespmem:s19+$0xFFFFFF70] =	vst v4;
	v10 =	vadd.f32 v58, v11;
	v11 =	vshll.u32 v9, $0x10  }
0x3b6: {  	v6 =	vmul.f32 $1.131370830e+01, v6;
	v5 =	vadd.f32 v7, v5;
	v3 =	vadd.f32 v11, v3;
	[tilespmem:s8+$0x20] =	vst v8;
	v8 =	vld [tilespmem:s9+$0xFFFFFF70]  }
0x3b7: {  	v7 =	vshll.u32 v0, $0x10;
	v0 =	vmul.f32 $1.131370830e+01, v2;
	v2 =	vmul.f32 $1.131370830e+01, v56;
	[tilespmem:s8+$0x30] =	vst v10;
	v12 =	vld [tilespmem:s8+$0x40]  }
0x3b8: {  	v4 =	vmul.f32 $1.131370830e+01, v52;
	[tilespmem:s19+$0xFFFFFFE0] =	vst v3;
	v3 =	vadd.f32 v7, v6;
	v6 =	vand.u32 $0xFFFF0000, v57;
	v10 =	vld [tilespmem:s9+$0xFFFFFFB0]  }
0x3b9: {  	[tilespmem:s19+$0xFFFFFFF0] =	vst v5;
	v5 =	vmul.f32 $1.131370830e+01, v15;
	v15 =	vld [tilespmem:s8+$0xFFFFFFE0];
	v2 =	vadd.f32 v6, v2;
	v6 =	vshll.u32 v60, $0x10  }
0x3ba: {  	v9 =	vld [tilespmem:s8+$0xFFFFFF60];
	[tilespmem:s19+$0xE0] =	vst v3;
	v3 =	vmul.f32 $1.131370830e+01, v13;
	v7 =	vand.u32 $0xFFFF0000, v60;
	v4 =	vadd.f32 v6, v4  }
0x3bb: {  	[tilespmem:s8+$0xF0] =	vst v2;
	v6 =	vmul.f32 $1.131370830e+01, v14;
	v5 =	vadd.f32 v7, v5;
	v14 =	vld [tilespmem:s8+$0x60];
	v2 =	vshll.u32 v8, $0x10  }
0x3bc: {  	v11 =	vmul.f32 $1.131370830e+01, v12;
	v7 =	vand.u32 $0xFFFF0000, v8;
	v3 =	vadd.f32 v2, v3;
	[tilespmem:s8+$0xFFFFFF40] =	vst v4;
	v4 =	vld [tilespmem:s8+$0x70]  }
0x3bd: {  	v13 =	vmul.f32 $1.131370830e+01, v59;
	v12 =	vadd.f32 v7, v6;
	v6 =	vshll.u32 v10, $0x10;
	[tilespmem:s8+$0xFFFFFF50] =	vst v5;
	v7 =	vld [tilespmem:s8+$0xE0]  }
0x3be: {  	v8 =	vmul.f32 $1.131370830e+01, v61;
	v63 =	vadd.f32 v6, v11;
	v11 =	vld [tilespmem:s9+$0xFFFFFF40];
	[tilespmem:s8+$0xFFFFFFC0] =	vst v3;
	v3 =	vand.u32 $0xFFFF0000, v10  }
0x3bf: {  	s23 =	simm.s32 $0x35F0;
	v5 =	vmul.f32 $1.131370830e+01, v9;
	v9 =	vmul.f32 $1.131370830e+01, v62;
	[tilespmem:s8+$0xFFFFFFD0] =	vst v12;
	v10 =	vld [tilespmem:s28+$0xFFFFFFC0];
	v13 =	vadd.f32 v3, v13  }
0x3c0: {  	s10 =	simm.s32 $0x4;
	s25 =	simm.s32 $0x14A00;
	v2 =	vshll.u32 v57, $0x10;
	v6 =	vmul.f32 $1.131370830e+01, v15;
	v12 =	vld [tilespmem:s9+$0xFFFFFF80];
	[tilespmem:s8+$0x40] =	vst v63;
	v3 =	vmul.f32 $1.131370830e+01, v14  }
.LBB2_13:
0x3c1: {  	v14 =	vld [tilespmem:s23+$0xFFFFFFD0];
	[tilespmem:s8+$0x50] =	vst v13;
	v4 =	vmul.f32 $1.131370830e+01, v4;
	s25 =	sadd.s32 $0x200, s25  }
0x3c2: {  	v13 =	vld [tilespmem:s25+$0x80];
	v7 =	vmul.f32 $1.131370830e+01, v7  }
0x3c3: {  	v15 =	vld [tilespmem:s25+$0x90];
	v16 =	vshll.u32 v11, $0x10;
	v11 =	vand.u32 $0xFFFF0000, v11  }
0x3c4: {  	v17 =	vld [tilespmem:s25+$0xFFFFFF00];
	v5 =	vadd.f32 v16, v5;
	v16 =	vshll.u32 v10, $0x10;
	v10 =	vand.u32 $0xFFFF0000, v10  }
0x3c5: {  	s10 =	sadd.s32 $0x4, s10;
	v8 =	vadd.f32 v11, v8;
	v18 =	vld [tilespmem:s25+$0xFFFFFF10];
	v11 =	vshll.u32 v12, $0x10;
	v12 =	vand.u32 $0xFFFF0000, v12  }
0x3c6: {  	p1 =	slt.u32 s10, $0x5C;
	v19 =	vld [tilespmem:s25+$0xFFFFFF80];
	[tilespmem:s8+$0xFFFFFF60] =	vst v5;
	v5 =	vadd.f32 v11, v6;
	v6 =	vadd.f32 v12, v9  }
0x3c7: {  	v10 =	vadd.f32 v10, v0;
	v0 =	vmovc v4;
	v9 =	vld [tilespmem:s25+$0xFFFFFF90];
	v11 =	vmul.f32 $1.131370830e+01, v13;
	[tilespmem:s8+$0xFFFFFF70] =	vst v8;
	v8 =	vadd.f32 v16, v1  }
0x3c8: {  	v2 =	vadd.f32 v2, v7;
	v12 =	vshll.u32 v14, $0x10;
	v1 =	vmovc v3;
	v4 =	vld [tilespmem:s25+$0x0];
	v13 =	vmul.f32 $1.131370830e+01, v15;
	[tilespmem:s8+$0xFFFFFFE0] =	vst v5  }
0x3c9: {  	v7 =	vand.u32 $0xFFFF0000, v14;
	v3 =	vmul.f32 $1.131370830e+01, v17;
	v5 =	vld [tilespmem:s25+$0x10];
	v11 =	vadd.f32 v12, v11;
	[tilespmem:s8+$0xFFFFFFF0] =	vst v6  }
0x3ca: {  	v6 =	vmul.f32 $1.131370830e+01, v18;
	v12 =	vld [tilespmem:s23+$0xFFFFFF50];
	v7 =	vadd.f32 v7, v13;
	[tilespmem:s19+$0x60] =	vst v8  }
0x3cb: {  	v8 =	vmul.f32 $1.131370830e+01, v19;
	[tilespmem:s25+$0x80] =	vst v11;
	v11 =	vld [tilespmem:s25+$0xA0]  }
0x3cc: {  	v9 =	vmul.f32 $1.131370830e+01, v9;
	[tilespmem:s25+$0x90] =	vst v7;
	v7 =	vld [tilespmem:s25+$0xB0]  }
0x3cd: {  	v4 =	vmul.f32 $1.131370830e+01, v4;
	v13 =	vld [tilespmem:s23+$0xFFFFFFE0];
	[tilespmem:s19+$0x70] =	vst v10;
	s19 =	smov.u32 s8;
	s8 =	smov.u32 s25  }
0x3ce: {  	v10 =	vld [tilespmem:s23+$0xFFFFFF90];
	v5 =	vmul.f32 $1.131370830e+01, v5;
	[tilespmem:s19+$0xE0] =	vst v2  }
0x3cf: {  	v2 =	vld [tilespmem:s23+$0xFFFFFF10];
	v14 =	vshll.u32 v12, $0x10;
	v12 =	vand.u32 $0xFFFF0000, v12  }
0x3d0: {  	v15 =	vld [tilespmem:s25+$0xFFFFFF20];
	v8 =	vadd.f32 v14, v8;
	v9 =	vadd.f32 v12, v9  }
0x3d1: {  	v11 =	vmul.f32 $1.131370830e+01, v11;
	v12 =	vld [tilespmem:s25+$0xFFFFFF30]  }
0x3d2: {  	v7 =	vmul.f32 $1.131370830e+01, v7;
	[tilespmem:s25+$0xFFFFFF80] =	vst v8;
	v8 =	vld [tilespmem:s25+$0xFFFFFFA0];
	v14 =	vshll.u32 v13, $0x10  }
0x3d3: {  	v13 =	vand.u32 $0xFFFF0000, v13;
	[tilespmem:s25+$0xFFFFFF90] =	vst v9;
	v9 =	vld [tilespmem:s25+$0xFFFFFFB0];
	v16 =	vshll.u32 v10, $0x10;
	v11 =	vadd.f32 v14, v11  }
0x3d4: {  	v7 =	vadd.f32 v13, v7;
	v14 =	vshll.u32 v2, $0x10;
	v2 =	vand.u32 $0xFFFF0000, v2;
	v17 =	vld [tilespmem:s25+$0x20]  }
0x3d5: {  	v3 =	vadd.f32 v14, v3;
	v2 =	vadd.f32 v2, v6;
	v6 =	vand.u32 $0xFFFF0000, v10;
	[tilespmem:s25+$0xA0] =	vst v11;
	v10 =	vld [tilespmem:s25+$0xC0]  }
0x3d6: {  	v4 =	vadd.f32 v16, v4;
	v11 =	vmul.f32 $1.131370830e+01, v15;
	v5 =	vadd.f32 v6, v5;
	[tilespmem:s25+$0xB0] =	vst v7;
	v6 =	vld [tilespmem:s25+$0xD0]  }
0x3d7: {  	[tilespmem:s25+$0xFFFFFF00] =	vst v3;
	v3 =	vmul.f32 $1.131370830e+01, v12;
	v7 =	vmul.f32 $1.131370830e+01, v8;
	v8 =	vld [tilespmem:s23+$0xFFFFFFF0]  }
0x3d8: {  	[tilespmem:s25+$0xFFFFFF10] =	vst v2;
	v2 =	vmul.f32 $1.131370830e+01, v9;
	v9 =	vld [tilespmem:s25+$0x30]  }
0x3d9: {  	v12 =	vld [tilespmem:s23+$0xFFFFFF20];
	[tilespmem:s25+$0x0] =	vst v4;
	v4 =	vmul.f32 $1.131370830e+01, v17  }
0x3da: {  	v13 =	vld [tilespmem:s23+$0xFFFFFF60];
	[tilespmem:s25+$0x10] =	vst v5  }
0x3db: {  	v10 =	vmul.f32 $1.131370830e+01, v10;
	v5 =	vld [tilespmem:s23+$0xFFFFFFA0]  }
0x3dc: {  	v6 =	vmul.f32 $1.131370830e+01, v6;
	v14 =	vld [tilespmem:s25+$0xFFFFFF40];
	v15 =	vshll.u32 v8, $0x10  }
0x3dd: {  	v8 =	vand.u32 $0xFFFF0000, v8;
	v16 =	vld [tilespmem:s25+$0xFFFFFF50];
	v9 =	vmul.f32 $1.131370830e+01, v9;
	v10 =	vadd.f32 v15, v10  }
0x3de: {  	v6 =	vadd.f32 v8, v6;
	v15 =	vshll.u32 v12, $0x10;
	v12 =	vand.u32 $0xFFFF0000, v12;
	v17 =	vld [tilespmem:s25+$0xFFFFFFC0]  }
0x3df: {  	v8 =	vadd.f32 v15, v11;
	v11 =	vshll.u32 v13, $0x10;
	v13 =	vand.u32 $0xFFFF0000, v13;
	v15 =	vld [tilespmem:s25+$0xFFFFFFD0];
	[tilespmem:s25+$0xC0] =	vst v10  }
0x3e0: {  	v3 =	vadd.f32 v12, v3;
	v10 =	vshll.u32 v5, $0x10;
	v5 =	vand.u32 $0xFFFF0000, v5;
	[tilespmem:s25+$0xD0] =	vst v6;
	v6 =	vld [tilespmem:s25+$0xF0]  }
0x3e1: {  	v7 =	vadd.f32 v11, v7;
	v2 =	vadd.f32 v13, v2;
	[tilespmem:s25+$0xFFFFFF20] =	vst v8;
	v8 =	vmul.f32 $1.131370830e+01, v14;
	v11 =	vld [tilespmem:s23+$0x0]  }
0x3e2: {  	v4 =	vadd.f32 v10, v4;
	v5 =	vadd.f32 v5, v9;
	[tilespmem:s25+$0xFFFFFF30] =	vst v3;
	v3 =	vmul.f32 $1.131370830e+01, v16;
	v9 =	vld [tilespmem:s25+$0x40]  }
0x3e3: {  	[tilespmem:s25+$0xFFFFFFA0] =	vst v7;
	v7 =	vmul.f32 $1.131370830e+01, v17;
	v10 =	vld [tilespmem:s25+$0x50]  }
0x3e4: {  	v12 =	vld [tilespmem:s23+$0xFFFFFF30];
	[tilespmem:s25+$0xFFFFFFB0] =	vst v2;
	v13 =	vmul.f32 $1.131370830e+01, v15  }
0x3e5: {  	v14 =	vld [tilespmem:s23+$0xFFFFFF70];
	[tilespmem:s25+$0x20] =	vst v4;
	v4 =	vmul.f32 $1.131370830e+01, v6  }
0x3e6: {  	v6 =	vld [tilespmem:s25+$0xFFFFFF60];
	[tilespmem:s25+$0x30] =	vst v5;
	v2 =	vshll.u32 v11, $0x10;
	v5 =	vand.u32 $0xFFFF0000, v11  }
0x3e7: {  	v11 =	vld [tilespmem:s23+$0xFFFFFFB0];
	v9 =	vmul.f32 $1.131370830e+01, v9;
	v4 =	vadd.f32 v5, v4  }
0x3e8: {  	v15 =	vld [tilespmem:s25+$0xFFFFFF70];
	v10 =	vmul.f32 $1.131370830e+01, v10  }
0x3e9: {  	v5 =	vshll.u32 v12, $0x10;
	v12 =	vand.u32 $0xFFFF0000, v12;
	v16 =	vld [tilespmem:s25+$0xFFFFFFE0];
	[tilespmem:s25+$0xF0] =	vst v4  }
0x3ea: {  	v4 =	vadd.f32 v5, v8;
	v8 =	vshll.u32 v14, $0x10;
	v14 =	vand.u32 $0xFFFF0000, v14;
	v17 =	vld [tilespmem:s25+$0xFFFFFFF0]  }
0x3eb: {  	v3 =	vadd.f32 v12, v3;
	v5 =	vmul.f32 $1.131370830e+01, v6;
	v6 =	vadd.f32 v8, v7;
	v18 =	vld [tilespmem:s25+$0x60]  }
.Ltmp5:
0x3ec: {  	v12 =	vadd.f32 v14, v13;
	[tilespmem:s25+$0xFFFFFF40] =	vst v4;
	v7 =	vshll.u32 v11, $0x10;
	v11 =	vand.u32 $0xFFFF0000, v11;
	v4 =	vld [tilespmem:s25+$0x70];
	(pc) =	sbr.rel @p1 .LBB2_13-.Ltmp5, $4  }
0x3ed: {  	[tilespmem:s25+$0xFFFFFF50] =	vst v3;
	v8 =	vmul.f32 $1.131370830e+01, v15;
	v3 =	vadd.f32 v7, v9;
	v13 =	vadd.f32 v11, v10;
	v7 =	vld [tilespmem:s25+$0xE0]  }
0x3ee: {  	v11 =	vld [tilespmem:s23+$0xFFFFFF40];
	[tilespmem:s25+$0xFFFFFFC0] =	vst v6;
	v6 =	vmul.f32 $1.131370830e+01, v16  }
0x3ef: {  	[tilespmem:s25+$0xFFFFFFD0] =	vst v12;
	v9 =	vmul.f32 $1.131370830e+01, v17;
	v10 =	vld [tilespmem:s9+$0xFFFFFFC0];
	s9 =	smov.u32 s23  }
0x3f0: {  	s23 =	sadd.s32 $0x100, s23;
	v12 =	vld [tilespmem:s9+$0xFFFFFF80];
	[tilespmem:s25+$0x40] =	vst v3;
	v3 =	vmul.f32 $1.131370830e+01, v18  }
0x3f1: {  	_ =	sdelay $0x1  }
0x3f2: {  	v14 =	vshll.u32 v11, $0x10  }
0x3f3: {  	[tilespmem:s8+$0x50] =	vst v13;
	v7 =	vmul.f32 $1.131370830e+01, v7;
	v11 =	vand.u32 $0xFFFF0000, v11;
	v5 =	vadd.f32 v14, v5  }
0x3f4: {  	v13 =	vld [tilespmem:s9+$0xFFFFFFC0];
	v8 =	vadd.f32 v11, v8  }
0x3f5: {  	v2 =	vadd.f32 v2, v7;
	v11 =	vshll.u32 v12, $0x10;
	[tilespmem:s8+$0xFFFFFF60] =	vst v5  }
0x3f6: {  	v5 =	vadd.f32 v11, v6;
	v6 =	vshll.u32 v10, $0x10;
	[tilespmem:s8+$0xFFFFFF70] =	vst v8  }
0x3f7: {  	v8 =	vand.u32 $0xFFFF0000, v10;
	[tilespmem:s8+$0xE0] =	vst v2;
	v1 =	vadd.f32 v6, v1  }
0x3f8: {  	v12 =	vand.u32 $0xFFFF0000, v12;
	v0 =	vadd.f32 v8, v0;
	[tilespmem:s8+$0xFFFFFFE0] =	vst v5  }
0x3f9: {  	v4 =	vmul.f32 $1.131370830e+01, v4;
	v9 =	vadd.f32 v12, v9;
	[tilespmem:s19+$0x60] =	vst v1;
	v1 =	vshll.u32 v13, $0x10  }
0x3fa: {  	[tilespmem:s19+$0x70] =	vst v0;
	v0 =	vand.u32 $0xFFFF0000, v13;
	v1 =	vadd.f32 v1, v3  }
0x3fb: {  	[tilespmem:s8+$0xFFFFFFF0] =	vst v9;
	v0 =	vadd.f32 v0, v4  }
0x3fc: {  	[tilespmem:s8+$0x60] =	vst v1  }
0x3fd: {  	[tilespmem:s8+$0x70] =	vst v0  }
0x3fe: {  	_ =	swait.ge [sflag:s13], $0x3000  }
0x3ff: {  	s10 =	simm.s32 @!p0 $0x7F00;
	s9 =	simm.s32 @!p0 $0x60;
	[sflag:s13] =	ssyncset.done $0x0  }
0x400: {  	s19 =	sadd.s32 s5, s17;
	s8 =	sadd.s32 @!p0 $0x388, s21;
	[sflag:s13] =	ssyncadd.s32 $0xFFFFD000  }
0x401: {  	[tilespmem:s10], [sflag:$0x2] =	stream.indirect.gather @!p0 [hbm4b:s1+s9], $0x80, s8, s9, $0xb8;
	[tilespmem:$0x1DB00] =	vst v63  }
0x402: {  	s8 =	sshll.u32 s19, $0x4  }
0x403: {  	s22 =	simm.s32 $0x14700;
	s8 =	sadd.s32 s3, s8  }
0x404: {  	[hbm4b:s8+s4] =	stream.linear.scatter [tilespmem:s22], [sflag:$0xE], $0x3000, $0x38;
	[tilespmem:$0x1DB00] =	vst v63  }
0x405: {  	_ =	swait.ge [sflag:s18], $0x3400  }
0x406: {  	[sflag:s18] =	ssyncset.done $0x0  }
0x407: {  	s17 =	simm.s32 $0x17800;
	[sflag:s18] =	ssyncadd.s32 $0xFFFFCC00  }
0x408: {  	s19 =	simm.s32 $0x1980;
	v0 =	vld [tilespmem:s17+$0x80]  }
0x409: {  	v1 =	vld [tilespmem:s19+$0x40]  }
0x40a: {  	v2 =	vld [tilespmem:s17+$0x90]  }
0x40b: {  	v3 =	vld [tilespmem:s17+$0xFFFFFF00]  }
0x40c: {  	v5 =	vld [tilespmem:s17+$0xFFFFFF10]  }
0x40d: {  	v6 =	vld [tilespmem:s17+$0xFFFFFF90]  }
0x40e: {  	v7 =	vld [tilespmem:s17+$0xB0]  }
0x40f: {  	v8 =	vld [tilespmem:s17+$0x0]  }
0x410: {  	v9 =	vld [tilespmem:s17+$0x10];
	v0 =	vmul.f32 $1.131370830e+01, v0  }
0x411: {  	v10 =	vld [tilespmem:s19+$0x0];
	v4 =	vshll.u32 v1, $0x10;
	v2 =	vmul.f32 $1.131370830e+01, v2  }
0x412: {  	v12 =	vld [tilespmem:s19+$0xFFFFFF80];
	v1 =	vand.u32 $0xFFFF0000, v1;
	v0 =	vadd.f32 v4, v0  }
0x413: {  	v4 =	vld [tilespmem:s17+$0xFFFFFF80];
	v1 =	vadd.f32 v1, v2  }
0x414: {  	s23 =	simm.s32 $0xC0;
	v2 =	vld [tilespmem:s19+$0xFFFFFFC0];
	[tilespmem:s17+$0x80] =	vst v0  }
0x415: {  	s24 =	sor.u32 $0x50, s23;
	v0 =	vld [tilespmem:s17+$0xA0];
	[tilespmem:s17+$0x90] =	vst v1  }
0x416: {  	v1 =	vld [tilespmem:s24+$0x1900]  }
0x417: {  	v13 =	vld [tilespmem:s17+$0xFFFFFF20]  }
0x418: {  	v14 =	vld [tilespmem:s17+$0xFFFFFFC0];
	v6 =	vmul.f32 $1.131370830e+01, v6  }
0x419: {  	s9 =	simm.s32 $0x1A80;
	v15 =	vld [tilespmem:s17+$0xFFFFFF60];
	v4 =	vmul.f32 $1.131370830e+01, v4;
	v11 =	vshll.u32 v2, $0x10;
	v2 =	vand.u32 $0xFFFF0000, v2  }
0x41a: {  	v23 =	vld [tilespmem:s9+$0xFFFFFF80];
	v2 =	vadd.f32 v2, v6;
	v0 =	vmul.f32 $1.131370830e+01, v0  }
0x41b: {  	v25 =	vld [tilespmem:s9+$0x0];
	v4 =	vadd.f32 v11, v4;
	v11 =	vshll.u32 v1, $0x10  }
0x41c: {  	v7 =	vmul.f32 $1.131370830e+01, v7;
	v6 =	vld [tilespmem:s17+$0xFFFFFF30];
	[tilespmem:s17+$0xFFFFFF90] =	vst v2;
	v0 =	vadd.f32 v11, v0  }
0x41d: {  	v1 =	vand.u32 $0xFFFF0000, v1;
	v2 =	vld [tilespmem:s17+$0xC0];
	[tilespmem:s17+$0xFFFFFF80] =	vst v4  }
0x41e: {  	v4 =	vld [tilespmem:s17+$0xFFFFFFA0];
	v1 =	vadd.f32 v1, v7;
	[tilespmem:s17+$0xA0] =	vst v0;
	v0 =	vmul.f32 $1.131370830e+01, v3  }
0x41f: {  	v7 =	vshll.u32 v12, $0x10;
	v3 =	vmul.f32 $1.131370830e+01, v5;
	v5 =	vld [tilespmem:s17+$0xFFFFFFB0]  }
0x420: {  	s25 =	sor.u32 $0x60, s23;
	[tilespmem:s17+$0xB0] =	vst v1;
	v1 =	vmul.f32 $1.131370830e+01, v8;
	v8 =	vand.u32 $0xFFFF0000, v12;
	v0 =	vadd.f32 v7, v0;
	v7 =	vld [tilespmem:s17+$0xD0]  }
0x421: {  	v9 =	vmul.f32 $1.131370830e+01, v9;
	v3 =	vadd.f32 v8, v3;
	v8 =	vld [tilespmem:s25+$0x1900]  }
0x422: {  	v11 =	vshll.u32 v10, $0x10;
	v10 =	vand.u32 $0xFFFF0000, v10;
	v12 =	vld [tilespmem:s17+$0x20];
	[tilespmem:s17+$0xFFFFFF00] =	vst v0  }
0x423: {  	v1 =	vadd.f32 v11, v1;
	v11 =	vld [tilespmem:s17+$0xFFFFFF40];
	v0 =	vadd.f32 v10, v9;
	[tilespmem:s17+$0xFFFFFF10] =	vst v3  }
0x424: {  	s28 =	simm.s32 $0x40;
	v9 =	vld [tilespmem:s19+$0xFFFFFF90]  }
0x425: {  	s14 =	sor.u32 $0x50, s28;
	v3 =	vld [tilespmem:s17+$0x30];
	[tilespmem:s17+$0x10] =	vst v0;
	v0 =	vmul.f32 $1.131370830e+01, v2  }
0x426: {  	[tilespmem:s17+$0x0] =	vst v1;
	v1 =	vld [tilespmem:s14+$0x1900];
	v10 =	vshll.u32 v8, $0x10;
	v7 =	vmul.f32 $1.131370830e+01, v7  }
0x427: {  	v2 =	vld [tilespmem:s19+$0x10];
	v8 =	vand.u32 $0xFFFF0000, v8;
	v0 =	vadd.f32 v10, v0  }
0x428: {  	v6 =	vmul.f32 $1.131370830e+01, v6;
	v10 =	vmul.f32 $1.131370830e+01, v13;
	v13 =	vld [tilespmem:s17+$0xFFFFFF50];
	v7 =	vadd.f32 v8, v7  }
0x429: {  	v8 =	vshll.u32 v9, $0x10;
	[tilespmem:s17+$0xC0] =	vst v0;
	v0 =	vmul.f32 $1.131370830e+01, v4;
	v4 =	vand.u32 $0xFFFF0000, v9;
	v9 =	vld [tilespmem:s17+$0xFFFFFFD0]  }
0x42a: {  	v5 =	vmul.f32 $1.131370830e+01, v5;
	v4 =	vadd.f32 v4, v6;
	v6 =	vld [tilespmem:s17+$0xF0]  }
0x42b: {  	s8 =	sor.u32 $0x70, s23;
	v8 =	vadd.f32 v8, v10;
	[tilespmem:s17+$0xD0] =	vst v7;
	v7 =	vshll.u32 v1, $0x10;
	v10 =	vmul.f32 $1.131370830e+01, v12;
	v12 =	vld [tilespmem:s17+$0x40]  }
0x42c: {  	v1 =	vand.u32 $0xFFFF0000, v1;
	v7 =	vadd.f32 v7, v0;
	v0 =	vld [tilespmem:s8+$0x1900]  }
0x42d: {  	v1 =	vadd.f32 v1, v5;
	v5 =	vld [tilespmem:s17+$0xFFFFFFF0];
	s8 =	simm.s32 $0x17A00  }
0x42e: {  	[tilespmem:s17+$0xFFFFFF20] =	vst v8;
	v18 =	vld [tilespmem:s8+$0xFFFFFF10]  }
0x42f: {  	[tilespmem:s17+$0xFFFFFF30] =	vst v4;
	v33 =	vld [tilespmem:s8+$0xFFFFFF80]  }
0x430: {  	v3 =	vmul.f32 $1.131370830e+01, v3;
	[tilespmem:s17+$0xFFFFFFA0] =	vst v7;
	v7 =	vld [tilespmem:s19+$0xFFFFFFA0]  }
0x431: {  	s16 =	sor.u32 $0x60, s28;
	v8 =	vshll.u32 v2, $0x10;
	v2 =	vand.u32 $0xFFFF0000, v2;
	v19 =	vld [tilespmem:s8+$0xFFFFFF90];
	[tilespmem:s17+$0xFFFFFFB0] =	vst v1  }
0x432: {  	v4 =	vadd.f32 v8, v10;
	v2 =	vadd.f32 v2, v3;
	v10 =	vld [tilespmem:s16+$0x1900]  }
0x433: {  	v20 =	vld [tilespmem:s8+$0xB0];
	v1 =	vmul.f32 $1.131370830e+01, v6  }
0x434: {  	v21 =	vld [tilespmem:s8+$0x0];
	[tilespmem:s17+$0x30] =	vst v2;
	v2 =	vmul.f32 $1.131370830e+01, v11;
	v6 =	vand.u32 $0xFFFF0000, v0  }
0x435: {  	v22 =	vld [tilespmem:s8+$0x10];
	v11 =	vmul.f32 $1.131370830e+01, v13;
	v6 =	vadd.f32 v6, v1;
	v13 =	vshll.u32 v7, $0x10  }
0x436: {  	v26 =	vld [tilespmem:s8+$0xFFFFFF20];
	v9 =	vmul.f32 $1.131370830e+01, v9;
	v7 =	vand.u32 $0xFFFF0000, v7;
	v13 =	vadd.f32 v13, v2  }
0x437: {  	[tilespmem:s17+$0xF0] =	vst v6;
	v6 =	vshll.u32 v10, $0x10;
	v7 =	vadd.f32 v7, v11;
	v11 =	vld [tilespmem:s8+$0x80];
	v10 =	vand.u32 $0xFFFF0000, v10  }
0x438: {  	v9 =	vadd.f32 v10, v9;
	v10 =	vld [tilespmem:s8+$0x90]  }
0x439: {  	[tilespmem:s17+$0xFFFFFF40] =	vst v13;
	v13 =	vld [tilespmem:s9+$0x40]  }
0x43a: {  	v35 =	vld [tilespmem:s8+$0xFFFFFF30]  }
0x43b: {  	v14 =	vmul.f32 $1.131370830e+01, v14;
	v36 =	vld [tilespmem:s8+$0xFFFFFFA0]  }
0x43c: {  	v38 =	vld [tilespmem:s8+$0xC0]  }
0x43d: {  	v41 =	vld [tilespmem:s8+$0xD0];
	v14 =	vadd.f32 v6, v14;
	[tilespmem:s17+$0xFFFFFFD0] =	vst v9;
	v9 =	vmul.f32 $1.131370830e+01, v11  }
0x43e: {  	v8 =	vld [tilespmem:s17+$0x50];
	[tilespmem:s17+$0x20] =	vst v4;
	v10 =	vmul.f32 $1.131370830e+01, v10;
	v17 =	vshll.u32 v13, $0x10  }
0x43f: {  	s10 =	sor.u32 $0x70, s28;
	v16 =	vld [tilespmem:s19+$0x20];
	[tilespmem:s17+$0xFFFFFFC0] =	vst v14;
	v13 =	vand.u32 $0xFFFF0000, v13;
	v9 =	vadd.f32 v17, v9  }
0x440: {  	[tilespmem:s17+$0xFFFFFF50] =	vst v7;
	v7 =	vld [tilespmem:s10+$0x1900];
	v10 =	vadd.f32 v13, v10  }
0x441: {  	s10 =	simm.s32 $0x1C0;
	v13 =	vld [tilespmem:s9+$0xFFFFFFC0];
	[tilespmem:s8+$0x80] =	vst v9  }
0x442: {  	s14 =	sor.u32 $0x50, s10;
	v9 =	vld [tilespmem:s8+$0xA0];
	[tilespmem:s8+$0x90] =	vst v10  }
0x443: {  	v10 =	vld [tilespmem:s14+$0x1900]  }
0x444: {  	v46 =	vld [tilespmem:s8+$0xFFFFFFB0]  }
0x445: {  	v8 =	vmul.f32 $1.131370830e+01, v8;
	v11 =	vld [tilespmem:s8+$0xFFFFFF00]  }
0x446: {  	v51 =	vld [tilespmem:s8+$0xFFFFFF40];
	v45 =	vshll.u32 v16, $0x10;
	v16 =	vand.u32 $0xFFFF0000, v16;
	v17 =	vmul.f32 $1.131370830e+01, v33  }
0x447: {  	v55 =	vld [tilespmem:s8+$0xF0];
	v8 =	vadd.f32 v16, v8;
	v24 =	vshll.u32 v13, $0x10;
	v9 =	vmul.f32 $1.131370830e+01, v9  }
0x448: {  	v39 =	vmul.f32 $1.131370830e+01, v19;
	v14 =	vld [tilespmem:s19+$0xFFFFFFB0];
	v17 =	vadd.f32 v24, v17;
	v34 =	vshll.u32 v10, $0x10  }
0x449: {  	v60 =	vld [tilespmem:s8+$0xFFFFFF70];
	v20 =	vmul.f32 $1.131370830e+01, v20;
	[tilespmem:s17+$0x50] =	vst v8;
	v13 =	vand.u32 $0xFFFF0000, v13;
	v9 =	vadd.f32 v34, v9  }
0x44a: {  	v61 =	vld [tilespmem:s8+$0xFFFFFFF0];
	v11 =	vmul.f32 $1.131370830e+01, v11;
	v13 =	vadd.f32 v13, v39;
	[tilespmem:s8+$0xFFFFFF80] =	vst v17;
	v10 =	vand.u32 $0xFFFF0000, v10  }
0x44b: {  	v37 =	vshll.u32 v23, $0x10;
	v3 =	vld [tilespmem:s17+$0xFFFFFFE0];
	s16 =	simm.s32 $0x140;
	v10 =	vadd.f32 v10, v20;
	[tilespmem:s8+$0xA0] =	vst v9;
	v9 =	vmul.f32 $1.131370830e+01, v18  }
0x44c: {  	v40 =	vand.u32 $0xFFFF0000, v23;
	v15 =	vmul.f32 $1.131370830e+01, v15;
	v4 =	vld [tilespmem:s17+$0xFFFFFF70];
	s23 =	sor.u32 $0x50, s16;
	v11 =	vadd.f32 v37, v11;
	[tilespmem:s8+$0xFFFFFF90] =	vst v13  }
0x44d: {  	v22 =	vmul.f32 $1.131370830e+01, v22;
	s22 =	sor.u32 $0x60, s10;
	v48 =	vshll.u32 v14, $0x10;
	v47 =	vld [tilespmem:s23+$0x1900];
	[tilespmem:s8+$0xB0] =	vst v10;
	v9 =	vadd.f32 v40, v9  }
0x44e: {  	v43 =	vand.u32 $0xFFFF0000, v25;
	v21 =	vmul.f32 $1.131370830e+01, v21;
	v8 =	vadd.f32 v48, v15;
	[tilespmem:s8+$0xFFFFFF00] =	vst v11;
	v11 =	vld [tilespmem:s22+$0x1900]  }
0x44f: {  	v42 =	vshll.u32 v25, $0x10;
	v1 =	vld [tilespmem:s17+$0x60];
	v13 =	vadd.f32 v43, v22;
	[tilespmem:s8+$0xFFFFFF10] =	vst v9  }
0x450: {  	v12 =	vmul.f32 $1.131370830e+01, v12;
	v5 =	vmul.f32 $1.131370830e+01, v5;
	[tilespmem:s17+$0xFFFFFF60] =	vst v8;
	v18 =	vadd.f32 v42, v21;
	v44 =	vld [tilespmem:s9+$0xFFFFFF90]  }
0x451: {  	v19 =	vmul.f32 $1.131370830e+01, v41;
	v2 =	vld [tilespmem:s17+$0x70];
	v17 =	vmul.f32 $1.131370830e+01, v36;
	[tilespmem:s8+$0x10] =	vst v13  }
0x452: {  	v12 =	vadd.f32 v45, v12;
	v13 =	vmul.f32 $1.131370830e+01, v38;
	v10 =	vld [tilespmem:s8+$0x20];
	[tilespmem:s8+$0x0] =	vst v18;
	v8 =	vshll.u32 v47, $0x10  }
0x453: {  	v53 =	vmul.f32 $1.131370830e+01, v35;
	v49 =	vld [tilespmem:s9+$0x10];
	v8 =	vadd.f32 v8, v17;
	v50 =	vshll.u32 v11, $0x10  }
0x454: {  	[tilespmem:s17+$0x40] =	vst v12;
	v12 =	vmul.f32 $1.131370830e+01, v26;
	v9 =	vld [tilespmem:s8+$0x30];
	v11 =	vand.u32 $0xFFFF0000, v11;
	v13 =	vadd.f32 v50, v13  }
0x455: {  	v54 =	vmul.f32 $1.131370830e+01, v46;
	v6 =	vld [tilespmem:s17+$0xE0];
	[tilespmem:s8+$0xFFFFFFA0] =	vst v8;
	v11 =	vadd.f32 v11, v19;
	v52 =	vshll.u32 v44, $0x10  }
0x456: {  	v4 =	vmul.f32 $1.131370830e+01, v4;
	v15 =	vld [tilespmem:s8+$0xFFFFFF50];
	[tilespmem:s8+$0xC0] =	vst v13;
	v21 =	vand.u32 $0xFFFF0000, v44;
	v12 =	vadd.f32 v52, v12  }
0x457: {  	v3 =	vmul.f32 $1.131370830e+01, v3;
	v14 =	vand.u32 $0xFFFF0000, v14;
	v8 =	vld [tilespmem:s8+$0x50];
	[tilespmem:s8+$0xD0] =	vst v11;
	v18 =	vadd.f32 v21, v53  }
0x458: {  	s24 =	sor.u32 $0x70, s10;
	v4 =	vadd.f32 v14, v4;
	v16 =	vand.u32 $0xFFFF0000, v47;
	v10 =	vmul.f32 $1.131370830e+01, v10;
	v13 =	vld [tilespmem:s8+$0xFFFFFFC0];
	[tilespmem:s8+$0xFFFFFF20] =	vst v12  }
0x459: {  	v16 =	vadd.f32 v16, v54;
	v9 =	vmul.f32 $1.131370830e+01, v9;
	v56 =	vld [tilespmem:s24+$0x1900];
	v12 =	vshll.u32 v49, $0x10;
	[tilespmem:s8+$0xFFFFFF30] =	vst v18  }
0x45a: {  	v1 =	vmul.f32 $1.131370830e+01, v1;
	[tilespmem:s17+$0xFFFFFF70] =	vst v4;
	v57 =	vand.u32 $0xFFFF0000, v49;
	v10 =	vadd.f32 v12, v10;
	v59 =	vld [tilespmem:s9+$0xFFFFFFA0]  }
0x45b: {  	s25 =	sor.u32 $0x60, s16;
	v58 =	vshll.u32 v7, $0x10;
	v7 =	vand.u32 $0xFFFF0000, v7;
	[tilespmem:s8+$0xFFFFFFB0] =	vst v16;
	v11 =	vld [tilespmem:s8+$0xFFFFFFD0];
	v9 =	vadd.f32 v57, v9  }
0x45c: {  	v6 =	vmul.f32 $1.131370830e+01, v6;
	v3 =	vadd.f32 v58, v3;
	v5 =	vadd.f32 v7, v5;
	[tilespmem:s8+$0x20] =	vst v10;
	v10 =	vld [tilespmem:s25+$0x1900]  }
0x45d: {  	v7 =	vshll.u32 v0, $0x10;
	v0 =	vmul.f32 $1.131370830e+01, v2;
	v2 =	vmul.f32 $1.131370830e+01, v55;
	[tilespmem:s8+$0x30] =	vst v9;
	v12 =	vld [tilespmem:s8+$0x40]  }
0x45e: {  	v4 =	vmul.f32 $1.131370830e+01, v51;
	[tilespmem:s17+$0xFFFFFFE0] =	vst v3;
	v3 =	vadd.f32 v7, v6;
	v6 =	vand.u32 $0xFFFF0000, v56;
	v14 =	vld [tilespmem:s9+$0x20]  }
0x45f: {  	v62 =	vld [tilespmem:s8+$0x60];
	[tilespmem:s17+$0xFFFFFFF0] =	vst v5;
	v5 =	vmul.f32 $1.131370830e+01, v15;
	v2 =	vadd.f32 v6, v2;
	v6 =	vshll.u32 v59, $0x10  }
0x460: {  	[tilespmem:s17+$0xE0] =	vst v3;
	v9 =	vld [tilespmem:s8+$0xFFFFFF60];
	v3 =	vmul.f32 $1.131370830e+01, v13;
	v7 =	vand.u32 $0xFFFF0000, v59;
	v4 =	vadd.f32 v6, v4  }
0x461: {  	v15 =	vld [tilespmem:s8+$0xFFFFFFE0];
	[tilespmem:s8+$0xF0] =	vst v2;
	v6 =	vmul.f32 $1.131370830e+01, v11;
	v5 =	vadd.f32 v7, v5;
	v2 =	vshll.u32 v10, $0x10  }
0x462: {  	v11 =	vmul.f32 $1.131370830e+01, v12;
	v7 =	vand.u32 $0xFFFF0000, v10;
	v3 =	vadd.f32 v2, v3;
	[tilespmem:s8+$0xFFFFFF40] =	vst v4;
	v4 =	vld [tilespmem:s8+$0x70]  }
0x463: {  	v12 =	vmul.f32 $1.131370830e+01, v8;
	v10 =	vadd.f32 v7, v6;
	v6 =	vshll.u32 v14, $0x10;
	[tilespmem:s8+$0xFFFFFF50] =	vst v5;
	v7 =	vld [tilespmem:s8+$0xE0]  }
0x464: {  	v8 =	vmul.f32 $1.131370830e+01, v60;
	v63 =	vadd.f32 v6, v11;
	v11 =	vld [tilespmem:s9+$0xFFFFFFB0];
	[tilespmem:s8+$0xFFFFFFC0] =	vst v3;
	v3 =	vand.u32 $0xFFFF0000, v14  }
0x465: {  	s28 =	sor.u32 $0x70, s16;
	s23 =	simm.s32 $0x1B80;
	v5 =	vmul.f32 $1.131370830e+01, v9;
	v9 =	vmul.f32 $1.131370830e+01, v61;
	[tilespmem:s8+$0xFFFFFFD0] =	vst v10;
	v10 =	vld [tilespmem:s19+$0x30];
	v13 =	vadd.f32 v3, v12  }
0x466: {  	s25 =	simm.s32 $0x17A00;
	v2 =	vshll.u32 v56, $0x10;
	v6 =	vmul.f32 $1.131370830e+01, v15;
	s19 =	simm.s32 $0x4;
	v12 =	vld [tilespmem:s28+$0x1900];
	[tilespmem:s8+$0x40] =	vst v63;
	v3 =	vmul.f32 $1.131370830e+01, v62  }
.LBB2_15:
0x467: {  	v14 =	vld [tilespmem:s23+$0x40];
	[tilespmem:s8+$0x50] =	vst v13;
	v4 =	vmul.f32 $1.131370830e+01, v4;
	s25 =	sadd.s32 $0x200, s25  }
0x468: {  	v13 =	vld [tilespmem:s25+$0x80];
	v7 =	vmul.f32 $1.131370830e+01, v7  }
0x469: {  	v15 =	vld [tilespmem:s25+$0x90];
	v16 =	vshll.u32 v11, $0x10;
	v11 =	vand.u32 $0xFFFF0000, v11  }
0x46a: {  	v17 =	vld [tilespmem:s25+$0xFFFFFF00];
	v5 =	vadd.f32 v16, v5;
	v16 =	vshll.u32 v10, $0x10;
	v10 =	vand.u32 $0xFFFF0000, v10  }
0x46b: {  	s19 =	sadd.s32 $0x4, s19;
	v8 =	vadd.f32 v11, v8;
	v18 =	vld [tilespmem:s25+$0xFFFFFF10];
	v11 =	vshll.u32 v12, $0x10;
	v12 =	vand.u32 $0xFFFF0000, v12  }
0x46c: {  	p1 =	slt.u32 s19, $0x64;
	v19 =	vld [tilespmem:s25+$0xFFFFFF80];
	[tilespmem:s8+$0xFFFFFF60] =	vst v5;
	v5 =	vadd.f32 v11, v6;
	v6 =	vadd.f32 v12, v9  }
0x46d: {  	v10 =	vadd.f32 v10, v0;
	v0 =	vmovc v4;
	v9 =	vld [tilespmem:s25+$0xFFFFFF90];
	v11 =	vmul.f32 $1.131370830e+01, v13;
	[tilespmem:s8+$0xFFFFFF70] =	vst v8;
	v8 =	vadd.f32 v16, v1  }
0x46e: {  	v2 =	vadd.f32 v2, v7;
	v12 =	vshll.u32 v14, $0x10;
	v1 =	vmovc v3;
	v4 =	vld [tilespmem:s25+$0x0];
	v13 =	vmul.f32 $1.131370830e+01, v15;
	[tilespmem:s8+$0xFFFFFFE0] =	vst v5  }
0x46f: {  	v7 =	vand.u32 $0xFFFF0000, v14;
	v3 =	vmul.f32 $1.131370830e+01, v17;
	v5 =	vld [tilespmem:s25+$0x10];
	v11 =	vadd.f32 v12, v11;
	[tilespmem:s8+$0xFFFFFFF0] =	vst v6  }
0x470: {  	v6 =	vmul.f32 $1.131370830e+01, v18;
	v12 =	vld [tilespmem:s23+$0xFFFFFFC0];
	v7 =	vadd.f32 v7, v13;
	[tilespmem:s17+$0x60] =	vst v8  }
0x471: {  	s10 =	sadd.s32 $0x100, s10;
	v8 =	vmul.f32 $1.131370830e+01, v19;
	[tilespmem:s25+$0x80] =	vst v11;
	v11 =	vld [tilespmem:s25+$0xA0]  }
0x472: {  	s22 =	sadd.s32 $0xFFFFFF80, s10;
	s24 =	sor.u32 $0x50, s10;
	v9 =	vmul.f32 $1.131370830e+01, v9;
	[tilespmem:s25+$0x90] =	vst v7;
	v7 =	vld [tilespmem:s25+$0xB0]  }
0x473: {  	s14 =	sor.u32 $0x50, s22;
	s16 =	sor.u32 $0x60, s22;
	s28 =	sor.u32 $0x70, s22;
	v4 =	vmul.f32 $1.131370830e+01, v4;
	v13 =	vld [tilespmem:s24+$0x1900];
	[tilespmem:s17+$0x70] =	vst v10  }
0x474: {  	s17 =	smov.u32 s8;
	v10 =	vld [tilespmem:s23+$0x0];
	v5 =	vmul.f32 $1.131370830e+01, v5;
	[tilespmem:s8+$0xE0] =	vst v2;
	s8 =	smov.u32 s25  }
0x475: {  	v2 =	vld [tilespmem:s23+$0xFFFFFF80];
	v14 =	vshll.u32 v12, $0x10;
	v12 =	vand.u32 $0xFFFF0000, v12  }
0x476: {  	v15 =	vld [tilespmem:s25+$0xFFFFFF20];
	v8 =	vadd.f32 v14, v8;
	v9 =	vadd.f32 v12, v9  }
0x477: {  	v11 =	vmul.f32 $1.131370830e+01, v11;
	v12 =	vld [tilespmem:s25+$0xFFFFFF30]  }
0x478: {  	v7 =	vmul.f32 $1.131370830e+01, v7;
	[tilespmem:s25+$0xFFFFFF80] =	vst v8;
	v8 =	vld [tilespmem:s25+$0xFFFFFFA0];
	v14 =	vshll.u32 v13, $0x10  }
0x479: {  	v13 =	vand.u32 $0xFFFF0000, v13;
	[tilespmem:s25+$0xFFFFFF90] =	vst v9;
	v9 =	vld [tilespmem:s25+$0xFFFFFFB0];
	v16 =	vshll.u32 v10, $0x10;
	v11 =	vadd.f32 v14, v11  }
0x47a: {  	v7 =	vadd.f32 v13, v7;
	v14 =	vshll.u32 v2, $0x10;
	v2 =	vand.u32 $0xFFFF0000, v2;
	v17 =	vld [tilespmem:s25+$0x20]  }
0x47b: {  	v3 =	vadd.f32 v14, v3;
	v2 =	vadd.f32 v2, v6;
	v6 =	vand.u32 $0xFFFF0000, v10;
	[tilespmem:s25+$0xA0] =	vst v11;
	v10 =	vld [tilespmem:s25+$0xC0]  }
0x47c: {  	s22 =	sor.u32 $0x60, s10;
	v4 =	vadd.f32 v16, v4;
	v11 =	vmul.f32 $1.131370830e+01, v15;
	v5 =	vadd.f32 v6, v5;
	[tilespmem:s25+$0xB0] =	vst v7;
	v6 =	vld [tilespmem:s25+$0xD0]  }
0x47d: {  	[tilespmem:s25+$0xFFFFFF00] =	vst v3;
	v3 =	vmul.f32 $1.131370830e+01, v12;
	v7 =	vmul.f32 $1.131370830e+01, v8;
	v8 =	vld [tilespmem:s22+$0x1900]  }
0x47e: {  	[tilespmem:s25+$0xFFFFFF10] =	vst v2;
	v2 =	vmul.f32 $1.131370830e+01, v9;
	v9 =	vld [tilespmem:s25+$0x30]  }
0x47f: {  	v12 =	vld [tilespmem:s23+$0xFFFFFF90];
	[tilespmem:s25+$0x0] =	vst v4;
	v4 =	vmul.f32 $1.131370830e+01, v17  }
0x480: {  	v13 =	vld [tilespmem:s14+$0x1900];
	[tilespmem:s25+$0x10] =	vst v5  }
0x481: {  	v10 =	vmul.f32 $1.131370830e+01, v10;
	v5 =	vld [tilespmem:s23+$0x10]  }
0x482: {  	v6 =	vmul.f32 $1.131370830e+01, v6;
	v14 =	vld [tilespmem:s25+$0xFFFFFF40];
	v15 =	vshll.u32 v8, $0x10  }
0x483: {  	v8 =	vand.u32 $0xFFFF0000, v8;
	v16 =	vld [tilespmem:s25+$0xFFFFFF50];
	v9 =	vmul.f32 $1.131370830e+01, v9;
	v10 =	vadd.f32 v15, v10  }
0x484: {  	v6 =	vadd.f32 v8, v6;
	v15 =	vshll.u32 v12, $0x10;
	v12 =	vand.u32 $0xFFFF0000, v12;
	v17 =	vld [tilespmem:s25+$0xFFFFFFC0]  }
0x485: {  	v8 =	vadd.f32 v15, v11;
	v11 =	vshll.u32 v13, $0x10;
	v13 =	vand.u32 $0xFFFF0000, v13;
	v15 =	vld [tilespmem:s25+$0xFFFFFFD0];
	[tilespmem:s25+$0xC0] =	vst v10  }
0x486: {  	s14 =	sor.u32 $0x70, s10;
	v3 =	vadd.f32 v12, v3;
	v10 =	vshll.u32 v5, $0x10;
	v5 =	vand.u32 $0xFFFF0000, v5;
	[tilespmem:s25+$0xD0] =	vst v6;
	v6 =	vld [tilespmem:s25+$0xF0]  }
0x487: {  	v7 =	vadd.f32 v11, v7;
	v2 =	vadd.f32 v13, v2;
	[tilespmem:s25+$0xFFFFFF20] =	vst v8;
	v8 =	vmul.f32 $1.131370830e+01, v14;
	v11 =	vld [tilespmem:s14+$0x1900]  }
0x488: {  	v4 =	vadd.f32 v10, v4;
	v5 =	vadd.f32 v5, v9;
	[tilespmem:s25+$0xFFFFFF30] =	vst v3;
	v3 =	vmul.f32 $1.131370830e+01, v16;
	v9 =	vld [tilespmem:s25+$0x40]  }
0x489: {  	[tilespmem:s25+$0xFFFFFFA0] =	vst v7;
	v7 =	vmul.f32 $1.131370830e+01, v17;
	v10 =	vld [tilespmem:s25+$0x50]  }
0x48a: {  	v12 =	vld [tilespmem:s23+$0xFFFFFFA0];
	[tilespmem:s25+$0xFFFFFFB0] =	vst v2;
	v13 =	vmul.f32 $1.131370830e+01, v15  }
0x48b: {  	v14 =	vld [tilespmem:s16+$0x1900];
	[tilespmem:s25+$0x20] =	vst v4;
	v4 =	vmul.f32 $1.131370830e+01, v6  }
0x48c: {  	v6 =	vld [tilespmem:s25+$0xFFFFFF60];
	[tilespmem:s25+$0x30] =	vst v5;
	v2 =	vshll.u32 v11, $0x10;
	v5 =	vand.u32 $0xFFFF0000, v11  }
0x48d: {  	v11 =	vld [tilespmem:s23+$0x20];
	v9 =	vmul.f32 $1.131370830e+01, v9;
	v4 =	vadd.f32 v5, v4  }
0x48e: {  	v15 =	vld [tilespmem:s25+$0xFFFFFF70];
	v10 =	vmul.f32 $1.131370830e+01, v10  }
0x48f: {  	v5 =	vshll.u32 v12, $0x10;
	v12 =	vand.u32 $0xFFFF0000, v12;
	v16 =	vld [tilespmem:s25+$0xFFFFFFE0];
	[tilespmem:s25+$0xF0] =	vst v4  }
0x490: {  	v4 =	vadd.f32 v5, v8;
	v8 =	vshll.u32 v14, $0x10;
	v14 =	vand.u32 $0xFFFF0000, v14;
	v17 =	vld [tilespmem:s25+$0xFFFFFFF0]  }
0x491: {  	v3 =	vadd.f32 v12, v3;
	v5 =	vmul.f32 $1.131370830e+01, v6;
	v6 =	vadd.f32 v8, v7;
	v18 =	vld [tilespmem:s25+$0x60]  }
.Ltmp6:
0x492: {  	v12 =	vadd.f32 v14, v13;
	[tilespmem:s25+$0xFFFFFF40] =	vst v4;
	v7 =	vshll.u32 v11, $0x10;
	v11 =	vand.u32 $0xFFFF0000, v11;
	v4 =	vld [tilespmem:s25+$0x70];
	(pc) =	sbr.rel @p1 .LBB2_15-.Ltmp6, $4  }
0x493: {  	[tilespmem:s25+$0xFFFFFF50] =	vst v3;
	v8 =	vmul.f32 $1.131370830e+01, v15;
	v3 =	vadd.f32 v7, v9;
	v13 =	vadd.f32 v11, v10;
	v7 =	vld [tilespmem:s25+$0xE0]  }
0x494: {  	v11 =	vld [tilespmem:s23+$0xFFFFFFB0];
	[tilespmem:s25+$0xFFFFFFC0] =	vst v6;
	v6 =	vmul.f32 $1.131370830e+01, v16  }
0x495: {  	[tilespmem:s25+$0xFFFFFFD0] =	vst v12;
	v9 =	vmul.f32 $1.131370830e+01, v17;
	v10 =	vld [tilespmem:s9+$0x30];
	s9 =	smov.u32 s23  }
0x496: {  	s23 =	sadd.s32 $0x100, s23;
	v12 =	vld [tilespmem:s28+$0x1900];
	[tilespmem:s25+$0x40] =	vst v3;
	v3 =	vmul.f32 $1.131370830e+01, v18  }
0x497: {  	_ =	sdelay $0x1  }
0x498: {  	v14 =	vshll.u32 v11, $0x10  }
0x499: {  	[tilespmem:s8+$0x50] =	vst v13;
	v7 =	vmul.f32 $1.131370830e+01, v7;
	v11 =	vand.u32 $0xFFFF0000, v11;
	v5 =	vadd.f32 v14, v5  }
0x49a: {  	v13 =	vld [tilespmem:s9+$0x30];
	v8 =	vadd.f32 v11, v8  }
0x49b: {  	v2 =	vadd.f32 v2, v7;
	v11 =	vshll.u32 v12, $0x10;
	[tilespmem:s8+$0xFFFFFF60] =	vst v5  }
0x49c: {  	v5 =	vadd.f32 v11, v6;
	v6 =	vshll.u32 v10, $0x10;
	[tilespmem:s8+$0xFFFFFF70] =	vst v8  }
0x49d: {  	v8 =	vand.u32 $0xFFFF0000, v10;
	[tilespmem:s8+$0xE0] =	vst v2;
	v1 =	vadd.f32 v6, v1  }
0x49e: {  	v12 =	vand.u32 $0xFFFF0000, v12;
	v0 =	vadd.f32 v8, v0;
	[tilespmem:s8+$0xFFFFFFE0] =	vst v5  }
0x49f: {  	v4 =	vmul.f32 $1.131370830e+01, v4;
	v9 =	vadd.f32 v12, v9;
	[tilespmem:s17+$0x60] =	vst v1;
	v1 =	vshll.u32 v13, $0x10  }
0x4a0: {  	[tilespmem:s17+$0x70] =	vst v0;
	v0 =	vand.u32 $0xFFFF0000, v13;
	v1 =	vadd.f32 v1, v3  }
0x4a1: {  	[tilespmem:s8+$0xFFFFFFF0] =	vst v9;
	v0 =	vadd.f32 v0, v4  }
0x4a2: {  	[tilespmem:s8+$0x60] =	vst v1  }
0x4a3: {  	[tilespmem:s8+$0x70] =	vst v0  }
0x4a4: {  	_ =	swait.ge [sflag:s20], $0x3400  }
0x4a5: {  	s10 =	simm.s32 @!p0 $0xAF00;
	s24 =	sadd.s32 s5, s15;
	[sflag:s20] =	ssyncset.done $0x0  }
0x4a6: {  	s9 =	simm.s32 @!p0 $0x68;
	s8 =	sadd.s32 @!p0 $0x3E8, s21;
	[sflag:s20] =	ssyncadd.s32 $0xFFFFCC00  }
0x4a7: {  	[tilespmem:s10], [sflag:$0x3] =	stream.indirect.gather @!p0 [hbm4b:s1+s9], $0x80, s8, s9, $0xb8;
	[tilespmem:$0x1DB00] =	vst v63  }
0x4a8: {  	s8 =	sshll.u32 s24, $0x4  }
0x4a9: {  	s25 =	simm.s32 $0x17700;
	s8 =	sadd.s32 s3, s8  }
0x4aa: {  	[hbm4b:s8+s4] =	stream.linear.scatter [tilespmem:s25], [sflag:$0xF], $0x3400, $0x38;
	[tilespmem:$0x1DB00] =	vst v63  }
0x4ab: {  	_ =	swait.ge [sflag:s6], $0x3000  }
0x4ac: {  	[sflag:s6] =	ssyncset.done $0x0  }
0x4ad: {  	s15 =	simm.s32 $0x1AC00;
	[sflag:s6] =	ssyncadd.s32 $0xFFFFD000  }
0x4ae: {  	s28 =	simm.s32 $0x33F0;
	v0 =	vld [tilespmem:s15+$0x80]  }
0x4af: {  	v1 =	vld [tilespmem:s28+$0xFFFFFFD0]  }
0x4b0: {  	v2 =	vld [tilespmem:s15+$0x90]  }
0x4b1: {  	v3 =	vld [tilespmem:s15+$0xFFFFFF00]  }
0x4b2: {  	v5 =	vld [tilespmem:s15+$0xFFFFFF10]  }
0x4b3: {  	v6 =	vld [tilespmem:s15+$0xFFFFFF90]  }
0x4b4: {  	v7 =	vld [tilespmem:s15+$0xB0]  }
0x4b5: {  	v8 =	vld [tilespmem:s15+$0x0]  }
0x4b6: {  	v9 =	vld [tilespmem:s15+$0x10]  }
0x4b7: {  	v10 =	vld [tilespmem:s28+$0xFFFFFF90]  }
0x4b8: {  	v12 =	vld [tilespmem:s28+$0xFFFFFF10];
	v0 =	vmul.f32 $1.131370830e+01, v0  }
0x4b9: {  	v13 =	vld [tilespmem:s15+$0xFFFFFF20];
	v4 =	vshll.u32 v1, $0x10;
	v2 =	vmul.f32 $1.131370830e+01, v2  }
0x4ba: {  	v14 =	vld [tilespmem:s15+$0xFFFFFFC0];
	v1 =	vand.u32 $0xFFFF0000, v1;
	v0 =	vadd.f32 v4, v0  }
0x4bb: {  	v4 =	vld [tilespmem:s15+$0xFFFFFF80];
	v1 =	vadd.f32 v1, v2  }
0x4bc: {  	v2 =	vld [tilespmem:s28+$0xFFFFFF50];
	[tilespmem:s15+$0x80] =	vst v0  }
0x4bd: {  	v0 =	vld [tilespmem:s15+$0xA0];
	[tilespmem:s15+$0x90] =	vst v1  }
0x4be: {  	v1 =	vld [tilespmem:s28+$0xFFFFFFE0]  }
0x4bf: {  	s8 =	simm.s32 $0x1AE00;
	v15 =	vld [tilespmem:s15+$0xFFFFFF60]  }
0x4c0: {  	v18 =	vld [tilespmem:s8+$0xFFFFFF10]  }
0x4c1: {  	v34 =	vld [tilespmem:s8+$0xFFFFFF80];
	v4 =	vmul.f32 $1.131370830e+01, v4  }
0x4c2: {  	v19 =	vld [tilespmem:s8+$0xFFFFFF90];
	v11 =	vshll.u32 v2, $0x10;
	v0 =	vmul.f32 $1.131370830e+01, v0  }
0x4c3: {  	v20 =	vld [tilespmem:s8+$0xB0];
	v6 =	vmul.f32 $1.131370830e+01, v6;
	v4 =	vadd.f32 v11, v4;
	v11 =	vshll.u32 v1, $0x10  }
0x4c4: {  	v21 =	vld [tilespmem:s8+$0x0];
	v7 =	vmul.f32 $1.131370830e+01, v7;
	v2 =	vand.u32 $0xFFFF0000, v2;
	v0 =	vadd.f32 v11, v0  }
0x4c5: {  	s9 =	simm.s32 $0x34F0;
	v22 =	vld [tilespmem:s8+$0x10];
	v2 =	vadd.f32 v2, v6;
	v1 =	vand.u32 $0xFFFF0000, v1  }
0x4c6: {  	v23 =	vld [tilespmem:s9+$0xFFFFFF10];
	v1 =	vadd.f32 v1, v7;
	[tilespmem:s15+$0xA0] =	vst v0;
	v0 =	vmul.f32 $1.131370830e+01, v3  }
0x4c7: {  	v25 =	vld [tilespmem:s9+$0xFFFFFF90];
	[tilespmem:s15+$0xFFFFFF90] =	vst v2;
	v7 =	vshll.u32 v12, $0x10;
	v3 =	vmul.f32 $1.131370830e+01, v5  }
0x4c8: {  	v2 =	vld [tilespmem:s15+$0xC0];
	[tilespmem:s15+$0xB0] =	vst v1;
	v1 =	vmul.f32 $1.131370830e+01, v8;
	v8 =	vand.u32 $0xFFFF0000, v12;
	v0 =	vadd.f32 v7, v0  }
0x4c9: {  	v7 =	vld [tilespmem:s15+$0xD0];
	v3 =	vadd.f32 v8, v3  }
0x4ca: {  	v9 =	vmul.f32 $1.131370830e+01, v9;
	v8 =	vld [tilespmem:s28+$0xFFFFFFF0];
	[tilespmem:s15+$0xFFFFFF00] =	vst v0  }
0x4cb: {  	v6 =	vld [tilespmem:s15+$0xFFFFFF30];
	v11 =	vshll.u32 v10, $0x10;
	v10 =	vand.u32 $0xFFFF0000, v10;
	[tilespmem:s15+$0xFFFFFF10] =	vst v3  }
0x4cc: {  	v0 =	vadd.f32 v10, v9;
	v9 =	vld [tilespmem:s28+$0xFFFFFF20]  }
0x4cd: {  	[tilespmem:s15+$0xFFFFFF80] =	vst v4;
	v4 =	vld [tilespmem:s15+$0xFFFFFFA0];
	v1 =	vadd.f32 v11, v1  }
0x4ce: {  	v26 =	vld [tilespmem:s8+$0xFFFFFF20];
	[tilespmem:s15+$0x10] =	vst v0;
	v0 =	vmul.f32 $1.131370830e+01, v2  }
0x4cf: {  	v12 =	vld [tilespmem:s15+$0x20];
	[tilespmem:s15+$0x0] =	vst v1;
	v10 =	vshll.u32 v8, $0x10;
	v7 =	vmul.f32 $1.131370830e+01, v7  }
0x4d0: {  	v2 =	vld [tilespmem:s28+$0xFFFFFFA0];
	v8 =	vand.u32 $0xFFFF0000, v8;
	v0 =	vadd.f32 v10, v0;
	v10 =	vmul.f32 $1.131370830e+01, v13  }
0x4d1: {  	v6 =	vmul.f32 $1.131370830e+01, v6;
	v3 =	vld [tilespmem:s15+$0x30];
	v7 =	vadd.f32 v8, v7;
	v8 =	vshll.u32 v9, $0x10  }
0x4d2: {  	v36 =	vld [tilespmem:s8+$0xFFFFFF30];
	[tilespmem:s15+$0xC0] =	vst v0;
	v0 =	vmul.f32 $1.131370830e+01, v4;
	v4 =	vand.u32 $0xFFFF0000, v9;
	v8 =	vadd.f32 v8, v10  }
0x4d3: {  	v11 =	vld [tilespmem:s15+$0xFFFFFF40];
	v4 =	vadd.f32 v4, v6  }
0x4d4: {  	v1 =	vld [tilespmem:s28+$0xFFFFFF60];
	v10 =	vmul.f32 $1.131370830e+01, v12;
	[tilespmem:s15+$0xFFFFFF20] =	vst v8  }
0x4d5: {  	v13 =	vld [tilespmem:s15+$0xFFFFFF50];
	v8 =	vshll.u32 v2, $0x10;
	[tilespmem:s15+$0xFFFFFF30] =	vst v4  }
0x4d6: {  	v3 =	vmul.f32 $1.131370830e+01, v3;
	v4 =	vadd.f32 v8, v10;
	v8 =	vld [tilespmem:s28+$0xFFFFFF30]  }
0x4d7: {  	v37 =	vld [tilespmem:s8+$0xFFFFFFA0];
	v2 =	vand.u32 $0xFFFF0000, v2  }
0x4d8: {  	v39 =	vld [tilespmem:s8+$0xC0];
	v2 =	vadd.f32 v2, v3  }
0x4d9: {  	v5 =	vld [tilespmem:s15+$0xFFFFFFB0]  }
0x4da: {  	v42 =	vld [tilespmem:s8+$0xD0];
	[tilespmem:s15+$0x30] =	vst v2;
	v2 =	vmul.f32 $1.131370830e+01, v11  }
0x4db: {  	[tilespmem:s15+$0xD0] =	vst v7;
	v7 =	vshll.u32 v1, $0x10;
	v6 =	vld [tilespmem:s15+$0xF0];
	v11 =	vmul.f32 $1.131370830e+01, v13;
	v13 =	vshll.u32 v8, $0x10  }
0x4dc: {  	v7 =	vadd.f32 v7, v0;
	v0 =	vld [tilespmem:s28+$0x0];
	v8 =	vand.u32 $0xFFFF0000, v8;
	v13 =	vadd.f32 v13, v2  }
0x4dd: {  	v8 =	vadd.f32 v8, v11;
	v11 =	vld [tilespmem:s8+$0x80]  }
0x4de: {  	v5 =	vmul.f32 $1.131370830e+01, v5;
	[tilespmem:s15+$0xFFFFFF40] =	vst v13;
	v13 =	vld [tilespmem:s9+$0xFFFFFFD0]  }
0x4df: {  	v1 =	vand.u32 $0xFFFF0000, v1;
	[tilespmem:s15+$0xFFFFFF50] =	vst v8;
	v8 =	vld [tilespmem:s8+$0x90]  }
0x4e0: {  	v47 =	vld [tilespmem:s8+$0xFFFFFFB0];
	v1 =	vadd.f32 v1, v5  }
0x4e1: {  	v52 =	vld [tilespmem:s8+$0xFFFFFF40];
	[tilespmem:s15+$0xFFFFFFA0] =	vst v7  }
0x4e2: {  	v56 =	vld [tilespmem:s8+$0xF0];
	[tilespmem:s15+$0xFFFFFFB0] =	vst v1;
	v1 =	vmul.f32 $1.131370830e+01, v6  }
0x4e3: {  	v10 =	vld [tilespmem:s28+$0xFFFFFF70];
	v6 =	vand.u32 $0xFFFF0000, v0;
	v11 =	vmul.f32 $1.131370830e+01, v11  }
0x4e4: {  	v9 =	vld [tilespmem:s15+$0xFFFFFFD0];
	v6 =	vadd.f32 v6, v1;
	v17 =	vshll.u32 v13, $0x10;
	v8 =	vmul.f32 $1.131370830e+01, v8  }
0x4e5: {  	v7 =	vld [tilespmem:s15+$0x50];
	[tilespmem:s15+$0x20] =	vst v4;
	v13 =	vand.u32 $0xFFFF0000, v13;
	v11 =	vadd.f32 v17, v11  }
0x4e6: {  	v16 =	vld [tilespmem:s28+$0xFFFFFFB0];
	[tilespmem:s15+$0xF0] =	vst v6;
	v8 =	vadd.f32 v13, v8  }
0x4e7: {  	v14 =	vmul.f32 $1.131370830e+01, v14;
	v13 =	vld [tilespmem:s9+$0xFFFFFF50];
	[tilespmem:s8+$0x80] =	vst v11  }
0x4e8: {  	v6 =	vshll.u32 v10, $0x10;
	v11 =	vld [tilespmem:s8+$0xA0];
	[tilespmem:s8+$0x90] =	vst v8  }
0x4e9: {  	v14 =	vadd.f32 v6, v14;
	v8 =	vld [tilespmem:s9+$0xFFFFFFE0]  }
0x4ea: {  	v59 =	vld [tilespmem:s8+$0x50];
	v40 =	vmul.f32 $1.131370830e+01, v19  }
0x4eb: {  	v9 =	vmul.f32 $1.131370830e+01, v9;
	v7 =	vmul.f32 $1.131370830e+01, v7;
	v10 =	vand.u32 $0xFFFF0000, v10;
	[tilespmem:s15+$0xFFFFFFC0] =	vst v14;
	v14 =	vld [tilespmem:s8+$0xFFFFFF00]  }
0x4ec: {  	v61 =	vld [tilespmem:s8+$0xFFFFFF70];
	v46 =	vshll.u32 v16, $0x10;
	v16 =	vand.u32 $0xFFFF0000, v16;
	v17 =	vmul.f32 $1.131370830e+01, v34  }
0x4ed: {  	v62 =	vld [tilespmem:s8+$0xFFFFFFF0];
	v7 =	vadd.f32 v16, v7;
	v24 =	vshll.u32 v13, $0x10;
	v11 =	vmul.f32 $1.131370830e+01, v11  }
0x4ee: {  	v9 =	vadd.f32 v10, v9;
	v10 =	vld [tilespmem:s28+$0xFFFFFF40];
	v17 =	vadd.f32 v24, v17;
	v35 =	vshll.u32 v8, $0x10  }
0x4ef: {  	v20 =	vmul.f32 $1.131370830e+01, v20;
	v12 =	vld [tilespmem:s15+$0x40];
	[tilespmem:s15+$0x50] =	vst v7;
	v13 =	vand.u32 $0xFFFF0000, v13;
	v11 =	vadd.f32 v35, v11  }
0x4f0: {  	v5 =	vld [tilespmem:s15+$0xFFFFFFF0];
	v14 =	vmul.f32 $1.131370830e+01, v14;
	v13 =	vadd.f32 v13, v40;
	[tilespmem:s8+$0xFFFFFF80] =	vst v17;
	v8 =	vand.u32 $0xFFFF0000, v8  }
0x4f1: {  	v38 =	vshll.u32 v23, $0x10;
	v3 =	vld [tilespmem:s15+$0xFFFFFFE0];
	v8 =	vadd.f32 v8, v20;
	[tilespmem:s8+$0xA0] =	vst v11;
	v11 =	vmul.f32 $1.131370830e+01, v18  }
0x4f2: {  	v41 =	vand.u32 $0xFFFF0000, v23;
	v15 =	vmul.f32 $1.131370830e+01, v15;
	v4 =	vld [tilespmem:s15+$0xFFFFFF70];
	v14 =	vadd.f32 v38, v14;
	[tilespmem:s8+$0xFFFFFF90] =	vst v13  }
0x4f3: {  	v22 =	vmul.f32 $1.131370830e+01, v22;
	v49 =	vshll.u32 v10, $0x10;
	v48 =	vld [tilespmem:s9+$0xFFFFFF60];
	[tilespmem:s8+$0xB0] =	vst v8;
	v11 =	vadd.f32 v41, v11  }
0x4f4: {  	v21 =	vmul.f32 $1.131370830e+01, v21;
	v44 =	vand.u32 $0xFFFF0000, v25;
	v7 =	vadd.f32 v49, v15;
	[tilespmem:s8+$0xFFFFFF00] =	vst v14;
	v14 =	vld [tilespmem:s9+$0xFFFFFFF0]  }
0x4f5: {  	v43 =	vshll.u32 v25, $0x10;
	v1 =	vld [tilespmem:s15+$0x60];
	v13 =	vadd.f32 v44, v22;
	[tilespmem:s8+$0xFFFFFF10] =	vst v11  }
0x4f6: {  	v19 =	vmul.f32 $1.131370830e+01, v42;
	v12 =	vmul.f32 $1.131370830e+01, v12;
	[tilespmem:s15+$0xFFFFFF60] =	vst v7;
	v18 =	vadd.f32 v43, v21;
	v45 =	vld [tilespmem:s9+$0xFFFFFF20]  }
0x4f7: {  	v54 =	vmul.f32 $1.131370830e+01, v36;
	v2 =	vld [tilespmem:s15+$0x70];
	v17 =	vmul.f32 $1.131370830e+01, v37;
	[tilespmem:s8+$0x10] =	vst v13  }
0x4f8: {  	v12 =	vadd.f32 v46, v12;
	v13 =	vmul.f32 $1.131370830e+01, v39;
	v8 =	vld [tilespmem:s8+$0x20];
	[tilespmem:s8+$0x0] =	vst v18;
	v7 =	vshll.u32 v48, $0x10  }
0x4f9: {  	v55 =	vmul.f32 $1.131370830e+01, v47;
	[tilespmem:s15+$0xFFFFFFD0] =	vst v9;
	v50 =	vld [tilespmem:s9+$0xFFFFFFA0];
	v7 =	vadd.f32 v7, v17;
	v51 =	vshll.u32 v14, $0x10  }
0x4fa: {  	[tilespmem:s15+$0x40] =	vst v12;
	v12 =	vmul.f32 $1.131370830e+01, v26;
	v11 =	vld [tilespmem:s8+$0x30];
	v14 =	vand.u32 $0xFFFF0000, v14;
	v13 =	vadd.f32 v51, v13  }
0x4fb: {  	v5 =	vmul.f32 $1.131370830e+01, v5;
	v6 =	vld [tilespmem:s15+$0xE0];
	[tilespmem:s8+$0xFFFFFFA0] =	vst v7;
	v14 =	vadd.f32 v14, v19;
	v53 =	vshll.u32 v45, $0x10  }
0x4fc: {  	v3 =	vmul.f32 $1.131370830e+01, v3;
	v9 =	vld [tilespmem:s28+$0xFFFFFF80];
	[tilespmem:s8+$0xC0] =	vst v13;
	v21 =	vand.u32 $0xFFFF0000, v45;
	v12 =	vadd.f32 v53, v12  }
0x4fd: {  	v4 =	vmul.f32 $1.131370830e+01, v4;
	v15 =	vld [tilespmem:s8+$0xFFFFFF50];
	v16 =	vand.u32 $0xFFFF0000, v48;
	[tilespmem:s8+$0xD0] =	vst v14;
	v18 =	vadd.f32 v21, v54  }
0x4fe: {  	v16 =	vadd.f32 v16, v55;
	v8 =	vmul.f32 $1.131370830e+01, v8;
	v7 =	vand.u32 $0xFFFF0000, v10;
	v13 =	vld [tilespmem:s8+$0xFFFFFFC0];
	[tilespmem:s8+$0xFFFFFF20] =	vst v12  }
0x4ff: {  	v4 =	vadd.f32 v7, v4;
	v11 =	vmul.f32 $1.131370830e+01, v11;
	v57 =	vld [tilespmem:s9+$0x0];
	v12 =	vshll.u32 v50, $0x10;
	[tilespmem:s8+$0xFFFFFF30] =	vst v18  }
0x500: {  	v1 =	vmul.f32 $1.131370830e+01, v1;
	[tilespmem:s8+$0xFFFFFFB0] =	vst v16;
	v58 =	vand.u32 $0xFFFF0000, v50;
	v8 =	vadd.f32 v12, v8;
	v60 =	vld [tilespmem:s9+$0xFFFFFF30]  }
0x501: {  	v7 =	vand.u32 $0xFFFF0000, v9;
	v14 =	vld [tilespmem:s8+$0xFFFFFFD0];
	[tilespmem:s15+$0xFFFFFF70] =	vst v4;
	v10 =	vadd.f32 v58, v11;
	v11 =	vshll.u32 v9, $0x10  }
0x502: {  	v6 =	vmul.f32 $1.131370830e+01, v6;
	v5 =	vadd.f32 v7, v5;
	v3 =	vadd.f32 v11, v3;
	[tilespmem:s8+$0x20] =	vst v8;
	v8 =	vld [tilespmem:s9+$0xFFFFFF70]  }
0x503: {  	v7 =	vshll.u32 v0, $0x10;
	v0 =	vmul.f32 $1.131370830e+01, v2;
	v2 =	vmul.f32 $1.131370830e+01, v56;
	[tilespmem:s8+$0x30] =	vst v10;
	v12 =	vld [tilespmem:s8+$0x40]  }
0x504: {  	v4 =	vmul.f32 $1.131370830e+01, v52;
	[tilespmem:s15+$0xFFFFFFE0] =	vst v3;
	v3 =	vadd.f32 v7, v6;
	v6 =	vand.u32 $0xFFFF0000, v57;
	v10 =	vld [tilespmem:s9+$0xFFFFFFB0]  }
0x505: {  	[tilespmem:s15+$0xFFFFFFF0] =	vst v5;
	v5 =	vmul.f32 $1.131370830e+01, v15;
	v15 =	vld [tilespmem:s8+$0xFFFFFFE0];
	v2 =	vadd.f32 v6, v2;
	v6 =	vshll.u32 v60, $0x10  }
0x506: {  	v9 =	vld [tilespmem:s8+$0xFFFFFF60];
	[tilespmem:s15+$0xE0] =	vst v3;
	v3 =	vmul.f32 $1.131370830e+01, v13;
	v7 =	vand.u32 $0xFFFF0000, v60;
	v4 =	vadd.f32 v6, v4  }
0x507: {  	[tilespmem:s8+$0xF0] =	vst v2;
	v6 =	vmul.f32 $1.131370830e+01, v14;
	v5 =	vadd.f32 v7, v5;
	v14 =	vld [tilespmem:s8+$0x60];
	v2 =	vshll.u32 v8, $0x10  }
0x508: {  	v11 =	vmul.f32 $1.131370830e+01, v12;
	v7 =	vand.u32 $0xFFFF0000, v8;
	v3 =	vadd.f32 v2, v3;
	[tilespmem:s8+$0xFFFFFF40] =	vst v4;
	v4 =	vld [tilespmem:s8+$0x70]  }
0x509: {  	v13 =	vmul.f32 $1.131370830e+01, v59;
	v12 =	vadd.f32 v7, v6;
	v6 =	vshll.u32 v10, $0x10;
	[tilespmem:s8+$0xFFFFFF50] =	vst v5;
	v7 =	vld [tilespmem:s8+$0xE0]  }
0x50a: {  	v8 =	vmul.f32 $1.131370830e+01, v61;
	v63 =	vadd.f32 v6, v11;
	v11 =	vld [tilespmem:s9+$0xFFFFFF40];
	[tilespmem:s8+$0xFFFFFFC0] =	vst v3;
	v3 =	vand.u32 $0xFFFF0000, v10  }
0x50b: {  	s19 =	simm.s32 $0x1AE00;
	v5 =	vmul.f32 $1.131370830e+01, v9;
	v9 =	vmul.f32 $1.131370830e+01, v62;
	[tilespmem:s8+$0xFFFFFFD0] =	vst v12;
	v10 =	vld [tilespmem:s28+$0xFFFFFFC0];
	v13 =	vadd.f32 v3, v13  }
0x50c: {  	s17 =	simm.s32 $0x35F0;
	s10 =	simm.s32 $0x4;
	v2 =	vshll.u32 v57, $0x10;
	v6 =	vmul.f32 $1.131370830e+01, v15;
	v12 =	vld [tilespmem:s9+$0xFFFFFF80];
	[tilespmem:s8+$0x40] =	vst v63;
	v3 =	vmul.f32 $1.131370830e+01, v14  }
.LBB2_17:
0x50d: {  	v14 =	vld [tilespmem:s17+$0xFFFFFFD0];
	[tilespmem:s8+$0x50] =	vst v13;
	v4 =	vmul.f32 $1.131370830e+01, v4;
	s19 =	sadd.s32 $0x200, s19  }
0x50e: {  	v13 =	vld [tilespmem:s19+$0x80];
	v7 =	vmul.f32 $1.131370830e+01, v7  }
0x50f: {  	v15 =	vld [tilespmem:s19+$0x90];
	v16 =	vshll.u32 v11, $0x10;
	v11 =	vand.u32 $0xFFFF0000, v11  }
0x510: {  	v17 =	vld [tilespmem:s19+$0xFFFFFF00];
	v5 =	vadd.f32 v16, v5;
	v16 =	vshll.u32 v10, $0x10;
	v10 =	vand.u32 $0xFFFF0000, v10  }
0x511: {  	s10 =	sadd.s32 $0x4, s10;
	v8 =	vadd.f32 v11, v8;
	v18 =	vld [tilespmem:s19+$0xFFFFFF10];
	v11 =	vshll.u32 v12, $0x10;
	v12 =	vand.u32 $0xFFFF0000, v12  }
0x512: {  	p1 =	slt.u32 s10, $0x5C;
	v19 =	vld [tilespmem:s19+$0xFFFFFF80];
	[tilespmem:s8+$0xFFFFFF60] =	vst v5;
	v5 =	vadd.f32 v11, v6;
	v6 =	vadd.f32 v12, v9  }
0x513: {  	v10 =	vadd.f32 v10, v0;
	v0 =	vmovc v4;
	v9 =	vld [tilespmem:s19+$0xFFFFFF90];
	v11 =	vmul.f32 $1.131370830e+01, v13;
	[tilespmem:s8+$0xFFFFFF70] =	vst v8;
	v8 =	vadd.f32 v16, v1  }
0x514: {  	v2 =	vadd.f32 v2, v7;
	v12 =	vshll.u32 v14, $0x10;
	v1 =	vmovc v3;
	v4 =	vld [tilespmem:s19+$0x0];
	v13 =	vmul.f32 $1.131370830e+01, v15;
	[tilespmem:s8+$0xFFFFFFE0] =	vst v5  }
0x515: {  	v7 =	vand.u32 $0xFFFF0000, v14;
	v3 =	vmul.f32 $1.131370830e+01, v17;
	v5 =	vld [tilespmem:s19+$0x10];
	v11 =	vadd.f32 v12, v11;
	[tilespmem:s8+$0xFFFFFFF0] =	vst v6  }
0x516: {  	v6 =	vmul.f32 $1.131370830e+01, v18;
	v12 =	vld [tilespmem:s17+$0xFFFFFF50];
	v7 =	vadd.f32 v7, v13;
	[tilespmem:s15+$0x60] =	vst v8  }
0x517: {  	v8 =	vmul.f32 $1.131370830e+01, v19;
	[tilespmem:s19+$0x80] =	vst v11;
	v11 =	vld [tilespmem:s19+$0xA0]  }
0x518: {  	v9 =	vmul.f32 $1.131370830e+01, v9;
	[tilespmem:s19+$0x90] =	vst v7;
	v7 =	vld [tilespmem:s19+$0xB0]  }
0x519: {  	v4 =	vmul.f32 $1.131370830e+01, v4;
	v13 =	vld [tilespmem:s17+$0xFFFFFFE0];
	[tilespmem:s15+$0x70] =	vst v10;
	s15 =	smov.u32 s8;
	s8 =	smov.u32 s19  }
0x51a: {  	v10 =	vld [tilespmem:s17+$0xFFFFFF90];
	v5 =	vmul.f32 $1.131370830e+01, v5;
	[tilespmem:s15+$0xE0] =	vst v2  }
0x51b: {  	v2 =	vld [tilespmem:s17+$0xFFFFFF10];
	v14 =	vshll.u32 v12, $0x10;
	v12 =	vand.u32 $0xFFFF0000, v12  }
0x51c: {  	v15 =	vld [tilespmem:s19+$0xFFFFFF20];
	v8 =	vadd.f32 v14, v8;
	v9 =	vadd.f32 v12, v9  }
0x51d: {  	v11 =	vmul.f32 $1.131370830e+01, v11;
	v12 =	vld [tilespmem:s19+$0xFFFFFF30]  }
0x51e: {  	v7 =	vmul.f32 $1.131370830e+01, v7;
	[tilespmem:s19+$0xFFFFFF80] =	vst v8;
	v8 =	vld [tilespmem:s19+$0xFFFFFFA0];
	v14 =	vshll.u32 v13, $0x10  }
0x51f: {  	v13 =	vand.u32 $0xFFFF0000, v13;
	[tilespmem:s19+$0xFFFFFF90] =	vst v9;
	v9 =	vld [tilespmem:s19+$0xFFFFFFB0];
	v16 =	vshll.u32 v10, $0x10;
	v11 =	vadd.f32 v14, v11  }
0x520: {  	v7 =	vadd.f32 v13, v7;
	v14 =	vshll.u32 v2, $0x10;
	v2 =	vand.u32 $0xFFFF0000, v2;
	v17 =	vld [tilespmem:s19+$0x20]  }
0x521: {  	v3 =	vadd.f32 v14, v3;
	v2 =	vadd.f32 v2, v6;
	v6 =	vand.u32 $0xFFFF0000, v10;
	[tilespmem:s19+$0xA0] =	vst v11;
	v10 =	vld [tilespmem:s19+$0xC0]  }
0x522: {  	v4 =	vadd.f32 v16, v4;
	v11 =	vmul.f32 $1.131370830e+01, v15;
	v5 =	vadd.f32 v6, v5;
	[tilespmem:s19+$0xB0] =	vst v7;
	v6 =	vld [tilespmem:s19+$0xD0]  }
0x523: {  	[tilespmem:s19+$0xFFFFFF00] =	vst v3;
	v3 =	vmul.f32 $1.131370830e+01, v12;
	v7 =	vmul.f32 $1.131370830e+01, v8;
	v8 =	vld [tilespmem:s17+$0xFFFFFFF0]  }
0x524: {  	[tilespmem:s19+$0xFFFFFF10] =	vst v2;
	v2 =	vmul.f32 $1.131370830e+01, v9;
	v9 =	vld [tilespmem:s19+$0x30]  }
0x525: {  	v12 =	vld [tilespmem:s17+$0xFFFFFF20];
	[tilespmem:s19+$0x0] =	vst v4;
	v4 =	vmul.f32 $1.131370830e+01, v17  }
0x526: {  	v13 =	vld [tilespmem:s17+$0xFFFFFF60];
	[tilespmem:s19+$0x10] =	vst v5  }
0x527: {  	v10 =	vmul.f32 $1.131370830e+01, v10;
	v5 =	vld [tilespmem:s17+$0xFFFFFFA0]  }
0x528: {  	v6 =	vmul.f32 $1.131370830e+01, v6;
	v14 =	vld [tilespmem:s19+$0xFFFFFF40];
	v15 =	vshll.u32 v8, $0x10  }
0x529: {  	v8 =	vand.u32 $0xFFFF0000, v8;
	v16 =	vld [tilespmem:s19+$0xFFFFFF50];
	v9 =	vmul.f32 $1.131370830e+01, v9;
	v10 =	vadd.f32 v15, v10  }
0x52a: {  	v6 =	vadd.f32 v8, v6;
	v15 =	vshll.u32 v12, $0x10;
	v12 =	vand.u32 $0xFFFF0000, v12;
	v17 =	vld [tilespmem:s19+$0xFFFFFFC0]  }
0x52b: {  	v8 =	vadd.f32 v15, v11;
	v11 =	vshll.u32 v13, $0x10;
	v13 =	vand.u32 $0xFFFF0000, v13;
	v15 =	vld [tilespmem:s19+$0xFFFFFFD0];
	[tilespmem:s19+$0xC0] =	vst v10  }
0x52c: {  	v3 =	vadd.f32 v12, v3;
	v10 =	vshll.u32 v5, $0x10;
	v5 =	vand.u32 $0xFFFF0000, v5;
	[tilespmem:s19+$0xD0] =	vst v6;
	v6 =	vld [tilespmem:s19+$0xF0]  }
0x52d: {  	v7 =	vadd.f32 v11, v7;
	v2 =	vadd.f32 v13, v2;
	[tilespmem:s19+$0xFFFFFF20] =	vst v8;
	v8 =	vmul.f32 $1.131370830e+01, v14;
	v11 =	vld [tilespmem:s17+$0x0]  }
0x52e: {  	v4 =	vadd.f32 v10, v4;
	v5 =	vadd.f32 v5, v9;
	[tilespmem:s19+$0xFFFFFF30] =	vst v3;
	v3 =	vmul.f32 $1.131370830e+01, v16;
	v9 =	vld [tilespmem:s19+$0x40]  }
0x52f: {  	[tilespmem:s19+$0xFFFFFFA0] =	vst v7;
	v7 =	vmul.f32 $1.131370830e+01, v17;
	v10 =	vld [tilespmem:s19+$0x50]  }
0x530: {  	v12 =	vld [tilespmem:s17+$0xFFFFFF30];
	[tilespmem:s19+$0xFFFFFFB0] =	vst v2;
	v13 =	vmul.f32 $1.131370830e+01, v15  }
0x531: {  	v14 =	vld [tilespmem:s17+$0xFFFFFF70];
	[tilespmem:s19+$0x20] =	vst v4;
	v4 =	vmul.f32 $1.131370830e+01, v6  }
0x532: {  	v6 =	vld [tilespmem:s19+$0xFFFFFF60];
	[tilespmem:s19+$0x30] =	vst v5;
	v2 =	vshll.u32 v11, $0x10;
	v5 =	vand.u32 $0xFFFF0000, v11  }
0x533: {  	v11 =	vld [tilespmem:s17+$0xFFFFFFB0];
	v9 =	vmul.f32 $1.131370830e+01, v9;
	v4 =	vadd.f32 v5, v4  }
0x534: {  	v15 =	vld [tilespmem:s19+$0xFFFFFF70];
	v10 =	vmul.f32 $1.131370830e+01, v10  }
0x535: {  	v5 =	vshll.u32 v12, $0x10;
	v12 =	vand.u32 $0xFFFF0000, v12;
	v16 =	vld [tilespmem:s19+$0xFFFFFFE0];
	[tilespmem:s19+$0xF0] =	vst v4  }
0x536: {  	v4 =	vadd.f32 v5, v8;
	v8 =	vshll.u32 v14, $0x10;
	v14 =	vand.u32 $0xFFFF0000, v14;
	v17 =	vld [tilespmem:s19+$0xFFFFFFF0]  }
0x537: {  	v3 =	vadd.f32 v12, v3;
	v5 =	vmul.f32 $1.131370830e+01, v6;
	v6 =	vadd.f32 v8, v7;
	v18 =	vld [tilespmem:s19+$0x60]  }
.Ltmp7:
0x538: {  	v12 =	vadd.f32 v14, v13;
	[tilespmem:s19+$0xFFFFFF40] =	vst v4;
	v7 =	vshll.u32 v11, $0x10;
	v11 =	vand.u32 $0xFFFF0000, v11;
	v4 =	vld [tilespmem:s19+$0x70];
	(pc) =	sbr.rel @p1 .LBB2_17-.Ltmp7, $4  }
0x539: {  	[tilespmem:s19+$0xFFFFFF50] =	vst v3;
	v8 =	vmul.f32 $1.131370830e+01, v15;
	v3 =	vadd.f32 v7, v9;
	v13 =	vadd.f32 v11, v10;
	v7 =	vld [tilespmem:s19+$0xE0]  }
0x53a: {  	v11 =	vld [tilespmem:s17+$0xFFFFFF40];
	[tilespmem:s19+$0xFFFFFFC0] =	vst v6;
	v6 =	vmul.f32 $1.131370830e+01, v16  }
0x53b: {  	[tilespmem:s19+$0xFFFFFFD0] =	vst v12;
	v9 =	vmul.f32 $1.131370830e+01, v17;
	v10 =	vld [tilespmem:s9+$0xFFFFFFC0];
	s9 =	smov.u32 s17  }
0x53c: {  	s17 =	sadd.s32 $0x100, s17;
	v12 =	vld [tilespmem:s9+$0xFFFFFF80];
	[tilespmem:s19+$0x40] =	vst v3;
	v3 =	vmul.f32 $1.131370830e+01, v18  }
0x53d: {  	_ =	sdelay $0x1  }
0x53e: {  	v14 =	vshll.u32 v11, $0x10  }
0x53f: {  	[tilespmem:s8+$0x50] =	vst v13;
	v7 =	vmul.f32 $1.131370830e+01, v7;
	v56 =	vand.u32 $0xFFFF0000, v11;
	v5 =	vadd.f32 v14, v5  }
0x540: {  	v13 =	vld [tilespmem:s9+$0xFFFFFFC0];
	v8 =	vadd.f32 v56, v8  }
0x541: {  	v60 =	vshll.u32 v10, $0x10;
	v2 =	vadd.f32 v2, v7;
	[tilespmem:s8+$0xFFFFFF60] =	vst v5  }
0x542: {  	v61 =	vand.u32 $0xFFFF0000, v10;
	v1 =	vadd.f32 v60, v1;
	[tilespmem:s8+$0xFFFFFF70] =	vst v8  }
0x543: {  	v57 =	vshll.u32 v12, $0x10;
	v0 =	vadd.f32 v61, v0;
	[tilespmem:s8+$0xE0] =	vst v2  }
0x544: {  	v58 =	vand.u32 $0xFFFF0000, v12;
	v59 =	vadd.f32 v57, v6;
	[tilespmem:s15+$0x60] =	vst v1  }
0x545: {  	v4 =	vmul.f32 $1.131370830e+01, v4;
	v9 =	vadd.f32 v58, v9;
	v62 =	vshll.u32 v13, $0x10;
	[tilespmem:s15+$0x70] =	vst v0  }
0x546: {  	v63 =	vand.u32 $0xFFFF0000, v13;
	[tilespmem:s8+$0xFFFFFFE0] =	vst v59;
	v1 =	vadd.f32 v62, v3  }
0x547: {  	[tilespmem:s8+$0xFFFFFFF0] =	vst v9;
	v0 =	vadd.f32 v63, v4  }
0x548: {  	[tilespmem:s8+$0x60] =	vst v1  }
0x549: {  	[tilespmem:s8+$0x70] =	vst v0  }
0x54a: {  	_ =	swait.ge [sflag:s7], $0x3000  }
0x54b: {  	s10 =	simm.s32 @!p0 $0xE300;
	s12 =	sadd.s32 $0x1, s12;
	[sflag:s7] =	ssyncset.done $0x0  }
0x54c: {  	s9 =	simm.s32 @!p0 $0x60;
	s8 =	sadd.s32 @!p0 $0x450, s21;
	[sflag:s7] =	ssyncadd.s32 $0xFFFFD000  }
0x54d: {  	[tilespmem:s10], [sflag:$0x4] =	stream.indirect.gather @!p0 [hbm4b:s1+s9], $0x80, s8, s9, $0xb8;
	[tilespmem:$0x1DB00] =	vst v63  }
0x54e: {  	p0 =	sne.s32 s12, $0x8  }
.Ltmp8:
0x54f: {  	_ = 	snop;
	(pc) =	sbr.rel @p0 .LBB2_2-.Ltmp8, $4  }
0x550: {  	s25 =	sadd.s32 s5, s11  }
0x551: {  	s8 =	sshll.u32 s25, $0x4  }
0x552: {  	s28 =	simm.s32 $0x1AB00;
	s24 =	simm.s32 $0x68;
	s8 =	sadd.s32 s3, s8  }
0x553: {  	[hbm4b:s8+s4] =	stream.linear.scatter [tilespmem:s28], [sflag:$0x10], $0x3000, $0x38;
	[tilespmem:$0x1DB00] =	vst v63  }
0x554: {  	s8 =	simm.s32 $0xD  }
0x555: {  	_ =	swait.ge [sflag:s8], $0x3400  }
0x556: {  	[sflag:s8] =	ssyncset.done $0x0  }
0x557: {  	s23 =	simm.s32 $0xE;
	[sflag:s8] =	ssyncadd.s32 $0xFFFFCC00  }
0x558: {  	_ =	swait.ge [sflag:s23], $0x3000  }
0x559: {  	[sflag:s23] =	ssyncset.done $0x0  }
0x55a: {  	s25 =	simm.s32 $0xF;
	[sflag:s23] =	ssyncadd.s32 $0xFFFFD000  }
0x55b: {  	_ =	swait.ge [sflag:s25], $0x3400  }
0x55c: {  	[sflag:s25] =	ssyncset.done $0x0  }
0x55d: {  	s9 =	simm.s32 $0x10;
	[sflag:s25] =	ssyncadd.s32 $0xFFFFCC00  }
0x55e: {  	_ =	swait.ge [sflag:s9], $0x3000  }
0x55f: {  	s10 =	rddreg [dreg:$0xa]  }
0x560: {  	s28 =	rddreg [dreg:$0x9];
	s10 =	sadd.s32 $0x1, s10  }
0x561: {  	p0 =	sne.s32 s10, s28  }
.Ltmp9:
0x562: {  	_ = 	snop;
	(pc) =	sbr.rel @p0 .LBB2_1-.Ltmp9, $3  }
0x563: {  	_ =	sdelay $0x1  }
0x564: {  	[sflag:s9] =	ssyncset.done $0x0  }
0x565: {  	[sflag:s9] =	ssyncadd.s32 $0xFFFFD000  }
0x566: {  	_ =	sfence.sel $0x180000  }
0x567: {  	[bflag:$0x0] =	sbarrier.arrive $0xFFFF  }
0x568: {  	_ =	strace $0x90000047  }
0x569: {  	s0 =	stileid.u32;
	[bflag:$0x2] =	sbarrier.arrive $0xFFFF  }
0x56a: {  	p0 =	sne.s32 s0, $0x0;
	s0 =	rddreg [dreg:$0x3]  }
0x56b: {  	s0 =	sadd.s32 @!p0 $0x100000, s0  }
0x56c: {  	[sflag:s0] =	ssyncadd.tile.s32 @!p0 $0x1;
	_ =	shalt  }
.Lfunc_end2:
_tile_overlayer_lowered:
.L_overlay_start_2:
0x56d: {  	(tag) =	ssettag $0x2  }
0x56e: {  	s0 =	rddreg [dreg:$0x0];
	s2 =	stileid.u32  }
0x56f: {  	s1 =	rddreg [dreg:$0x1];
	p0 =	sne.s32 s2, $0x0  }
0x570: {  	s3 =	rddreg [dreg:$0x2];
	[bflag:$0x3] =	sbarrier.arrive $0xFFFF;
	s2 =	simm.s32 @!p0 $0x1C11  }
0x571: {  	[timem:s3], [sflag:s2] =	dma.local @!p0 [hbm:s0], s1  }
0x572: {  	s0 =	simm.s32 @!p0 $0x11  }
0x573: {  	_ =	swait.ge @!p0 [sflag:s0], s1  }
0x574: {  	s1 =	ssub.s32 @!p0 $0x0, s1;
	[sflag:s0] =	ssyncset.done @!p0 $0x0  }
0x575: {  	[sflag:s0] =	ssyncadd.s32 @!p0 s1  }
0x576: {  	[bflag:$0x3] =	sbarrier.arrive $0xFFFF  }
0x577: {  	_ =	shalt  }

</sc_bundles>
